<compile_context>
chip_gen: v7x
topology: tpu7x:2x2x1
jax: 0.10.2.dev20260603
libtpu: 0.0.44.dev20260713+nightly
codegen_flags: <defaults>
</compile_context>

<pallas_src>
import functools

import jax
import jax.numpy as jnp
from jax import lax
from jax.experimental import pallas as pl
from jax.experimental.pallas import tpu as pltpu
from jax.experimental.pallas import tpu_sc as plsc

_N = 10000
_NP = 10240
_TN = 512

_NC, _NS, _L = 2, 16, 16
_NW = _NC * _NS
_E = 160000
_EPW = 5120
_EP = _NW * _EPW
_CS = _NP // _NS
_K = 128


def _leaky(v):
    return jnp.where(v >= 0, v, 0.01 * v)


def _sc_params():
    return pltpu.CompilerParams(needs_layout_passes=False,
                                use_tc_tiling_on_sc=False)


def _sc_mesh():
    return plsc.VectorSubcoreMesh(
        core_axis_name="c", subcore_axis_name="s",
        num_cores=_NC, num_subcores=_NS)


def _deg_body(srcp, dstp, outs, outd, sbuf, dbuf, accs, accd, rbuf, res, sps, spd):
    c = lax.axis_index("c")
    s = lax.axis_index("s")
    wid = c * _NS + s
    base = wid * _EPW
    pltpu.sync_copy(srcp.at[pl.ds(base, _EPW)], sbuf)
    pltpu.sync_copy(dstp.at[pl.ds(base, _EPW)], dbuf)
    zero = jnp.zeros((_L,), jnp.float32)

    @pl.loop(0, _NP // _L)
    def _(i):
        accs[pl.ds(i * _L, _L)] = zero
        accd[pl.ds(i * _L, _L)] = zero

    lanes = lax.iota(jnp.int32, _L)

    @pl.loop(0, _EPW // _L)
    def _(i):
        eid = base + i * _L + lanes
        val = jnp.where(eid < _E, jnp.float32(1.0), jnp.float32(0.0))
        si = sbuf[pl.ds(i * _L, _L)]
        di = dbuf[pl.ds(i * _L, _L)]
        plsc.addupdate_scatter(accs, [si], val)
        plsc.addupdate_scatter(accd, [di], val)

    pltpu.sync_copy(accs, sps.at[s])
    pltpu.sync_copy(accd, spd.at[s])
    plsc.subcore_barrier()
    for sp, out in ((sps, outs), (spd, outd)):
        for k in range(_NS):
            pltpu.sync_copy(sp.at[k, pl.ds(s * _CS, _CS)], rbuf.at[k])

        @pl.loop(0, _CS // _L)
        def _(i):
            tot = rbuf[0, pl.ds(i * _L, _L)]
            for k in range(1, _NS):
                tot = tot + rbuf[k, pl.ds(i * _L, _L)]
            res[pl.ds(i * _L, _L)] = tot

        pltpu.sync_copy(res, out.at[c, pl.ds(s * _CS, _CS)])


@functools.cache
def _sc_degrees():
    return pl.kernel(
        _deg_body,
        out_type=(jax.ShapeDtypeStruct((_NC, _NP), jnp.float32),
                  jax.ShapeDtypeStruct((_NC, _NP), jnp.float32)),
        mesh=_sc_mesh(),
        compiler_params=_sc_params(),
        scratch_types=[
            pltpu.VMEM((_EPW,), jnp.int32),
            pltpu.VMEM((_EPW,), jnp.int32),
            pltpu.VMEM((_NP,), jnp.float32),
            pltpu.VMEM((_NP,), jnp.float32),
            pltpu.VMEM((_NS, _CS), jnp.float32),
            pltpu.VMEM((_CS,), jnp.float32),
            pltpu.VMEM_SHARED((_NS, _NP), jnp.float32),
            pltpu.VMEM_SHARED((_NS, _NP), jnp.float32),
        ],
    )


def _mp_body(w, h, srcp, dstp, ewp, out, sidx, didx, ebuf, rows, sem, acc):
    nvr = w // _L
    c = lax.axis_index("c")
    s = lax.axis_index("s")
    wid = c * _NS + s
    base = wid * _EPW
    zero = jnp.zeros((_L,), jnp.float32)

    @pl.loop(0, _K)
    def _(e):
        for cc in range(nvr):
            rows[e, pl.ds(cc * _L, _L)] = zero

    for t in range(_CS // _K):
        pltpu.sync_copy(rows, acc.at[pl.ds(s * _CS + t * _K, _K), :])

    plsc.subcore_barrier()

    @pl.loop(0, _EPW // _K)
    def _(j):
        off = base + j * _K
        pltpu.sync_copy(srcp.at[pl.ds(off, _K)], sidx)
        pltpu.sync_copy(dstp.at[pl.ds(off, _K)], didx)
        pltpu.sync_copy(ewp.at[pl.ds(off, _K)], ebuf)
        pltpu.async_copy(h.at[sidx], rows, sem).wait()

        @pl.loop(0, _K // _L)
        def _(g):
            ewv = ebuf[pl.ds(g * _L, _L)]
            for e in range(_L):
                we = ewv[e]
                row = g * _L + e
                for cc in range(nvr):
                    sl = pl.ds(cc * _L, _L)
                    rows[row, sl] = rows[row, sl] * we

        pltpu.sync_copy(rows, acc.at[didx], add=True)

    plsc.subcore_barrier()
    pltpu.sync_copy(acc.at[pl.ds(s * _CS, _CS), :],
                    out.at[c, pl.ds(s * _CS, _CS), :])


@functools.cache
def _sc_mp(w):
    return pl.kernel(
        functools.partial(_mp_body, w),
        out_type=jax.ShapeDtypeStruct((_NC, _NP, w), jnp.float32),
        mesh=_sc_mesh(),
        compiler_params=_sc_params(),
        scratch_types=[
            pltpu.VMEM((_K,), jnp.int32),
            pltpu.VMEM((_K,), jnp.int32),
            pltpu.VMEM((_K,), jnp.float32),
            pltpu.VMEM((_K, w), jnp.float32),
            pltpu.SemaphoreType.DMA,
            pltpu.VMEM_SHARED((_NP, w), jnp.float32),
        ],
    )


def _tc1_body(feat_ref, w1_ref, so_ref, h1_ref):
    h1_ref[...] = jnp.dot(feat_ref[...] * so_ref[...], w1_ref[...],
                          preferred_element_type=jnp.float32)


def _tc1(features_p, w1p, so_col):
    return pl.pallas_call(
        _tc1_body,
        grid=(_NP // _TN,),
        in_specs=[
            pl.BlockSpec((_TN, 128), lambda i: (i, 0)),
            pl.BlockSpec((128, 16), lambda i: (0, 0)),
            pl.BlockSpec((_TN, 1), lambda i: (i, 0)),
        ],
        out_specs=pl.BlockSpec((_TN, 16), lambda i: (i, 0)),
        out_shape=jax.ShapeDtypeStruct((_NP, 16), jnp.float32),
    )(features_p, w1p, so_col)


def _tcmid_body(a_ref, b_ref, si_ref, so_ref, b1_ref, h2_ref):
    x1 = _leaky((a_ref[...] + b_ref[...]) * si_ref[...] + b1_ref[...])
    h2_ref[...] = x1 * so_ref[...]


def _tcmid(r1a, r1b, si_col, so_col, b1p):
    return pl.pallas_call(
        _tcmid_body,
        grid=(_NP // _TN,),
        in_specs=[
            pl.BlockSpec((_TN, 16), lambda i: (i, 0)),
            pl.BlockSpec((_TN, 16), lambda i: (i, 0)),
            pl.BlockSpec((_TN, 1), lambda i: (i, 0)),
            pl.BlockSpec((_TN, 1), lambda i: (i, 0)),
            pl.BlockSpec((1, 16), lambda i: (0, 0)),
        ],
        out_specs=pl.BlockSpec((_TN, 16), lambda i: (i, 0)),
        out_shape=jax.ShapeDtypeStruct((_NP, 16), jnp.float32),
    )(r1a, r1b, si_col, so_col, b1p)


def _tc2_body(a_ref, b_ref, si_ref, so_ref, w2_ref, w3_ref, h3_ref):
    q = (a_ref[...] + b_ref[...]) * si_ref[...]
    z = _leaky(jnp.dot(q, w2_ref[...], preferred_element_type=jnp.float32))
    h3_ref[...] = jnp.dot(z * so_ref[...], w3_ref[...],
                          preferred_element_type=jnp.float32)


def _tc2(r2a, r2b, si_col, so_col, w2p, w3):
    return pl.pallas_call(
        _tc2_body,
        grid=(_NP // _TN,),
        in_specs=[
            pl.BlockSpec((_TN, 16), lambda i: (i, 0)),
            pl.BlockSpec((_TN, 16), lambda i: (i, 0)),
            pl.BlockSpec((_TN, 1), lambda i: (i, 0)),
            pl.BlockSpec((_TN, 1), lambda i: (i, 0)),
            pl.BlockSpec((16, 4096), lambda i: (0, 0)),
            pl.BlockSpec((4096, 64), lambda i: (0, 0)),
        ],
        out_specs=pl.BlockSpec((_TN, 64), lambda i: (i, 0)),
        out_shape=jax.ShapeDtypeStruct((_NP, 64), jnp.float32),
    )(r2a, r2b, si_col, so_col, w2p, w3)


def _tc3_body(
    a_ref, b_ref, si_ref, b3_ref, w1_ref, b1_ref, w2_ref, b2_ref, w3_ref,
    b3b_ref, w4_ref, b4_ref, w5_ref, b5_ref, out_ref,
):
    x = _leaky((a_ref[...] + b_ref[...]) * si_ref[...] + b3_ref[...])
    x = _leaky(jnp.dot(x, w1_ref[...], preferred_element_type=jnp.float32) + b1_ref[...])
    x = _leaky(jnp.dot(x, w2_ref[...], preferred_element_type=jnp.float32) + b2_ref[...])
    x = _leaky(jnp.dot(x, w3_ref[...], preferred_element_type=jnp.float32) + b3b_ref[...])
    x = _leaky(jnp.dot(x, w4_ref[...], preferred_element_type=jnp.float32) + b4_ref[...])
    out_ref[...] = (
        jnp.dot(x, w5_ref[...], preferred_element_type=jnp.float32) + b5_ref[...]
    )


def _tc3(r3a, r3b, si_col, conv3_b, l1_W, l1_b, l2_W, l2_b, l3_W, l3_b,
         l4_W, l4_b, l5_W, l5_b):
    full = lambda shape: pl.BlockSpec(shape, lambda i: (0,) * len(shape))
    return pl.pallas_call(
        _tc3_body,
        grid=(_NP // _TN,),
        in_specs=[
            pl.BlockSpec((_TN, 64), lambda i: (i, 0)),
            pl.BlockSpec((_TN, 64), lambda i: (i, 0)),
            pl.BlockSpec((_TN, 1), lambda i: (i, 0)),
            full((1, 64)),
            full((64, 512)), full((1, 512)),
            full((512, 1024)), full((1, 1024)),
            full((1024, 512)), full((1, 512)),
            full((512, 64)), full((1, 64)),
            full((64, 1)), full((1, 1)),
        ],
        out_specs=pl.BlockSpec((_TN, 1), lambda i: (i, 0)),
        out_shape=jax.ShapeDtypeStruct((_NP, 1), jnp.float32),
    )(
        r3a, r3b, si_col, conv3_b.reshape(1, 64),
        l1_W, l1_b.reshape(1, 512),
        l2_W, l2_b.reshape(1, 1024),
        l3_W, l3_b.reshape(1, 512),
        l4_W, l4_b.reshape(1, 64),
        l5_W, l5_b.reshape(1, 1),
    )


def kernel(features, edge_index, weight, edge_weight, conv1_W, conv1_b,
           conv3_W, conv3_b, l1_W, l1_b, l2_W, l2_b, l3_W, l3_b, l4_W,
           l4_b, l5_W, l5_b):
    src = edge_index[0]
    dst = edge_index[1]
    srcp = jnp.pad(src, (0, _EP - _E))
    dstp = jnp.pad(dst, (0, _EP - _E))
    ewp = jnp.pad(edge_weight, (0, _EP - _E))
    onesp = jnp.pad(jnp.ones((_E,), jnp.float32), (0, _EP - _E))
    features_p = jnp.pad(features, ((0, _NP - _N), (0, 0)))
    w1p = jnp.pad(conv1_W, ((0, 0), (0, 11)))
    b1p = jnp.pad(conv1_b, (0, 11)).reshape(1, 16)
    w2p = jnp.pad(weight, ((0, 11), (0, 0)))

    degs_p, degd_p = _sc_degrees()(srcp, dstp)
    deg_out = jnp.clip(degs_p[0] + degs_p[1], 1.0, None)
    deg_in = jnp.clip(degd_p[0] + degd_p[1], 1.0, None)
    so_col = (deg_out ** -0.5).reshape(_NP, 1)
    si_col = (deg_in ** -0.5).reshape(_NP, 1)

    h1 = _tc1(features_p, w1p, so_col)
    r1p = _sc_mp(16)(h1, srcp, dstp, onesp)

    h2 = _tcmid(r1p[0], r1p[1], si_col, so_col, b1p)
    r2p = _sc_mp(16)(h2, srcp, dstp, ewp)

    h3 = _tc2(r2p[0], r2p[1], si_col, so_col, w2p, conv3_W)

    r3p = _sc_mp(64)(h3, srcp, dstp, ewp)

    out = _tc3(r3p[0], r3p[1], si_col, conv3_b, l1_W, l1_b, l2_W, l2_b,
               l3_W, l3_b, l4_W, l4_b, l5_W, l5_b)
    return out[:_N]

# --- scband reference (transcript-rebuilt; emitter-appended) ---
"""Pipeline reference for scband-gnn-8830452760601 (READ-ONLY COPY).

The authoritative reference and input builder live on the scoring server;
editing this copy changes nothing except your own understanding.
"""

import jax, jax.numpy as jnp
import numpy as np

N = 10000
E = 160000


def _graph_conv(x, src, dst, n, W, b, edge_weight):
    # Faithful DGL GraphConv with norm='both':
    # h = D_in^{-1/2} * A(ew) * (D_out^{-1/2} * x) * W + b
    # weight applied before aggregation iff in_feats > out_feats.
    ones = jnp.ones((src.shape[0],), dtype=x.dtype)
    deg_out = jnp.clip(jax.ops.segment_sum(ones, src, num_segments=n), 1.0, None)
    deg_in = jnp.clip(jax.ops.segment_sum(ones, dst, num_segments=n), 1.0, None)
    h = x * (deg_out ** -0.5)[:, None]
    mult_first = (W is not None) and (W.shape[0] > W.shape[1])
    if mult_first:
        h = h @ W
    m = h[src]
    if edge_weight is not None:
        m = m * edge_weight[:, None]
    rst = jax.ops.segment_sum(m, dst, num_segments=n)
    rst = rst * (deg_in ** -0.5)[:, None]
    if (W is not None) and (not mult_first):
        rst = rst @ W
    if b is not None:
        rst = rst + b
    return rst


def setup_inputs(seed: int = 0):
    key = jax.random.key(seed)
    ks = jax.random.split(key, 24)
    inp = {}
    inp['features'] = jax.random.normal(ks[0], (N, 128), dtype=jnp.float32)
    inp['edge_index'] = jax.random.randint(ks[1], (2, E), 0, N, dtype=jnp.int32)
    inp['weight'] = jax.random.normal(ks[2], (5, 4096), dtype=jnp.float32) * 0.05
    inp['edge_weight'] = jax.random.uniform(ks[3], (E,), dtype=jnp.float32)
    inp['conv1_W'] = jax.random.normal(ks[4], (128, 5), dtype=jnp.float32) * 0.05
    inp['conv1_b'] = jnp.zeros((5,), dtype=jnp.float32)
    inp['conv3_W'] = jax.random.normal(ks[5], (4096, 64), dtype=jnp.float32) * 0.05
    inp['conv3_b'] = jnp.zeros((64,), dtype=jnp.float32)
    inp['l1_W'] = jax.random.normal(ks[6], (64, 512), dtype=jnp.float32) * 0.05
    inp['l1_b'] = jnp.zeros((512,), dtype=jnp.float32)
    inp['l2_W'] = jax.random.normal(ks[7], (512, 1024), dtype=jnp.float32) * 0.05
    inp['l2_b'] = jnp.zeros((1024,), dtype=jnp.float32)
    inp['l3_W'] = jax.random.normal(ks[8], (1024, 512), dtype=jnp.float32) * 0.05
    inp['l3_b'] = jnp.zeros((512,), dtype=jnp.float32)
    inp['l4_W'] = jax.random.normal(ks[9], (512, 64), dtype=jnp.float32) * 0.05
    inp['l4_b'] = jnp.zeros((64,), dtype=jnp.float32)
    inp['l5_W'] = jax.random.normal(ks[10], (64, 1), dtype=jnp.float32) * 0.05
    inp['l5_b'] = jnp.zeros((1,), dtype=jnp.float32)
    return inp


def reference(features, edge_index, weight, edge_weight, conv1_W, conv1_b, conv3_W, conv3_b, l1_W, l1_b, l2_W, l2_b, l3_W, l3_b, l4_W, l4_b, l5_W, l5_b):
    src = edge_index[0]
    dst = edge_index[1]
    act = lambda v: jax.nn.leaky_relu(v, negative_slope=0.01)
    x = act(_graph_conv(features, src, dst, N, conv1_W, conv1_b, None))
    x = act(_graph_conv(x, src, dst, N, weight, None, edge_weight))
    x = act(_graph_conv(x, src, dst, N, conv3_W, conv3_b, edge_weight))
    x = act(x @ l1_W + l1_b)
    x = act(x @ l2_W + l2_b)
    x = act(x @ l3_W + l3_b)
    x = act(x @ l4_W + l4_b)
    x = x @ l5_W + l5_b
    return x

if __name__ == "__main__":
    import jax
    _d = setup_inputs()
    print(jax.jit(kernel)(*tuple(_d.values())))

</pallas_src>

<mosaic_0001>
#map = affine_map<(d0, d1) -> (0, 0)>
#map1 = affine_map<(d0, d1) -> (0)>
#map2 = affine_map<(d0, d1) -> (0, 0, 0)>
module attributes {stable_mosaic.version = 14 : i64} {
  func.func @_mp_body(%arg0: i32, %arg1: i32, %arg2: memref<10240x64xf32, #tpu.memory_space<hbm>>, %arg3: memref<163840xi32, #tpu.memory_space<hbm>>, %arg4: memref<163840xi32, #tpu.memory_space<hbm>>, %arg5: memref<163840xf32, #tpu.memory_space<hbm>>, %arg6: memref<2x10240x64xf32, #tpu.memory_space<hbm>>, %arg7: memref<128xi32, #tpu.memory_space<vmem>>, %arg8: memref<128xi32, #tpu.memory_space<vmem>>, %arg9: memref<128xf32, #tpu.memory_space<vmem>>, %arg10: memref<128x64xf32, #tpu.memory_space<vmem>>, %arg11: memref<!tpu.dma_semaphore, #tpu.memory_space<semaphore_mem>>, %arg12: memref<10240x64xf32, #tpu.memory_space<vmem_shared>>) attributes {dimension_semantics = [#tpu.dimension_semantics<core_parallel>, #tpu.dimension_semantics<subcore_parallel>], iteration_bounds = array<i64: 2, 16>, scalar_prefetch = 0 : i64, scratch_operands = 6 : i64, tpu.core_type = #tpu.core_type<sc_vector_subcore>, window_params = [{transform_indices = #map}, {transform_indices = #map1}, {transform_indices = #map1}, {transform_indices = #map1}, {transform_indices = #map2}]} {
    %mul3A = arith.constant 16 : i32
    %mul3A_0 = arith.muli %arg0, %mul3A : i32
    %add3A = arith.addi %mul3A_0, %arg1 : i32
    %mul3A_1 = arith.constant 5120 : i32
    %mul3A_2 = arith.muli %add3A, %mul3A_1 : i32
    %broadcast_in_dim3A = arith.constant 0.000000e+00 : f32
    %broadcast_in_dim3A_3 = vector.broadcast %broadcast_in_dim3A : f32 to vector<16xf32>
    %scan3A = arith.constant 0 : i32
    %scan3A_4 = arith.constant 128 : i32
    %scan3A_5 = arith.addi %scan3A, %scan3A_4 : i32
    %scan3A_6 = arith.constant 1 : i32
    scf.for %scan3A_38 = %scan3A to %scan3A_5 step %scan3A_6  : i32 {
      %mul3A_39 = arith.constant 1 : i32
      %mul3A_40 = arith.muli %scan3A_38, %mul3A_39 : i32
      %add3A_41 = arith.constant 0 : i32
      %add3A_42 = arith.addi %add3A_41, %mul3A_40 : i32
      %swap3A = arith.index_cast %add3A_42 : i32 to index
      %swap3A_43 = arith.constant 0 : index
      %swap3A_44 = tpu.vector_load %arg10[%swap3A, %swap3A_43] {strides = array<i32>} : memref<128x64xf32, #tpu.memory_space<vmem>>, vector<16xf32>,
      tpu.vector_store %arg10[%swap3A, %swap3A_43], %broadcast_in_dim3A_3 {strides = array<i32>} : memref<128x64xf32, #tpu.memory_space<vmem>>, vector<16xf32>,
      %swap3A_45 = arith.index_cast %add3A_42 : i32 to index
      %swap3A_46 = arith.constant 16 : index
      %swap3A_47 = tpu.vector_load %arg10[%swap3A_45, %swap3A_46] {strides = array<i32>} : memref<128x64xf32, #tpu.memory_space<vmem>>, vector<16xf32>,
      tpu.vector_store %arg10[%swap3A_45, %swap3A_46], %broadcast_in_dim3A_3 {strides = array<i32>} : memref<128x64xf32, #tpu.memory_space<vmem>>, vector<16xf32>,
      %swap3A_48 = arith.index_cast %add3A_42 : i32 to index
      %swap3A_49 = arith.constant 32 : index
      %swap3A_50 = tpu.vector_load %arg10[%swap3A_48, %swap3A_49] {strides = array<i32>} : memref<128x64xf32, #tpu.memory_space<vmem>>, vector<16xf32>,
      tpu.vector_store %arg10[%swap3A_48, %swap3A_49], %broadcast_in_dim3A_3 {strides = array<i32>} : memref<128x64xf32, #tpu.memory_space<vmem>>, vector<16xf32>,
      %swap3A_51 = arith.index_cast %add3A_42 : i32 to index
      %swap3A_52 = arith.constant 48 : index
      %swap3A_53 = tpu.vector_load %arg10[%swap3A_51, %swap3A_52] {strides = array<i32>} : memref<128x64xf32, #tpu.memory_space<vmem>>, vector<16xf32>,
      tpu.vector_store %arg10[%swap3A_51, %swap3A_52], %broadcast_in_dim3A_3 {strides = array<i32>} : memref<128x64xf32, #tpu.memory_space<vmem>>, vector<16xf32>,
    }
    %scan3A_7 = arith.constant 128 : i32
    %mul3A_8 = arith.constant 640 : i32
    %mul3A_9 = arith.muli %arg1, %mul3A_8 : i32
    %add3A_10 = arith.constant 0 : i32
    %add3A_11 = arith.addi %mul3A_9, %add3A_10 : i32
    "tpu.region"() ({
      %run_scoped3A = tpu.sem_alloc : memref<!tpu.dma_semaphore, #tpu.memory_space<semaphore_mem>>
      %dma_start3A = arith.constant 0 : i32
      %dma_start3A_38 = tpu.memref_slice %arg12[%add3A_11, %dma_start3A] : memref<10240x64xf32, #tpu.memory_space<vmem_shared>> -> memref<128x64xf32, #tpu.memory_space<vmem_shared>>
      %dma_start3A_39 = arith.constant 0 : i32
      %dma_start3A_40 = tpu.memref_slice %arg12[%add3A_11, %dma_start3A_39] : memref<10240x64xf32, #tpu.memory_space<vmem_shared>> -> memref<128x64xf32, #tpu.memory_space<vmem_shared>>
      tpu.enqueue_dma source(%arg10 : memref<128x64xf32, #tpu.memory_space<vmem>>) target(%dma_start3A_40 : memref<128x64xf32, #tpu.memory_space<vmem_shared>>) target_semaphore(%run_scoped3A : memref<!tpu.dma_semaphore, #tpu.memory_space<semaphore_mem>>)
      %dma_wait3A = arith.constant 0 : i32
      %dma_wait3A_41 = tpu.memref_slice %arg12[%add3A_11, %dma_wait3A] : memref<10240x64xf32, #tpu.memory_space<vmem_shared>> -> memref<128x64xf32, #tpu.memory_space<vmem_shared>>
      %dma_wait3A_42 = arith.constant 0 : i32
      %dma_wait3A_43 = tpu.memref_slice %arg12[%add3A_11, %dma_wait3A_42] : memref<10240x64xf32, #tpu.memory_space<vmem_shared>> -> memref<128x64xf32, #tpu.memory_space<vmem_shared>>
      tpu.wait_dma2 semaphore(%run_scoped3A : memref<!tpu.dma_semaphore, #tpu.memory_space<semaphore_mem>>) src(%arg10 : memref<128x64xf32, #tpu.memory_space<vmem>>) dst(%dma_wait3A_43 : memref<128x64xf32, #tpu.memory_space<vmem_shared>>)
      tpu.yield
    }) : () -> ()
    %mul3A_12 = arith.constant 640 : i32
    %mul3A_13 = arith.muli %arg1, %mul3A_12 : i32
    %add3A_14 = arith.constant 128 : i32
    %add3A_15 = arith.addi %mul3A_13, %add3A_14 : i32
    "tpu.region"() ({
      %run_scoped3A = tpu.sem_alloc : memref<!tpu.dma_semaphore, #tpu.memory_space<semaphore_mem>>
      %dma_start3A = arith.constant 0 : i32
      %dma_start3A_38 = tpu.memref_slice %arg12[%add3A_15, %dma_start3A] : memref<10240x64xf32, #tpu.memory_space<vmem_shared>> -> memref<128x64xf32, #tpu.memory_space<vmem_shared>>
      %dma_start3A_39 = arith.constant 0 : i32
      %dma_start3A_40 = tpu.memref_slice %arg12[%add3A_15, %dma_start3A_39] : memref<10240x64xf32, #tpu.memory_space<vmem_shared>> -> memref<128x64xf32, #tpu.memory_space<vmem_shared>>
      tpu.enqueue_dma source(%arg10 : memref<128x64xf32, #tpu.memory_space<vmem>>) target(%dma_start3A_40 : memref<128x64xf32, #tpu.memory_space<vmem_shared>>) target_semaphore(%run_scoped3A : memref<!tpu.dma_semaphore, #tpu.memory_space<semaphore_mem>>)
      %dma_wait3A = arith.constant 0 : i32
      %dma_wait3A_41 = tpu.memref_slice %arg12[%add3A_15, %dma_wait3A] : memref<10240x64xf32, #tpu.memory_space<vmem_shared>> -> memref<128x64xf32, #tpu.memory_space<vmem_shared>>
      %dma_wait3A_42 = arith.constant 0 : i32
      %dma_wait3A_43 = tpu.memref_slice %arg12[%add3A_15, %dma_wait3A_42] : memref<10240x64xf32, #tpu.memory_space<vmem_shared>> -> memref<128x64xf32, #tpu.memory_space<vmem_shared>>
      tpu.wait_dma2 semaphore(%run_scoped3A : memref<!tpu.dma_semaphore, #tpu.memory_space<semaphore_mem>>) src(%arg10 : memref<128x64xf32, #tpu.memory_space<vmem>>) dst(%dma_wait3A_43 : memref<128x64xf32, #tpu.memory_space<vmem_shared>>)
      tpu.yield
    }) : () -> ()
    %mul3A_16 = arith.constant 640 : i32
    %mul3A_17 = arith.muli %arg1, %mul3A_16 : i32
    %add3A_18 = arith.constant 256 : i32
    %add3A_19 = arith.addi %mul3A_17, %add3A_18 : i32
    "tpu.region"() ({
      %run_scoped3A = tpu.sem_alloc : memref<!tpu.dma_semaphore, #tpu.memory_space<semaphore_mem>>
      %dma_start3A = arith.constant 0 : i32
      %dma_start3A_38 = tpu.memref_slice %arg12[%add3A_19, %dma_start3A] : memref<10240x64xf32, #tpu.memory_space<vmem_shared>> -> memref<128x64xf32, #tpu.memory_space<vmem_shared>>
      %dma_start3A_39 = arith.constant 0 : i32
      %dma_start3A_40 = tpu.memref_slice %arg12[%add3A_19, %dma_start3A_39] : memref<10240x64xf32, #tpu.memory_space<vmem_shared>> -> memref<128x64xf32, #tpu.memory_space<vmem_shared>>
      tpu.enqueue_dma source(%arg10 : memref<128x64xf32, #tpu.memory_space<vmem>>) target(%dma_start3A_40 : memref<128x64xf32, #tpu.memory_space<vmem_shared>>) target_semaphore(%run_scoped3A : memref<!tpu.dma_semaphore, #tpu.memory_space<semaphore_mem>>)
      %dma_wait3A = arith.constant 0 : i32
      %dma_wait3A_41 = tpu.memref_slice %arg12[%add3A_19, %dma_wait3A] : memref<10240x64xf32, #tpu.memory_space<vmem_shared>> -> memref<128x64xf32, #tpu.memory_space<vmem_shared>>
      %dma_wait3A_42 = arith.constant 0 : i32
      %dma_wait3A_43 = tpu.memref_slice %arg12[%add3A_19, %dma_wait3A_42] : memref<10240x64xf32, #tpu.memory_space<vmem_shared>> -> memref<128x64xf32, #tpu.memory_space<vmem_shared>>
      tpu.wait_dma2 semaphore(%run_scoped3A : memref<!tpu.dma_semaphore, #tpu.memory_space<semaphore_mem>>) src(%arg10 : memref<128x64xf32, #tpu.memory_space<vmem>>) dst(%dma_wait3A_43 : memref<128x64xf32, #tpu.memory_space<vmem_shared>>)
      tpu.yield
    }) : () -> ()
    %mul3A_20 = arith.constant 640 : i32
    %mul3A_21 = arith.muli %arg1, %mul3A_20 : i32
    %add3A_22 = arith.constant 384 : i32
    %add3A_23 = arith.addi %mul3A_21, %add3A_22 : i32
    "tpu.region"() ({
      %run_scoped3A = tpu.sem_alloc : memref<!tpu.dma_semaphore, #tpu.memory_space<semaphore_mem>>
      %dma_start3A = arith.constant 0 : i32
      %dma_start3A_38 = tpu.memref_slice %arg12[%add3A_23, %dma_start3A] : memref<10240x64xf32, #tpu.memory_space<vmem_shared>> -> memref<128x64xf32, #tpu.memory_space<vmem_shared>>
      %dma_start3A_39 = arith.constant 0 : i32
      %dma_start3A_40 = tpu.memref_slice %arg12[%add3A_23, %dma_start3A_39] : memref<10240x64xf32, #tpu.memory_space<vmem_shared>> -> memref<128x64xf32, #tpu.memory_space<vmem_shared>>
      tpu.enqueue_dma source(%arg10 : memref<128x64xf32, #tpu.memory_space<vmem>>) target(%dma_start3A_40 : memref<128x64xf32, #tpu.memory_space<vmem_shared>>) target_semaphore(%run_scoped3A : memref<!tpu.dma_semaphore, #tpu.memory_space<semaphore_mem>>)
      %dma_wait3A = arith.constant 0 : i32
      %dma_wait3A_41 = tpu.memref_slice %arg12[%add3A_23, %dma_wait3A] : memref<10240x64xf32, #tpu.memory_space<vmem_shared>> -> memref<128x64xf32, #tpu.memory_space<vmem_shared>>
      %dma_wait3A_42 = arith.constant 0 : i32
      %dma_wait3A_43 = tpu.memref_slice %arg12[%add3A_23, %dma_wait3A_42] : memref<10240x64xf32, #tpu.memory_space<vmem_shared>> -> memref<128x64xf32, #tpu.memory_space<vmem_shared>>
      tpu.wait_dma2 semaphore(%run_scoped3A : memref<!tpu.dma_semaphore, #tpu.memory_space<semaphore_mem>>) src(%arg10 : memref<128x64xf32, #tpu.memory_space<vmem>>) dst(%dma_wait3A_43 : memref<128x64xf32, #tpu.memory_space<vmem_shared>>)
      tpu.yield
    }) : () -> ()
    %mul3A_24 = arith.constant 640 : i32
    %mul3A_25 = arith.muli %arg1, %mul3A_24 : i32
    %add3A_26 = arith.constant 512 : i32
    %add3A_27 = arith.addi %mul3A_25, %add3A_26 : i32
    "tpu.region"() ({
      %run_scoped3A = tpu.sem_alloc : memref<!tpu.dma_semaphore, #tpu.memory_space<semaphore_mem>>
      %dma_start3A = arith.constant 0 : i32
      %dma_start3A_38 = tpu.memref_slice %arg12[%add3A_27, %dma_start3A] : memref<10240x64xf32, #tpu.memory_space<vmem_shared>> -> memref<128x64xf32, #tpu.memory_space<vmem_shared>>
      %dma_start3A_39 = arith.constant 0 : i32
      %dma_start3A_40 = tpu.memref_slice %arg12[%add3A_27, %dma_start3A_39] : memref<10240x64xf32, #tpu.memory_space<vmem_shared>> -> memref<128x64xf32, #tpu.memory_space<vmem_shared>>
      tpu.enqueue_dma source(%arg10 : memref<128x64xf32, #tpu.memory_space<vmem>>) target(%dma_start3A_40 : memref<128x64xf32, #tpu.memory_space<vmem_shared>>) target_semaphore(%run_scoped3A : memref<!tpu.dma_semaphore, #tpu.memory_space<semaphore_mem>>)
      %dma_wait3A = arith.constant 0 : i32
      %dma_wait3A_41 = tpu.memref_slice %arg12[%add3A_27, %dma_wait3A] : memref<10240x64xf32, #tpu.memory_space<vmem_shared>> -> memref<128x64xf32, #tpu.memory_space<vmem_shared>>
      %dma_wait3A_42 = arith.constant 0 : i32
      %dma_wait3A_43 = tpu.memref_slice %arg12[%add3A_27, %dma_wait3A_42] : memref<10240x64xf32, #tpu.memory_space<vmem_shared>> -> memref<128x64xf32, #tpu.memory_space<vmem_shared>>
      tpu.wait_dma2 semaphore(%run_scoped3A : memref<!tpu.dma_semaphore, #tpu.memory_space<semaphore_mem>>) src(%arg10 : memref<128x64xf32, #tpu.memory_space<vmem>>) dst(%dma_wait3A_43 : memref<128x64xf32, #tpu.memory_space<vmem_shared>>)
      tpu.yield
    }) : () -> ()
    %barrier3A = arith.constant 0 : index
    tpu.barrier barrier_id(%barrier3A)
    %scan3A_28 = arith.constant 0 : i32
    %scan3A_29 = arith.constant 40 : i32
    %scan3A_30 = arith.addi %scan3A_28, %scan3A_29 : i32
    %scan3A_31 = arith.constant 1 : i32
    scf.for %scan3A_38 = %scan3A_28 to %scan3A_30 step %scan3A_31  : i32 {
      %mul3A_39 = arith.constant 1 : i32
      %mul3A_40 = arith.muli %scan3A_38, %mul3A_39 : i32
      %add3A_41 = arith.constant 0 : i32
      %add3A_42 = arith.addi %add3A_41, %mul3A_40 : i32
      %mul3A_43 = arith.constant 128 : i32
      %mul3A_44 = arith.muli %add3A_42, %mul3A_43 : i32
      %add3A_45 = arith.addi %mul3A_2, %mul3A_44 : i32
      "tpu.region"() ({
        %run_scoped3A = tpu.sem_alloc : memref<!tpu.dma_semaphore, #tpu.memory_space<semaphore_mem>>
        %dma_start3A_55 = tpu.memref_slice %arg3[%add3A_45] : memref<163840xi32, #tpu.memory_space<hbm>> -> memref<128xi32, #tpu.memory_space<hbm>>
        %dma_start3A_56 = tpu.memref_slice %arg3[%add3A_45] : memref<163840xi32, #tpu.memory_space<hbm>> -> memref<128xi32, #tpu.memory_space<hbm>>
        tpu.enqueue_dma source(%dma_start3A_56 : memref<128xi32, #tpu.memory_space<hbm>>) target(%arg7 : memref<128xi32, #tpu.memory_space<vmem>>) target_semaphore(%run_scoped3A : memref<!tpu.dma_semaphore, #tpu.memory_space<semaphore_mem>>)
        %dma_wait3A_57 = tpu.memref_slice %arg3[%add3A_45] : memref<163840xi32, #tpu.memory_space<hbm>> -> memref<128xi32, #tpu.memory_space<hbm>>
        %dma_wait3A_58 = tpu.memref_slice %arg3[%add3A_45] : memref<163840xi32, #tpu.memory_space<hbm>> -> memref<128xi32, #tpu.memory_space<hbm>>
        tpu.wait_dma2 semaphore(%run_scoped3A : memref<!tpu.dma_semaphore, #tpu.memory_space<semaphore_mem>>) src(%dma_wait3A_58 : memref<128xi32, #tpu.memory_space<hbm>>) dst(%arg7 : memref<128xi32, #tpu.memory_space<vmem>>)
        tpu.yield
      }) : () -> ()
      "tpu.region"() ({
        %run_scoped3A = tpu.sem_alloc : memref<!tpu.dma_semaphore, #tpu.memory_space<semaphore_mem>>
        %dma_start3A_55 = tpu.memref_slice %arg4[%add3A_45] : memref<163840xi32, #tpu.memory_space<hbm>> -> memref<128xi32, #tpu.memory_space<hbm>>
        %dma_start3A_56 = tpu.memref_slice %arg4[%add3A_45] : memref<163840xi32, #tpu.memory_space<hbm>> -> memref<128xi32, #tpu.memory_space<hbm>>
        tpu.enqueue_dma source(%dma_start3A_56 : memref<128xi32, #tpu.memory_space<hbm>>) target(%arg8 : memref<128xi32, #tpu.memory_space<vmem>>) target_semaphore(%run_scoped3A : memref<!tpu.dma_semaphore, #tpu.memory_space<semaphore_mem>>)
        %dma_wait3A_57 = tpu.memref_slice %arg4[%add3A_45] : memref<163840xi32, #tpu.memory_space<hbm>> -> memref<128xi32, #tpu.memory_space<hbm>>
        %dma_wait3A_58 = tpu.memref_slice %arg4[%add3A_45] : memref<163840xi32, #tpu.memory_space<hbm>> -> memref<128xi32, #tpu.memory_space<hbm>>
        tpu.wait_dma2 semaphore(%run_scoped3A : memref<!tpu.dma_semaphore, #tpu.memory_space<semaphore_mem>>) src(%dma_wait3A_58 : memref<128xi32, #tpu.memory_space<hbm>>) dst(%arg8 : memref<128xi32, #tpu.memory_space<vmem>>)
        tpu.yield
      }) : () -> ()
      "tpu.region"() ({
        %run_scoped3A = tpu.sem_alloc : memref<!tpu.dma_semaphore, #tpu.memory_space<semaphore_mem>>
        %dma_start3A_55 = tpu.memref_slice %arg5[%add3A_45] : memref<163840xf32, #tpu.memory_space<hbm>> -> memref<128xf32, #tpu.memory_space<hbm>>
        %dma_start3A_56 = tpu.memref_slice %arg5[%add3A_45] : memref<163840xf32, #tpu.memory_space<hbm>> -> memref<128xf32, #tpu.memory_space<hbm>>
        tpu.enqueue_dma source(%dma_start3A_56 : memref<128xf32, #tpu.memory_space<hbm>>) target(%arg9 : memref<128xf32, #tpu.memory_space<vmem>>) target_semaphore(%run_scoped3A : memref<!tpu.dma_semaphore, #tpu.memory_space<semaphore_mem>>)
        %dma_wait3A_57 = tpu.memref_slice %arg5[%add3A_45] : memref<163840xf32, #tpu.memory_space<hbm>> -> memref<128xf32, #tpu.memory_space<hbm>>
        %dma_wait3A_58 = tpu.memref_slice %arg5[%add3A_45] : memref<163840xf32, #tpu.memory_space<hbm>> -> memref<128xf32, #tpu.memory_space<hbm>>
        tpu.wait_dma2 semaphore(%run_scoped3A : memref<!tpu.dma_semaphore, #tpu.memory_space<semaphore_mem>>) src(%dma_wait3A_58 : memref<128xf32, #tpu.memory_space<hbm>>) dst(%arg9 : memref<128xf32, #tpu.memory_space<vmem>>)
        tpu.yield
      }) : () -> ()
      %dma_start3A = arith.constant 0 : i32
      %dma_start3A_46 = arith.constant 0 : i32
      %dma_start3A_47 = tpu.memref_slice %arg2[%dma_start3A, %dma_start3A_46] : memref<10240x64xf32, #tpu.memory_space<hbm>> -> memref<10240x64xf32, #tpu.memory_space<hbm>>
      tpu.enqueue_indirect_dma source(%dma_start3A_47 : memref<10240x64xf32, #tpu.memory_space<hbm>>) target(%arg10 : memref<128x64xf32, #tpu.memory_space<vmem>>) offsets(%arg7 : memref<128xi32, #tpu.memory_space<vmem>>) semaphore(%arg11 : memref<!tpu.dma_semaphore, #tpu.memory_space<semaphore_mem>>)
      %dma_wait3A = arith.constant 0 : i32
      %dma_wait3A_48 = arith.constant 0 : i32
      %dma_wait3A_49 = tpu.memref_slice %arg2[%dma_wait3A, %dma_wait3A_48] : memref<10240x64xf32, #tpu.memory_space<hbm>> -> memref<10240x64xf32, #tpu.memory_space<hbm>>
      tpu.wait_indirect_dma semaphore(%arg11 : memref<!tpu.dma_semaphore, #tpu.memory_space<semaphore_mem>>) src(%dma_wait3A_49 : memref<10240x64xf32, #tpu.memory_space<hbm>>) dst(%arg10 : memref<128x64xf32, #tpu.memory_space<vmem>>)
      %scan3A_50 = arith.constant 0 : i32
      %scan3A_51 = arith.constant 8 : i32
      %scan3A_52 = arith.addi %scan3A_50, %scan3A_51 : i32
      %scan3A_53 = arith.constant 1 : i32
      scf.for %scan3A_55 = %scan3A_50 to %scan3A_52 step %scan3A_53  : i32 {
        %mul3A_56 = arith.constant 1 : i32
        %mul3A_57 = arith.muli %scan3A_55, %mul3A_56 : i32
        %add3A_58 = arith.constant 0 : i32
        %add3A_59 = arith.addi %add3A_58, %mul3A_57 : i32
        %mul3A_60 = arith.constant 16 : i32
        %mul3A_61 = arith.muli %add3A_59, %mul3A_60 : i32
        %get3A = arith.index_cast %mul3A_61 : i32 to index
        %get3A_62 = tpu.vector_load %arg9[%get3A] {strides = array<i32>} : memref<128xf32, #tpu.memory_space<vmem>>, vector<16xf32>,
        %slice3A = vector.extract_strided_slice %get3A_62 {offsets = [0], sizes = [1], strides = [1]} : vector<16xf32> to vector<1xf32>
        %squeeze3A = vector.extract %slice3A[0] : f32 from vector<1xf32>
        %mul3A_63 = arith.constant 16 : i32
        %mul3A_64 = arith.muli %add3A_59, %mul3A_63 : i32
        %add3A_65 = arith.constant 0 : i32
        %add3A_66 = arith.addi %mul3A_64, %add3A_65 : i32
        %get3A_67 = arith.index_cast %add3A_66 : i32 to index
        %get3A_68 = arith.constant 0 : index
        %get3A_69 = tpu.vector_load %arg10[%get3A_67, %get3A_68] {strides = array<i32>} : memref<128x64xf32, #tpu.memory_space<vmem>>, vector<16xf32>,
        %mul3A_70 = vector.broadcast %squeeze3A : f32 to vector<16xf32>
        %mul3A_71 = arith.mulf %get3A_69, %mul3A_70 : vector<16xf32>
        %swap3A = arith.index_cast %add3A_66 : i32 to index
        %swap3A_72 = arith.constant 0 : index
        %swap3A_73 = tpu.vector_load %arg10[%swap3A, %swap3A_72] {strides = array<i32>} : memref<128x64xf32, #tpu.memory_space<vmem>>, vector<16xf32>,
        tpu.vector_store %arg10[%swap3A, %swap3A_72], %mul3A_71 {strides = array<i32>} : memref<128x64xf32, #tpu.memory_space<vmem>>, vector<16xf32>,
        %get3A_74 = arith.index_cast %add3A_66 : i32 to index
        %get3A_75 = arith.constant 16 : index
        %get3A_76 = tpu.vector_load %arg10[%get3A_74, %get3A_75] {strides = array<i32>} : memref<128x64xf32, #tpu.memory_space<vmem>>, vector<16xf32>,
        %mul3A_77 = vector.broadcast %squeeze3A : f32 to vector<16xf32>
        %mul3A_78 = arith.mulf %get3A_76, %mul3A_77 : vector<16xf32>
        %swap3A_79 = arith.index_cast %add3A_66 : i32 to index
        %swap3A_80 = arith.constant 16 : index
        %swap3A_81 = tpu.vector_load %arg10[%swap3A_79, %swap3A_80] {strides = array<i32>} : memref<128x64xf32, #tpu.memory_space<vmem>>, vector<16xf32>,
        tpu.vector_store %arg10[%swap3A_79, %swap3A_80], %mul3A_78 {strides = array<i32>} : memref<128x64xf32, #tpu.memory_space<vmem>>, vector<16xf32>,
        %get3A_82 = arith.index_cast %add3A_66 : i32 to index
        %get3A_83 = arith.constant 32 : index
        %get3A_84 = tpu.vector_load %arg10[%get3A_82, %get3A_83] {strides = array<i32>} : memref<128x64xf32, #tpu.memory_space<vmem>>, vector<16xf32>,
        %mul3A_85 = vector.broadcast %squeeze3A : f32 to vector<16xf32>
        %mul3A_86 = arith.mulf %get3A_84, %mul3A_85 : vector<16xf32>
        %swap3A_87 = arith.index_cast %add3A_66 : i32 to index
        %swap3A_88 = arith.constant 32 : index
        %swap3A_89 = tpu.vector_load %arg10[%swap3A_87, %swap3A_88] {strides = array<i32>} : memref<128x64xf32, #tpu.memory_space<vmem>>, vector<16xf32>,
        tpu.vector_store %arg10[%swap3A_87, %swap3A_88], %mul3A_86 {strides = array<i32>} : memref<128x64xf32, #tpu.memory_space<vmem>>, vector<16xf32>,
        %get3A_90 = arith.index_cast %add3A_66 : i32 to index
        %get3A_91 = arith.constant 48 : index
        %get3A_92 = tpu.vector_load %arg10[%get3A_90, %get3A_91] {strides = array<i32>} : memref<128x64xf32, #tpu.memory_space<vmem>>, vector<16xf32>,
        %mul3A_93 = vector.broadcast %squeeze3A : f32 to vector<16xf32>
        %mul3A_94 = arith.mulf %get3A_92, %mul3A_93 : vector<16xf32>
        %swap3A_95 = arith.index_cast %add3A_66 : i32 to index
        %swap3A_96 = arith.constant 48 : index
        %swap3A_97 = tpu.vector_load %arg10[%swap3A_95, %swap3A_96] {strides = array<i32>} : memref<128x64xf32, #tpu.memory_space<vmem>>, vector<16xf32>,
        tpu.vector_store %arg10[%swap3A_95, %swap3A_96], %mul3A_94 {strides = array<i32>} : memref<128x64xf32, #tpu.memory_space<vmem>>, vector<16xf32>,
        %slice3A_98 = vector.extract_strided_slice %get3A_62 {offsets = [1], sizes = [1], strides = [1]} : vector<16xf32> to vector<1xf32>
        %squeeze3A_99 = vector.extract %slice3A_98[0] : f32 from vector<1xf32>
        %mul3A_100 = arith.constant 16 : i32
        %mul3A_101 = arith.muli %add3A_59, %mul3A_100 : i32
        %add3A_102 = arith.constant 1 : i32
        %add3A_103 = arith.addi %mul3A_101, %add3A_102 : i32
        %get3A_104 = arith.index_cast %add3A_103 : i32 to index
        %get3A_105 = arith.constant 0 : index
        %get3A_106 = tpu.vector_load %arg10[%get3A_104, %get3A_105] {strides = array<i32>} : memref<128x64xf32, #tpu.memory_space<vmem>>, vector<16xf32>,
        %mul3A_107 = vector.broadcast %squeeze3A_99 : f32 to vector<16xf32>
        %mul3A_108 = arith.mulf %get3A_106, %mul3A_107 : vector<16xf32>
        %swap3A_109 = arith.index_cast %add3A_103 : i32 to index
        %swap3A_110 = arith.constant 0 : index
        %swap3A_111 = tpu.vector_load %arg10[%swap3A_109, %swap3A_110] {strides = array<i32>} : memref<128x64xf32, #tpu.memory_space<vmem>>, vector<16xf32>,
        tpu.vector_store %arg10[%swap3A_109, %swap3A_110], %mul3A_108 {strides = array<i32>} : memref<128x64xf32, #tpu.memory_space<vmem>>, vector<16xf32>,
        %get3A_112 = arith.index_cast %add3A_103 : i32 to index
        %get3A_113 = arith.constant 16 : index
        %get3A_114 = tpu.vector_load %arg10[%get3A_112, %get3A_113] {strides = array<i32>} : memref<128x64xf32, #tpu.memory_space<vmem>>, vector<16xf32>,
        %mul3A_115 = vector.broadcast %squeeze3A_99 : f32 to vector<16xf32>
        %mul3A_116 = arith.mulf %get3A_114, %mul3A_115 : vector<16xf32>
        %swap3A_117 = arith.index_cast %add3A_103 : i32 to index
        %swap3A_118 = arith.constant 16 : index
        %swap3A_119 = tpu.vector_load %arg10[%swap3A_117, %swap3A_118] {strides = array<i32>} : memref<128x64xf32, #tpu.memory_space<vmem>>, vector<16xf32>,
        tpu.vector_store %arg10[%swap3A_117, %swap3A_118], %mul3A_116 {strides = array<i32>} : memref<128x64xf32, #tpu.memory_space<vmem>>, vector<16xf32>,
        %get3A_120 = arith.index_cast %add3A_103 : i32 to index
        %get3A_121 = arith.constant 32 : index
        %get3A_122 = tpu.vector_load %arg10[%get3A_120, %get3A_121] {strides = array<i32>} : memref<128x64xf32, #tpu.memory_space<vmem>>, vector<16xf32>,
        %mul3A_123 = vector.broadcast %squeeze3A_99 : f32 to vector<16xf32>
        %mul3A_124 = arith.mulf %get3A_122, %mul3A_123 : vector<16xf32>
        %swap3A_125 = arith.index_cast %add3A_103 : i32 to index
        %swap3A_126 = arith.constant 32 : index
        %swap3A_127 = tpu.vector_load %arg10[%swap3A_125, %swap3A_126] {strides = array<i32>} : memref<128x64xf32, #tpu.memory_space<vmem>>, vector<16xf32>,
        tpu.vector_store %arg10[%swap3A_125, %swap3A_126], %mul3A_124 {strides = array<i32>} : memref<128x64xf32, #tpu.memory_space<vmem>>, vector<16xf32>,
        %get3A_128 = arith.index_cast %add3A_103 : i32 to index
        %get3A_129 = arith.constant 48 : index
        %get3A_130 = tpu.vector_load %arg10[%get3A_128, %get3A_129] {strides = array<i32>} : memref<128x64xf32, #tpu.memory_space<vmem>>, vector<16xf32>,
        %mul3A_131 = vector.broadcast %squeeze3A_99 : f32 to vector<16xf32>
        %mul3A_132 = arith.mulf %get3A_130, %mul3A_131 : vector<16xf32>
        %swap3A_133 = arith.index_cast %add3A_103 : i32 to index
        %swap3A_134 = arith.constant 48 : index
        %swap3A_135 = tpu.vector_load %arg10[%swap3A_133, %swap3A_134] {strides = array<i32>} : memref<128x64xf32, #tpu.memory_space<vmem>>, vector<16xf32>,
        tpu.vector_store %arg10[%swap3A_133, %swap3A_134], %mul3A_132 {strides = array<i32>} : memref<128x64xf32, #tpu.memory_space<vmem>>, vector<16xf32>,
        %slice3A_136 = vector.extract_strided_slice %get3A_62 {offsets = [2], sizes = [1], strides = [1]} : vector<16xf32> to vector<1xf32>
        %squeeze3A_137 = vector.extract %slice3A_136[0] : f32 from vector<1xf32>
        %mul3A_138 = arith.constant 16 : i32
        %mul3A_139 = arith.muli %add3A_59, %mul3A_138 : i32
        %add3A_140 = arith.constant 2 : i32
        %add3A_141 = arith.addi %mul3A_139, %add3A_140 : i32
        %get3A_142 = arith.index_cast %add3A_141 : i32 to index
        %get3A_143 = arith.constant 0 : index
        %get3A_144 = tpu.vector_load %arg10[%get3A_142, %get3A_143] {strides = array<i32>} : memref<128x64xf32, #tpu.memory_space<vmem>>, vector<16xf32>,
        %mul3A_145 = vector.broadcast %squeeze3A_137 : f32 to vector<16xf32>
        %mul3A_146 = arith.mulf %get3A_144, %mul3A_145 : vector<16xf32>
        %swap3A_147 = arith.index_cast %add3A_141 : i32 to index
        %swap3A_148 = arith.constant 0 : index
        %swap3A_149 = tpu.vector_load %arg10[%swap3A_147, %swap3A_148] {strides = array<i32>} : memref<128x64xf32, #tpu.memory_space<vmem>>, vector<16xf32>,
        tpu.vector_store %arg10[%swap3A_147, %swap3A_148], %mul3A_146 {strides = array<i32>} : memref<128x64xf32, #tpu.memory_space<vmem>>, vector<16xf32>,
        %get3A_150 = arith.index_cast %add3A_141 : i32 to index
        %get3A_151 = arith.constant 16 : index
        %get3A_152 = tpu.vector_load %arg10[%get3A_150, %get3A_151] {strides = array<i32>} : memref<128x64xf32, #tpu.memory_space<vmem>>, vector<16xf32>,
        %mul3A_153 = vector.broadcast %squeeze3A_137 : f32 to vector<16xf32>
        %mul3A_154 = arith.mulf %get3A_152, %mul3A_153 : vector<16xf32>
        %swap3A_155 = arith.index_cast %add3A_141 : i32 to index
        %swap3A_156 = arith.constant 16 : index
        %swap3A_157 = tpu.vector_load %arg10[%swap3A_155, %swap3A_156] {strides = array<i32>} : memref<128x64xf32, #tpu.memory_space<vmem>>, vector<16xf32>,
        tpu.vector_store %arg10[%swap3A_155, %swap3A_156], %mul3A_154 {strides = array<i32>} : memref<128x64xf32, #tpu.memory_space<vmem>>, vector<16xf32>,
        %get3A_158 = arith.index_cast %add3A_141 : i32 to index
        %get3A_159 = arith.constant 32 : index
        %get3A_160 = tpu.vector_load %arg10[%get3A_158, %get3A_159] {strides = array<i32>} : memref<128x64xf32, #tpu.memory_space<vmem>>, vector<16xf32>,
        %mul3A_161 = vector.broadcast %squeeze3A_137 : f32 to vector<16xf32>
        %mul3A_162 = arith.mulf %get3A_160, %mul3A_161 : vector<16xf32>
        %swap3A_163 = arith.index_cast %add3A_141 : i32 to index
        %swap3A_164 = arith.constant 32 : index
        %swap3A_165 = tpu.vector_load %arg10[%swap3A_163, %swap3A_164] {strides = array<i32>} : memref<128x64xf32, #tpu.memory_space<vmem>>, vector<16xf32>,
        tpu.vector_store %arg10[%swap3A_163, %swap3A_164], %mul3A_162 {strides = array<i32>} : memref<128x64xf32, #tpu.memory_space<vmem>>, vector<16xf32>,
        %get3A_166 = arith.index_cast %add3A_141 : i32 to index
        %get3A_167 = arith.constant 48 : index
        %get3A_168 = tpu.vector_load %arg10[%get3A_166, %get3A_167] {strides = array<i32>} : memref<128x64xf32, #tpu.memory_space<vmem>>, vector<16xf32>,
        %mul3A_169 = vector.broadcast %squeeze3A_137 : f32 to vector<16xf32>
        %mul3A_170 = arith.mulf %get3A_168, %mul3A_169 : vector<16xf32>
        %swap3A_171 = arith.index_cast %add3A_141 : i32 to index
        %swap3A_172 = arith.constant 48 : index
        %swap3A_173 = tpu.vector_load %arg10[%swap3A_171, %swap3A_172] {strides = array<i32>} : memref<128x64xf32, #tpu.memory_space<vmem>>, vector<16xf32>,
        tpu.vector_store %arg10[%swap3A_171, %swap3A_172], %mul3A_170 {strides = array<i32>} : memref<128x64xf32, #tpu.memory_space<vmem>>, vector<16xf32>,
        %slice3A_174 = vector.extract_strided_slice %get3A_62 {offsets = [3], sizes = [1], strides = [1]} : vector<16xf32> to vector<1xf32>
        %squeeze3A_175 = vector.extract %slice3A_174[0] : f32 from vector<1xf32>
        %mul3A_176 = arith.constant 16 : i32
        %mul3A_177 = arith.muli %add3A_59, %mul3A_176 : i32
        %add3A_178 = arith.constant 3 : i32
        %add3A_179 = arith.addi %mul3A_177, %add3A_178 : i32
        %get3A_180 = arith.index_cast %add3A_179 : i32 to index
        %get3A_181 = arith.constant 0 : index
        %get3A_182 = tpu.vector_load %arg10[%get3A_180, %get3A_181] {strides = array<i32>} : memref<128x64xf32, #tpu.memory_space<vmem>>, vector<16xf32>,
        %mul3A_183 = vector.broadcast %squeeze3A_175 : f32 to vector<16xf32>
        %mul3A_184 = arith.mulf %get3A_182, %mul3A_183 : vector<16xf32>
        %swap3A_185 = arith.index_cast %add3A_179 : i32 to index
        %swap3A_186 = arith.constant 0 : index
        %swap3A_187 = tpu.vector_load %arg10[%swap3A_185, %swap3A_186] {strides = array<i32>} : memref<128x64xf32, #tpu.memory_space<vmem>>, vector<16xf32>,
        tpu.vector_store %arg10[%swap3A_185, %swap3A_186], %mul3A_184 {strides = array<i32>} : memref<128x64xf32, #tpu.memory_space<vmem>>, vector<16xf32>,
        %get3A_188 = arith.index_cast %add3A_179 : i32 to index
        %get3A_189 = arith.constant 16 : index
        %get3A_190 = tpu.vector_load %arg10[%get3A_188, %get3A_189] {strides = array<i32>} : memref<128x64xf32, #tpu.memory_space<vmem>>, vector<16xf32>,
        %mul3A_191 = vector.broadcast %squeeze3A_175 : f32 to vector<16xf32>
        %mul3A_192 = arith.mulf %get3A_190, %mul3A_191 : vector<16xf32>
        %swap3A_193 = arith.index_cast %add3A_179 : i32 to index
        %swap3A_194 = arith.constant 16 : index
        %swap3A_195 = tpu.vector_load %arg10[%swap3A_193, %swap3A_194] {strides = array<i32>} : memref<128x64xf32, #tpu.memory_space<vmem>>, vector<16xf32>,
        tpu.vector_store %arg10[%swap3A_193, %swap3A_194], %mul3A_192 {strides = array<i32>} : memref<128x64xf32, #tpu.memory_space<vmem>>, vector<16xf32>,
        %get3A_196 = arith.index_cast %add3A_179 : i32 to index
        %get3A_197 = arith.constant 32 : index
        %get3A_198 = tpu.vector_load %arg10[%get3A_196, %get3A_197] {strides = array<i32>} : memref<128x64xf32, #tpu.memory_space<vmem>>, vector<16xf32>,
        %mul3A_199 = vector.broadcast %squeeze3A_175 : f32 to vector<16xf32>
        %mul3A_200 = arith.mulf %get3A_198, %mul3A_199 : vector<16xf32>
        %swap3A_201 = arith.index_cast %add3A_179 : i32 to index
        %swap3A_202 = arith.constant 32 : index
        %swap3A_203 = tpu.vector_load %arg10[%swap3A_201, %swap3A_202] {strides = array<i32>} : memref<128x64xf32, #tpu.memory_space<vmem>>, vector<16xf32>,
        tpu.vector_store %arg10[%swap3A_201, %swap3A_202], %mul3A_200 {strides = array<i32>} : memref<128x64xf32, #tpu.memory_space<vmem>>, vector<16xf32>,
        %get3A_204 = arith.index_cast %add3A_179 : i32 to index
        %get3A_205 = arith.constant 48 : index
        %get3A_206 = tpu.vector_load %arg10[%get3A_204, %get3A_205] {strides = array<i32>} : memref<128x64xf32, #tpu.memory_space<vmem>>, vector<16xf32>,
        %mul3A_207 = vector.broadcast %squeeze3A_175 : f32 to vector<16xf32>
        %mul3A_208 = arith.mulf %get3A_206, %mul3A_207 : vector<16xf32>
        %swap3A_209 = arith.index_cast %add3A_179 : i32 to index
        %swap3A_210 = arith.constant 48 : index
        %swap3A_211 = tpu.vector_load %arg10[%swap3A_209, %swap3A_210] {strides = array<i32>} : memref<128x64xf32, #tpu.memory_space<vmem>>, vector<16xf32>,
        tpu.vector_store %arg10[%swap3A_209, %swap3A_210], %mul3A_208 {strides = array<i32>} : memref<128x64xf32, #tpu.memory_space<vmem>>, vector<16xf32>,
        %slice3A_212 = vector.extract_strided_slice %get3A_62 {offsets = [4], sizes = [1], strides = [1]} : vector<16xf32> to vector<1xf32>
        %squeeze3A_213 = vector.extract %slice3A_212[0] : f32 from vector<1xf32>
        %mul3A_214 = arith.constant 16 : i32
        %mul3A_215 = arith.muli %add3A_59, %mul3A_214 : i32
        %add3A_216 = arith.constant 4 : i32
        %add3A_217 = arith.addi %mul3A_215, %add3A_216 : i32
        %get3A_218 = arith.index_cast %add3A_217 : i32 to index
        %get3A_219 = arith.constant 0 : index
        %get3A_220 = tpu.vector_load %arg10[%get3A_218, %get3A_219] {strides = array<i32>} : memref<128x64xf32, #tpu.memory_space<vmem>>, vector<16xf32>,
        %mul3A_221 = vector.broadcast %squeeze3A_213 : f32 to vector<16xf32>
        %mul3A_222 = arith.mulf %get3A_220, %mul3A_221 : vector<16xf32>
        %swap3A_223 = arith.index_cast %add3A_217 : i32 to index
        %swap3A_224 = arith.constant 0 : index
        %swap3A_225 = tpu.vector_load %arg10[%swap3A_223, %swap3A_224] {strides = array<i32>} : memref<128x64xf32, #tpu.memory_space<vmem>>, vector<16xf32>,
        tpu.vector_store %arg10[%swap3A_223, %swap3A_224], %mul3A_222 {strides = array<i32>} : memref<128x64xf32, #tpu.memory_space<vmem>>, vector<16xf32>,
        %get3A_226 = arith.index_cast %add3A_217 : i32 to index
        %get3A_227 = arith.constant 16 : index
        %get3A_228 = tpu.vector_load %arg10[%get3A_226, %get3A_227] {strides = array<i32>} : memref<128x64xf32, #tpu.memory_space<vmem>>, vector<16xf32>,
        %mul3A_229 = vector.broadcast %squeeze3A_213 : f32 to vector<16xf32>
        %mul3A_230 = arith.mulf %get3A_228, %mul3A_229 : vector<16xf32>
        %swap3A_231 = arith.index_cast %add3A_217 : i32 to index
        %swap3A_232 = arith.constant 16 : index
        %swap3A_233 = tpu.vector_load %arg10[%swap3A_231, %swap3A_232] {strides = array<i32>} : memref<128x64xf32, #tpu.memory_space<vmem>>, vector<16xf32>,
        tpu.vector_store %arg10[%swap3A_231, %swap3A_232], %mul3A_230 {strides = array<i32>} : memref<128x64xf32, #tpu.memory_space<vmem>>, vector<16xf32>,
        %get3A_234 = arith.index_cast %add3A_217 : i32 to index
        %get3A_235 = arith.constant 32 : index
        %get3A_236 = tpu.vector_load %arg10[%get3A_234, %get3A_235] {strides = array<i32>} : memref<128x64xf32, #tpu.memory_space<vmem>>, vector<16xf32>,
        %mul3A_237 = vector.broadcast %squeeze3A_213 : f32 to vector<16xf32>
        %mul3A_238 = arith.mulf %get3A_236, %mul3A_237 : vector<16xf32>
        %swap3A_239 = arith.index_cast %add3A_217 : i32 to index
        %swap3A_240 = arith.constant 32 : index
        %swap3A_241 = tpu.vector_load %arg10[%swap3A_239, %swap3A_240] {strides = array<i32>} : memref<128x64xf32, #tpu.memory_space<vmem>>, vector<16xf32>,
        tpu.vector_store %arg10[%swap3A_239, %swap3A_240], %mul3A_238 {strides = array<i32>} : memref<128x64xf32, #tpu.memory_space<vmem>>, vector<16xf32>,
        %get3A_242 = arith.index_cast %add3A_217 : i32 to index
        %get3A_243 = arith.constant 48 : index
        %get3A_244 = tpu.vector_load %arg10[%get3A_242, %get3A_243] {strides = array<i32>} : memref<128x64xf32, #tpu.memory_space<vmem>>, vector<16xf32>,
        %mul3A_245 = vector.broadcast %squeeze3A_213 : f32 to vector<16xf32>
        %mul3A_246 = arith.mulf %get3A_244, %mul3A_245 : vector<16xf32>
        %swap3A_247 = arith.index_cast %add3A_217 : i32 to index
        %swap3A_248 = arith.constant 48 : index
        %swap3A_249 = tpu.vector_load %arg10[%swap3A_247, %swap3A_248] {strides = array<i32>} : memref<128x64xf32, #tpu.memory_space<vmem>>, vector<16xf32>,
        tpu.vector_store %arg10[%swap3A_247, %swap3A_248], %mul3A_246 {strides = array<i32>} : memref<128x64xf32, #tpu.memory_space<vmem>>, vector<16xf32>,
        %slice3A_250 = vector.extract_strided_slice %get3A_62 {offsets = [5], sizes = [1], strides = [1]} : vector<16xf32> to vector<1xf32>
        %squeeze3A_251 = vector.extract %slice3A_250[0] : f32 from vector<1xf32>
        %mul3A_252 = arith.constant 16 : i32
        %mul3A_253 = arith.muli %add3A_59, %mul3A_252 : i32
        %add3A_254 = arith.constant 5 : i32
        %add3A_255 = arith.addi %mul3A_253, %add3A_254 : i32
        %get3A_256 = arith.index_cast %add3A_255 : i32 to index
        %get3A_257 = arith.constant 0 : index
        %get3A_258 = tpu.vector_load %arg10[%get3A_256, %get3A_257] {strides = array<i32>} : memref<128x64xf32, #tpu.memory_space<vmem>>, vector<16xf32>,
        %mul3A_259 = vector.broadcast %squeeze3A_251 : f32 to vector<16xf32>
        %mul3A_260 = arith.mulf %get3A_258, %mul3A_259 : vector<16xf32>
        %swap3A_261 = arith.index_cast %add3A_255 : i32 to index
        %swap3A_262 = arith.constant 0 : index
        %swap3A_263 = tpu.vector_load %arg10[%swap3A_261, %swap3A_262] {strides = array<i32>} : memref<128x64xf32, #tpu.memory_space<vmem>>, vector<16xf32>,
        tpu.vector_store %arg10[%swap3A_261, %swap3A_262], %mul3A_260 {strides = array<i32>} : memref<128x64xf32, #tpu.memory_space<vmem>>, vector<16xf32>,
        %get3A_264 = arith.index_cast %add3A_255 : i32 to index
        %get3A_265 = arith.constant 16 : index
        %get3A_266 = tpu.vector_load %arg10[%get3A_264, %get3A_265] {strides = array<i32>} : memref<128x64xf32, #tpu.memory_space<vmem>>, vector<16xf32>,
        %mul3A_267 = vector.broadcast %squeeze3A_251 : f32 to vector<16xf32>
        %mul3A_268 = arith.mulf %get3A_266, %mul3A_267 : vector<16xf32>
        %swap3A_269 = arith.index_cast %add3A_255 : i32 to index
        %swap3A_270 = arith.constant 16 : index
        %swap3A_271 = tpu.vector_load %arg10[%swap3A_269, %swap3A_270] {strides = array<i32>} : memref<128x64xf32, #tpu.memory_space<vmem>>, vector<16xf32>,
        tpu.vector_store %arg10[%swap3A_269, %swap3A_270], %mul3A_268 {strides = array<i32>} : memref<128x64xf32, #tpu.memory_space<vmem>>, vector<16xf32>,
        %get3A_272 = arith.index_cast %add3A_255 : i32 to index
        %get3A_273 = arith.constant 32 : index
        %get3A_274 = tpu.vector_load %arg10[%get3A_272, %get3A_273] {strides = array<i32>} : memref<128x64xf32, #tpu.memory_space<vmem>>, vector<16xf32>,
        %mul3A_275 = vector.broadcast %squeeze3A_251 : f32 to vector<16xf32>
        %mul3A_276 = arith.mulf %get3A_274, %mul3A_275 : vector<16xf32>
        %swap3A_277 = arith.index_cast %add3A_255 : i32 to index
        %swap3A_278 = arith.constant 32 : index
        %swap3A_279 = tpu.vector_load %arg10[%swap3A_277, %swap3A_278] {strides = array<i32>} : memref<128x64xf32, #tpu.memory_space<vmem>>, vector<16xf32>,
        tpu.vector_store %arg10[%swap3A_277, %swap3A_278], %mul3A_276 {strides = array<i32>} : memref<128x64xf32, #tpu.memory_space<vmem>>, vector<16xf32>,
        %get3A_280 = arith.index_cast %add3A_255 : i32 to index
        %get3A_281 = arith.constant 48 : index
        %get3A_282 = tpu.vector_load %arg10[%get3A_280, %get3A_281] {strides = array<i32>} : memref<128x64xf32, #tpu.memory_space<vmem>>, vector<16xf32>,
        %mul3A_283 = vector.broadcast %squeeze3A_251 : f32 to vector<16xf32>
        %mul3A_284 = arith.mulf %get3A_282, %mul3A_283 : vector<16xf32>
        %swap3A_285 = arith.index_cast %add3A_255 : i32 to index
        %swap3A_286 = arith.constant 48 : index
        %swap3A_287 = tpu.vector_load %arg10[%swap3A_285, %swap3A_286] {strides = array<i32>} : memref<128x64xf32, #tpu.memory_space<vmem>>, vector<16xf32>,
        tpu.vector_store %arg10[%swap3A_285, %swap3A_286], %mul3A_284 {strides = array<i32>} : memref<128x64xf32, #tpu.memory_space<vmem>>, vector<16xf32>,
        %slice3A_288 = vector.extract_strided_slice %get3A_62 {offsets = [6], sizes = [1], strides = [1]} : vector<16xf32> to vector<1xf32>
        %squeeze3A_289 = vector.extract %slice3A_288[0] : f32 from vector<1xf32>
        %mul3A_290 = arith.constant 16 : i32
        %mul3A_291 = arith.muli %add3A_59, %mul3A_290 : i32
        %add3A_292 = arith.constant 6 : i32
        %add3A_293 = arith.addi %mul3A_291, %add3A_292 : i32
        %get3A_294 = arith.index_cast %add3A_293 : i32 to index
        %get3A_295 = arith.constant 0 : index
        %get3A_296 = tpu.vector_load %arg10[%get3A_294, %get3A_295] {strides = array<i32>} : memref<128x64xf32, #tpu.memory_space<vmem>>, vector<16xf32>,
        %mul3A_297 = vector.broadcast %squeeze3A_289 : f32 to vector<16xf32>
        %mul3A_298 = arith.mulf %get3A_296, %mul3A_297 : vector<16xf32>
        %swap3A_299 = arith.index_cast %add3A_293 : i32 to index
        %swap3A_300 = arith.constant 0 : index
        %swap3A_301 = tpu.vector_load %arg10[%swap3A_299, %swap3A_300] {strides = array<i32>} : memref<128x64xf32, #tpu.memory_space<vmem>>, vector<16xf32>,
        tpu.vector_store %arg10[%swap3A_299, %swap3A_300], %mul3A_298 {strides = array<i32>} : memref<128x64xf32, #tpu.memory_space<vmem>>, vector<16xf32>,
        %get3A_302 = arith.index_cast %add3A_293 : i32 to index
        %get3A_303 = arith.constant 16 : index
        %get3A_304 = tpu.vector_load %arg10[%get3A_302, %get3A_303] {strides = array<i32>} : memref<128x64xf32, #tpu.memory_space<vmem>>, vector<16xf32>,
        %mul3A_305 = vector.broadcast %squeeze3A_289 : f32 to vector<16xf32>
        %mul3A_306 = arith.mulf %get3A_304, %mul3A_305 : vector<16xf32>
        %swap3A_307 = arith.index_cast %add3A_293 : i32 to index
        %swap3A_308 = arith.constant 16 : index
        %swap3A_309 = tpu.vector_load %arg10[%swap3A_307, %swap3A_308] {strides = array<i32>} : memref<128x64xf32, #tpu.memory_space<vmem>>, vector<16xf32>,
        tpu.vector_store %arg10[%swap3A_307, %swap3A_308], %mul3A_306 {strides = array<i32>} : memref<128x64xf32, #tpu.memory_space<vmem>>, vector<16xf32>,
        %get3A_310 = arith.index_cast %add3A_293 : i32 to index
        %get3A_311 = arith.constant 32 : index
        %get3A_312 = tpu.vector_load %arg10[%get3A_310, %get3A_311] {strides = array<i32>} : memref<128x64xf32, #tpu.memory_space<vmem>>, vector<16xf32>,
        %mul3A_313 = vector.broadcast %squeeze3A_289 : f32 to vector<16xf32>
        %mul3A_314 = arith.mulf %get3A_312, %mul3A_313 : vector<16xf32>
        %swap3A_315 = arith.index_cast %add3A_293 : i32 to index
        %swap3A_316 = arith.constant 32 : index
        %swap3A_317 = tpu.vector_load %arg10[%swap3A_315, %swap3A_316] {strides = array<i32>} : memref<128x64xf32, #tpu.memory_space<vmem>>, vector<16xf32>,
        tpu.vector_store %arg10[%swap3A_315, %swap3A_316], %mul3A_314 {strides = array<i32>} : memref<128x64xf32, #tpu.memory_space<vmem>>, vector<16xf32>,
        %get3A_318 = arith.index_cast %add3A_293 : i32 to index
        %get3A_319 = arith.constant 48 : index
        %get3A_320 = tpu.vector_load %arg10[%get3A_318, %get3A_319] {strides = array<i32>} : memref<128x64xf32, #tpu.memory_space<vmem>>, vector<16xf32>,
        %mul3A_321 = vector.broadcast %squeeze3A_289 : f32 to vector<16xf32>
        %mul3A_322 = arith.mulf %get3A_320, %mul3A_321 : vector<16xf32>
        %swap3A_323 = arith.index_cast %add3A_293 : i32 to index
        %swap3A_324 = arith.constant 48 : index
        %swap3A_325 = tpu.vector_load %arg10[%swap3A_323, %swap3A_324] {strides = array<i32>} : memref<128x64xf32, #tpu.memory_space<vmem>>, vector<16xf32>,
        tpu.vector_store %arg10[%swap3A_323, %swap3A_324], %mul3A_322 {strides = array<i32>} : memref<128x64xf32, #tpu.memory_space<vmem>>, vector<16xf32>,
        %slice3A_326 = vector.extract_strided_slice %get3A_62 {offsets = [7], sizes = [1], strides = [1]} : vector<16xf32> to vector<1xf32>
        %squeeze3A_327 = vector.extract %slice3A_326[0] : f32 from vector<1xf32>
        %mul3A_328 = arith.constant 16 : i32
        %mul3A_329 = arith.muli %add3A_59, %mul3A_328 : i32
        %add3A_330 = arith.constant 7 : i32
        %add3A_331 = arith.addi %mul3A_329, %add3A_330 : i32
        %get3A_332 = arith.index_cast %add3A_331 : i32 to index
        %get3A_333 = arith.constant 0 : index
        %get3A_334 = tpu.vector_load %arg10[%get3A_332, %get3A_333] {strides = array<i32>} : memref<128x64xf32, #tpu.memory_space<vmem>>, vector<16xf32>,
        %mul3A_335 = vector.broadcast %squeeze3A_327 : f32 to vector<16xf32>
        %mul3A_336 = arith.mulf %get3A_334, %mul3A_335 : vector<16xf32>
        %swap3A_337 = arith.index_cast %add3A_331 : i32 to index
        %swap3A_338 = arith.constant 0 : index
        %swap3A_339 = tpu.vector_load %arg10[%swap3A_337, %swap3A_338] {strides = array<i32>} : memref<128x64xf32, #tpu.memory_space<vmem>>, vector<16xf32>,
        tpu.vector_store %arg10[%swap3A_337, %swap3A_338], %mul3A_336 {strides = array<i32>} : memref<128x64xf32, #tpu.memory_space<vmem>>, vector<16xf32>,
        %get3A_340 = arith.index_cast %add3A_331 : i32 to index
        %get3A_341 = arith.constant 16 : index
        %get3A_342 = tpu.vector_load %arg10[%get3A_340, %get3A_341] {strides = array<i32>} : memref<128x64xf32, #tpu.memory_space<vmem>>, vector<16xf32>,
        %mul3A_343 = vector.broadcast %squeeze3A_327 : f32 to vector<16xf32>
        %mul3A_344 = arith.mulf %get3A_342, %mul3A_343 : vector<16xf32>
        %swap3A_345 = arith.index_cast %add3A_331 : i32 to index
        %swap3A_346 = arith.constant 16 : index
        %swap3A_347 = tpu.vector_load %arg10[%swap3A_345, %swap3A_346] {strides = array<i32>} : memref<128x64xf32, #tpu.memory_space<vmem>>, vector<16xf32>,
        tpu.vector_store %arg10[%swap3A_345, %swap3A_346], %mul3A_344 {strides = array<i32>} : memref<128x64xf32, #tpu.memory_space<vmem>>, vector<16xf32>,
        %get3A_348 = arith.index_cast %add3A_331 : i32 to index
        %get3A_349 = arith.constant 32 : index
        %get3A_350 = tpu.vector_load %arg10[%get3A_348, %get3A_349] {strides = array<i32>} : memref<128x64xf32, #tpu.memory_space<vmem>>, vector<16xf32>,
        %mul3A_351 = vector.broadcast %squeeze3A_327 : f32 to vector<16xf32>
        %mul3A_352 = arith.mulf %get3A_350, %mul3A_351 : vector<16xf32>
        %swap3A_353 = arith.index_cast %add3A_331 : i32 to index
        %swap3A_354 = arith.constant 32 : index
        %swap3A_355 = tpu.vector_load %arg10[%swap3A_353, %swap3A_354] {strides = array<i32>} : memref<128x64xf32, #tpu.memory_space<vmem>>, vector<16xf32>,
        tpu.vector_store %arg10[%swap3A_353, %swap3A_354], %mul3A_352 {strides = array<i32>} : memref<128x64xf32, #tpu.memory_space<vmem>>, vector<16xf32>,
        %get3A_356 = arith.index_cast %add3A_331 : i32 to index
        %get3A_357 = arith.constant 48 : index
        %get3A_358 = tpu.vector_load %arg10[%get3A_356, %get3A_357] {strides = array<i32>} : memref<128x64xf32, #tpu.memory_space<vmem>>, vector<16xf32>,
        %mul3A_359 = vector.broadcast %squeeze3A_327 : f32 to vector<16xf32>
        %mul3A_360 = arith.mulf %get3A_358, %mul3A_359 : vector<16xf32>
        %swap3A_361 = arith.index_cast %add3A_331 : i32 to index
        %swap3A_362 = arith.constant 48 : index
        %swap3A_363 = tpu.vector_load %arg10[%swap3A_361, %swap3A_362] {strides = array<i32>} : memref<128x64xf32, #tpu.memory_space<vmem>>, vector<16xf32>,
        tpu.vector_store %arg10[%swap3A_361, %swap3A_362], %mul3A_360 {strides = array<i32>} : memref<128x64xf32, #tpu.memory_space<vmem>>, vector<16xf32>,
        %slice3A_364 = vector.extract_strided_slice %get3A_62 {offsets = [8], sizes = [1], strides = [1]} : vector<16xf32> to vector<1xf32>
        %squeeze3A_365 = vector.extract %slice3A_364[0] : f32 from vector<1xf32>
        %mul3A_366 = arith.constant 16 : i32
        %mul3A_367 = arith.muli %add3A_59, %mul3A_366 : i32
        %add3A_368 = arith.constant 8 : i32
        %add3A_369 = arith.addi %mul3A_367, %add3A_368 : i32
        %get3A_370 = arith.index_cast %add3A_369 : i32 to index
        %get3A_371 = arith.constant 0 : index
        %get3A_372 = tpu.vector_load %arg10[%get3A_370, %get3A_371] {strides = array<i32>} : memref<128x64xf32, #tpu.memory_space<vmem>>, vector<16xf32>,
        %mul3A_373 = vector.broadcast %squeeze3A_365 : f32 to vector<16xf32>
        %mul3A_374 = arith.mulf %get3A_372, %mul3A_373 : vector<16xf32>
        %swap3A_375 = arith.index_cast %add3A_369 : i32 to index
        %swap3A_376 = arith.constant 0 : index
        %swap3A_377 = tpu.vector_load %arg10[%swap3A_375, %swap3A_376] {strides = array<i32>} : memref<128x64xf32, #tpu.memory_space<vmem>>, vector<16xf32>,
        tpu.vector_store %arg10[%swap3A_375, %swap3A_376], %mul3A_374 {strides = array<i32>} : memref<128x64xf32, #tpu.memory_space<vmem>>, vector<16xf32>,
        %get3A_378 = arith.index_cast %add3A_369 : i32 to index
        %get3A_379 = arith.constant 16 : index
        %get3A_380 = tpu.vector_load %arg10[%get3A_378, %get3A_379] {strides = array<i32>} : memref<128x64xf32, #tpu.memory_space<vmem>>, vector<16xf32>,
        %mul3A_381 = vector.broadcast %squeeze3A_365 : f32 to vector<16xf32>
        %mul3A_382 = arith.mulf %get3A_380, %mul3A_381 : vector<16xf32>
        %swap3A_383 = arith.index_cast %add3A_369 : i32 to index
        %swap3A_384 = arith.constant 16 : index
        %swap3A_385 = tpu.vector_load %arg10[%swap3A_383, %swap3A_384] {strides = array<i32>} : memref<128x64xf32, #tpu.memory_space<vmem>>, vector<16xf32>,
        tpu.vector_store %arg10[%swap3A_383, %swap3A_384], %mul3A_382 {strides = array<i32>} : memref<128x64xf32, #tpu.memory_space<vmem>>, vector<16xf32>,
        %get3A_386 = arith.index_cast %add3A_369 : i32 to index
        %get3A_387 = arith.constant 32 : index
        %get3A_388 = tpu.vector_load %arg10[%get3A_386, %get3A_387] {strides = array<i32>} : memref<128x64xf32, #tpu.memory_space<vmem>>, vector<16xf32>,
        %mul3A_389 = vector.broadcast %squeeze3A_365 : f32 to vector<16xf32>
        %mul3A_390 = arith.mulf %get3A_388, %mul3A_389 : vector<16xf32>
        %swap3A_391 = arith.index_cast %add3A_369 : i32 to index
        %swap3A_392 = arith.constant 32 : index
        %swap3A_393 = tpu.vector_load %arg10[%swap3A_391, %swap3A_392] {strides = array<i32>} : memref<128x64xf32, #tpu.memory_space<vmem>>, vector<16xf32>,
        tpu.vector_store %arg10[%swap3A_391, %swap3A_392], %mul3A_390 {strides = array<i32>} : memref<128x64xf32, #tpu.memory_space<vmem>>, vector<16xf32>,
        %get3A_394 = arith.index_cast %add3A_369 : i32 to index
        %get3A_395 = arith.constant 48 : index
        %get3A_396 = tpu.vector_load %arg10[%get3A_394, %get3A_395] {strides = array<i32>} : memref<128x64xf32, #tpu.memory_space<vmem>>, vector<16xf32>,
        %mul3A_397 = vector.broadcast %squeeze3A_365 : f32 to vector<16xf32>
        %mul3A_398 = arith.mulf %get3A_396, %mul3A_397 : vector<16xf32>
        %swap3A_399 = arith.index_cast %add3A_369 : i32 to index
        %swap3A_400 = arith.constant 48 : index
        %swap3A_401 = tpu.vector_load %arg10[%swap3A_399, %swap3A_400] {strides = array<i32>} : memref<128x64xf32, #tpu.memory_space<vmem>>, vector<16xf32>,
        tpu.vector_store %arg10[%swap3A_399, %swap3A_400], %mul3A_398 {strides = array<i32>} : memref<128x64xf32, #tpu.memory_space<vmem>>, vector<16xf32>,
        %slice3A_402 = vector.extract_strided_slice %get3A_62 {offsets = [9], sizes = [1], strides = [1]} : vector<16xf32> to vector<1xf32>
        %squeeze3A_403 = vector.extract %slice3A_402[0] : f32 from vector<1xf32>
        %mul3A_404 = arith.constant 16 : i32
        %mul3A_405 = arith.muli %add3A_59, %mul3A_404 : i32
        %add3A_406 = arith.constant 9 : i32
        %add3A_407 = arith.addi %mul3A_405, %add3A_406 : i32
        %get3A_408 = arith.index_cast %add3A_407 : i32 to index
        %get3A_409 = arith.constant 0 : index
        %get3A_410 = tpu.vector_load %arg10[%get3A_408, %get3A_409] {strides = array<i32>} : memref<128x64xf32, #tpu.memory_space<vmem>>, vector<16xf32>,
        %mul3A_411 = vector.broadcast %squeeze3A_403 : f32 to vector<16xf32>
        %mul3A_412 = arith.mulf %get3A_410, %mul3A_411 : vector<16xf32>
        %swap3A_413 = arith.index_cast %add3A_407 : i32 to index
        %swap3A_414 = arith.constant 0 : index
        %swap3A_415 = tpu.vector_load %arg10[%swap3A_413, %swap3A_414] {strides = array<i32>} : memref<128x64xf32, #tpu.memory_space<vmem>>, vector<16xf32>,
        tpu.vector_store %arg10[%swap3A_413, %swap3A_414], %mul3A_412 {strides = array<i32>} : memref<128x64xf32, #tpu.memory_space<vmem>>, vector<16xf32>,
        %get3A_416 = arith.index_cast %add3A_407 : i32 to index
        %get3A_417 = arith.constant 16 : index
        %get3A_418 = tpu.vector_load %arg10[%get3A_416, %get3A_417] {strides = array<i32>} : memref<128x64xf32, #tpu.memory_space<vmem>>, vector<16xf32>,
        %mul3A_419 = vector.broadcast %squeeze3A_403 : f32 to vector<16xf32>
        %mul3A_420 = arith.mulf %get3A_418, %mul3A_419 : vector<16xf32>
        %swap3A_421 = arith.index_cast %add3A_407 : i32 to index
        %swap3A_422 = arith.constant 16 : index
        %swap3A_423 = tpu.vector_load %arg10[%swap3A_421, %swap3A_422] {strides = array<i32>} : memref<128x64xf32, #tpu.memory_space<vmem>>, vector<16xf32>,
        tpu.vector_store %arg10[%swap3A_421, %swap3A_422], %mul3A_420 {strides = array<i32>} : memref<128x64xf32, #tpu.memory_space<vmem>>, vector<16xf32>,
        %get3A_424 = arith.index_cast %add3A_407 : i32 to index
        %get3A_425 = arith.constant 32 : index
        %get3A_426 = tpu.vector_load %arg10[%get3A_424, %get3A_425] {strides = array<i32>} : memref<128x64xf32, #tpu.memory_space<vmem>>, vector<16xf32>,
        %mul3A_427 = vector.broadcast %squeeze3A_403 : f32 to vector<16xf32>
        %mul3A_428 = arith.mulf %get3A_426, %mul3A_427 : vector<16xf32>
        %swap3A_429 = arith.index_cast %add3A_407 : i32 to index
        %swap3A_430 = arith.constant 32 : index
        %swap3A_431 = tpu.vector_load %arg10[%swap3A_429, %swap3A_430] {strides = array<i32>} : memref<128x64xf32, #tpu.memory_space<vmem>>, vector<16xf32>,
        tpu.vector_store %arg10[%swap3A_429, %swap3A_430], %mul3A_428 {strides = array<i32>} : memref<128x64xf32, #tpu.memory_space<vmem>>, vector<16xf32>,
        %get3A_432 = arith.index_cast %add3A_407 : i32 to index
        %get3A_433 = arith.constant 48 : index
        %get3A_434 = tpu.vector_load %arg10[%get3A_432, %get3A_433] {strides = array<i32>} : memref<128x64xf32, #tpu.memory_space<vmem>>, vector<16xf32>,
        %mul3A_435 = vector.broadcast %squeeze3A_403 : f32 to vector<16xf32>
        %mul3A_436 = arith.mulf %get3A_434, %mul3A_435 : vector<16xf32>
        %swap3A_437 = arith.index_cast %add3A_407 : i32 to index
        %swap3A_438 = arith.constant 48 : index
        %swap3A_439 = tpu.vector_load %arg10[%swap3A_437, %swap3A_438] {strides = array<i32>} : memref<128x64xf32, #tpu.memory_space<vmem>>, vector<16xf32>,
        tpu.vector_store %arg10[%swap3A_437, %swap3A_438], %mul3A_436 {strides = array<i32>} : memref<128x64xf32, #tpu.memory_space<vmem>>, vector<16xf32>,
        %slice3A_440 = vector.extract_strided_slice %get3A_62 {offsets = [10], sizes = [1], strides = [1]} : vector<16xf32> to vector<1xf32>
        %squeeze3A_441 = vector.extract %slice3A_440[0] : f32 from vector<1xf32>
        %mul3A_442 = arith.constant 16 : i32
        %mul3A_443 = arith.muli %add3A_59, %mul3A_442 : i32
        %add3A_444 = arith.constant 10 : i32
        %add3A_445 = arith.addi %mul3A_443, %add3A_444 : i32
        %get3A_446 = arith.index_cast %add3A_445 : i32 to index
        %get3A_447 = arith.constant 0 : index
        %get3A_448 = tpu.vector_load %arg10[%get3A_446, %get3A_447] {strides = array<i32>} : memref<128x64xf32, #tpu.memory_space<vmem>>, vector<16xf32>,
        %mul3A_449 = vector.broadcast %squeeze3A_441 : f32 to vector<16xf32>
        %mul3A_450 = arith.mulf %get3A_448, %mul3A_449 : vector<16xf32>
        %swap3A_451 = arith.index_cast %add3A_445 : i32 to index
        %swap3A_452 = arith.constant 0 : index
        %swap3A_453 = tpu.vector_load %arg10[%swap3A_451, %swap3A_452] {strides = array<i32>} : memref<128x64xf32, #tpu.memory_space<vmem>>, vector<16xf32>,
        tpu.vector_store %arg10[%swap3A_451, %swap3A_452], %mul3A_450 {strides = array<i32>} : memref<128x64xf32, #tpu.memory_space<vmem>>, vector<16xf32>,
        %get3A_454 = arith.index_cast %add3A_445 : i32 to index
        %get3A_455 = arith.constant 16 : index
        %get3A_456 = tpu.vector_load %arg10[%get3A_454, %get3A_455] {strides = array<i32>} : memref<128x64xf32, #tpu.memory_space<vmem>>, vector<16xf32>,
        %mul3A_457 = vector.broadcast %squeeze3A_441 : f32 to vector<16xf32>
        %mul3A_458 = arith.mulf %get3A_456, %mul3A_457 : vector<16xf32>
        %swap3A_459 = arith.index_cast %add3A_445 : i32 to index
        %swap3A_460 = arith.constant 16 : index
        %swap3A_461 = tpu.vector_load %arg10[%swap3A_459, %swap3A_460] {strides = array<i32>} : memref<128x64xf32, #tpu.memory_space<vmem>>, vector<16xf32>,
        tpu.vector_store %arg10[%swap3A_459, %swap3A_460], %mul3A_458 {strides = array<i32>} : memref<128x64xf32, #tpu.memory_space<vmem>>, vector<16xf32>,
        %get3A_462 = arith.index_cast %add3A_445 : i32 to index
        %get3A_463 = arith.constant 32 : index
        %get3A_464 = tpu.vector_load %arg10[%get3A_462, %get3A_463] {strides = array<i32>} : memref<128x64xf32, #tpu.memory_space<vmem>>, vector<16xf32>,
        %mul3A_465 = vector.broadcast %squeeze3A_441 : f32 to vector<16xf32>
        %mul3A_466 = arith.mulf %get3A_464, %mul3A_465 : vector<16xf32>
        %swap3A_467 = arith.index_cast %add3A_445 : i32 to index
        %swap3A_468 = arith.constant 32 : index
        %swap3A_469 = tpu.vector_load %arg10[%swap3A_467, %swap3A_468] {strides = array<i32>} : memref<128x64xf32, #tpu.memory_space<vmem>>, vector<16xf32>,
        tpu.vector_store %arg10[%swap3A_467, %swap3A_468], %mul3A_466 {strides = array<i32>} : memref<128x64xf32, #tpu.memory_space<vmem>>, vector<16xf32>,
        %get3A_470 = arith.index_cast %add3A_445 : i32 to index
        %get3A_471 = arith.constant 48 : index
        %get3A_472 = tpu.vector_load %arg10[%get3A_470, %get3A_471] {strides = array<i32>} : memref<128x64xf32, #tpu.memory_space<vmem>>, vector<16xf32>,
        %mul3A_473 = vector.broadcast %squeeze3A_441 : f32 to vector<16xf32>
        %mul3A_474 = arith.mulf %get3A_472, %mul3A_473 : vector<16xf32>
        %swap3A_475 = arith.index_cast %add3A_445 : i32 to index
        %swap3A_476 = arith.constant 48 : index
        %swap3A_477 = tpu.vector_load %arg10[%swap3A_475, %swap3A_476] {strides = array<i32>} : memref<128x64xf32, #tpu.memory_space<vmem>>, vector<16xf32>,
        tpu.vector_store %arg10[%swap3A_475, %swap3A_476], %mul3A_474 {strides = array<i32>} : memref<128x64xf32, #tpu.memory_space<vmem>>, vector<16xf32>,
        %slice3A_478 = vector.extract_strided_slice %get3A_62 {offsets = [11], sizes = [1], strides = [1]} : vector<16xf32> to vector<1xf32>
        %squeeze3A_479 = vector.extract %slice3A_478[0] : f32 from vector<1xf32>
        %mul3A_480 = arith.constant 16 : i32
        %mul3A_481 = arith.muli %add3A_59, %mul3A_480 : i32
        %add3A_482 = arith.constant 11 : i32
        %add3A_483 = arith.addi %mul3A_481, %add3A_482 : i32
        %get3A_484 = arith.index_cast %add3A_483 : i32 to index
        %get3A_485 = arith.constant 0 : index
        %get3A_486 = tpu.vector_load %arg10[%get3A_484, %get3A_485] {strides = array<i32>} : memref<128x64xf32, #tpu.memory_space<vmem>>, vector<16xf32>,
        %mul3A_487 = vector.broadcast %squeeze3A_479 : f32 to vector<16xf32>
        %mul3A_488 = arith.mulf %get3A_486, %mul3A_487 : vector<16xf32>
        %swap3A_489 = arith.index_cast %add3A_483 : i32 to index
        %swap3A_490 = arith.constant 0 : index
        %swap3A_491 = tpu.vector_load %arg10[%swap3A_489, %swap3A_490] {strides = array<i32>} : memref<128x64xf32, #tpu.memory_space<vmem>>, vector<16xf32>,
        tpu.vector_store %arg10[%swap3A_489, %swap3A_490], %mul3A_488 {strides = array<i32>} : memref<128x64xf32, #tpu.memory_space<vmem>>, vector<16xf32>,
        %get3A_492 = arith.index_cast %add3A_483 : i32 to index
        %get3A_493 = arith.constant 16 : index
        %get3A_494 = tpu.vector_load %arg10[%get3A_492, %get3A_493] {strides = array<i32>} : memref<128x64xf32, #tpu.memory_space<vmem>>, vector<16xf32>,
        %mul3A_495 = vector.broadcast %squeeze3A_479 : f32 to vector<16xf32>
        %mul3A_496 = arith.mulf %get3A_494, %mul3A_495 : vector<16xf32>
        %swap3A_497 = arith.index_cast %add3A_483 : i32 to index
        %swap3A_498 = arith.constant 16 : index
        %swap3A_499 = tpu.vector_load %arg10[%swap3A_497, %swap3A_498] {strides = array<i32>} : memref<128x64xf32, #tpu.memory_space<vmem>>, vector<16xf32>,
        tpu.vector_store %arg10[%swap3A_497, %swap3A_498], %mul3A_496 {strides = array<i32>} : memref<128x64xf32, #tpu.memory_space<vmem>>, vector<16xf32>,
        %get3A_500 = arith.index_cast %add3A_483 : i32 to index
        %get3A_501 = arith.constant 32 : index
        %get3A_502 = tpu.vector_load %arg10[%get3A_500, %get3A_501] {strides = array<i32>} : memref<128x64xf32, #tpu.memory_space<vmem>>, vector<16xf32>,
        %mul3A_503 = vector.broadcast %squeeze3A_479 : f32 to vector<16xf32>
        %mul3A_504 = arith.mulf %get3A_502, %mul3A_503 : vector<16xf32>
        %swap3A_505 = arith.index_cast %add3A_483 : i32 to index
        %swap3A_506 = arith.constant 32 : index
        %swap3A_507 = tpu.vector_load %arg10[%swap3A_505, %swap3A_506] {strides = array<i32>} : memref<128x64xf32, #tpu.memory_space<vmem>>, vector<16xf32>,
        tpu.vector_store %arg10[%swap3A_505, %swap3A_506], %mul3A_504 {strides = array<i32>} : memref<128x64xf32, #tpu.memory_space<vmem>>, vector<16xf32>,
        %get3A_508 = arith.index_cast %add3A_483 : i32 to index
        %get3A_509 = arith.constant 48 : index
        %get3A_510 = tpu.vector_load %arg10[%get3A_508, %get3A_509] {strides = array<i32>} : memref<128x64xf32, #tpu.memory_space<vmem>>, vector<16xf32>,
        %mul3A_511 = vector.broadcast %squeeze3A_479 : f32 to vector<16xf32>
        %mul3A_512 = arith.mulf %get3A_510, %mul3A_511 : vector<16xf32>
        %swap3A_513 = arith.index_cast %add3A_483 : i32 to index
        %swap3A_514 = arith.constant 48 : index
        %swap3A_515 = tpu.vector_load %arg10[%swap3A_513, %swap3A_514] {strides = array<i32>} : memref<128x64xf32, #tpu.memory_space<vmem>>, vector<16xf32>,
        tpu.vector_store %arg10[%swap3A_513, %swap3A_514], %mul3A_512 {strides = array<i32>} : memref<128x64xf32, #tpu.memory_space<vmem>>, vector<16xf32>,
        %slice3A_516 = vector.extract_strided_slice %get3A_62 {offsets = [12], sizes = [1], strides = [1]} : vector<16xf32> to vector<1xf32>
        %squeeze3A_517 = vector.extract %slice3A_516[0] : f32 from vector<1xf32>
        %mul3A_518 = arith.constant 16 : i32
        %mul3A_519 = arith.muli %add3A_59, %mul3A_518 : i32
        %add3A_520 = arith.constant 12 : i32
        %add3A_521 = arith.addi %mul3A_519, %add3A_520 : i32
        %get3A_522 = arith.index_cast %add3A_521 : i32 to index
        %get3A_523 = arith.constant 0 : index
        %get3A_524 = tpu.vector_load %arg10[%get3A_522, %get3A_523] {strides = array<i32>} : memref<128x64xf32, #tpu.memory_space<vmem>>, vector<16xf32>,
        %mul3A_525 = vector.broadcast %squeeze3A_517 : f32 to vector<16xf32>
        %mul3A_526 = arith.mulf %get3A_524, %mul3A_525 : vector<16xf32>
        %swap3A_527 = arith.index_cast %add3A_521 : i32 to index
        %swap3A_528 = arith.constant 0 : index
        %swap3A_529 = tpu.vector_load %arg10[%swap3A_527, %swap3A_528] {strides = array<i32>} : memref<128x64xf32, #tpu.memory_space<vmem>>, vector<16xf32>,
        tpu.vector_store %arg10[%swap3A_527, %swap3A_528], %mul3A_526 {strides = array<i32>} : memref<128x64xf32, #tpu.memory_space<vmem>>, vector<16xf32>,
        %get3A_530 = arith.index_cast %add3A_521 : i32 to index
        %get3A_531 = arith.constant 16 : index
        %get3A_532 = tpu.vector_load %arg10[%get3A_530, %get3A_531] {strides = array<i32>} : memref<128x64xf32, #tpu.memory_space<vmem>>, vector<16xf32>,
        %mul3A_533 = vector.broadcast %squeeze3A_517 : f32 to vector<16xf32>
        %mul3A_534 = arith.mulf %get3A_532, %mul3A_533 : vector<16xf32>
        %swap3A_535 = arith.index_cast %add3A_521 : i32 to index
        %swap3A_536 = arith.constant 16 : index
        %swap3A_537 = tpu.vector_load %arg10[%swap3A_535, %swap3A_536] {strides = array<i32>} : memref<128x64xf32, #tpu.memory_space<vmem>>, vector<16xf32>,
        tpu.vector_store %arg10[%swap3A_535, %swap3A_536], %mul3A_534 {strides = array<i32>} : memref<128x64xf32, #tpu.memory_space<vmem>>, vector<16xf32>,
        %get3A_538 = arith.index_cast %add3A_521 : i32 to index
        %get3A_539 = arith.constant 32 : index
        %get3A_540 = tpu.vector_load %arg10[%get3A_538, %get3A_539] {strides = array<i32>} : memref<128x64xf32, #tpu.memory_space<vmem>>, vector<16xf32>,
        %mul3A_541 = vector.broadcast %squeeze3A_517 : f32 to vector<16xf32>
        %mul3A_542 = arith.mulf %get3A_540, %mul3A_541 : vector<16xf32>
        %swap3A_543 = arith.index_cast %add3A_521 : i32 to index
        %swap3A_544 = arith.constant 32 : index
        %swap3A_545 = tpu.vector_load %arg10[%swap3A_543, %swap3A_544] {strides = array<i32>} : memref<128x64xf32, #tpu.memory_space<vmem>>, vector<16xf32>,
        tpu.vector_store %arg10[%swap3A_543, %swap3A_544], %mul3A_542 {strides = array<i32>} : memref<128x64xf32, #tpu.memory_space<vmem>>, vector<16xf32>,
        %get3A_546 = arith.index_cast %add3A_521 : i32 to index
        %get3A_547 = arith.constant 48 : index
        %get3A_548 = tpu.vector_load %arg10[%get3A_546, %get3A_547] {strides = array<i32>} : memref<128x64xf32, #tpu.memory_space<vmem>>, vector<16xf32>,
        %mul3A_549 = vector.broadcast %squeeze3A_517 : f32 to vector<16xf32>
        %mul3A_550 = arith.mulf %get3A_548, %mul3A_549 : vector<16xf32>
        %swap3A_551 = arith.index_cast %add3A_521 : i32 to index
        %swap3A_552 = arith.constant 48 : index
        %swap3A_553 = tpu.vector_load %arg10[%swap3A_551, %swap3A_552] {strides = array<i32>} : memref<128x64xf32, #tpu.memory_space<vmem>>, vector<16xf32>,
        tpu.vector_store %arg10[%swap3A_551, %swap3A_552], %mul3A_550 {strides = array<i32>} : memref<128x64xf32, #tpu.memory_space<vmem>>, vector<16xf32>,
        %slice3A_554 = vector.extract_strided_slice %get3A_62 {offsets = [13], sizes = [1], strides = [1]} : vector<16xf32> to vector<1xf32>
        %squeeze3A_555 = vector.extract %slice3A_554[0] : f32 from vector<1xf32>
        %mul3A_556 = arith.constant 16 : i32
        %mul3A_557 = arith.muli %add3A_59, %mul3A_556 : i32
        %add3A_558 = arith.constant 13 : i32
        %add3A_559 = arith.addi %mul3A_557, %add3A_558 : i32
        %get3A_560 = arith.index_cast %add3A_559 : i32 to index
        %get3A_561 = arith.constant 0 : index
        %get3A_562 = tpu.vector_load %arg10[%get3A_560, %get3A_561] {strides = array<i32>} : memref<128x64xf32, #tpu.memory_space<vmem>>, vector<16xf32>,
        %mul3A_563 = vector.broadcast %squeeze3A_555 : f32 to vector<16xf32>
        %mul3A_564 = arith.mulf %get3A_562, %mul3A_563 : vector<16xf32>
        %swap3A_565 = arith.index_cast %add3A_559 : i32 to index
        %swap3A_566 = arith.constant 0 : index
        %swap3A_567 = tpu.vector_load %arg10[%swap3A_565, %swap3A_566] {strides = array<i32>} : memref<128x64xf32, #tpu.memory_space<vmem>>, vector<16xf32>,
        tpu.vector_store %arg10[%swap3A_565, %swap3A_566], %mul3A_564 {strides = array<i32>} : memref<128x64xf32, #tpu.memory_space<vmem>>, vector<16xf32>,
        %get3A_568 = arith.index_cast %add3A_559 : i32 to index
        %get3A_569 = arith.constant 16 : index
        %get3A_570 = tpu.vector_load %arg10[%get3A_568, %get3A_569] {strides = array<i32>} : memref<128x64xf32, #tpu.memory_space<vmem>>, vector<16xf32>,
        %mul3A_571 = vector.broadcast %squeeze3A_555 : f32 to vector<16xf32>
        %mul3A_572 = arith.mulf %get3A_570, %mul3A_571 : vector<16xf32>
        %swap3A_573 = arith.index_cast %add3A_559 : i32 to index
        %swap3A_574 = arith.constant 16 : index
        %swap3A_575 = tpu.vector_load %arg10[%swap3A_573, %swap3A_574] {strides = array<i32>} : memref<128x64xf32, #tpu.memory_space<vmem>>, vector<16xf32>,
        tpu.vector_store %arg10[%swap3A_573, %swap3A_574], %mul3A_572 {strides = array<i32>} : memref<128x64xf32, #tpu.memory_space<vmem>>, vector<16xf32>,
        %get3A_576 = arith.index_cast %add3A_559 : i32 to index
        %get3A_577 = arith.constant 32 : index
        %get3A_578 = tpu.vector_load %arg10[%get3A_576, %get3A_577] {strides = array<i32>} : memref<128x64xf32, #tpu.memory_space<vmem>>, vector<16xf32>,
        %mul3A_579 = vector.broadcast %squeeze3A_555 : f32 to vector<16xf32>
        %mul3A_580 = arith.mulf %get3A_578, %mul3A_579 : vector<16xf32>
        %swap3A_581 = arith.index_cast %add3A_559 : i32 to index
        %swap3A_582 = arith.constant 32 : index
        %swap3A_583 = tpu.vector_load %arg10[%swap3A_581, %swap3A_582] {strides = array<i32>} : memref<128x64xf32, #tpu.memory_space<vmem>>, vector<16xf32>,
        tpu.vector_store %arg10[%swap3A_581, %swap3A_582], %mul3A_580 {strides = array<i32>} : memref<128x64xf32, #tpu.memory_space<vmem>>, vector<16xf32>,
        %get3A_584 = arith.index_cast %add3A_559 : i32 to index
        %get3A_585 = arith.constant 48 : index
        %get3A_586 = tpu.vector_load %arg10[%get3A_584, %get3A_585] {strides = array<i32>} : memref<128x64xf32, #tpu.memory_space<vmem>>, vector<16xf32>,
        %mul3A_587 = vector.broadcast %squeeze3A_555 : f32 to vector<16xf32>
        %mul3A_588 = arith.mulf %get3A_586, %mul3A_587 : vector<16xf32>
        %swap3A_589 = arith.index_cast %add3A_559 : i32 to index
        %swap3A_590 = arith.constant 48 : index
        %swap3A_591 = tpu.vector_load %arg10[%swap3A_589, %swap3A_590] {strides = array<i32>} : memref<128x64xf32, #tpu.memory_space<vmem>>, vector<16xf32>,
        tpu.vector_store %arg10[%swap3A_589, %swap3A_590], %mul3A_588 {strides = array<i32>} : memref<128x64xf32, #tpu.memory_space<vmem>>, vector<16xf32>,
        %slice3A_592 = vector.extract_strided_slice %get3A_62 {offsets = [14], sizes = [1], strides = [1]} : vector<16xf32> to vector<1xf32>
        %squeeze3A_593 = vector.extract %slice3A_592[0] : f32 from vector<1xf32>
        %mul3A_594 = arith.constant 16 : i32
        %mul3A_595 = arith.muli %add3A_59, %mul3A_594 : i32
        %add3A_596 = arith.constant 14 : i32
        %add3A_597 = arith.addi %mul3A_595, %add3A_596 : i32
        %get3A_598 = arith.index_cast %add3A_597 : i32 to index
        %get3A_599 = arith.constant 0 : index
        %get3A_600 = tpu.vector_load %arg10[%get3A_598, %get3A_599] {strides = array<i32>} : memref<128x64xf32, #tpu.memory_space<vmem>>, vector<16xf32>,
        %mul3A_601 = vector.broadcast %squeeze3A_593 : f32 to vector<16xf32>
        %mul3A_602 = arith.mulf %get3A_600, %mul3A_601 : vector<16xf32>
        %swap3A_603 = arith.index_cast %add3A_597 : i32 to index
        %swap3A_604 = arith.constant 0 : index
        %swap3A_605 = tpu.vector_load %arg10[%swap3A_603, %swap3A_604] {strides = array<i32>} : memref<128x64xf32, #tpu.memory_space<vmem>>, vector<16xf32>,
        tpu.vector_store %arg10[%swap3A_603, %swap3A_604], %mul3A_602 {strides = array<i32>} : memref<128x64xf32, #tpu.memory_space<vmem>>, vector<16xf32>,
        %get3A_606 = arith.index_cast %add3A_597 : i32 to index
        %get3A_607 = arith.constant 16 : index
        %get3A_608 = tpu.vector_load %arg10[%get3A_606, %get3A_607] {strides = array<i32>} : memref<128x64xf32, #tpu.memory_space<vmem>>, vector<16xf32>,
        %mul3A_609 = vector.broadcast %squeeze3A_593 : f32 to vector<16xf32>
        %mul3A_610 = arith.mulf %get3A_608, %mul3A_609 : vector<16xf32>
        %swap3A_611 = arith.index_cast %add3A_597 : i32 to index
        %swap3A_612 = arith.constant 16 : index
        %swap3A_613 = tpu.vector_load %arg10[%swap3A_611, %swap3A_612] {strides = array<i32>} : memref<128x64xf32, #tpu.memory_space<vmem>>, vector<16xf32>,
        tpu.vector_store %arg10[%swap3A_611, %swap3A_612], %mul3A_610 {strides = array<i32>} : memref<128x64xf32, #tpu.memory_space<vmem>>, vector<16xf32>,
        %get3A_614 = arith.index_cast %add3A_597 : i32 to index
        %get3A_615 = arith.constant 32 : index
        %get3A_616 = tpu.vector_load %arg10[%get3A_614, %get3A_615] {strides = array<i32>} : memref<128x64xf32, #tpu.memory_space<vmem>>, vector<16xf32>,
        %mul3A_617 = vector.broadcast %squeeze3A_593 : f32 to vector<16xf32>
        %mul3A_618 = arith.mulf %get3A_616, %mul3A_617 : vector<16xf32>
        %swap3A_619 = arith.index_cast %add3A_597 : i32 to index
        %swap3A_620 = arith.constant 32 : index
        %swap3A_621 = tpu.vector_load %arg10[%swap3A_619, %swap3A_620] {strides = array<i32>} : memref<128x64xf32, #tpu.memory_space<vmem>>, vector<16xf32>,
        tpu.vector_store %arg10[%swap3A_619, %swap3A_620], %mul3A_618 {strides = array<i32>} : memref<128x64xf32, #tpu.memory_space<vmem>>, vector<16xf32>,
        %get3A_622 = arith.index_cast %add3A_597 : i32 to index
        %get3A_623 = arith.constant 48 : index
        %get3A_624 = tpu.vector_load %arg10[%get3A_622, %get3A_623] {strides = array<i32>} : memref<128x64xf32, #tpu.memory_space<vmem>>, vector<16xf32>,
        %mul3A_625 = vector.broadcast %squeeze3A_593 : f32 to vector<16xf32>
        %mul3A_626 = arith.mulf %get3A_624, %mul3A_625 : vector<16xf32>
        %swap3A_627 = arith.index_cast %add3A_597 : i32 to index
        %swap3A_628 = arith.constant 48 : index
        %swap3A_629 = tpu.vector_load %arg10[%swap3A_627, %swap3A_628] {strides = array<i32>} : memref<128x64xf32, #tpu.memory_space<vmem>>, vector<16xf32>,
        tpu.vector_store %arg10[%swap3A_627, %swap3A_628], %mul3A_626 {strides = array<i32>} : memref<128x64xf32, #tpu.memory_space<vmem>>, vector<16xf32>,
        %slice3A_630 = vector.extract_strided_slice %get3A_62 {offsets = [15], sizes = [1], strides = [1]} : vector<16xf32> to vector<1xf32>
        %squeeze3A_631 = vector.extract %slice3A_630[0] : f32 from vector<1xf32>
        %mul3A_632 = arith.constant 16 : i32
        %mul3A_633 = arith.muli %add3A_59, %mul3A_632 : i32
        %add3A_634 = arith.constant 15 : i32
        %add3A_635 = arith.addi %mul3A_633, %add3A_634 : i32
        %get3A_636 = arith.index_cast %add3A_635 : i32 to index
        %get3A_637 = arith.constant 0 : index
        %get3A_638 = tpu.vector_load %arg10[%get3A_636, %get3A_637] {strides = array<i32>} : memref<128x64xf32, #tpu.memory_space<vmem>>, vector<16xf32>,
        %mul3A_639 = vector.broadcast %squeeze3A_631 : f32 to vector<16xf32>
        %mul3A_640 = arith.mulf %get3A_638, %mul3A_639 : vector<16xf32>
        %swap3A_641 = arith.index_cast %add3A_635 : i32 to index
        %swap3A_642 = arith.constant 0 : index
        %swap3A_643 = tpu.vector_load %arg10[%swap3A_641, %swap3A_642] {strides = array<i32>} : memref<128x64xf32, #tpu.memory_space<vmem>>, vector<16xf32>,
        tpu.vector_store %arg10[%swap3A_641, %swap3A_642], %mul3A_640 {strides = array<i32>} : memref<128x64xf32, #tpu.memory_space<vmem>>, vector<16xf32>,
        %get3A_644 = arith.index_cast %add3A_635 : i32 to index
        %get3A_645 = arith.constant 16 : index
        %get3A_646 = tpu.vector_load %arg10[%get3A_644, %get3A_645] {strides = array<i32>} : memref<128x64xf32, #tpu.memory_space<vmem>>, vector<16xf32>,
        %mul3A_647 = vector.broadcast %squeeze3A_631 : f32 to vector<16xf32>
        %mul3A_648 = arith.mulf %get3A_646, %mul3A_647 : vector<16xf32>
        %swap3A_649 = arith.index_cast %add3A_635 : i32 to index
        %swap3A_650 = arith.constant 16 : index
        %swap3A_651 = tpu.vector_load %arg10[%swap3A_649, %swap3A_650] {strides = array<i32>} : memref<128x64xf32, #tpu.memory_space<vmem>>, vector<16xf32>,
        tpu.vector_store %arg10[%swap3A_649, %swap3A_650], %mul3A_648 {strides = array<i32>} : memref<128x64xf32, #tpu.memory_space<vmem>>, vector<16xf32>,
        %get3A_652 = arith.index_cast %add3A_635 : i32 to index
        %get3A_653 = arith.constant 32 : index
        %get3A_654 = tpu.vector_load %arg10[%get3A_652, %get3A_653] {strides = array<i32>} : memref<128x64xf32, #tpu.memory_space<vmem>>, vector<16xf32>,
        %mul3A_655 = vector.broadcast %squeeze3A_631 : f32 to vector<16xf32>
        %mul3A_656 = arith.mulf %get3A_654, %mul3A_655 : vector<16xf32>
        %swap3A_657 = arith.index_cast %add3A_635 : i32 to index
        %swap3A_658 = arith.constant 32 : index
        %swap3A_659 = tpu.vector_load %arg10[%swap3A_657, %swap3A_658] {strides = array<i32>} : memref<128x64xf32, #tpu.memory_space<vmem>>, vector<16xf32>,
        tpu.vector_store %arg10[%swap3A_657, %swap3A_658], %mul3A_656 {strides = array<i32>} : memref<128x64xf32, #tpu.memory_space<vmem>>, vector<16xf32>,
        %get3A_660 = arith.index_cast %add3A_635 : i32 to index
        %get3A_661 = arith.constant 48 : index
        %get3A_662 = tpu.vector_load %arg10[%get3A_660, %get3A_661] {strides = array<i32>} : memref<128x64xf32, #tpu.memory_space<vmem>>, vector<16xf32>,
        %mul3A_663 = vector.broadcast %squeeze3A_631 : f32 to vector<16xf32>
        %mul3A_664 = arith.mulf %get3A_662, %mul3A_663 : vector<16xf32>
        %swap3A_665 = arith.index_cast %add3A_635 : i32 to index
        %swap3A_666 = arith.constant 48 : index
        %swap3A_667 = tpu.vector_load %arg10[%swap3A_665, %swap3A_666] {strides = array<i32>} : memref<128x64xf32, #tpu.memory_space<vmem>>, vector<16xf32>,
        tpu.vector_store %arg10[%swap3A_665, %swap3A_666], %mul3A_664 {strides = array<i32>} : memref<128x64xf32, #tpu.memory_space<vmem>>, vector<16xf32>,
      }
      %scan3A_54 = arith.constant 8 : i32
      "tpu.region"() ({
        %run_scoped3A = tpu.sem_alloc : memref<!tpu.dma_semaphore, #tpu.memory_space<semaphore_mem>>
        %dma_start3A_55 = arith.constant 0 : i32
        %dma_start3A_56 = arith.constant 0 : i32
        %dma_start3A_57 = tpu.memref_slice %arg12[%dma_start3A_55, %dma_start3A_56] : memref<10240x64xf32, #tpu.memory_space<vmem_shared>> -> memref<10240x64xf32, #tpu.memory_space<vmem_shared>>
        tpu.enqueue_indirect_dma source(%arg10 : memref<128x64xf32, #tpu.memory_space<vmem>>) target(%dma_start3A_57 : memref<10240x64xf32, #tpu.memory_space<vmem_shared>>) offsets(%arg8 : memref<128xi32, #tpu.memory_space<vmem>>) semaphore(%run_scoped3A : memref<!tpu.dma_semaphore, #tpu.memory_space<semaphore_mem>>) {add = true}
        %dma_wait3A_58 = arith.constant 0 : i32
        %dma_wait3A_59 = arith.constant 0 : i32
        %dma_wait3A_60 = tpu.memref_slice %arg12[%dma_wait3A_58, %dma_wait3A_59] : memref<10240x64xf32, #tpu.memory_space<vmem_shared>> -> memref<10240x64xf32, #tpu.memory_space<vmem_shared>>
        tpu.wait_indirect_dma semaphore(%run_scoped3A : memref<!tpu.dma_semaphore, #tpu.memory_space<semaphore_mem>>) src(%arg10 : memref<128x64xf32, #tpu.memory_space<vmem>>) dst(%dma_wait3A_60 : memref<10240x64xf32, #tpu.memory_space<vmem_shared>>)
        tpu.yield
      }) : () -> ()
    }
    %scan3A_32 = arith.constant 40 : i32
    %barrier3A_33 = arith.constant 0 : index
    tpu.barrier barrier_id(%barrier3A_33)
    %mul3A_34 = arith.constant 640 : i32
    %mul3A_35 = arith.muli %arg1, %mul3A_34 : i32
    %mul3A_36 = arith.constant 640 : i32
    %mul3A_37 = arith.muli %arg1, %mul3A_36 : i32
    "tpu.region"() ({
      %run_scoped3A = tpu.sem_alloc : memref<!tpu.dma_semaphore, #tpu.memory_space<semaphore_mem>>
      %dma_start3A = arith.constant 0 : i32
      %dma_start3A_38 = tpu.memref_slice %arg6[%arg0, %mul3A_37, %dma_start3A] : memref<2x10240x64xf32, #tpu.memory_space<hbm>> -> memref<1x640x64xf32, #tpu.memory_space<hbm>>
      %dma_start3A_39 = tpu.memref_squeeze %dma_start3A_38 : memref<1x640x64xf32, #tpu.memory_space<hbm>> -> memref<640x64xf32, #tpu.memory_space<hbm>>
      %dma_start3A_40 = arith.constant 0 : i32
      %dma_start3A_41 = tpu.memref_slice %arg12[%mul3A_35, %dma_start3A_40] : memref<10240x64xf32, #tpu.memory_space<vmem_shared>> -> memref<640x64xf32, #tpu.memory_space<vmem_shared>>
      tpu.enqueue_dma source(%dma_start3A_41 : memref<640x64xf32, #tpu.memory_space<vmem_shared>>) target(%dma_start3A_39 : memref<640x64xf32, #tpu.memory_space<hbm>>) target_semaphore(%run_scoped3A : memref<!tpu.dma_semaphore, #tpu.memory_space<semaphore_mem>>)
      %dma_wait3A = arith.constant 0 : i32
      %dma_wait3A_42 = tpu.memref_slice %arg6[%arg0, %mul3A_37, %dma_wait3A] : memref<2x10240x64xf32, #tpu.memory_space<hbm>> -> memref<1x640x64xf32, #tpu.memory_space<hbm>>
      %dma_wait3A_43 = tpu.memref_squeeze %dma_wait3A_42 : memref<1x640x64xf32, #tpu.memory_space<hbm>> -> memref<640x64xf32, #tpu.memory_space<hbm>>
      %dma_wait3A_44 = arith.constant 0 : i32
      %dma_wait3A_45 = tpu.memref_slice %arg12[%mul3A_35, %dma_wait3A_44] : memref<10240x64xf32, #tpu.memory_space<vmem_shared>> -> memref<640x64xf32, #tpu.memory_space<vmem_shared>>
      tpu.wait_dma2 semaphore(%run_scoped3A : memref<!tpu.dma_semaphore, #tpu.memory_space<semaphore_mem>>) src(%dma_wait3A_45 : memref<640x64xf32, #tpu.memory_space<vmem_shared>>) dst(%dma_wait3A_43 : memref<640x64xf32, #tpu.memory_space<hbm>>)
      tpu.yield
    }) : () -> ()
    return
  }
}

#map = affine_map<(d0, d1) -> (0)>
#map1 = affine_map<(d0, d1) -> (0, 0)>
module attributes {stable_mosaic.version = 14 : i64} {
  func.func @_deg_body(%arg0: i32, %arg1: i32, %arg2: memref<163840xi32, #tpu.memory_space<hbm>>, %arg3: memref<163840xi32, #tpu.memory_space<hbm>>, %arg4: memref<2x10240xf32, #tpu.memory_space<hbm>>, %arg5: memref<2x10240xf32, #tpu.memory_space<hbm>>, %arg6: memref<5120xi32, #tpu.memory_space<vmem>>, %arg7: memref<5120xi32, #tpu.memory_space<vmem>>, %arg8: memref<10240xf32, #tpu.memory_space<vmem>>, %arg9: memref<10240xf32, #tpu.memory_space<vmem>>, %arg10: memref<16x640xf32, #tpu.memory_space<vmem>>, %arg11: memref<640xf32, #tpu.memory_space<vmem>>, %arg12: memref<16x10240xf32, #tpu.memory_space<vmem_shared>>, %arg13: memref<16x10240xf32, #tpu.memory_space<vmem_shared>>) attributes {dimension_semantics = [#tpu.dimension_semantics<core_parallel>, #tpu.dimension_semantics<subcore_parallel>], iteration_bounds = array<i64: 2, 16>, scalar_prefetch = 0 : i64, scratch_operands = 8 : i64, tpu.core_type = #tpu.core_type<sc_vector_subcore>, window_params = [{transform_indices = #map}, {transform_indices = #map}, {transform_indices = #map1}, {transform_indices = #map1}]} {
    %mul3A = arith.constant 16 : i32
    %mul3A_0 = arith.muli %arg0, %mul3A : i32
    %add3A = arith.addi %mul3A_0, %arg1 : i32
    %mul3A_1 = arith.constant 5120 : i32
    %mul3A_2 = arith.muli %add3A, %mul3A_1 : i32
    "tpu.region"() ({
      %run_scoped3A_154 = tpu.sem_alloc : memref<!tpu.dma_semaphore, #tpu.memory_space<semaphore_mem>>
      %dma_start3A = tpu.memref_slice %arg2[%mul3A_2] : memref<163840xi32, #tpu.memory_space<hbm>> -> memref<5120xi32, #tpu.memory_space<hbm>>
      %dma_start3A_155 = tpu.memref_slice %arg2[%mul3A_2] : memref<163840xi32, #tpu.memory_space<hbm>> -> memref<5120xi32, #tpu.memory_space<hbm>>
      tpu.enqueue_dma source(%dma_start3A_155 : memref<5120xi32, #tpu.memory_space<hbm>>) target(%arg6 : memref<5120xi32, #tpu.memory_space<vmem>>) target_semaphore(%run_scoped3A_154 : memref<!tpu.dma_semaphore, #tpu.memory_space<semaphore_mem>>)
      %dma_wait3A = tpu.memref_slice %arg2[%mul3A_2] : memref<163840xi32, #tpu.memory_space<hbm>> -> memref<5120xi32, #tpu.memory_space<hbm>>
      %dma_wait3A_156 = tpu.memref_slice %arg2[%mul3A_2] : memref<163840xi32, #tpu.memory_space<hbm>> -> memref<5120xi32, #tpu.memory_space<hbm>>
      tpu.wait_dma2 semaphore(%run_scoped3A_154 : memref<!tpu.dma_semaphore, #tpu.memory_space<semaphore_mem>>) src(%dma_wait3A_156 : memref<5120xi32, #tpu.memory_space<hbm>>) dst(%arg6 : memref<5120xi32, #tpu.memory_space<vmem>>)
      tpu.yield
    }) : () -> ()
    "tpu.region"() ({
      %run_scoped3A_154 = tpu.sem_alloc : memref<!tpu.dma_semaphore, #tpu.memory_space<semaphore_mem>>
      %dma_start3A = tpu.memref_slice %arg3[%mul3A_2] : memref<163840xi32, #tpu.memory_space<hbm>> -> memref<5120xi32, #tpu.memory_space<hbm>>
      %dma_start3A_155 = tpu.memref_slice %arg3[%mul3A_2] : memref<163840xi32, #tpu.memory_space<hbm>> -> memref<5120xi32, #tpu.memory_space<hbm>>
      tpu.enqueue_dma source(%dma_start3A_155 : memref<5120xi32, #tpu.memory_space<hbm>>) target(%arg7 : memref<5120xi32, #tpu.memory_space<vmem>>) target_semaphore(%run_scoped3A_154 : memref<!tpu.dma_semaphore, #tpu.memory_space<semaphore_mem>>)
      %dma_wait3A = tpu.memref_slice %arg3[%mul3A_2] : memref<163840xi32, #tpu.memory_space<hbm>> -> memref<5120xi32, #tpu.memory_space<hbm>>
      %dma_wait3A_156 = tpu.memref_slice %arg3[%mul3A_2] : memref<163840xi32, #tpu.memory_space<hbm>> -> memref<5120xi32, #tpu.memory_space<hbm>>
      tpu.wait_dma2 semaphore(%run_scoped3A_154 : memref<!tpu.dma_semaphore, #tpu.memory_space<semaphore_mem>>) src(%dma_wait3A_156 : memref<5120xi32, #tpu.memory_space<hbm>>) dst(%arg7 : memref<5120xi32, #tpu.memory_space<vmem>>)
      tpu.yield
    }) : () -> ()
    %broadcast_in_dim3A = arith.constant 0.000000e+00 : f32
    %broadcast_in_dim3A_3 = vector.broadcast %broadcast_in_dim3A : f32 to vector<16xf32>
    %scan3A = arith.constant 0 : i32
    %scan3A_4 = arith.constant 640 : i32
    %scan3A_5 = arith.addi %scan3A, %scan3A_4 : i32
    %scan3A_6 = arith.constant 1 : i32
    scf.for %scan3A_154 = %scan3A to %scan3A_5 step %scan3A_6  : i32 {
      %mul3A_155 = arith.constant 1 : i32
      %mul3A_156 = arith.muli %scan3A_154, %mul3A_155 : i32
      %add3A_157 = arith.constant 0 : i32
      %add3A_158 = arith.addi %add3A_157, %mul3A_156 : i32
      %mul3A_159 = arith.constant 16 : i32
      %mul3A_160 = arith.muli %add3A_158, %mul3A_159 : i32
      %swap3A = arith.index_cast %mul3A_160 : i32 to index
      %swap3A_161 = tpu.vector_load %arg8[%swap3A] {strides = array<i32>} : memref<10240xf32, #tpu.memory_space<vmem>>, vector<16xf32>,
      tpu.vector_store %arg8[%swap3A], %broadcast_in_dim3A_3 {strides = array<i32>} : memref<10240xf32, #tpu.memory_space<vmem>>, vector<16xf32>,
      %mul3A_162 = arith.constant 16 : i32
      %mul3A_163 = arith.muli %add3A_158, %mul3A_162 : i32
      %swap3A_164 = arith.index_cast %mul3A_163 : i32 to index
      %swap3A_165 = tpu.vector_load %arg9[%swap3A_164] {strides = array<i32>} : memref<10240xf32, #tpu.memory_space<vmem>>, vector<16xf32>,
      tpu.vector_store %arg9[%swap3A_164], %broadcast_in_dim3A_3 {strides = array<i32>} : memref<10240xf32, #tpu.memory_space<vmem>>, vector<16xf32>,
    }
    %scan3A_7 = arith.constant 640 : i32
    %iota3A = tpu.iota {dimensions = array<i32: 0>} : vector<16xi32>
    %scan3A_8 = arith.constant 0 : i32
    %scan3A_9 = arith.constant 320 : i32
    %scan3A_10 = arith.addi %scan3A_8, %scan3A_9 : i32
    %scan3A_11 = arith.constant 1 : i32
    scf.for %scan3A_154 = %scan3A_8 to %scan3A_10 step %scan3A_11  : i32 {
      %mul3A_155 = arith.constant 1 : i32
      %mul3A_156 = arith.muli %scan3A_154, %mul3A_155 : i32
      %add3A_157 = arith.constant 0 : i32
      %add3A_158 = arith.addi %add3A_157, %mul3A_156 : i32
      %mul3A_159 = arith.constant 16 : i32
      %mul3A_160 = arith.muli %add3A_158, %mul3A_159 : i32
      %add3A_161 = arith.addi %mul3A_2, %mul3A_160 : i32
      %add3A_162 = vector.broadcast %add3A_161 : i32 to vector<16xi32>
      %add3A_163 = arith.addi %add3A_162, %iota3A : vector<16xi32>
      %lt3A = arith.constant 160000 : i32
      %lt3A_164 = vector.broadcast %lt3A : i32 to vector<16xi32>
      %lt3A_165 = arith.cmpi slt, %add3A_163, %lt3A_164 : vector<16xi32>
      %jit3A = arith.constant 1.000000e+00 : f32
      %jit3A_166 = arith.constant 0.000000e+00 : f32
      %broadcast_in_dim3A_167 = vector.broadcast %jit3A : f32 to vector<16xf32>
      %broadcast_in_dim3A_168 = vector.broadcast %jit3A_166 : f32 to vector<16xf32>
      %select_n3A = arith.select %lt3A_165, %broadcast_in_dim3A_167, %broadcast_in_dim3A_168 : vector<16xi1>, vector<16xf32>
      %mul3A_169 = arith.constant 16 : i32
      %mul3A_170 = arith.muli %add3A_158, %mul3A_169 : i32
      %get3A = arith.index_cast %mul3A_170 : i32 to index
      %get3A_171 = tpu.vector_load %arg6[%get3A] {strides = array<i32>} : memref<5120xi32, #tpu.memory_space<vmem>>, vector<16xi32>,
      %mul3A_172 = arith.constant 16 : i32
      %mul3A_173 = arith.muli %add3A_158, %mul3A_172 : i32
      %get3A_174 = arith.index_cast %mul3A_173 : i32 to index
      %get3A_175 = tpu.vector_load %arg7[%get3A_174] {strides = array<i32>} : memref<5120xi32, #tpu.memory_space<vmem>>, vector<16xi32>,
      tpu.vector_store_idx %arg8[%get3A_171], %select_n3A {add = true} : memref<10240xf32, #tpu.memory_space<vmem>>[vector<16xi32>], vector<16xf32>,
      tpu.vector_store_idx %arg9[%get3A_175], %select_n3A {add = true} : memref<10240xf32, #tpu.memory_space<vmem>>[vector<16xi32>], vector<16xf32>,
    }
    %scan3A_12 = arith.constant 320 : i32
    "tpu.region"() ({
      %run_scoped3A_154 = tpu.sem_alloc : memref<!tpu.dma_semaphore, #tpu.memory_space<semaphore_mem>>
      %dma_start3A = arith.constant 0 : i32
      %dma_start3A_155 = tpu.memref_slice %arg12[%arg1, %dma_start3A] : memref<16x10240xf32, #tpu.memory_space<vmem_shared>> -> memref<1x10240xf32, #tpu.memory_space<vmem_shared>>
      %dma_start3A_156 = tpu.memref_squeeze %dma_start3A_155 : memref<1x10240xf32, #tpu.memory_space<vmem_shared>> -> memref<10240xf32, #tpu.memory_space<vmem_shared>>
      %dma_start3A_157 = arith.constant 0 : i32
      %dma_start3A_158 = tpu.memref_slice %arg12[%arg1, %dma_start3A_157] : memref<16x10240xf32, #tpu.memory_space<vmem_shared>> -> memref<1x10240xf32, #tpu.memory_space<vmem_shared>>
      %dma_start3A_159 = tpu.memref_squeeze %dma_start3A_158 : memref<1x10240xf32, #tpu.memory_space<vmem_shared>> -> memref<10240xf32, #tpu.memory_space<vmem_shared>>
      tpu.enqueue_dma source(%arg8 : memref<10240xf32, #tpu.memory_space<vmem>>) target(%dma_start3A_159 : memref<10240xf32, #tpu.memory_space<vmem_shared>>) target_semaphore(%run_scoped3A_154 : memref<!tpu.dma_semaphore, #tpu.memory_space<semaphore_mem>>)
      %dma_wait3A = arith.constant 0 : i32
      %dma_wait3A_160 = tpu.memref_slice %arg12[%arg1, %dma_wait3A] : memref<16x10240xf32, #tpu.memory_space<vmem_shared>> -> memref<1x10240xf32, #tpu.memory_space<vmem_shared>>
      %dma_wait3A_161 = tpu.memref_squeeze %dma_wait3A_160 : memref<1x10240xf32, #tpu.memory_space<vmem_shared>> -> memref<10240xf32, #tpu.memory_space<vmem_shared>>
      %dma_wait3A_162 = arith.constant 0 : i32
      %dma_wait3A_163 = tpu.memref_slice %arg12[%arg1, %dma_wait3A_162] : memref<16x10240xf32, #tpu.memory_space<vmem_shared>> -> memref<1x10240xf32, #tpu.memory_space<vmem_shared>>
      %dma_wait3A_164 = tpu.memref_squeeze %dma_wait3A_163 : memref<1x10240xf32, #tpu.memory_space<vmem_shared>> -> memref<10240xf32, #tpu.memory_space<vmem_shared>>
      tpu.wait_dma2 semaphore(%run_scoped3A_154 : memref<!tpu.dma_semaphore, #tpu.memory_space<semaphore_mem>>) src(%arg8 : memref<10240xf32, #tpu.memory_space<vmem>>) dst(%dma_wait3A_164 : memref<10240xf32, #tpu.memory_space<vmem_shared>>)
      tpu.yield
    }) : () -> ()
    "tpu.region"() ({
      %run_scoped3A_154 = tpu.sem_alloc : memref<!tpu.dma_semaphore, #tpu.memory_space<semaphore_mem>>
      %dma_start3A = arith.constant 0 : i32
      %dma_start3A_155 = tpu.memref_slice %arg13[%arg1, %dma_start3A] : memref<16x10240xf32, #tpu.memory_space<vmem_shared>> -> memref<1x10240xf32, #tpu.memory_space<vmem_shared>>
      %dma_start3A_156 = tpu.memref_squeeze %dma_start3A_155 : memref<1x10240xf32, #tpu.memory_space<vmem_shared>> -> memref<10240xf32, #tpu.memory_space<vmem_shared>>
      %dma_start3A_157 = arith.constant 0 : i32
      %dma_start3A_158 = tpu.memref_slice %arg13[%arg1, %dma_start3A_157] : memref<16x10240xf32, #tpu.memory_space<vmem_shared>> -> memref<1x10240xf32, #tpu.memory_space<vmem_shared>>
      %dma_start3A_159 = tpu.memref_squeeze %dma_start3A_158 : memref<1x10240xf32, #tpu.memory_space<vmem_shared>> -> memref<10240xf32, #tpu.memory_space<vmem_shared>>
      tpu.enqueue_dma source(%arg9 : memref<10240xf32, #tpu.memory_space<vmem>>) target(%dma_start3A_159 : memref<10240xf32, #tpu.memory_space<vmem_shared>>) target_semaphore(%run_scoped3A_154 : memref<!tpu.dma_semaphore, #tpu.memory_space<semaphore_mem>>)
      %dma_wait3A = arith.constant 0 : i32
      %dma_wait3A_160 = tpu.memref_slice %arg13[%arg1, %dma_wait3A] : memref<16x10240xf32, #tpu.memory_space<vmem_shared>> -> memref<1x10240xf32, #tpu.memory_space<vmem_shared>>
      %dma_wait3A_161 = tpu.memref_squeeze %dma_wait3A_160 : memref<1x10240xf32, #tpu.memory_space<vmem_shared>> -> memref<10240xf32, #tpu.memory_space<vmem_shared>>
      %dma_wait3A_162 = arith.constant 0 : i32
      %dma_wait3A_163 = tpu.memref_slice %arg13[%arg1, %dma_wait3A_162] : memref<16x10240xf32, #tpu.memory_space<vmem_shared>> -> memref<1x10240xf32, #tpu.memory_space<vmem_shared>>
      %dma_wait3A_164 = tpu.memref_squeeze %dma_wait3A_163 : memref<1x10240xf32, #tpu.memory_space<vmem_shared>> -> memref<10240xf32, #tpu.memory_space<vmem_shared>>
      tpu.wait_dma2 semaphore(%run_scoped3A_154 : memref<!tpu.dma_semaphore, #tpu.memory_space<semaphore_mem>>) src(%arg9 : memref<10240xf32, #tpu.memory_space<vmem>>) dst(%dma_wait3A_164 : memref<10240xf32, #tpu.memory_space<vmem_shared>>)
      tpu.yield
    }) : () -> ()
    %barrier3A = arith.constant 0 : index
    tpu.barrier barrier_id(%barrier3A)
    %mul3A_13 = arith.constant 640 : i32
    %mul3A_14 = arith.muli %arg1, %mul3A_13 : i32
    %run_scoped3A = arith.constant 0 : i32
    %run_scoped3A_15 = arith.constant 0 : i32
    "tpu.region"() ({
      %run_scoped3A_154 = tpu.sem_alloc : memref<!tpu.dma_semaphore, #tpu.memory_space<semaphore_mem>>
      %dma_start3A = arith.constant 0 : i32
      %dma_start3A_155 = tpu.memref_slice %arg10[%run_scoped3A_15, %dma_start3A] : memref<16x640xf32, #tpu.memory_space<vmem>> -> memref<1x640xf32, #tpu.memory_space<vmem>>
      %dma_start3A_156 = tpu.memref_squeeze %dma_start3A_155 : memref<1x640xf32, #tpu.memory_space<vmem>> -> memref<640xf32, #tpu.memory_space<vmem>>
      %dma_start3A_157 = tpu.memref_slice %arg12[%run_scoped3A, %mul3A_14] : memref<16x10240xf32, #tpu.memory_space<vmem_shared>> -> memref<1x640xf32, #tpu.memory_space<vmem_shared>>
      %dma_start3A_158 = tpu.memref_squeeze %dma_start3A_157 : memref<1x640xf32, #tpu.memory_space<vmem_shared>> -> memref<640xf32, #tpu.memory_space<vmem_shared>>
      %dma_start3A_159 = arith.constant 0 : i32
      %dma_start3A_160 = tpu.memref_slice %arg10[%run_scoped3A_15, %dma_start3A_159] : memref<16x640xf32, #tpu.memory_space<vmem>> -> memref<1x640xf32, #tpu.memory_space<vmem>>
      %dma_start3A_161 = tpu.memref_squeeze %dma_start3A_160 : memref<1x640xf32, #tpu.memory_space<vmem>> -> memref<640xf32, #tpu.memory_space<vmem>>
      %dma_start3A_162 = tpu.memref_slice %arg12[%run_scoped3A, %mul3A_14] : memref<16x10240xf32, #tpu.memory_space<vmem_shared>> -> memref<1x640xf32, #tpu.memory_space<vmem_shared>>
      %dma_start3A_163 = tpu.memref_squeeze %dma_start3A_162 : memref<1x640xf32, #tpu.memory_space<vmem_shared>> -> memref<640xf32, #tpu.memory_space<vmem_shared>>
      tpu.enqueue_dma source(%dma_start3A_163 : memref<640xf32, #tpu.memory_space<vmem_shared>>) target(%dma_start3A_161 : memref<640xf32, #tpu.memory_space<vmem>>) target_semaphore(%run_scoped3A_154 : memref<!tpu.dma_semaphore, #tpu.memory_space<semaphore_mem>>)
      %dma_wait3A = arith.constant 0 : i32
      %dma_wait3A_164 = tpu.memref_slice %arg10[%run_scoped3A_15, %dma_wait3A] : memref<16x640xf32, #tpu.memory_space<vmem>> -> memref<1x640xf32, #tpu.memory_space<vmem>>
      %dma_wait3A_165 = tpu.memref_squeeze %dma_wait3A_164 : memref<1x640xf32, #tpu.memory_space<vmem>> -> memref<640xf32, #tpu.memory_space<vmem>>
      %dma_wait3A_166 = tpu.memref_slice %arg12[%run_scoped3A, %mul3A_14] : memref<16x10240xf32, #tpu.memory_space<vmem_shared>> -> memref<1x640xf32, #tpu.memory_space<vmem_shared>>
      %dma_wait3A_167 = tpu.memref_squeeze %dma_wait3A_166 : memref<1x640xf32, #tpu.memory_space<vmem_shared>> -> memref<640xf32, #tpu.memory_space<vmem_shared>>
      %dma_wait3A_168 = arith.constant 0 : i32
      %dma_wait3A_169 = tpu.memref_slice %arg10[%run_scoped3A_15, %dma_wait3A_168] : memref<16x640xf32, #tpu.memory_space<vmem>> -> memref<1x640xf32, #tpu.memory_space<vmem>>
      %dma_wait3A_170 = tpu.memref_squeeze %dma_wait3A_169 : memref<1x640xf32, #tpu.memory_space<vmem>> -> memref<640xf32, #tpu.memory_space<vmem>>
      %dma_wait3A_171 = tpu.memref_slice %arg12[%run_scoped3A, %mul3A_14] : memref<16x10240xf32, #tpu.memory_space<vmem_shared>> -> memref<1x640xf32, #tpu.memory_space<vmem_shared>>
      %dma_wait3A_172 = tpu.memref_squeeze %dma_wait3A_171 : memref<1x640xf32, #tpu.memory_space<vmem_shared>> -> memref<640xf32, #tpu.memory_space<vmem_shared>>
      tpu.wait_dma2 semaphore(%run_scoped3A_154 : memref<!tpu.dma_semaphore, #tpu.memory_space<semaphore_mem>>) src(%dma_wait3A_172 : memref<640xf32, #tpu.memory_space<vmem_shared>>) dst(%dma_wait3A_170 : memref<640xf32, #tpu.memory_space<vmem>>)
      tpu.yield
    }) : () -> ()
    %mul3A_16 = arith.constant 640 : i32
    %mul3A_17 = arith.muli %arg1, %mul3A_16 : i32
    %run_scoped3A_18 = arith.constant 1 : i32
    %run_scoped3A_19 = arith.constant 1 : i32
    "tpu.region"() ({
      %run_scoped3A_154 = tpu.sem_alloc : memref<!tpu.dma_semaphore, #tpu.memory_space<semaphore_mem>>
      %dma_start3A = arith.constant 0 : i32
      %dma_start3A_155 = tpu.memref_slice %arg10[%run_scoped3A_19, %dma_start3A] : memref<16x640xf32, #tpu.memory_space<vmem>> -> memref<1x640xf32, #tpu.memory_space<vmem>>
      %dma_start3A_156 = tpu.memref_squeeze %dma_start3A_155 : memref<1x640xf32, #tpu.memory_space<vmem>> -> memref<640xf32, #tpu.memory_space<vmem>>
      %dma_start3A_157 = tpu.memref_slice %arg12[%run_scoped3A_18, %mul3A_17] : memref<16x10240xf32, #tpu.memory_space<vmem_shared>> -> memref<1x640xf32, #tpu.memory_space<vmem_shared>>
      %dma_start3A_158 = tpu.memref_squeeze %dma_start3A_157 : memref<1x640xf32, #tpu.memory_space<vmem_shared>> -> memref<640xf32, #tpu.memory_space<vmem_shared>>
      %dma_start3A_159 = arith.constant 0 : i32
      %dma_start3A_160 = tpu.memref_slice %arg10[%run_scoped3A_19, %dma_start3A_159] : memref<16x640xf32, #tpu.memory_space<vmem>> -> memref<1x640xf32, #tpu.memory_space<vmem>>
      %dma_start3A_161 = tpu.memref_squeeze %dma_start3A_160 : memref<1x640xf32, #tpu.memory_space<vmem>> -> memref<640xf32, #tpu.memory_space<vmem>>
      %dma_start3A_162 = tpu.memref_slice %arg12[%run_scoped3A_18, %mul3A_17] : memref<16x10240xf32, #tpu.memory_space<vmem_shared>> -> memref<1x640xf32, #tpu.memory_space<vmem_shared>>
      %dma_start3A_163 = tpu.memref_squeeze %dma_start3A_162 : memref<1x640xf32, #tpu.memory_space<vmem_shared>> -> memref<640xf32, #tpu.memory_space<vmem_shared>>
      tpu.enqueue_dma source(%dma_start3A_163 : memref<640xf32, #tpu.memory_space<vmem_shared>>) target(%dma_start3A_161 : memref<640xf32, #tpu.memory_space<vmem>>) target_semaphore(%run_scoped3A_154 : memref<!tpu.dma_semaphore, #tpu.memory_space<semaphore_mem>>)
      %dma_wait3A = arith.constant 0 : i32
      %dma_wait3A_164 = tpu.memref_slice %arg10[%run_scoped3A_19, %dma_wait3A] : memref<16x640xf32, #tpu.memory_space<vmem>> -> memref<1x640xf32, #tpu.memory_space<vmem>>
      %dma_wait3A_165 = tpu.memref_squeeze %dma_wait3A_164 : memref<1x640xf32, #tpu.memory_space<vmem>> -> memref<640xf32, #tpu.memory_space<vmem>>
      %dma_wait3A_166 = tpu.memref_slice %arg12[%run_scoped3A_18, %mul3A_17] : memref<16x10240xf32, #tpu.memory_space<vmem_shared>> -> memref<1x640xf32, #tpu.memory_space<vmem_shared>>
      %dma_wait3A_167 = tpu.memref_squeeze %dma_wait3A_166 : memref<1x640xf32, #tpu.memory_space<vmem_shared>> -> memref<640xf32, #tpu.memory_space<vmem_shared>>
      %dma_wait3A_168 = arith.constant 0 : i32
      %dma_wait3A_169 = tpu.memref_slice %arg10[%run_scoped3A_19, %dma_wait3A_168] : memref<16x640xf32, #tpu.memory_space<vmem>> -> memref<1x640xf32, #tpu.memory_space<vmem>>
      %dma_wait3A_170 = tpu.memref_squeeze %dma_wait3A_169 : memref<1x640xf32, #tpu.memory_space<vmem>> -> memref<640xf32, #tpu.memory_space<vmem>>
      %dma_wait3A_171 = tpu.memref_slice %arg12[%run_scoped3A_18, %mul3A_17] : memref<16x10240xf32, #tpu.memory_space<vmem_shared>> -> memref<1x640xf32, #tpu.memory_space<vmem_shared>>
      %dma_wait3A_172 = tpu.memref_squeeze %dma_wait3A_171 : memref<1x640xf32, #tpu.memory_space<vmem_shared>> -> memref<640xf32, #tpu.memory_space<vmem_shared>>
      tpu.wait_dma2 semaphore(%run_scoped3A_154 : memref<!tpu.dma_semaphore, #tpu.memory_space<semaphore_mem>>) src(%dma_wait3A_172 : memref<640xf32, #tpu.memory_space<vmem_shared>>) dst(%dma_wait3A_170 : memref<640xf32, #tpu.memory_space<vmem>>)
      tpu.yield
    }) : () -> ()
    %mul3A_20 = arith.constant 640 : i32
    %mul3A_21 = arith.muli %arg1, %mul3A_20 : i32
    %run_scoped3A_22 = arith.constant 2 : i32
    %run_scoped3A_23 = arith.constant 2 : i32
    "tpu.region"() ({
      %run_scoped3A_154 = tpu.sem_alloc : memref<!tpu.dma_semaphore, #tpu.memory_space<semaphore_mem>>
      %dma_start3A = arith.constant 0 : i32
      %dma_start3A_155 = tpu.memref_slice %arg10[%run_scoped3A_23, %dma_start3A] : memref<16x640xf32, #tpu.memory_space<vmem>> -> memref<1x640xf32, #tpu.memory_space<vmem>>
      %dma_start3A_156 = tpu.memref_squeeze %dma_start3A_155 : memref<1x640xf32, #tpu.memory_space<vmem>> -> memref<640xf32, #tpu.memory_space<vmem>>
      %dma_start3A_157 = tpu.memref_slice %arg12[%run_scoped3A_22, %mul3A_21] : memref<16x10240xf32, #tpu.memory_space<vmem_shared>> -> memref<1x640xf32, #tpu.memory_space<vmem_shared>>
      %dma_start3A_158 = tpu.memref_squeeze %dma_start3A_157 : memref<1x640xf32, #tpu.memory_space<vmem_shared>> -> memref<640xf32, #tpu.memory_space<vmem_shared>>
      %dma_start3A_159 = arith.constant 0 : i32
      %dma_start3A_160 = tpu.memref_slice %arg10[%run_scoped3A_23, %dma_start3A_159] : memref<16x640xf32, #tpu.memory_space<vmem>> -> memref<1x640xf32, #tpu.memory_space<vmem>>
      %dma_start3A_161 = tpu.memref_squeeze %dma_start3A_160 : memref<1x640xf32, #tpu.memory_space<vmem>> -> memref<640xf32, #tpu.memory_space<vmem>>
      %dma_start3A_162 = tpu.memref_slice %arg12[%run_scoped3A_22, %mul3A_21] : memref<16x10240xf32, #tpu.memory_space<vmem_shared>> -> memref<1x640xf32, #tpu.memory_space<vmem_shared>>
      %dma_start3A_163 = tpu.memref_squeeze %dma_start3A_162 : memref<1x640xf32, #tpu.memory_space<vmem_shared>> -> memref<640xf32, #tpu.memory_space<vmem_shared>>
      tpu.enqueue_dma source(%dma_start3A_163 : memref<640xf32, #tpu.memory_space<vmem_shared>>) target(%dma_start3A_161 : memref<640xf32, #tpu.memory_space<vmem>>) target_semaphore(%run_scoped3A_154 : memref<!tpu.dma_semaphore, #tpu.memory_space<semaphore_mem>>)
      %dma_wait3A = arith.constant 0 : i32
      %dma_wait3A_164 = tpu.memref_slice %arg10[%run_scoped3A_23, %dma_wait3A] : memref<16x640xf32, #tpu.memory_space<vmem>> -> memref<1x640xf32, #tpu.memory_space<vmem>>
      %dma_wait3A_165 = tpu.memref_squeeze %dma_wait3A_164 : memref<1x640xf32, #tpu.memory_space<vmem>> -> memref<640xf32, #tpu.memory_space<vmem>>
      %dma_wait3A_166 = tpu.memref_slice %arg12[%run_scoped3A_22, %mul3A_21] : memref<16x10240xf32, #tpu.memory_space<vmem_shared>> -> memref<1x640xf32, #tpu.memory_space<vmem_shared>>
      %dma_wait3A_167 = tpu.memref_squeeze %dma_wait3A_166 : memref<1x640xf32, #tpu.memory_space<vmem_shared>> -> memref<640xf32, #tpu.memory_space<vmem_shared>>
      %dma_wait3A_168 = arith.constant 0 : i32
      %dma_wait3A_169 = tpu.memref_slice %arg10[%run_scoped3A_23, %dma_wait3A_168] : memref<16x640xf32, #tpu.memory_space<vmem>> -> memref<1x640xf32, #tpu.memory_space<vmem>>
      %dma_wait3A_170 = tpu.memref_squeeze %dma_wait3A_169 : memref<1x640xf32, #tpu.memory_space<vmem>> -> memref<640xf32, #tpu.memory_space<vmem>>
      %dma_wait3A_171 = tpu.memref_slice %arg12[%run_scoped3A_22, %mul3A_21] : memref<16x10240xf32, #tpu.memory_space<vmem_shared>> -> memref<1x640xf32, #tpu.memory_space<vmem_shared>>
      %dma_wait3A_172 = tpu.memref_squeeze %dma_wait3A_171 : memref<1x640xf32, #tpu.memory_space<vmem_shared>> -> memref<640xf32, #tpu.memory_space<vmem_shared>>
      tpu.wait_dma2 semaphore(%run_scoped3A_154 : memref<!tpu.dma_semaphore, #tpu.memory_space<semaphore_mem>>) src(%dma_wait3A_172 : memref<640xf32, #tpu.memory_space<vmem_shared>>) dst(%dma_wait3A_170 : memref<640xf32, #tpu.memory_space<vmem>>)
      tpu.yield
    }) : () -> ()
    %mul3A_24 = arith.constant 640 : i32
    %mul3A_25 = arith.muli %arg1, %mul3A_24 : i32
    %run_scoped3A_26 = arith.constant 3 : i32
    %run_scoped3A_27 = arith.constant 3 : i32
    "tpu.region"() ({
      %run_scoped3A_154 = tpu.sem_alloc : memref<!tpu.dma_semaphore, #tpu.memory_space<semaphore_mem>>
      %dma_start3A = arith.constant 0 : i32
      %dma_start3A_155 = tpu.memref_slice %arg10[%run_scoped3A_27, %dma_start3A] : memref<16x640xf32, #tpu.memory_space<vmem>> -> memref<1x640xf32, #tpu.memory_space<vmem>>
      %dma_start3A_156 = tpu.memref_squeeze %dma_start3A_155 : memref<1x640xf32, #tpu.memory_space<vmem>> -> memref<640xf32, #tpu.memory_space<vmem>>
      %dma_start3A_157 = tpu.memref_slice %arg12[%run_scoped3A_26, %mul3A_25] : memref<16x10240xf32, #tpu.memory_space<vmem_shared>> -> memref<1x640xf32, #tpu.memory_space<vmem_shared>>
      %dma_start3A_158 = tpu.memref_squeeze %dma_start3A_157 : memref<1x640xf32, #tpu.memory_space<vmem_shared>> -> memref<640xf32, #tpu.memory_space<vmem_shared>>
      %dma_start3A_159 = arith.constant 0 : i32
      %dma_start3A_160 = tpu.memref_slice %arg10[%run_scoped3A_27, %dma_start3A_159] : memref<16x640xf32, #tpu.memory_space<vmem>> -> memref<1x640xf32, #tpu.memory_space<vmem>>
      %dma_start3A_161 = tpu.memref_squeeze %dma_start3A_160 : memref<1x640xf32, #tpu.memory_space<vmem>> -> memref<640xf32, #tpu.memory_space<vmem>>
      %dma_start3A_162 = tpu.memref_slice %arg12[%run_scoped3A_26, %mul3A_25] : memref<16x10240xf32, #tpu.memory_space<vmem_shared>> -> memref<1x640xf32, #tpu.memory_space<vmem_shared>>
      %dma_start3A_163 = tpu.memref_squeeze %dma_start3A_162 : memref<1x640xf32, #tpu.memory_space<vmem_shared>> -> memref<640xf32, #tpu.memory_space<vmem_shared>>
      tpu.enqueue_dma source(%dma_start3A_163 : memref<640xf32, #tpu.memory_space<vmem_shared>>) target(%dma_start3A_161 : memref<640xf32, #tpu.memory_space<vmem>>) target_semaphore(%run_scoped3A_154 : memref<!tpu.dma_semaphore, #tpu.memory_space<semaphore_mem>>)
      %dma_wait3A = arith.constant 0 : i32
      %dma_wait3A_164 = tpu.memref_slice %arg10[%run_scoped3A_27, %dma_wait3A] : memref<16x640xf32, #tpu.memory_space<vmem>> -> memref<1x640xf32, #tpu.memory_space<vmem>>
      %dma_wait3A_165 = tpu.memref_squeeze %dma_wait3A_164 : memref<1x640xf32, #tpu.memory_space<vmem>> -> memref<640xf32, #tpu.memory_space<vmem>>
      %dma_wait3A_166 = tpu.memref_slice %arg12[%run_scoped3A_26, %mul3A_25] : memref<16x10240xf32, #tpu.memory_space<vmem_shared>> -> memref<1x640xf32, #tpu.memory_space<vmem_shared>>
      %dma_wait3A_167 = tpu.memref_squeeze %dma_wait3A_166 : memref<1x640xf32, #tpu.memory_space<vmem_shared>> -> memref<640xf32, #tpu.memory_space<vmem_shared>>
      %dma_wait3A_168 = arith.constant 0 : i32
      %dma_wait3A_169 = tpu.memref_slice %arg10[%run_scoped3A_27, %dma_wait3A_168] : memref<16x640xf32, #tpu.memory_space<vmem>> -> memref<1x640xf32, #tpu.memory_space<vmem>>
      %dma_wait3A_170 = tpu.memref_squeeze %dma_wait3A_169 : memref<1x640xf32, #tpu.memory_space<vmem>> -> memref<640xf32, #tpu.memory_space<vmem>>
      %dma_wait3A_171 = tpu.memref_slice %arg12[%run_scoped3A_26, %mul3A_25] : memref<16x10240xf32, #tpu.memory_space<vmem_shared>> -> memref<1x640xf32, #tpu.memory_space<vmem_shared>>
      %dma_wait3A_172 = tpu.memref_squeeze %dma_wait3A_171 : memref<1x640xf32, #tpu.memory_space<vmem_shared>> -> memref<640xf32, #tpu.memory_space<vmem_shared>>
      tpu.wait_dma2 semaphore(%run_scoped3A_154 : memref<!tpu.dma_semaphore, #tpu.memory_space<semaphore_mem>>) src(%dma_wait3A_172 : memref<640xf32, #tpu.memory_space<vmem_shared>>) dst(%dma_wait3A_170 : memref<640xf32, #tpu.memory_space<vmem>>)
      tpu.yield
    }) : () -> ()
    %mul3A_28 = arith.constant 640 : i32
    %mul3A_29 = arith.muli %arg1, %mul3A_28 : i32
    %run_scoped3A_30 = arith.constant 4 : i32
    %run_scoped3A_31 = arith.constant 4 : i32
    "tpu.region"() ({
      %run_scoped3A_154 = tpu.sem_alloc : memref<!tpu.dma_semaphore, #tpu.memory_space<semaphore_mem>>
      %dma_start3A = arith.constant 0 : i32
      %dma_start3A_155 = tpu.memref_slice %arg10[%run_scoped3A_31, %dma_start3A] : memref<16x640xf32, #tpu.memory_space<vmem>> -> memref<1x640xf32, #tpu.memory_space<vmem>>
      %dma_start3A_156 = tpu.memref_squeeze %dma_start3A_155 : memref<1x640xf32, #tpu.memory_space<vmem>> -> memref<640xf32, #tpu.memory_space<vmem>>
      %dma_start3A_157 = tpu.memref_slice %arg12[%run_scoped3A_30, %mul3A_29] : memref<16x10240xf32, #tpu.memory_space<vmem_shared>> -> memref<1x640xf32, #tpu.memory_space<vmem_shared>>
      %dma_start3A_158 = tpu.memref_squeeze %dma_start3A_157 : memref<1x640xf32, #tpu.memory_space<vmem_shared>> -> memref<640xf32, #tpu.memory_space<vmem_shared>>
      %dma_start3A_159 = arith.constant 0 : i32
      %dma_start3A_160 = tpu.memref_slice %arg10[%run_scoped3A_31, %dma_start3A_159] : memref<16x640xf32, #tpu.memory_space<vmem>> -> memref<1x640xf32, #tpu.memory_space<vmem>>
      %dma_start3A_161 = tpu.memref_squeeze %dma_start3A_160 : memref<1x640xf32, #tpu.memory_space<vmem>> -> memref<640xf32, #tpu.memory_space<vmem>>
      %dma_start3A_162 = tpu.memref_slice %arg12[%run_scoped3A_30, %mul3A_29] : memref<16x10240xf32, #tpu.memory_space<vmem_shared>> -> memref<1x640xf32, #tpu.memory_space<vmem_shared>>
      %dma_start3A_163 = tpu.memref_squeeze %dma_start3A_162 : memref<1x640xf32, #tpu.memory_space<vmem_shared>> -> memref<640xf32, #tpu.memory_space<vmem_shared>>
      tpu.enqueue_dma source(%dma_start3A_163 : memref<640xf32, #tpu.memory_space<vmem_shared>>) target(%dma_start3A_161 : memref<640xf32, #tpu.memory_space<vmem>>) target_semaphore(%run_scoped3A_154 : memref<!tpu.dma_semaphore, #tpu.memory_space<semaphore_mem>>)
      %dma_wait3A = arith.constant 0 : i32
      %dma_wait3A_164 = tpu.memref_slice %arg10[%run_scoped3A_31, %dma_wait3A] : memref<16x640xf32, #tpu.memory_space<vmem>> -> memref<1x640xf32, #tpu.memory_space<vmem>>
      %dma_wait3A_165 = tpu.memref_squeeze %dma_wait3A_164 : memref<1x640xf32, #tpu.memory_space<vmem>> -> memref<640xf32, #tpu.memory_space<vmem>>
      %dma_wait3A_166 = tpu.memref_slice %arg12[%run_scoped3A_30, %mul3A_29] : memref<16x10240xf32, #tpu.memory_space<vmem_shared>> -> memref<1x640xf32, #tpu.memory_space<vmem_shared>>
      %dma_wait3A_167 = tpu.memref_squeeze %dma_wait3A_166 : memref<1x640xf32, #tpu.memory_space<vmem_shared>> -> memref<640xf32, #tpu.memory_space<vmem_shared>>
      %dma_wait3A_168 = arith.constant 0 : i32
      %dma_wait3A_169 = tpu.memref_slice %arg10[%run_scoped3A_31, %dma_wait3A_168] : memref<16x640xf32, #tpu.memory_space<vmem>> -> memref<1x640xf32, #tpu.memory_space<vmem>>
      %dma_wait3A_170 = tpu.memref_squeeze %dma_wait3A_169 : memref<1x640xf32, #tpu.memory_space<vmem>> -> memref<640xf32, #tpu.memory_space<vmem>>
      %dma_wait3A_171 = tpu.memref_slice %arg12[%run_scoped3A_30, %mul3A_29] : memref<16x10240xf32, #tpu.memory_space<vmem_shared>> -> memref<1x640xf32, #tpu.memory_space<vmem_shared>>
      %dma_wait3A_172 = tpu.memref_squeeze %dma_wait3A_171 : memref<1x640xf32, #tpu.memory_space<vmem_shared>> -> memref<640xf32, #tpu.memory_space<vmem_shared>>
      tpu.wait_dma2 semaphore(%run_scoped3A_154 : memref<!tpu.dma_semaphore, #tpu.memory_space<semaphore_mem>>) src(%dma_wait3A_172 : memref<640xf32, #tpu.memory_space<vmem_shared>>) dst(%dma_wait3A_170 : memref<640xf32, #tpu.memory_space<vmem>>)
      tpu.yield
    }) : () -> ()
    %mul3A_32 = arith.constant 640 : i32
    %mul3A_33 = arith.muli %arg1, %mul3A_32 : i32
    %run_scoped3A_34 = arith.constant 5 : i32
    %run_scoped3A_35 = arith.constant 5 : i32
    "tpu.region"() ({
      %run_scoped3A_154 = tpu.sem_alloc : memref<!tpu.dma_semaphore, #tpu.memory_space<semaphore_mem>>
      %dma_start3A = arith.constant 0 : i32
      %dma_start3A_155 = tpu.memref_slice %arg10[%run_scoped3A_35, %dma_start3A] : memref<16x640xf32, #tpu.memory_space<vmem>> -> memref<1x640xf32, #tpu.memory_space<vmem>>
      %dma_start3A_156 = tpu.memref_squeeze %dma_start3A_155 : memref<1x640xf32, #tpu.memory_space<vmem>> -> memref<640xf32, #tpu.memory_space<vmem>>
      %dma_start3A_157 = tpu.memref_slice %arg12[%run_scoped3A_34, %mul3A_33] : memref<16x10240xf32, #tpu.memory_space<vmem_shared>> -> memref<1x640xf32, #tpu.memory_space<vmem_shared>>
      %dma_start3A_158 = tpu.memref_squeeze %dma_start3A_157 : memref<1x640xf32, #tpu.memory_space<vmem_shared>> -> memref<640xf32, #tpu.memory_space<vmem_shared>>
      %dma_start3A_159 = arith.constant 0 : i32
      %dma_start3A_160 = tpu.memref_slice %arg10[%run_scoped3A_35, %dma_start3A_159] : memref<16x640xf32, #tpu.memory_space<vmem>> -> memref<1x640xf32, #tpu.memory_space<vmem>>
      %dma_start3A_161 = tpu.memref_squeeze %dma_start3A_160 : memref<1x640xf32, #tpu.memory_space<vmem>> -> memref<640xf32, #tpu.memory_space<vmem>>
      %dma_start3A_162 = tpu.memref_slice %arg12[%run_scoped3A_34, %mul3A_33] : memref<16x10240xf32, #tpu.memory_space<vmem_shared>> -> memref<1x640xf32, #tpu.memory_space<vmem_shared>>
      %dma_start3A_163 = tpu.memref_squeeze %dma_start3A_162 : memref<1x640xf32, #tpu.memory_space<vmem_shared>> -> memref<640xf32, #tpu.memory_space<vmem_shared>>
      tpu.enqueue_dma source(%dma_start3A_163 : memref<640xf32, #tpu.memory_space<vmem_shared>>) target(%dma_start3A_161 : memref<640xf32, #tpu.memory_space<vmem>>) target_semaphore(%run_scoped3A_154 : memref<!tpu.dma_semaphore, #tpu.memory_space<semaphore_mem>>)
      %dma_wait3A = arith.constant 0 : i32
      %dma_wait3A_164 = tpu.memref_slice %arg10[%run_scoped3A_35, %dma_wait3A] : memref<16x640xf32, #tpu.memory_space<vmem>> -> memref<1x640xf32, #tpu.memory_space<vmem>>
      %dma_wait3A_165 = tpu.memref_squeeze %dma_wait3A_164 : memref<1x640xf32, #tpu.memory_space<vmem>> -> memref<640xf32, #tpu.memory_space<vmem>>
      %dma_wait3A_166 = tpu.memref_slice %arg12[%run_scoped3A_34, %mul3A_33] : memref<16x10240xf32, #tpu.memory_space<vmem_shared>> -> memref<1x640xf32, #tpu.memory_space<vmem_shared>>
      %dma_wait3A_167 = tpu.memref_squeeze %dma_wait3A_166 : memref<1x640xf32, #tpu.memory_space<vmem_shared>> -> memref<640xf32, #tpu.memory_space<vmem_shared>>
      %dma_wait3A_168 = arith.constant 0 : i32
      %dma_wait3A_169 = tpu.memref_slice %arg10[%run_scoped3A_35, %dma_wait3A_168] : memref<16x640xf32, #tpu.memory_space<vmem>> -> memref<1x640xf32, #tpu.memory_space<vmem>>
      %dma_wait3A_170 = tpu.memref_squeeze %dma_wait3A_169 : memref<1x640xf32, #tpu.memory_space<vmem>> -> memref<640xf32, #tpu.memory_space<vmem>>
      %dma_wait3A_171 = tpu.memref_slice %arg12[%run_scoped3A_34, %mul3A_33] : memref<16x10240xf32, #tpu.memory_space<vmem_shared>> -> memref<1x640xf32, #tpu.memory_space<vmem_shared>>
      %dma_wait3A_172 = tpu.memref_squeeze %dma_wait3A_171 : memref<1x640xf32, #tpu.memory_space<vmem_shared>> -> memref<640xf32, #tpu.memory_space<vmem_shared>>
      tpu.wait_dma2 semaphore(%run_scoped3A_154 : memref<!tpu.dma_semaphore, #tpu.memory_space<semaphore_mem>>) src(%dma_wait3A_172 : memref<640xf32, #tpu.memory_space<vmem_shared>>) dst(%dma_wait3A_170 : memref<640xf32, #tpu.memory_space<vmem>>)
      tpu.yield
    }) : () -> ()
    %mul3A_36 = arith.constant 640 : i32
    %mul3A_37 = arith.muli %arg1, %mul3A_36 : i32
    %run_scoped3A_38 = arith.constant 6 : i32
    %run_scoped3A_39 = arith.constant 6 : i32
    "tpu.region"() ({
      %run_scoped3A_154 = tpu.sem_alloc : memref<!tpu.dma_semaphore, #tpu.memory_space<semaphore_mem>>
      %dma_start3A = arith.constant 0 : i32
      %dma_start3A_155 = tpu.memref_slice %arg10[%run_scoped3A_39, %dma_start3A] : memref<16x640xf32, #tpu.memory_space<vmem>> -> memref<1x640xf32, #tpu.memory_space<vmem>>
      %dma_start3A_156 = tpu.memref_squeeze %dma_start3A_155 : memref<1x640xf32, #tpu.memory_space<vmem>> -> memref<640xf32, #tpu.memory_space<vmem>>
      %dma_start3A_157 = tpu.memref_slice %arg12[%run_scoped3A_38, %mul3A_37] : memref<16x10240xf32, #tpu.memory_space<vmem_shared>> -> memref<1x640xf32, #tpu.memory_space<vmem_shared>>
      %dma_start3A_158 = tpu.memref_squeeze %dma_start3A_157 : memref<1x640xf32, #tpu.memory_space<vmem_shared>> -> memref<640xf32, #tpu.memory_space<vmem_shared>>
      %dma_start3A_159 = arith.constant 0 : i32
      %dma_start3A_160 = tpu.memref_slice %arg10[%run_scoped3A_39, %dma_start3A_159] : memref<16x640xf32, #tpu.memory_space<vmem>> -> memref<1x640xf32, #tpu.memory_space<vmem>>
      %dma_start3A_161 = tpu.memref_squeeze %dma_start3A_160 : memref<1x640xf32, #tpu.memory_space<vmem>> -> memref<640xf32, #tpu.memory_space<vmem>>
      %dma_start3A_162 = tpu.memref_slice %arg12[%run_scoped3A_38, %mul3A_37] : memref<16x10240xf32, #tpu.memory_space<vmem_shared>> -> memref<1x640xf32, #tpu.memory_space<vmem_shared>>
      %dma_start3A_163 = tpu.memref_squeeze %dma_start3A_162 : memref<1x640xf32, #tpu.memory_space<vmem_shared>> -> memref<640xf32, #tpu.memory_space<vmem_shared>>
      tpu.enqueue_dma source(%dma_start3A_163 : memref<640xf32, #tpu.memory_space<vmem_shared>>) target(%dma_start3A_161 : memref<640xf32, #tpu.memory_space<vmem>>) target_semaphore(%run_scoped3A_154 : memref<!tpu.dma_semaphore, #tpu.memory_space<semaphore_mem>>)
      %dma_wait3A = arith.constant 0 : i32
      %dma_wait3A_164 = tpu.memref_slice %arg10[%run_scoped3A_39, %dma_wait3A] : memref<16x640xf32, #tpu.memory_space<vmem>> -> memref<1x640xf32, #tpu.memory_space<vmem>>
      %dma_wait3A_165 = tpu.memref_squeeze %dma_wait3A_164 : memref<1x640xf32, #tpu.memory_space<vmem>> -> memref<640xf32, #tpu.memory_space<vmem>>
      %dma_wait3A_166 = tpu.memref_slice %arg12[%run_scoped3A_38, %mul3A_37] : memref<16x10240xf32, #tpu.memory_space<vmem_shared>> -> memref<1x640xf32, #tpu.memory_space<vmem_shared>>
      %dma_wait3A_167 = tpu.memref_squeeze %dma_wait3A_166 : memref<1x640xf32, #tpu.memory_space<vmem_shared>> -> memref<640xf32, #tpu.memory_space<vmem_shared>>
      %dma_wait3A_168 = arith.constant 0 : i32
      %dma_wait3A_169 = tpu.memref_slice %arg10[%run_scoped3A_39, %dma_wait3A_168] : memref<16x640xf32, #tpu.memory_space<vmem>> -> memref<1x640xf32, #tpu.memory_space<vmem>>
      %dma_wait3A_170 = tpu.memref_squeeze %dma_wait3A_169 : memref<1x640xf32, #tpu.memory_space<vmem>> -> memref<640xf32, #tpu.memory_space<vmem>>
      %dma_wait3A_171 = tpu.memref_slice %arg12[%run_scoped3A_38, %mul3A_37] : memref<16x10240xf32, #tpu.memory_space<vmem_shared>> -> memref<1x640xf32, #tpu.memory_space<vmem_shared>>
      %dma_wait3A_172 = tpu.memref_squeeze %dma_wait3A_171 : memref<1x640xf32, #tpu.memory_space<vmem_shared>> -> memref<640xf32, #tpu.memory_space<vmem_shared>>
      tpu.wait_dma2 semaphore(%run_scoped3A_154 : memref<!tpu.dma_semaphore, #tpu.memory_space<semaphore_mem>>) src(%dma_wait3A_172 : memref<640xf32, #tpu.memory_space<vmem_shared>>) dst(%dma_wait3A_170 : memref<640xf32, #tpu.memory_space<vmem>>)
      tpu.yield
    }) : () -> ()
    %mul3A_40 = arith.constant 640 : i32
    %mul3A_41 = arith.muli %arg1, %mul3A_40 : i32
    %run_scoped3A_42 = arith.constant 7 : i32
    %run_scoped3A_43 = arith.constant 7 : i32
    "tpu.region"() ({
      %run_scoped3A_154 = tpu.sem_alloc : memref<!tpu.dma_semaphore, #tpu.memory_space<semaphore_mem>>
      %dma_start3A = arith.constant 0 : i32
      %dma_start3A_155 = tpu.memref_slice %arg10[%run_scoped3A_43, %dma_start3A] : memref<16x640xf32, #tpu.memory_space<vmem>> -> memref<1x640xf32, #tpu.memory_space<vmem>>
      %dma_start3A_156 = tpu.memref_squeeze %dma_start3A_155 : memref<1x640xf32, #tpu.memory_space<vmem>> -> memref<640xf32, #tpu.memory_space<vmem>>
      %dma_start3A_157 = tpu.memref_slice %arg12[%run_scoped3A_42, %mul3A_41] : memref<16x10240xf32, #tpu.memory_space<vmem_shared>> -> memref<1x640xf32, #tpu.memory_space<vmem_shared>>
      %dma_start3A_158 = tpu.memref_squeeze %dma_start3A_157 : memref<1x640xf32, #tpu.memory_space<vmem_shared>> -> memref<640xf32, #tpu.memory_space<vmem_shared>>
      %dma_start3A_159 = arith.constant 0 : i32
      %dma_start3A_160 = tpu.memref_slice %arg10[%run_scoped3A_43, %dma_start3A_159] : memref<16x640xf32, #tpu.memory_space<vmem>> -> memref<1x640xf32, #tpu.memory_space<vmem>>
      %dma_start3A_161 = tpu.memref_squeeze %dma_start3A_160 : memref<1x640xf32, #tpu.memory_space<vmem>> -> memref<640xf32, #tpu.memory_space<vmem>>
      %dma_start3A_162 = tpu.memref_slice %arg12[%run_scoped3A_42, %mul3A_41] : memref<16x10240xf32, #tpu.memory_space<vmem_shared>> -> memref<1x640xf32, #tpu.memory_space<vmem_shared>>
      %dma_start3A_163 = tpu.memref_squeeze %dma_start3A_162 : memref<1x640xf32, #tpu.memory_space<vmem_shared>> -> memref<640xf32, #tpu.memory_space<vmem_shared>>
      tpu.enqueue_dma source(%dma_start3A_163 : memref<640xf32, #tpu.memory_space<vmem_shared>>) target(%dma_start3A_161 : memref<640xf32, #tpu.memory_space<vmem>>) target_semaphore(%run_scoped3A_154 : memref<!tpu.dma_semaphore, #tpu.memory_space<semaphore_mem>>)
      %dma_wait3A = arith.constant 0 : i32
      %dma_wait3A_164 = tpu.memref_slice %arg10[%run_scoped3A_43, %dma_wait3A] : memref<16x640xf32, #tpu.memory_space<vmem>> -> memref<1x640xf32, #tpu.memory_space<vmem>>
      %dma_wait3A_165 = tpu.memref_squeeze %dma_wait3A_164 : memref<1x640xf32, #tpu.memory_space<vmem>> -> memref<640xf32, #tpu.memory_space<vmem>>
      %dma_wait3A_166 = tpu.memref_slice %arg12[%run_scoped3A_42, %mul3A_41] : memref<16x10240xf32, #tpu.memory_space<vmem_shared>> -> memref<1x640xf32, #tpu.memory_space<vmem_shared>>
      %dma_wait3A_167 = tpu.memref_squeeze %dma_wait3A_166 : memref<1x640xf32, #tpu.memory_space<vmem_shared>> -> memref<640xf32, #tpu.memory_space<vmem_shared>>
      %dma_wait3A_168 = arith.constant 0 : i32
      %dma_wait3A_169 = tpu.memref_slice %arg10[%run_scoped3A_43, %dma_wait3A_168] : memref<16x640xf32, #tpu.memory_space<vmem>> -> memref<1x640xf32, #tpu.memory_space<vmem>>
      %dma_wait3A_170 = tpu.memref_squeeze %dma_wait3A_169 : memref<1x640xf32, #tpu.memory_space<vmem>> -> memref<640xf32, #tpu.memory_space<vmem>>
      %dma_wait3A_171 = tpu.memref_slice %arg12[%run_scoped3A_42, %mul3A_41] : memref<16x10240xf32, #tpu.memory_space<vmem_shared>> -> memref<1x640xf32, #tpu.memory_space<vmem_shared>>
      %dma_wait3A_172 = tpu.memref_squeeze %dma_wait3A_171 : memref<1x640xf32, #tpu.memory_space<vmem_shared>> -> memref<640xf32, #tpu.memory_space<vmem_shared>>
      tpu.wait_dma2 semaphore(%run_scoped3A_154 : memref<!tpu.dma_semaphore, #tpu.memory_space<semaphore_mem>>) src(%dma_wait3A_172 : memref<640xf32, #tpu.memory_space<vmem_shared>>) dst(%dma_wait3A_170 : memref<640xf32, #tpu.memory_space<vmem>>)
      tpu.yield
    }) : () -> ()
    %mul3A_44 = arith.constant 640 : i32
    %mul3A_45 = arith.muli %arg1, %mul3A_44 : i32
    %run_scoped3A_46 = arith.constant 8 : i32
    %run_scoped3A_47 = arith.constant 8 : i32
    "tpu.region"() ({
      %run_scoped3A_154 = tpu.sem_alloc : memref<!tpu.dma_semaphore, #tpu.memory_space<semaphore_mem>>
      %dma_start3A = arith.constant 0 : i32
      %dma_start3A_155 = tpu.memref_slice %arg10[%run_scoped3A_47, %dma_start3A] : memref<16x640xf32, #tpu.memory_space<vmem>> -> memref<1x640xf32, #tpu.memory_space<vmem>>
      %dma_start3A_156 = tpu.memref_squeeze %dma_start3A_155 : memref<1x640xf32, #tpu.memory_space<vmem>> -> memref<640xf32, #tpu.memory_space<vmem>>
      %dma_start3A_157 = tpu.memref_slice %arg12[%run_scoped3A_46, %mul3A_45] : memref<16x10240xf32, #tpu.memory_space<vmem_shared>> -> memref<1x640xf32, #tpu.memory_space<vmem_shared>>
      %dma_start3A_158 = tpu.memref_squeeze %dma_start3A_157 : memref<1x640xf32, #tpu.memory_space<vmem_shared>> -> memref<640xf32, #tpu.memory_space<vmem_shared>>
      %dma_start3A_159 = arith.constant 0 : i32
      %dma_start3A_160 = tpu.memref_slice %arg10[%run_scoped3A_47, %dma_start3A_159] : memref<16x640xf32, #tpu.memory_space<vmem>> -> memref<1x640xf32, #tpu.memory_space<vmem>>
      %dma_start3A_161 = tpu.memref_squeeze %dma_start3A_160 : memref<1x640xf32, #tpu.memory_space<vmem>> -> memref<640xf32, #tpu.memory_space<vmem>>
      %dma_start3A_162 = tpu.memref_slice %arg12[%run_scoped3A_46, %mul3A_45] : memref<16x10240xf32, #tpu.memory_space<vmem_shared>> -> memref<1x640xf32, #tpu.memory_space<vmem_shared>>
      %dma_start3A_163 = tpu.memref_squeeze %dma_start3A_162 : memref<1x640xf32, #tpu.memory_space<vmem_shared>> -> memref<640xf32, #tpu.memory_space<vmem_shared>>
      tpu.enqueue_dma source(%dma_start3A_163 : memref<640xf32, #tpu.memory_space<vmem_shared>>) target(%dma_start3A_161 : memref<640xf32, #tpu.memory_space<vmem>>) target_semaphore(%run_scoped3A_154 : memref<!tpu.dma_semaphore, #tpu.memory_space<semaphore_mem>>)
      %dma_wait3A = arith.constant 0 : i32
      %dma_wait3A_164 = tpu.memref_slice %arg10[%run_scoped3A_47, %dma_wait3A] : memref<16x640xf32, #tpu.memory_space<vmem>> -> memref<1x640xf32, #tpu.memory_space<vmem>>
      %dma_wait3A_165 = tpu.memref_squeeze %dma_wait3A_164 : memref<1x640xf32, #tpu.memory_space<vmem>> -> memref<640xf32, #tpu.memory_space<vmem>>
      %dma_wait3A_166 = tpu.memref_slice %arg12[%run_scoped3A_46, %mul3A_45] : memref<16x10240xf32, #tpu.memory_space<vmem_shared>> -> memref<1x640xf32, #tpu.memory_space<vmem_shared>>
      %dma_wait3A_167 = tpu.memref_squeeze %dma_wait3A_166 : memref<1x640xf32, #tpu.memory_space<vmem_shared>> -> memref<640xf32, #tpu.memory_space<vmem_shared>>
      %dma_wait3A_168 = arith.constant 0 : i32
      %dma_wait3A_169 = tpu.memref_slice %arg10[%run_scoped3A_47, %dma_wait3A_168] : memref<16x640xf32, #tpu.memory_space<vmem>> -> memref<1x640xf32, #tpu.memory_space<vmem>>
      %dma_wait3A_170 = tpu.memref_squeeze %dma_wait3A_169 : memref<1x640xf32, #tpu.memory_space<vmem>> -> memref<640xf32, #tpu.memory_space<vmem>>
      %dma_wait3A_171 = tpu.memref_slice %arg12[%run_scoped3A_46, %mul3A_45] : memref<16x10240xf32, #tpu.memory_space<vmem_shared>> -> memref<1x640xf32, #tpu.memory_space<vmem_shared>>
      %dma_wait3A_172 = tpu.memref_squeeze %dma_wait3A_171 : memref<1x640xf32, #tpu.memory_space<vmem_shared>> -> memref<640xf32, #tpu.memory_space<vmem_shared>>
      tpu.wait_dma2 semaphore(%run_scoped3A_154 : memref<!tpu.dma_semaphore, #tpu.memory_space<semaphore_mem>>) src(%dma_wait3A_172 : memref<640xf32, #tpu.memory_space<vmem_shared>>) dst(%dma_wait3A_170 : memref<640xf32, #tpu.memory_space<vmem>>)
      tpu.yield
    }) : () -> ()
    %mul3A_48 = arith.constant 640 : i32
    %mul3A_49 = arith.muli %arg1, %mul3A_48 : i32
    %run_scoped3A_50 = arith.constant 9 : i32
    %run_scoped3A_51 = arith.constant 9 : i32
    "tpu.region"() ({
      %run_scoped3A_154 = tpu.sem_alloc : memref<!tpu.dma_semaphore, #tpu.memory_space<semaphore_mem>>
      %dma_start3A = arith.constant 0 : i32
      %dma_start3A_155 = tpu.memref_slice %arg10[%run_scoped3A_51, %dma_start3A] : memref<16x640xf32, #tpu.memory_space<vmem>> -> memref<1x640xf32, #tpu.memory_space<vmem>>
      %dma_start3A_156 = tpu.memref_squeeze %dma_start3A_155 : memref<1x640xf32, #tpu.memory_space<vmem>> -> memref<640xf32, #tpu.memory_space<vmem>>
      %dma_start3A_157 = tpu.memref_slice %arg12[%run_scoped3A_50, %mul3A_49] : memref<16x10240xf32, #tpu.memory_space<vmem_shared>> -> memref<1x640xf32, #tpu.memory_space<vmem_shared>>
      %dma_start3A_158 = tpu.memref_squeeze %dma_start3A_157 : memref<1x640xf32, #tpu.memory_space<vmem_shared>> -> memref<640xf32, #tpu.memory_space<vmem_shared>>
      %dma_start3A_159 = arith.constant 0 : i32
      %dma_start3A_160 = tpu.memref_slice %arg10[%run_scoped3A_51, %dma_start3A_159] : memref<16x640xf32, #tpu.memory_space<vmem>> -> memref<1x640xf32, #tpu.memory_space<vmem>>
      %dma_start3A_161 = tpu.memref_squeeze %dma_start3A_160 : memref<1x640xf32, #tpu.memory_space<vmem>> -> memref<640xf32, #tpu.memory_space<vmem>>
      %dma_start3A_162 = tpu.memref_slice %arg12[%run_scoped3A_50, %mul3A_49] : memref<16x10240xf32, #tpu.memory_space<vmem_shared>> -> memref<1x640xf32, #tpu.memory_space<vmem_shared>>
      %dma_start3A_163 = tpu.memref_squeeze %dma_start3A_162 : memref<1x640xf32, #tpu.memory_space<vmem_shared>> -> memref<640xf32, #tpu.memory_space<vmem_shared>>
      tpu.enqueue_dma source(%dma_start3A_163 : memref<640xf32, #tpu.memory_space<vmem_shared>>) target(%dma_start3A_161 : memref<640xf32, #tpu.memory_space<vmem>>) target_semaphore(%run_scoped3A_154 : memref<!tpu.dma_semaphore, #tpu.memory_space<semaphore_mem>>)
      %dma_wait3A = arith.constant 0 : i32
      %dma_wait3A_164 = tpu.memref_slice %arg10[%run_scoped3A_51, %dma_wait3A] : memref<16x640xf32, #tpu.memory_space<vmem>> -> memref<1x640xf32, #tpu.memory_space<vmem>>
      %dma_wait3A_165 = tpu.memref_squeeze %dma_wait3A_164 : memref<1x640xf32, #tpu.memory_space<vmem>> -> memref<640xf32, #tpu.memory_space<vmem>>
      %dma_wait3A_166 = tpu.memref_slice %arg12[%run_scoped3A_50, %mul3A_49] : memref<16x10240xf32, #tpu.memory_space<vmem_shared>> -> memref<1x640xf32, #tpu.memory_space<vmem_shared>>
      %dma_wait3A_167 = tpu.memref_squeeze %dma_wait3A_166 : memref<1x640xf32, #tpu.memory_space<vmem_shared>> -> memref<640xf32, #tpu.memory_space<vmem_shared>>
      %dma_wait3A_168 = arith.constant 0 : i32
      %dma_wait3A_169 = tpu.memref_slice %arg10[%run_scoped3A_51, %dma_wait3A_168] : memref<16x640xf32, #tpu.memory_space<vmem>> -> memref<1x640xf32, #tpu.memory_space<vmem>>
      %dma_wait3A_170 = tpu.memref_squeeze %dma_wait3A_169 : memref<1x640xf32, #tpu.memory_space<vmem>> -> memref<640xf32, #tpu.memory_space<vmem>>
      %dma_wait3A_171 = tpu.memref_slice %arg12[%run_scoped3A_50, %mul3A_49] : memref<16x10240xf32, #tpu.memory_space<vmem_shared>> -> memref<1x640xf32, #tpu.memory_space<vmem_shared>>
      %dma_wait3A_172 = tpu.memref_squeeze %dma_wait3A_171 : memref<1x640xf32, #tpu.memory_space<vmem_shared>> -> memref<640xf32, #tpu.memory_space<vmem_shared>>
      tpu.wait_dma2 semaphore(%run_scoped3A_154 : memref<!tpu.dma_semaphore, #tpu.memory_space<semaphore_mem>>) src(%dma_wait3A_172 : memref<640xf32, #tpu.memory_space<vmem_shared>>) dst(%dma_wait3A_170 : memref<640xf32, #tpu.memory_space<vmem>>)
      tpu.yield
    }) : () -> ()
    %mul3A_52 = arith.constant 640 : i32
    %mul3A_53 = arith.muli %arg1, %mul3A_52 : i32
    %run_scoped3A_54 = arith.constant 10 : i32
    %run_scoped3A_55 = arith.constant 10 : i32
    "tpu.region"() ({
      %run_scoped3A_154 = tpu.sem_alloc : memref<!tpu.dma_semaphore, #tpu.memory_space<semaphore_mem>>
      %dma_start3A = arith.constant 0 : i32
      %dma_start3A_155 = tpu.memref_slice %arg10[%run_scoped3A_55, %dma_start3A] : memref<16x640xf32, #tpu.memory_space<vmem>> -> memref<1x640xf32, #tpu.memory_space<vmem>>
      %dma_start3A_156 = tpu.memref_squeeze %dma_start3A_155 : memref<1x640xf32, #tpu.memory_space<vmem>> -> memref<640xf32, #tpu.memory_space<vmem>>
      %dma_start3A_157 = tpu.memref_slice %arg12[%run_scoped3A_54, %mul3A_53] : memref<16x10240xf32, #tpu.memory_space<vmem_shared>> -> memref<1x640xf32, #tpu.memory_space<vmem_shared>>
      %dma_start3A_158 = tpu.memref_squeeze %dma_start3A_157 : memref<1x640xf32, #tpu.memory_space<vmem_shared>> -> memref<640xf32, #tpu.memory_space<vmem_shared>>
      %dma_start3A_159 = arith.constant 0 : i32
      %dma_start3A_160 = tpu.memref_slice %arg10[%run_scoped3A_55, %dma_start3A_159] : memref<16x640xf32, #tpu.memory_space<vmem>> -> memref<1x640xf32, #tpu.memory_space<vmem>>
      %dma_start3A_161 = tpu.memref_squeeze %dma_start3A_160 : memref<1x640xf32, #tpu.memory_space<vmem>> -> memref<640xf32, #tpu.memory_space<vmem>>
      %dma_start3A_162 = tpu.memref_slice %arg12[%run_scoped3A_54, %mul3A_53] : memref<16x10240xf32, #tpu.memory_space<vmem_shared>> -> memref<1x640xf32, #tpu.memory_space<vmem_shared>>
      %dma_start3A_163 = tpu.memref_squeeze %dma_start3A_162 : memref<1x640xf32, #tpu.memory_space<vmem_shared>> -> memref<640xf32, #tpu.memory_space<vmem_shared>>
      tpu.enqueue_dma source(%dma_start3A_163 : memref<640xf32, #tpu.memory_space<vmem_shared>>) target(%dma_start3A_161 : memref<640xf32, #tpu.memory_space<vmem>>) target_semaphore(%run_scoped3A_154 : memref<!tpu.dma_semaphore, #tpu.memory_space<semaphore_mem>>)
      %dma_wait3A = arith.constant 0 : i32
      %dma_wait3A_164 = tpu.memref_slice %arg10[%run_scoped3A_55, %dma_wait3A] : memref<16x640xf32, #tpu.memory_space<vmem>> -> memref<1x640xf32, #tpu.memory_space<vmem>>
      %dma_wait3A_165 = tpu.memref_squeeze %dma_wait3A_164 : memref<1x640xf32, #tpu.memory_space<vmem>> -> memref<640xf32, #tpu.memory_space<vmem>>
      %dma_wait3A_166 = tpu.memref_slice %arg12[%run_scoped3A_54, %mul3A_53] : memref<16x10240xf32, #tpu.memory_space<vmem_shared>> -> memref<1x640xf32, #tpu.memory_space<vmem_shared>>
      %dma_wait3A_167 = tpu.memref_squeeze %dma_wait3A_166 : memref<1x640xf32, #tpu.memory_space<vmem_shared>> -> memref<640xf32, #tpu.memory_space<vmem_shared>>
      %dma_wait3A_168 = arith.constant 0 : i32
      %dma_wait3A_169 = tpu.memref_slice %arg10[%run_scoped3A_55, %dma_wait3A_168] : memref<16x640xf32, #tpu.memory_space<vmem>> -> memref<1x640xf32, #tpu.memory_space<vmem>>
      %dma_wait3A_170 = tpu.memref_squeeze %dma_wait3A_169 : memref<1x640xf32, #tpu.memory_space<vmem>> -> memref<640xf32, #tpu.memory_space<vmem>>
      %dma_wait3A_171 = tpu.memref_slice %arg12[%run_scoped3A_54, %mul3A_53] : memref<16x10240xf32, #tpu.memory_space<vmem_shared>> -> memref<1x640xf32, #tpu.memory_space<vmem_shared>>
      %dma_wait3A_172 = tpu.memref_squeeze %dma_wait3A_171 : memref<1x640xf32, #tpu.memory_space<vmem_shared>> -> memref<640xf32, #tpu.memory_space<vmem_shared>>
      tpu.wait_dma2 semaphore(%run_scoped3A_154 : memref<!tpu.dma_semaphore, #tpu.memory_space<semaphore_mem>>) src(%dma_wait3A_172 : memref<640xf32, #tpu.memory_space<vmem_shared>>) dst(%dma_wait3A_170 : memref<640xf32, #tpu.memory_space<vmem>>)
      tpu.yield
    }) : () -> ()
    %mul3A_56 = arith.constant 640 : i32
    %mul3A_57 = arith.muli %arg1, %mul3A_56 : i32
    %run_scoped3A_58 = arith.constant 11 : i32
    %run_scoped3A_59 = arith.constant 11 : i32
    "tpu.region"() ({
      %run_scoped3A_154 = tpu.sem_alloc : memref<!tpu.dma_semaphore, #tpu.memory_space<semaphore_mem>>
      %dma_start3A = arith.constant 0 : i32
      %dma_start3A_155 = tpu.memref_slice %arg10[%run_scoped3A_59, %dma_start3A] : memref<16x640xf32, #tpu.memory_space<vmem>> -> memref<1x640xf32, #tpu.memory_space<vmem>>
      %dma_start3A_156 = tpu.memref_squeeze %dma_start3A_155 : memref<1x640xf32, #tpu.memory_space<vmem>> -> memref<640xf32, #tpu.memory_space<vmem>>
      %dma_start3A_157 = tpu.memref_slice %arg12[%run_scoped3A_58, %mul3A_57] : memref<16x10240xf32, #tpu.memory_space<vmem_shared>> -> memref<1x640xf32, #tpu.memory_space<vmem_shared>>
      %dma_start3A_158 = tpu.memref_squeeze %dma_start3A_157 : memref<1x640xf32, #tpu.memory_space<vmem_shared>> -> memref<640xf32, #tpu.memory_space<vmem_shared>>
      %dma_start3A_159 = arith.constant 0 : i32
      %dma_start3A_160 = tpu.memref_slice %arg10[%run_scoped3A_59, %dma_start3A_159] : memref<16x640xf32, #tpu.memory_space<vmem>> -> memref<1x640xf32, #tpu.memory_space<vmem>>
      %dma_start3A_161 = tpu.memref_squeeze %dma_start3A_160 : memref<1x640xf32, #tpu.memory_space<vmem>> -> memref<640xf32, #tpu.memory_space<vmem>>
      %dma_start3A_162 = tpu.memref_slice %arg12[%run_scoped3A_58, %mul3A_57] : memref<16x10240xf32, #tpu.memory_space<vmem_shared>> -> memref<1x640xf32, #tpu.memory_space<vmem_shared>>
      %dma_start3A_163 = tpu.memref_squeeze %dma_start3A_162 : memref<1x640xf32, #tpu.memory_space<vmem_shared>> -> memref<640xf32, #tpu.memory_space<vmem_shared>>
      tpu.enqueue_dma source(%dma_start3A_163 : memref<640xf32, #tpu.memory_space<vmem_shared>>) target(%dma_start3A_161 : memref<640xf32, #tpu.memory_space<vmem>>) target_semaphore(%run_scoped3A_154 : memref<!tpu.dma_semaphore, #tpu.memory_space<semaphore_mem>>)
      %dma_wait3A = arith.constant 0 : i32
      %dma_wait3A_164 = tpu.memref_slice %arg10[%run_scoped3A_59, %dma_wait3A] : memref<16x640xf32, #tpu.memory_space<vmem>> -> memref<1x640xf32, #tpu.memory_space<vmem>>
      %dma_wait3A_165 = tpu.memref_squeeze %dma_wait3A_164 : memref<1x640xf32, #tpu.memory_space<vmem>> -> memref<640xf32, #tpu.memory_space<vmem>>
      %dma_wait3A_166 = tpu.memref_slice %arg12[%run_scoped3A_58, %mul3A_57] : memref<16x10240xf32, #tpu.memory_space<vmem_shared>> -> memref<1x640xf32, #tpu.memory_space<vmem_shared>>
      %dma_wait3A_167 = tpu.memref_squeeze %dma_wait3A_166 : memref<1x640xf32, #tpu.memory_space<vmem_shared>> -> memref<640xf32, #tpu.memory_space<vmem_shared>>
      %dma_wait3A_168 = arith.constant 0 : i32
      %dma_wait3A_169 = tpu.memref_slice %arg10[%run_scoped3A_59, %dma_wait3A_168] : memref<16x640xf32, #tpu.memory_space<vmem>> -> memref<1x640xf32, #tpu.memory_space<vmem>>
      %dma_wait3A_170 = tpu.memref_squeeze %dma_wait3A_169 : memref<1x640xf32, #tpu.memory_space<vmem>> -> memref<640xf32, #tpu.memory_space<vmem>>
      %dma_wait3A_171 = tpu.memref_slice %arg12[%run_scoped3A_58, %mul3A_57] : memref<16x10240xf32, #tpu.memory_space<vmem_shared>> -> memref<1x640xf32, #tpu.memory_space<vmem_shared>>
      %dma_wait3A_172 = tpu.memref_squeeze %dma_wait3A_171 : memref<1x640xf32, #tpu.memory_space<vmem_shared>> -> memref<640xf32, #tpu.memory_space<vmem_shared>>
      tpu.wait_dma2 semaphore(%run_scoped3A_154 : memref<!tpu.dma_semaphore, #tpu.memory_space<semaphore_mem>>) src(%dma_wait3A_172 : memref<640xf32, #tpu.memory_space<vmem_shared>>) dst(%dma_wait3A_170 : memref<640xf32, #tpu.memory_space<vmem>>)
      tpu.yield
    }) : () -> ()
    %mul3A_60 = arith.constant 640 : i32
    %mul3A_61 = arith.muli %arg1, %mul3A_60 : i32
    %run_scoped3A_62 = arith.constant 12 : i32
    %run_scoped3A_63 = arith.constant 12 : i32
    "tpu.region"() ({
      %run_scoped3A_154 = tpu.sem_alloc : memref<!tpu.dma_semaphore, #tpu.memory_space<semaphore_mem>>
      %dma_start3A = arith.constant 0 : i32
      %dma_start3A_155 = tpu.memref_slice %arg10[%run_scoped3A_63, %dma_start3A] : memref<16x640xf32, #tpu.memory_space<vmem>> -> memref<1x640xf32, #tpu.memory_space<vmem>>
      %dma_start3A_156 = tpu.memref_squeeze %dma_start3A_155 : memref<1x640xf32, #tpu.memory_space<vmem>> -> memref<640xf32, #tpu.memory_space<vmem>>
      %dma_start3A_157 = tpu.memref_slice %arg12[%run_scoped3A_62, %mul3A_61] : memref<16x10240xf32, #tpu.memory_space<vmem_shared>> -> memref<1x640xf32, #tpu.memory_space<vmem_shared>>
      %dma_start3A_158 = tpu.memref_squeeze %dma_start3A_157 : memref<1x640xf32, #tpu.memory_space<vmem_shared>> -> memref<640xf32, #tpu.memory_space<vmem_shared>>
      %dma_start3A_159 = arith.constant 0 : i32
      %dma_start3A_160 = tpu.memref_slice %arg10[%run_scoped3A_63, %dma_start3A_159] : memref<16x640xf32, #tpu.memory_space<vmem>> -> memref<1x640xf32, #tpu.memory_space<vmem>>
      %dma_start3A_161 = tpu.memref_squeeze %dma_start3A_160 : memref<1x640xf32, #tpu.memory_space<vmem>> -> memref<640xf32, #tpu.memory_space<vmem>>
      %dma_start3A_162 = tpu.memref_slice %arg12[%run_scoped3A_62, %mul3A_61] : memref<16x10240xf32, #tpu.memory_space<vmem_shared>> -> memref<1x640xf32, #tpu.memory_space<vmem_shared>>
      %dma_start3A_163 = tpu.memref_squeeze %dma_start3A_162 : memref<1x640xf32, #tpu.memory_space<vmem_shared>> -> memref<640xf32, #tpu.memory_space<vmem_shared>>
      tpu.enqueue_dma source(%dma_start3A_163 : memref<640xf32, #tpu.memory_space<vmem_shared>>) target(%dma_start3A_161 : memref<640xf32, #tpu.memory_space<vmem>>) target_semaphore(%run_scoped3A_154 : memref<!tpu.dma_semaphore, #tpu.memory_space<semaphore_mem>>)
      %dma_wait3A = arith.constant 0 : i32
      %dma_wait3A_164 = tpu.memref_slice %arg10[%run_scoped3A_63, %dma_wait3A] : memref<16x640xf32, #tpu.memory_space<vmem>> -> memref<1x640xf32, #tpu.memory_space<vmem>>
      %dma_wait3A_165 = tpu.memref_squeeze %dma_wait3A_164 : memref<1x640xf32, #tpu.memory_space<vmem>> -> memref<640xf32, #tpu.memory_space<vmem>>
      %dma_wait3A_166 = tpu.memref_slice %arg12[%run_scoped3A_62, %mul3A_61] : memref<16x10240xf32, #tpu.memory_space<vmem_shared>> -> memref<1x640xf32, #tpu.memory_space<vmem_shared>>
      %dma_wait3A_167 = tpu.memref_squeeze %dma_wait3A_166 : memref<1x640xf32, #tpu.memory_space<vmem_shared>> -> memref<640xf32, #tpu.memory_space<vmem_shared>>
      %dma_wait3A_168 = arith.constant 0 : i32
      %dma_wait3A_169 = tpu.memref_slice %arg10[%run_scoped3A_63, %dma_wait3A_168] : memref<16x640xf32, #tpu.memory_space<vmem>> -> memref<1x640xf32, #tpu.memory_space<vmem>>
      %dma_wait3A_170 = tpu.memref_squeeze %dma_wait3A_169 : memref<1x640xf32, #tpu.memory_space<vmem>> -> memref<640xf32, #tpu.memory_space<vmem>>
      %dma_wait3A_171 = tpu.memref_slice %arg12[%run_scoped3A_62, %mul3A_61] : memref<16x10240xf32, #tpu.memory_space<vmem_shared>> -> memref<1x640xf32, #tpu.memory_space<vmem_shared>>
      %dma_wait3A_172 = tpu.memref_squeeze %dma_wait3A_171 : memref<1x640xf32, #tpu.memory_space<vmem_shared>> -> memref<640xf32, #tpu.memory_space<vmem_shared>>
      tpu.wait_dma2 semaphore(%run_scoped3A_154 : memref<!tpu.dma_semaphore, #tpu.memory_space<semaphore_mem>>) src(%dma_wait3A_172 : memref<640xf32, #tpu.memory_space<vmem_shared>>) dst(%dma_wait3A_170 : memref<640xf32, #tpu.memory_space<vmem>>)
      tpu.yield
    }) : () -> ()
    %mul3A_64 = arith.constant 640 : i32
    %mul3A_65 = arith.muli %arg1, %mul3A_64 : i32
    %run_scoped3A_66 = arith.constant 13 : i32
    %run_scoped3A_67 = arith.constant 13 : i32
    "tpu.region"() ({
      %run_scoped3A_154 = tpu.sem_alloc : memref<!tpu.dma_semaphore, #tpu.memory_space<semaphore_mem>>
      %dma_start3A = arith.constant 0 : i32
      %dma_start3A_155 = tpu.memref_slice %arg10[%run_scoped3A_67, %dma_start3A] : memref<16x640xf32, #tpu.memory_space<vmem>> -> memref<1x640xf32, #tpu.memory_space<vmem>>
      %dma_start3A_156 = tpu.memref_squeeze %dma_start3A_155 : memref<1x640xf32, #tpu.memory_space<vmem>> -> memref<640xf32, #tpu.memory_space<vmem>>
      %dma_start3A_157 = tpu.memref_slice %arg12[%run_scoped3A_66, %mul3A_65] : memref<16x10240xf32, #tpu.memory_space<vmem_shared>> -> memref<1x640xf32, #tpu.memory_space<vmem_shared>>
      %dma_start3A_158 = tpu.memref_squeeze %dma_start3A_157 : memref<1x640xf32, #tpu.memory_space<vmem_shared>> -> memref<640xf32, #tpu.memory_space<vmem_shared>>
      %dma_start3A_159 = arith.constant 0 : i32
      %dma_start3A_160 = tpu.memref_slice %arg10[%run_scoped3A_67, %dma_start3A_159] : memref<16x640xf32, #tpu.memory_space<vmem>> -> memref<1x640xf32, #tpu.memory_space<vmem>>
      %dma_start3A_161 = tpu.memref_squeeze %dma_start3A_160 : memref<1x640xf32, #tpu.memory_space<vmem>> -> memref<640xf32, #tpu.memory_space<vmem>>
      %dma_start3A_162 = tpu.memref_slice %arg12[%run_scoped3A_66, %mul3A_65] : memref<16x10240xf32, #tpu.memory_space<vmem_shared>> -> memref<1x640xf32, #tpu.memory_space<vmem_shared>>
      %dma_start3A_163 = tpu.memref_squeeze %dma_start3A_162 : memref<1x640xf32, #tpu.memory_space<vmem_shared>> -> memref<640xf32, #tpu.memory_space<vmem_shared>>
      tpu.enqueue_dma source(%dma_start3A_163 : memref<640xf32, #tpu.memory_space<vmem_shared>>) target(%dma_start3A_161 : memref<640xf32, #tpu.memory_space<vmem>>) target_semaphore(%run_scoped3A_154 : memref<!tpu.dma_semaphore, #tpu.memory_space<semaphore_mem>>)
      %dma_wait3A = arith.constant 0 : i32
      %dma_wait3A_164 = tpu.memref_slice %arg10[%run_scoped3A_67, %dma_wait3A] : memref<16x640xf32, #tpu.memory_space<vmem>> -> memref<1x640xf32, #tpu.memory_space<vmem>>
      %dma_wait3A_165 = tpu.memref_squeeze %dma_wait3A_164 : memref<1x640xf32, #tpu.memory_space<vmem>> -> memref<640xf32, #tpu.memory_space<vmem>>
      %dma_wait3A_166 = tpu.memref_slice %arg12[%run_scoped3A_66, %mul3A_65] : memref<16x10240xf32, #tpu.memory_space<vmem_shared>> -> memref<1x640xf32, #tpu.memory_space<vmem_shared>>
      %dma_wait3A_167 = tpu.memref_squeeze %dma_wait3A_166 : memref<1x640xf32, #tpu.memory_space<vmem_shared>> -> memref<640xf32, #tpu.memory_space<vmem_shared>>
      %dma_wait3A_168 = arith.constant 0 : i32
      %dma_wait3A_169 = tpu.memref_slice %arg10[%run_scoped3A_67, %dma_wait3A_168] : memref<16x640xf32, #tpu.memory_space<vmem>> -> memref<1x640xf32, #tpu.memory_space<vmem>>
      %dma_wait3A_170 = tpu.memref_squeeze %dma_wait3A_169 : memref<1x640xf32, #tpu.memory_space<vmem>> -> memref<640xf32, #tpu.memory_space<vmem>>
      %dma_wait3A_171 = tpu.memref_slice %arg12[%run_scoped3A_66, %mul3A_65] : memref<16x10240xf32, #tpu.memory_space<vmem_shared>> -> memref<1x640xf32, #tpu.memory_space<vmem_shared>>
      %dma_wait3A_172 = tpu.memref_squeeze %dma_wait3A_171 : memref<1x640xf32, #tpu.memory_space<vmem_shared>> -> memref<640xf32, #tpu.memory_space<vmem_shared>>
      tpu.wait_dma2 semaphore(%run_scoped3A_154 : memref<!tpu.dma_semaphore, #tpu.memory_space<semaphore_mem>>) src(%dma_wait3A_172 : memref<640xf32, #tpu.memory_space<vmem_shared>>) dst(%dma_wait3A_170 : memref<640xf32, #tpu.memory_space<vmem>>)
      tpu.yield
    }) : () -> ()
    %mul3A_68 = arith.constant 640 : i32
    %mul3A_69 = arith.muli %arg1, %mul3A_68 : i32
    %run_scoped3A_70 = arith.constant 14 : i32
    %run_scoped3A_71 = arith.constant 14 : i32
    "tpu.region"() ({
      %run_scoped3A_154 = tpu.sem_alloc : memref<!tpu.dma_semaphore, #tpu.memory_space<semaphore_mem>>
      %dma_start3A = arith.constant 0 : i32
      %dma_start3A_155 = tpu.memref_slice %arg10[%run_scoped3A_71, %dma_start3A] : memref<16x640xf32, #tpu.memory_space<vmem>> -> memref<1x640xf32, #tpu.memory_space<vmem>>
      %dma_start3A_156 = tpu.memref_squeeze %dma_start3A_155 : memref<1x640xf32, #tpu.memory_space<vmem>> -> memref<640xf32, #tpu.memory_space<vmem>>
      %dma_start3A_157 = tpu.memref_slice %arg12[%run_scoped3A_70, %mul3A_69] : memref<16x10240xf32, #tpu.memory_space<vmem_shared>> -> memref<1x640xf32, #tpu.memory_space<vmem_shared>>
      %dma_start3A_158 = tpu.memref_squeeze %dma_start3A_157 : memref<1x640xf32, #tpu.memory_space<vmem_shared>> -> memref<640xf32, #tpu.memory_space<vmem_shared>>
      %dma_start3A_159 = arith.constant 0 : i32
      %dma_start3A_160 = tpu.memref_slice %arg10[%run_scoped3A_71, %dma_start3A_159] : memref<16x640xf32, #tpu.memory_space<vmem>> -> memref<1x640xf32, #tpu.memory_space<vmem>>
      %dma_start3A_161 = tpu.memref_squeeze %dma_start3A_160 : memref<1x640xf32, #tpu.memory_space<vmem>> -> memref<640xf32, #tpu.memory_space<vmem>>
      %dma_start3A_162 = tpu.memref_slice %arg12[%run_scoped3A_70, %mul3A_69] : memref<16x10240xf32, #tpu.memory_space<vmem_shared>> -> memref<1x640xf32, #tpu.memory_space<vmem_shared>>
      %dma_start3A_163 = tpu.memref_squeeze %dma_start3A_162 : memref<1x640xf32, #tpu.memory_space<vmem_shared>> -> memref<640xf32, #tpu.memory_space<vmem_shared>>
      tpu.enqueue_dma source(%dma_start3A_163 : memref<640xf32, #tpu.memory_space<vmem_shared>>) target(%dma_start3A_161 : memref<640xf32, #tpu.memory_space<vmem>>) target_semaphore(%run_scoped3A_154 : memref<!tpu.dma_semaphore, #tpu.memory_space<semaphore_mem>>)
      %dma_wait3A = arith.constant 0 : i32
      %dma_wait3A_164 = tpu.memref_slice %arg10[%run_scoped3A_71, %dma_wait3A] : memref<16x640xf32, #tpu.memory_space<vmem>> -> memref<1x640xf32, #tpu.memory_space<vmem>>
      %dma_wait3A_165 = tpu.memref_squeeze %dma_wait3A_164 : memref<1x640xf32, #tpu.memory_space<vmem>> -> memref<640xf32, #tpu.memory_space<vmem>>
      %dma_wait3A_166 = tpu.memref_slice %arg12[%run_scoped3A_70, %mul3A_69] : memref<16x10240xf32, #tpu.memory_space<vmem_shared>> -> memref<1x640xf32, #tpu.memory_space<vmem_shared>>
      %dma_wait3A_167 = tpu.memref_squeeze %dma_wait3A_166 : memref<1x640xf32, #tpu.memory_space<vmem_shared>> -> memref<640xf32, #tpu.memory_space<vmem_shared>>
      %dma_wait3A_168 = arith.constant 0 : i32
      %dma_wait3A_169 = tpu.memref_slice %arg10[%run_scoped3A_71, %dma_wait3A_168] : memref<16x640xf32, #tpu.memory_space<vmem>> -> memref<1x640xf32, #tpu.memory_space<vmem>>
      %dma_wait3A_170 = tpu.memref_squeeze %dma_wait3A_169 : memref<1x640xf32, #tpu.memory_space<vmem>> -> memref<640xf32, #tpu.memory_space<vmem>>
      %dma_wait3A_171 = tpu.memref_slice %arg12[%run_scoped3A_70, %mul3A_69] : memref<16x10240xf32, #tpu.memory_space<vmem_shared>> -> memref<1x640xf32, #tpu.memory_space<vmem_shared>>
      %dma_wait3A_172 = tpu.memref_squeeze %dma_wait3A_171 : memref<1x640xf32, #tpu.memory_space<vmem_shared>> -> memref<640xf32, #tpu.memory_space<vmem_shared>>
      tpu.wait_dma2 semaphore(%run_scoped3A_154 : memref<!tpu.dma_semaphore, #tpu.memory_space<semaphore_mem>>) src(%dma_wait3A_172 : memref<640xf32, #tpu.memory_space<vmem_shared>>) dst(%dma_wait3A_170 : memref<640xf32, #tpu.memory_space<vmem>>)
      tpu.yield
    }) : () -> ()
    %mul3A_72 = arith.constant 640 : i32
    %mul3A_73 = arith.muli %arg1, %mul3A_72 : i32
    %run_scoped3A_74 = arith.constant 15 : i32
    %run_scoped3A_75 = arith.constant 15 : i32
    "tpu.region"() ({
      %run_scoped3A_154 = tpu.sem_alloc : memref<!tpu.dma_semaphore, #tpu.memory_space<semaphore_mem>>
      %dma_start3A = arith.constant 0 : i32
      %dma_start3A_155 = tpu.memref_slice %arg10[%run_scoped3A_75, %dma_start3A] : memref<16x640xf32, #tpu.memory_space<vmem>> -> memref<1x640xf32, #tpu.memory_space<vmem>>
      %dma_start3A_156 = tpu.memref_squeeze %dma_start3A_155 : memref<1x640xf32, #tpu.memory_space<vmem>> -> memref<640xf32, #tpu.memory_space<vmem>>
      %dma_start3A_157 = tpu.memref_slice %arg12[%run_scoped3A_74, %mul3A_73] : memref<16x10240xf32, #tpu.memory_space<vmem_shared>> -> memref<1x640xf32, #tpu.memory_space<vmem_shared>>
      %dma_start3A_158 = tpu.memref_squeeze %dma_start3A_157 : memref<1x640xf32, #tpu.memory_space<vmem_shared>> -> memref<640xf32, #tpu.memory_space<vmem_shared>>
      %dma_start3A_159 = arith.constant 0 : i32
      %dma_start3A_160 = tpu.memref_slice %arg10[%run_scoped3A_75, %dma_start3A_159] : memref<16x640xf32, #tpu.memory_space<vmem>> -> memref<1x640xf32, #tpu.memory_space<vmem>>
      %dma_start3A_161 = tpu.memref_squeeze %dma_start3A_160 : memref<1x640xf32, #tpu.memory_space<vmem>> -> memref<640xf32, #tpu.memory_space<vmem>>
      %dma_start3A_162 = tpu.memref_slice %arg12[%run_scoped3A_74, %mul3A_73] : memref<16x10240xf32, #tpu.memory_space<vmem_shared>> -> memref<1x640xf32, #tpu.memory_space<vmem_shared>>
      %dma_start3A_163 = tpu.memref_squeeze %dma_start3A_162 : memref<1x640xf32, #tpu.memory_space<vmem_shared>> -> memref<640xf32, #tpu.memory_space<vmem_shared>>
      tpu.enqueue_dma source(%dma_start3A_163 : memref<640xf32, #tpu.memory_space<vmem_shared>>) target(%dma_start3A_161 : memref<640xf32, #tpu.memory_space<vmem>>) target_semaphore(%run_scoped3A_154 : memref<!tpu.dma_semaphore, #tpu.memory_space<semaphore_mem>>)
      %dma_wait3A = arith.constant 0 : i32
      %dma_wait3A_164 = tpu.memref_slice %arg10[%run_scoped3A_75, %dma_wait3A] : memref<16x640xf32, #tpu.memory_space<vmem>> -> memref<1x640xf32, #tpu.memory_space<vmem>>
      %dma_wait3A_165 = tpu.memref_squeeze %dma_wait3A_164 : memref<1x640xf32, #tpu.memory_space<vmem>> -> memref<640xf32, #tpu.memory_space<vmem>>
      %dma_wait3A_166 = tpu.memref_slice %arg12[%run_scoped3A_74, %mul3A_73] : memref<16x10240xf32, #tpu.memory_space<vmem_shared>> -> memref<1x640xf32, #tpu.memory_space<vmem_shared>>
      %dma_wait3A_167 = tpu.memref_squeeze %dma_wait3A_166 : memref<1x640xf32, #tpu.memory_space<vmem_shared>> -> memref<640xf32, #tpu.memory_space<vmem_shared>>
      %dma_wait3A_168 = arith.constant 0 : i32
      %dma_wait3A_169 = tpu.memref_slice %arg10[%run_scoped3A_75, %dma_wait3A_168] : memref<16x640xf32, #tpu.memory_space<vmem>> -> memref<1x640xf32, #tpu.memory_space<vmem>>
      %dma_wait3A_170 = tpu.memref_squeeze %dma_wait3A_169 : memref<1x640xf32, #tpu.memory_space<vmem>> -> memref<640xf32, #tpu.memory_space<vmem>>
      %dma_wait3A_171 = tpu.memref_slice %arg12[%run_scoped3A_74, %mul3A_73] : memref<16x10240xf32, #tpu.memory_space<vmem_shared>> -> memref<1x640xf32, #tpu.memory_space<vmem_shared>>
      %dma_wait3A_172 = tpu.memref_squeeze %dma_wait3A_171 : memref<1x640xf32, #tpu.memory_space<vmem_shared>> -> memref<640xf32, #tpu.memory_space<vmem_shared>>
      tpu.wait_dma2 semaphore(%run_scoped3A_154 : memref<!tpu.dma_semaphore, #tpu.memory_space<semaphore_mem>>) src(%dma_wait3A_172 : memref<640xf32, #tpu.memory_space<vmem_shared>>) dst(%dma_wait3A_170 : memref<640xf32, #tpu.memory_space<vmem>>)
      tpu.yield
    }) : () -> ()
    %scan3A_76 = arith.constant 0 : i32
    %scan3A_77 = arith.constant 40 : i32
    %scan3A_78 = arith.addi %scan3A_76, %scan3A_77 : i32
    %scan3A_79 = arith.constant 1 : i32
    scf.for %scan3A_154 = %scan3A_76 to %scan3A_78 step %scan3A_79  : i32 {
      %mul3A_155 = arith.constant 1 : i32
      %mul3A_156 = arith.muli %scan3A_154, %mul3A_155 : i32
      %add3A_157 = arith.constant 0 : i32
      %add3A_158 = arith.addi %add3A_157, %mul3A_156 : i32
      %mul3A_159 = arith.constant 16 : i32
      %mul3A_160 = arith.muli %add3A_158, %mul3A_159 : i32
      %get3A = arith.constant 0 : i32
      %get3A_161 = arith.index_cast %get3A : i32 to index
      %get3A_162 = arith.index_cast %mul3A_160 : i32 to index
      %get3A_163 = tpu.vector_load %arg10[%get3A_161, %get3A_162] {strides = array<i32>} : memref<16x640xf32, #tpu.memory_space<vmem>>, vector<16xf32>,
      %mul3A_164 = arith.constant 16 : i32
      %mul3A_165 = arith.muli %add3A_158, %mul3A_164 : i32
      %get3A_166 = arith.constant 1 : i32
      %get3A_167 = arith.index_cast %get3A_166 : i32 to index
      %get3A_168 = arith.index_cast %mul3A_165 : i32 to index
      %get3A_169 = tpu.vector_load %arg10[%get3A_167, %get3A_168] {strides = array<i32>} : memref<16x640xf32, #tpu.memory_space<vmem>>, vector<16xf32>,
      %add3A_170 = arith.addf %get3A_163, %get3A_169 : vector<16xf32>
      %mul3A_171 = arith.constant 16 : i32
      %mul3A_172 = arith.muli %add3A_158, %mul3A_171 : i32
      %get3A_173 = arith.constant 2 : i32
      %get3A_174 = arith.index_cast %get3A_173 : i32 to index
      %get3A_175 = arith.index_cast %mul3A_172 : i32 to index
      %get3A_176 = tpu.vector_load %arg10[%get3A_174, %get3A_175] {strides = array<i32>} : memref<16x640xf32, #tpu.memory_space<vmem>>, vector<16xf32>,
      %add3A_177 = arith.addf %add3A_170, %get3A_176 : vector<16xf32>
      %mul3A_178 = arith.constant 16 : i32
      %mul3A_179 = arith.muli %add3A_158, %mul3A_178 : i32
      %get3A_180 = arith.constant 3 : i32
      %get3A_181 = arith.index_cast %get3A_180 : i32 to index
      %get3A_182 = arith.index_cast %mul3A_179 : i32 to index
      %get3A_183 = tpu.vector_load %arg10[%get3A_181, %get3A_182] {strides = array<i32>} : memref<16x640xf32, #tpu.memory_space<vmem>>, vector<16xf32>,
      %add3A_184 = arith.addf %add3A_177, %get3A_183 : vector<16xf32>
      %mul3A_185 = arith.constant 16 : i32
      %mul3A_186 = arith.muli %add3A_158, %mul3A_185 : i32
      %get3A_187 = arith.constant 4 : i32
      %get3A_188 = arith.index_cast %get3A_187 : i32 to index
      %get3A_189 = arith.index_cast %mul3A_186 : i32 to index
      %get3A_190 = tpu.vector_load %arg10[%get3A_188, %get3A_189] {strides = array<i32>} : memref<16x640xf32, #tpu.memory_space<vmem>>, vector<16xf32>,
      %add3A_191 = arith.addf %add3A_184, %get3A_190 : vector<16xf32>
      %mul3A_192 = arith.constant 16 : i32
      %mul3A_193 = arith.muli %add3A_158, %mul3A_192 : i32
      %get3A_194 = arith.constant 5 : i32
      %get3A_195 = arith.index_cast %get3A_194 : i32 to index
      %get3A_196 = arith.index_cast %mul3A_193 : i32 to index
      %get3A_197 = tpu.vector_load %arg10[%get3A_195, %get3A_196] {strides = array<i32>} : memref<16x640xf32, #tpu.memory_space<vmem>>, vector<16xf32>,
      %add3A_198 = arith.addf %add3A_191, %get3A_197 : vector<16xf32>
      %mul3A_199 = arith.constant 16 : i32
      %mul3A_200 = arith.muli %add3A_158, %mul3A_199 : i32
      %get3A_201 = arith.constant 6 : i32
      %get3A_202 = arith.index_cast %get3A_201 : i32 to index
      %get3A_203 = arith.index_cast %mul3A_200 : i32 to index
      %get3A_204 = tpu.vector_load %arg10[%get3A_202, %get3A_203] {strides = array<i32>} : memref<16x640xf32, #tpu.memory_space<vmem>>, vector<16xf32>,
      %add3A_205 = arith.addf %add3A_198, %get3A_204 : vector<16xf32>
      %mul3A_206 = arith.constant 16 : i32
      %mul3A_207 = arith.muli %add3A_158, %mul3A_206 : i32
      %get3A_208 = arith.constant 7 : i32
      %get3A_209 = arith.index_cast %get3A_208 : i32 to index
      %get3A_210 = arith.index_cast %mul3A_207 : i32 to index
      %get3A_211 = tpu.vector_load %arg10[%get3A_209, %get3A_210] {strides = array<i32>} : memref<16x640xf32, #tpu.memory_space<vmem>>, vector<16xf32>,
      %add3A_212 = arith.addf %add3A_205, %get3A_211 : vector<16xf32>
      %mul3A_213 = arith.constant 16 : i32
      %mul3A_214 = arith.muli %add3A_158, %mul3A_213 : i32
      %get3A_215 = arith.constant 8 : i32
      %get3A_216 = arith.index_cast %get3A_215 : i32 to index
      %get3A_217 = arith.index_cast %mul3A_214 : i32 to index
      %get3A_218 = tpu.vector_load %arg10[%get3A_216, %get3A_217] {strides = array<i32>} : memref<16x640xf32, #tpu.memory_space<vmem>>, vector<16xf32>,
      %add3A_219 = arith.addf %add3A_212, %get3A_218 : vector<16xf32>
      %mul3A_220 = arith.constant 16 : i32
      %mul3A_221 = arith.muli %add3A_158, %mul3A_220 : i32
      %get3A_222 = arith.constant 9 : i32
      %get3A_223 = arith.index_cast %get3A_222 : i32 to index
      %get3A_224 = arith.index_cast %mul3A_221 : i32 to index
      %get3A_225 = tpu.vector_load %arg10[%get3A_223, %get3A_224] {strides = array<i32>} : memref<16x640xf32, #tpu.memory_space<vmem>>, vector<16xf32>,
      %add3A_226 = arith.addf %add3A_219, %get3A_225 : vector<16xf32>
      %mul3A_227 = arith.constant 16 : i32
      %mul3A_228 = arith.muli %add3A_158, %mul3A_227 : i32
      %get3A_229 = arith.constant 10 : i32
      %get3A_230 = arith.index_cast %get3A_229 : i32 to index
      %get3A_231 = arith.index_cast %mul3A_228 : i32 to index
      %get3A_232 = tpu.vector_load %arg10[%get3A_230, %get3A_231] {strides = array<i32>} : memref<16x640xf32, #tpu.memory_space<vmem>>, vector<16xf32>,
      %add3A_233 = arith.addf %add3A_226, %get3A_232 : vector<16xf32>
      %mul3A_234 = arith.constant 16 : i32
      %mul3A_235 = arith.muli %add3A_158, %mul3A_234 : i32
      %get3A_236 = arith.constant 11 : i32
      %get3A_237 = arith.index_cast %get3A_236 : i32 to index
      %get3A_238 = arith.index_cast %mul3A_235 : i32 to index
      %get3A_239 = tpu.vector_load %arg10[%get3A_237, %get3A_238] {strides = array<i32>} : memref<16x640xf32, #tpu.memory_space<vmem>>, vector<16xf32>,
      %add3A_240 = arith.addf %add3A_233, %get3A_239 : vector<16xf32>
      %mul3A_241 = arith.constant 16 : i32
      %mul3A_242 = arith.muli %add3A_158, %mul3A_241 : i32
      %get3A_243 = arith.constant 12 : i32
      %get3A_244 = arith.index_cast %get3A_243 : i32 to index
      %get3A_245 = arith.index_cast %mul3A_242 : i32 to index
      %get3A_246 = tpu.vector_load %arg10[%get3A_244, %get3A_245] {strides = array<i32>} : memref<16x640xf32, #tpu.memory_space<vmem>>, vector<16xf32>,
      %add3A_247 = arith.addf %add3A_240, %get3A_246 : vector<16xf32>
      %mul3A_248 = arith.constant 16 : i32
      %mul3A_249 = arith.muli %add3A_158, %mul3A_248 : i32
      %get3A_250 = arith.constant 13 : i32
      %get3A_251 = arith.index_cast %get3A_250 : i32 to index
      %get3A_252 = arith.index_cast %mul3A_249 : i32 to index
      %get3A_253 = tpu.vector_load %arg10[%get3A_251, %get3A_252] {strides = array<i32>} : memref<16x640xf32, #tpu.memory_space<vmem>>, vector<16xf32>,
      %add3A_254 = arith.addf %add3A_247, %get3A_253 : vector<16xf32>
      %mul3A_255 = arith.constant 16 : i32
      %mul3A_256 = arith.muli %add3A_158, %mul3A_255 : i32
      %get3A_257 = arith.constant 14 : i32
      %get3A_258 = arith.index_cast %get3A_257 : i32 to index
      %get3A_259 = arith.index_cast %mul3A_256 : i32 to index
      %get3A_260 = tpu.vector_load %arg10[%get3A_258, %get3A_259] {strides = array<i32>} : memref<16x640xf32, #tpu.memory_space<vmem>>, vector<16xf32>,
      %add3A_261 = arith.addf %add3A_254, %get3A_260 : vector<16xf32>
      %mul3A_262 = arith.constant 16 : i32
      %mul3A_263 = arith.muli %add3A_158, %mul3A_262 : i32
      %get3A_264 = arith.constant 15 : i32
      %get3A_265 = arith.index_cast %get3A_264 : i32 to index
      %get3A_266 = arith.index_cast %mul3A_263 : i32 to index
      %get3A_267 = tpu.vector_load %arg10[%get3A_265, %get3A_266] {strides = array<i32>} : memref<16x640xf32, #tpu.memory_space<vmem>>, vector<16xf32>,
      %add3A_268 = arith.addf %add3A_261, %get3A_267 : vector<16xf32>
      %mul3A_269 = arith.constant 16 : i32
      %mul3A_270 = arith.muli %add3A_158, %mul3A_269 : i32
      %swap3A = arith.index_cast %mul3A_270 : i32 to index
      %swap3A_271 = tpu.vector_load %arg11[%swap3A] {strides = array<i32>} : memref<640xf32, #tpu.memory_space<vmem>>, vector<16xf32>,
      tpu.vector_store %arg11[%swap3A], %add3A_268 {strides = array<i32>} : memref<640xf32, #tpu.memory_space<vmem>>, vector<16xf32>,
    }
    %scan3A_80 = arith.constant 40 : i32
    %mul3A_81 = arith.constant 640 : i32
    %mul3A_82 = arith.muli %arg1, %mul3A_81 : i32
    "tpu.region"() ({
      %run_scoped3A_154 = tpu.sem_alloc : memref<!tpu.dma_semaphore, #tpu.memory_space<semaphore_mem>>
      %dma_start3A = tpu.memref_slice %arg4[%arg0, %mul3A_82] : memref<2x10240xf32, #tpu.memory_space<hbm>> -> memref<1x640xf32, #tpu.memory_space<hbm>>
      %dma_start3A_155 = tpu.memref_squeeze %dma_start3A : memref<1x640xf32, #tpu.memory_space<hbm>> -> memref<640xf32, #tpu.memory_space<hbm>>
      %dma_start3A_156 = tpu.memref_slice %arg4[%arg0, %mul3A_82] : memref<2x10240xf32, #tpu.memory_space<hbm>> -> memref<1x640xf32, #tpu.memory_space<hbm>>
      %dma_start3A_157 = tpu.memref_squeeze %dma_start3A_156 : memref<1x640xf32, #tpu.memory_space<hbm>> -> memref<640xf32, #tpu.memory_space<hbm>>
      tpu.enqueue_dma source(%arg11 : memref<640xf32, #tpu.memory_space<vmem>>) target(%dma_start3A_157 : memref<640xf32, #tpu.memory_space<hbm>>) target_semaphore(%run_scoped3A_154 : memref<!tpu.dma_semaphore, #tpu.memory_space<semaphore_mem>>)
      %dma_wait3A = tpu.memref_slice %arg4[%arg0, %mul3A_82] : memref<2x10240xf32, #tpu.memory_space<hbm>> -> memref<1x640xf32, #tpu.memory_space<hbm>>
      %dma_wait3A_158 = tpu.memref_squeeze %dma_wait3A : memref<1x640xf32, #tpu.memory_space<hbm>> -> memref<640xf32, #tpu.memory_space<hbm>>
      %dma_wait3A_159 = tpu.memref_slice %arg4[%arg0, %mul3A_82] : memref<2x10240xf32, #tpu.memory_space<hbm>> -> memref<1x640xf32, #tpu.memory_space<hbm>>
      %dma_wait3A_160 = tpu.memref_squeeze %dma_wait3A_159 : memref<1x640xf32, #tpu.memory_space<hbm>> -> memref<640xf32, #tpu.memory_space<hbm>>
      tpu.wait_dma2 semaphore(%run_scoped3A_154 : memref<!tpu.dma_semaphore, #tpu.memory_space<semaphore_mem>>) src(%arg11 : memref<640xf32, #tpu.memory_space<vmem>>) dst(%dma_wait3A_160 : memref<640xf32, #tpu.memory_space<hbm>>)
      tpu.yield
    }) : () -> ()
    %mul3A_83 = arith.constant 640 : i32
    %mul3A_84 = arith.muli %arg1, %mul3A_83 : i32
    %run_scoped3A_85 = arith.constant 0 : i32
    %run_scoped3A_86 = arith.constant 0 : i32
    "tpu.region"() ({
      %run_scoped3A_154 = tpu.sem_alloc : memref<!tpu.dma_semaphore, #tpu.memory_space<semaphore_mem>>
      %dma_start3A = arith.constant 0 : i32
      %dma_start3A_155 = tpu.memref_slice %arg10[%run_scoped3A_86, %dma_start3A] : memref<16x640xf32, #tpu.memory_space<vmem>> -> memref<1x640xf32, #tpu.memory_space<vmem>>
      %dma_start3A_156 = tpu.memref_squeeze %dma_start3A_155 : memref<1x640xf32, #tpu.memory_space<vmem>> -> memref<640xf32, #tpu.memory_space<vmem>>
      %dma_start3A_157 = tpu.memref_slice %arg13[%run_scoped3A_85, %mul3A_84] : memref<16x10240xf32, #tpu.memory_space<vmem_shared>> -> memref<1x640xf32, #tpu.memory_space<vmem_shared>>
      %dma_start3A_158 = tpu.memref_squeeze %dma_start3A_157 : memref<1x640xf32, #tpu.memory_space<vmem_shared>> -> memref<640xf32, #tpu.memory_space<vmem_shared>>
      %dma_start3A_159 = arith.constant 0 : i32
      %dma_start3A_160 = tpu.memref_slice %arg10[%run_scoped3A_86, %dma_start3A_159] : memref<16x640xf32, #tpu.memory_space<vmem>> -> memref<1x640xf32, #tpu.memory_space<vmem>>
      %dma_start3A_161 = tpu.memref_squeeze %dma_start3A_160 : memref<1x640xf32, #tpu.memory_space<vmem>> -> memref<640xf32, #tpu.memory_space<vmem>>
      %dma_start3A_162 = tpu.memref_slice %arg13[%run_scoped3A_85, %mul3A_84] : memref<16x10240xf32, #tpu.memory_space<vmem_shared>> -> memref<1x640xf32, #tpu.memory_space<vmem_shared>>
      %dma_start3A_163 = tpu.memref_squeeze %dma_start3A_162 : memref<1x640xf32, #tpu.memory_space<vmem_shared>> -> memref<640xf32, #tpu.memory_space<vmem_shared>>
      tpu.enqueue_dma source(%dma_start3A_163 : memref<640xf32, #tpu.memory_space<vmem_shared>>) target(%dma_start3A_161 : memref<640xf32, #tpu.memory_space<vmem>>) target_semaphore(%run_scoped3A_154 : memref<!tpu.dma_semaphore, #tpu.memory_space<semaphore_mem>>)
      %dma_wait3A = arith.constant 0 : i32
      %dma_wait3A_164 = tpu.memref_slice %arg10[%run_scoped3A_86, %dma_wait3A] : memref<16x640xf32, #tpu.memory_space<vmem>> -> memref<1x640xf32, #tpu.memory_space<vmem>>
      %dma_wait3A_165 = tpu.memref_squeeze %dma_wait3A_164 : memref<1x640xf32, #tpu.memory_space<vmem>> -> memref<640xf32, #tpu.memory_space<vmem>>
      %dma_wait3A_166 = tpu.memref_slice %arg13[%run_scoped3A_85, %mul3A_84] : memref<16x10240xf32, #tpu.memory_space<vmem_shared>> -> memref<1x640xf32, #tpu.memory_space<vmem_shared>>
      %dma_wait3A_167 = tpu.memref_squeeze %dma_wait3A_166 : memref<1x640xf32, #tpu.memory_space<vmem_shared>> -> memref<640xf32, #tpu.memory_space<vmem_shared>>
      %dma_wait3A_168 = arith.constant 0 : i32
      %dma_wait3A_169 = tpu.memref_slice %arg10[%run_scoped3A_86, %dma_wait3A_168] : memref<16x640xf32, #tpu.memory_space<vmem>> -> memref<1x640xf32, #tpu.memory_space<vmem>>
      %dma_wait3A_170 = tpu.memref_squeeze %dma_wait3A_169 : memref<1x640xf32, #tpu.memory_space<vmem>> -> memref<640xf32, #tpu.memory_space<vmem>>
      %dma_wait3A_171 = tpu.memref_slice %arg13[%run_scoped3A_85, %mul3A_84] : memref<16x10240xf32, #tpu.memory_space<vmem_shared>> -> memref<1x640xf32, #tpu.memory_space<vmem_shared>>
      %dma_wait3A_172 = tpu.memref_squeeze %dma_wait3A_171 : memref<1x640xf32, #tpu.memory_space<vmem_shared>> -> memref<640xf32, #tpu.memory_space<vmem_shared>>
      tpu.wait_dma2 semaphore(%run_scoped3A_154 : memref<!tpu.dma_semaphore, #tpu.memory_space<semaphore_mem>>) src(%dma_wait3A_172 : memref<640xf32, #tpu.memory_space<vmem_shared>>) dst(%dma_wait3A_170 : memref<640xf32, #tpu.memory_space<vmem>>)
      tpu.yield
    }) : () -> ()
    %mul3A_87 = arith.constant 640 : i32
    %mul3A_88 = arith.muli %arg1, %mul3A_87 : i32
    %run_scoped3A_89 = arith.constant 1 : i32
    %run_scoped3A_90 = arith.constant 1 : i32
    "tpu.region"() ({
      %run_scoped3A_154 = tpu.sem_alloc : memref<!tpu.dma_semaphore, #tpu.memory_space<semaphore_mem>>
      %dma_start3A = arith.constant 0 : i32
      %dma_start3A_155 = tpu.memref_slice %arg10[%run_scoped3A_90, %dma_start3A] : memref<16x640xf32, #tpu.memory_space<vmem>> -> memref<1x640xf32, #tpu.memory_space<vmem>>
      %dma_start3A_156 = tpu.memref_squeeze %dma_start3A_155 : memref<1x640xf32, #tpu.memory_space<vmem>> -> memref<640xf32, #tpu.memory_space<vmem>>
      %dma_start3A_157 = tpu.memref_slice %arg13[%run_scoped3A_89, %mul3A_88] : memref<16x10240xf32, #tpu.memory_space<vmem_shared>> -> memref<1x640xf32, #tpu.memory_space<vmem_shared>>
      %dma_start3A_158 = tpu.memref_squeeze %dma_start3A_157 : memref<1x640xf32, #tpu.memory_space<vmem_shared>> -> memref<640xf32, #tpu.memory_space<vmem_shared>>
      %dma_start3A_159 = arith.constant 0 : i32
      %dma_start3A_160 = tpu.memref_slice %arg10[%run_scoped3A_90, %dma_start3A_159] : memref<16x640xf32, #tpu.memory_space<vmem>> -> memref<1x640xf32, #tpu.memory_space<vmem>>
      %dma_start3A_161 = tpu.memref_squeeze %dma_start3A_160 : memref<1x640xf32, #tpu.memory_space<vmem>> -> memref<640xf32, #tpu.memory_space<vmem>>
      %dma_start3A_162 = tpu.memref_slice %arg13[%run_scoped3A_89, %mul3A_88] : memref<16x10240xf32, #tpu.memory_space<vmem_shared>> -> memref<1x640xf32, #tpu.memory_space<vmem_shared>>
      %dma_start3A_163 = tpu.memref_squeeze %dma_start3A_162 : memref<1x640xf32, #tpu.memory_space<vmem_shared>> -> memref<640xf32, #tpu.memory_space<vmem_shared>>
      tpu.enqueue_dma source(%dma_start3A_163 : memref<640xf32, #tpu.memory_space<vmem_shared>>) target(%dma_start3A_161 : memref<640xf32, #tpu.memory_space<vmem>>) target_semaphore(%run_scoped3A_154 : memref<!tpu.dma_semaphore, #tpu.memory_space<semaphore_mem>>)
      %dma_wait3A = arith.constant 0 : i32
      %dma_wait3A_164 = tpu.memref_slice %arg10[%run_scoped3A_90, %dma_wait3A] : memref<16x640xf32, #tpu.memory_space<vmem>> -> memref<1x640xf32, #tpu.memory_space<vmem>>
      %dma_wait3A_165 = tpu.memref_squeeze %dma_wait3A_164 : memref<1x640xf32, #tpu.memory_space<vmem>> -> memref<640xf32, #tpu.memory_space<vmem>>
      %dma_wait3A_166 = tpu.memref_slice %arg13[%run_scoped3A_89, %mul3A_88] : memref<16x10240xf32, #tpu.memory_space<vmem_shared>> -> memref<1x640xf32, #tpu.memory_space<vmem_shared>>
      %dma_wait3A_167 = tpu.memref_squeeze %dma_wait3A_166 : memref<1x640xf32, #tpu.memory_space<vmem_shared>> -> memref<640xf32, #tpu.memory_space<vmem_shared>>
      %dma_wait3A_168 = arith.constant 0 : i32
      %dma_wait3A_169 = tpu.memref_slice %arg10[%run_scoped3A_90, %dma_wait3A_168] : memref<16x640xf32, #tpu.memory_space<vmem>> -> memref<1x640xf32, #tpu.memory_space<vmem>>
      %dma_wait3A_170 = tpu.memref_squeeze %dma_wait3A_169 : memref<1x640xf32, #tpu.memory_space<vmem>> -> memref<640xf32, #tpu.memory_space<vmem>>
      %dma_wait3A_171 = tpu.memref_slice %arg13[%run_scoped3A_89, %mul3A_88] : memref<16x10240xf32, #tpu.memory_space<vmem_shared>> -> memref<1x640xf32, #tpu.memory_space<vmem_shared>>
      %dma_wait3A_172 = tpu.memref_squeeze %dma_wait3A_171 : memref<1x640xf32, #tpu.memory_space<vmem_shared>> -> memref<640xf32, #tpu.memory_space<vmem_shared>>
      tpu.wait_dma2 semaphore(%run_scoped3A_154 : memref<!tpu.dma_semaphore, #tpu.memory_space<semaphore_mem>>) src(%dma_wait3A_172 : memref<640xf32, #tpu.memory_space<vmem_shared>>) dst(%dma_wait3A_170 : memref<640xf32, #tpu.memory_space<vmem>>)
      tpu.yield
    }) : () -> ()
    %mul3A_91 = arith.constant 640 : i32
    %mul3A_92 = arith.muli %arg1, %mul3A_91 : i32
    %run_scoped3A_93 = arith.constant 2 : i32
    %run_scoped3A_94 = arith.constant 2 : i32
    "tpu.region"() ({
      %run_scoped3A_154 = tpu.sem_alloc : memref<!tpu.dma_semaphore, #tpu.memory_space<semaphore_mem>>
      %dma_start3A = arith.constant 0 : i32
      %dma_start3A_155 = tpu.memref_slice %arg10[%run_scoped3A_94, %dma_start3A] : memref<16x640xf32, #tpu.memory_space<vmem>> -> memref<1x640xf32, #tpu.memory_space<vmem>>
      %dma_start3A_156 = tpu.memref_squeeze %dma_start3A_155 : memref<1x640xf32, #tpu.memory_space<vmem>> -> memref<640xf32, #tpu.memory_space<vmem>>
      %dma_start3A_157 = tpu.memref_slice %arg13[%run_scoped3A_93, %mul3A_92] : memref<16x10240xf32, #tpu.memory_space<vmem_shared>> -> memref<1x640xf32, #tpu.memory_space<vmem_shared>>
      %dma_start3A_158 = tpu.memref_squeeze %dma_start3A_157 : memref<1x640xf32, #tpu.memory_space<vmem_shared>> -> memref<640xf32, #tpu.memory_space<vmem_shared>>
      %dma_start3A_159 = arith.constant 0 : i32
      %dma_start3A_160 = tpu.memref_slice %arg10[%run_scoped3A_94, %dma_start3A_159] : memref<16x640xf32, #tpu.memory_space<vmem>> -> memref<1x640xf32, #tpu.memory_space<vmem>>
      %dma_start3A_161 = tpu.memref_squeeze %dma_start3A_160 : memref<1x640xf32, #tpu.memory_space<vmem>> -> memref<640xf32, #tpu.memory_space<vmem>>
      %dma_start3A_162 = tpu.memref_slice %arg13[%run_scoped3A_93, %mul3A_92] : memref<16x10240xf32, #tpu.memory_space<vmem_shared>> -> memref<1x640xf32, #tpu.memory_space<vmem_shared>>
      %dma_start3A_163 = tpu.memref_squeeze %dma_start3A_162 : memref<1x640xf32, #tpu.memory_space<vmem_shared>> -> memref<640xf32, #tpu.memory_space<vmem_shared>>
      tpu.enqueue_dma source(%dma_start3A_163 : memref<640xf32, #tpu.memory_space<vmem_shared>>) target(%dma_start3A_161 : memref<640xf32, #tpu.memory_space<vmem>>) target_semaphore(%run_scoped3A_154 : memref<!tpu.dma_semaphore, #tpu.memory_space<semaphore_mem>>)
      %dma_wait3A = arith.constant 0 : i32
      %dma_wait3A_164 = tpu.memref_slice %arg10[%run_scoped3A_94, %dma_wait3A] : memref<16x640xf32, #tpu.memory_space<vmem>> -> memref<1x640xf32, #tpu.memory_space<vmem>>
      %dma_wait3A_165 = tpu.memref_squeeze %dma_wait3A_164 : memref<1x640xf32, #tpu.memory_space<vmem>> -> memref<640xf32, #tpu.memory_space<vmem>>
      %dma_wait3A_166 = tpu.memref_slice %arg13[%run_scoped3A_93, %mul3A_92] : memref<16x10240xf32, #tpu.memory_space<vmem_shared>> -> memref<1x640xf32, #tpu.memory_space<vmem_shared>>
      %dma_wait3A_167 = tpu.memref_squeeze %dma_wait3A_166 : memref<1x640xf32, #tpu.memory_space<vmem_shared>> -> memref<640xf32, #tpu.memory_space<vmem_shared>>
      %dma_wait3A_168 = arith.constant 0 : i32
      %dma_wait3A_169 = tpu.memref_slice %arg10[%run_scoped3A_94, %dma_wait3A_168] : memref<16x640xf32, #tpu.memory_space<vmem>> -> memref<1x640xf32, #tpu.memory_space<vmem>>
      %dma_wait3A_170 = tpu.memref_squeeze %dma_wait3A_169 : memref<1x640xf32, #tpu.memory_space<vmem>> -> memref<640xf32, #tpu.memory_space<vmem>>
      %dma_wait3A_171 = tpu.memref_slice %arg13[%run_scoped3A_93, %mul3A_92] : memref<16x10240xf32, #tpu.memory_space<vmem_shared>> -> memref<1x640xf32, #tpu.memory_space<vmem_shared>>
      %dma_wait3A_172 = tpu.memref_squeeze %dma_wait3A_171 : memref<1x640xf32, #tpu.memory_space<vmem_shared>> -> memref<640xf32, #tpu.memory_space<vmem_shared>>
      tpu.wait_dma2 semaphore(%run_scoped3A_154 : memref<!tpu.dma_semaphore, #tpu.memory_space<semaphore_mem>>) src(%dma_wait3A_172 : memref<640xf32, #tpu.memory_space<vmem_shared>>) dst(%dma_wait3A_170 : memref<640xf32, #tpu.memory_space<vmem>>)
      tpu.yield
    }) : () -> ()
    %mul3A_95 = arith.constant 640 : i32
    %mul3A_96 = arith.muli %arg1, %mul3A_95 : i32
    %run_scoped3A_97 = arith.constant 3 : i32
    %run_scoped3A_98 = arith.constant 3 : i32
    "tpu.region"() ({
      %run_scoped3A_154 = tpu.sem_alloc : memref<!tpu.dma_semaphore, #tpu.memory_space<semaphore_mem>>
      %dma_start3A = arith.constant 0 : i32
      %dma_start3A_155 = tpu.memref_slice %arg10[%run_scoped3A_98, %dma_start3A] : memref<16x640xf32, #tpu.memory_space<vmem>> -> memref<1x640xf32, #tpu.memory_space<vmem>>
      %dma_start3A_156 = tpu.memref_squeeze %dma_start3A_155 : memref<1x640xf32, #tpu.memory_space<vmem>> -> memref<640xf32, #tpu.memory_space<vmem>>
      %dma_start3A_157 = tpu.memref_slice %arg13[%run_scoped3A_97, %mul3A_96] : memref<16x10240xf32, #tpu.memory_space<vmem_shared>> -> memref<1x640xf32, #tpu.memory_space<vmem_shared>>
      %dma_start3A_158 = tpu.memref_squeeze %dma_start3A_157 : memref<1x640xf32, #tpu.memory_space<vmem_shared>> -> memref<640xf32, #tpu.memory_space<vmem_shared>>
      %dma_start3A_159 = arith.constant 0 : i32
      %dma_start3A_160 = tpu.memref_slice %arg10[%run_scoped3A_98, %dma_start3A_159] : memref<16x640xf32, #tpu.memory_space<vmem>> -> memref<1x640xf32, #tpu.memory_space<vmem>>
      %dma_start3A_161 = tpu.memref_squeeze %dma_start3A_160 : memref<1x640xf32, #tpu.memory_space<vmem>> -> memref<640xf32, #tpu.memory_space<vmem>>
      %dma_start3A_162 = tpu.memref_slice %arg13[%run_scoped3A_97, %mul3A_96] : memref<16x10240xf32, #tpu.memory_space<vmem_shared>> -> memref<1x640xf32, #tpu.memory_space<vmem_shared>>
      %dma_start3A_163 = tpu.memref_squeeze %dma_start3A_162 : memref<1x640xf32, #tpu.memory_space<vmem_shared>> -> memref<640xf32, #tpu.memory_space<vmem_shared>>
      tpu.enqueue_dma source(%dma_start3A_163 : memref<640xf32, #tpu.memory_space<vmem_shared>>) target(%dma_start3A_161 : memref<640xf32, #tpu.memory_space<vmem>>) target_semaphore(%run_scoped3A_154 : memref<!tpu.dma_semaphore, #tpu.memory_space<semaphore_mem>>)
      %dma_wait3A = arith.constant 0 : i32
      %dma_wait3A_164 = tpu.memref_slice %arg10[%run_scoped3A_98, %dma_wait3A] : memref<16x640xf32, #tpu.memory_space<vmem>> -> memref<1x640xf32, #tpu.memory_space<vmem>>
      %dma_wait3A_165 = tpu.memref_squeeze %dma_wait3A_164 : memref<1x640xf32, #tpu.memory_space<vmem>> -> memref<640xf32, #tpu.memory_space<vmem>>
      %dma_wait3A_166 = tpu.memref_slice %arg13[%run_scoped3A_97, %mul3A_96] : memref<16x10240xf32, #tpu.memory_space<vmem_shared>> -> memref<1x640xf32, #tpu.memory_space<vmem_shared>>
      %dma_wait3A_167 = tpu.memref_squeeze %dma_wait3A_166 : memref<1x640xf32, #tpu.memory_space<vmem_shared>> -> memref<640xf32, #tpu.memory_space<vmem_shared>>
      %dma_wait3A_168 = arith.constant 0 : i32
      %dma_wait3A_169 = tpu.memref_slice %arg10[%run_scoped3A_98, %dma_wait3A_168] : memref<16x640xf32, #tpu.memory_space<vmem>> -> memref<1x640xf32, #tpu.memory_space<vmem>>
      %dma_wait3A_170 = tpu.memref_squeeze %dma_wait3A_169 : memref<1x640xf32, #tpu.memory_space<vmem>> -> memref<640xf32, #tpu.memory_space<vmem>>
      %dma_wait3A_171 = tpu.memref_slice %arg13[%run_scoped3A_97, %mul3A_96] : memref<16x10240xf32, #tpu.memory_space<vmem_shared>> -> memref<1x640xf32, #tpu.memory_space<vmem_shared>>
      %dma_wait3A_172 = tpu.memref_squeeze %dma_wait3A_171 : memref<1x640xf32, #tpu.memory_space<vmem_shared>> -> memref<640xf32, #tpu.memory_space<vmem_shared>>
      tpu.wait_dma2 semaphore(%run_scoped3A_154 : memref<!tpu.dma_semaphore, #tpu.memory_space<semaphore_mem>>) src(%dma_wait3A_172 : memref<640xf32, #tpu.memory_space<vmem_shared>>) dst(%dma_wait3A_170 : memref<640xf32, #tpu.memory_space<vmem>>)
      tpu.yield
    }) : () -> ()
    %mul3A_99 = arith.constant 640 : i32
    %mul3A_100 = arith.muli %arg1, %mul3A_99 : i32
    %run_scoped3A_101 = arith.constant 4 : i32
    %run_scoped3A_102 = arith.constant 4 : i32
    "tpu.region"() ({
      %run_scoped3A_154 = tpu.sem_alloc : memref<!tpu.dma_semaphore, #tpu.memory_space<semaphore_mem>>
      %dma_start3A = arith.constant 0 : i32
      %dma_start3A_155 = tpu.memref_slice %arg10[%run_scoped3A_102, %dma_start3A] : memref<16x640xf32, #tpu.memory_space<vmem>> -> memref<1x640xf32, #tpu.memory_space<vmem>>
      %dma_start3A_156 = tpu.memref_squeeze %dma_start3A_155 : memref<1x640xf32, #tpu.memory_space<vmem>> -> memref<640xf32, #tpu.memory_space<vmem>>
      %dma_start3A_157 = tpu.memref_slice %arg13[%run_scoped3A_101, %mul3A_100] : memref<16x10240xf32, #tpu.memory_space<vmem_shared>> -> memref<1x640xf32, #tpu.memory_space<vmem_shared>>
      %dma_start3A_158 = tpu.memref_squeeze %dma_start3A_157 : memref<1x640xf32, #tpu.memory_space<vmem_shared>> -> memref<640xf32, #tpu.memory_space<vmem_shared>>
      %dma_start3A_159 = arith.constant 0 : i32
      %dma_start3A_160 = tpu.memref_slice %arg10[%run_scoped3A_102, %dma_start3A_159] : memref<16x640xf32, #tpu.memory_space<vmem>> -> memref<1x640xf32, #tpu.memory_space<vmem>>
      %dma_start3A_161 = tpu.memref_squeeze %dma_start3A_160 : memref<1x640xf32, #tpu.memory_space<vmem>> -> memref<640xf32, #tpu.memory_space<vmem>>
      %dma_start3A_162 = tpu.memref_slice %arg13[%run_scoped3A_101, %mul3A_100] : memref<16x10240xf32, #tpu.memory_space<vmem_shared>> -> memref<1x640xf32, #tpu.memory_space<vmem_shared>>
      %dma_start3A_163 = tpu.memref_squeeze %dma_start3A_162 : memref<1x640xf32, #tpu.memory_space<vmem_shared>> -> memref<640xf32, #tpu.memory_space<vmem_shared>>
      tpu.enqueue_dma source(%dma_start3A_163 : memref<640xf32, #tpu.memory_space<vmem_shared>>) target(%dma_start3A_161 : memref<640xf32, #tpu.memory_space<vmem>>) target_semaphore(%run_scoped3A_154 : memref<!tpu.dma_semaphore, #tpu.memory_space<semaphore_mem>>)
      %dma_wait3A = arith.constant 0 : i32
      %dma_wait3A_164 = tpu.memref_slice %arg10[%run_scoped3A_102, %dma_wait3A] : memref<16x640xf32, #tpu.memory_space<vmem>> -> memref<1x640xf32, #tpu.memory_space<vmem>>
      %dma_wait3A_165 = tpu.memref_squeeze %dma_wait3A_164 : memref<1x640xf32, #tpu.memory_space<vmem>> -> memref<640xf32, #tpu.memory_space<vmem>>
      %dma_wait3A_166 = tpu.memref_slice %arg13[%run_scoped3A_101, %mul3A_100] : memref<16x10240xf32, #tpu.memory_space<vmem_shared>> -> memref<1x640xf32, #tpu.memory_space<vmem_shared>>
      %dma_wait3A_167 = tpu.memref_squeeze %dma_wait3A_166 : memref<1x640xf32, #tpu.memory_space<vmem_shared>> -> memref<640xf32, #tpu.memory_space<vmem_shared>>
      %dma_wait3A_168 = arith.constant 0 : i32
      %dma_wait3A_169 = tpu.memref_slice %arg10[%run_scoped3A_102, %dma_wait3A_168] : memref<16x640xf32, #tpu.memory_space<vmem>> -> memref<1x640xf32, #tpu.memory_space<vmem>>
      %dma_wait3A_170 = tpu.memref_squeeze %dma_wait3A_169 : memref<1x640xf32, #tpu.memory_space<vmem>> -> memref<640xf32, #tpu.memory_space<vmem>>
      %dma_wait3A_171 = tpu.memref_slice %arg13[%run_scoped3A_101, %mul3A_100] : memref<16x10240xf32, #tpu.memory_space<vmem_shared>> -> memref<1x640xf32, #tpu.memory_space<vmem_shared>>
      %dma_wait3A_172 = tpu.memref_squeeze %dma_wait3A_171 : memref<1x640xf32, #tpu.memory_space<vmem_shared>> -> memref<640xf32, #tpu.memory_space<vmem_shared>>
      tpu.wait_dma2 semaphore(%run_scoped3A_154 : memref<!tpu.dma_semaphore, #tpu.memory_space<semaphore_mem>>) src(%dma_wait3A_172 : memref<640xf32, #tpu.memory_space<vmem_shared>>) dst(%dma_wait3A_170 : memref<640xf32, #tpu.memory_space<vmem>>)
      tpu.yield
    }) : () -> ()
    %mul3A_103 = arith.constant 640 : i32
    %mul3A_104 = arith.muli %arg1, %mul3A_103 : i32
    %run_scoped3A_105 = arith.constant 5 : i32
    %run_scoped3A_106 = arith.constant 5 : i32
    "tpu.region"() ({
      %run_scoped3A_154 = tpu.sem_alloc : memref<!tpu.dma_semaphore, #tpu.memory_space<semaphore_mem>>
      %dma_start3A = arith.constant 0 : i32
      %dma_start3A_155 = tpu.memref_slice %arg10[%run_scoped3A_106, %dma_start3A] : memref<16x640xf32, #tpu.memory_space<vmem>> -> memref<1x640xf32, #tpu.memory_space<vmem>>
      %dma_start3A_156 = tpu.memref_squeeze %dma_start3A_155 : memref<1x640xf32, #tpu.memory_space<vmem>> -> memref<640xf32, #tpu.memory_space<vmem>>
      %dma_start3A_157 = tpu.memref_slice %arg13[%run_scoped3A_105, %mul3A_104] : memref<16x10240xf32, #tpu.memory_space<vmem_shared>> -> memref<1x640xf32, #tpu.memory_space<vmem_shared>>
      %dma_start3A_158 = tpu.memref_squeeze %dma_start3A_157 : memref<1x640xf32, #tpu.memory_space<vmem_shared>> -> memref<640xf32, #tpu.memory_space<vmem_shared>>
      %dma_start3A_159 = arith.constant 0 : i32
      %dma_start3A_160 = tpu.memref_slice %arg10[%run_scoped3A_106, %dma_start3A_159] : memref<16x640xf32, #tpu.memory_space<vmem>> -> memref<1x640xf32, #tpu.memory_space<vmem>>
      %dma_start3A_161 = tpu.memref_squeeze %dma_start3A_160 : memref<1x640xf32, #tpu.memory_space<vmem>> -> memref<640xf32, #tpu.memory_space<vmem>>
      %dma_start3A_162 = tpu.memref_slice %arg13[%run_scoped3A_105, %mul3A_104] : memref<16x10240xf32, #tpu.memory_space<vmem_shared>> -> memref<1x640xf32, #tpu.memory_space<vmem_shared>>
      %dma_start3A_163 = tpu.memref_squeeze %dma_start3A_162 : memref<1x640xf32, #tpu.memory_space<vmem_shared>> -> memref<640xf32, #tpu.memory_space<vmem_shared>>
      tpu.enqueue_dma source(%dma_start3A_163 : memref<640xf32, #tpu.memory_space<vmem_shared>>) target(%dma_start3A_161 : memref<640xf32, #tpu.memory_space<vmem>>) target_semaphore(%run_scoped3A_154 : memref<!tpu.dma_semaphore, #tpu.memory_space<semaphore_mem>>)
      %dma_wait3A = arith.constant 0 : i32
      %dma_wait3A_164 = tpu.memref_slice %arg10[%run_scoped3A_106, %dma_wait3A] : memref<16x640xf32, #tpu.memory_space<vmem>> -> memref<1x640xf32, #tpu.memory_space<vmem>>
      %dma_wait3A_165 = tpu.memref_squeeze %dma_wait3A_164 : memref<1x640xf32, #tpu.memory_space<vmem>> -> memref<640xf32, #tpu.memory_space<vmem>>
      %dma_wait3A_166 = tpu.memref_slice %arg13[%run_scoped3A_105, %mul3A_104] : memref<16x10240xf32, #tpu.memory_space<vmem_shared>> -> memref<1x640xf32, #tpu.memory_space<vmem_shared>>
      %dma_wait3A_167 = tpu.memref_squeeze %dma_wait3A_166 : memref<1x640xf32, #tpu.memory_space<vmem_shared>> -> memref<640xf32, #tpu.memory_space<vmem_shared>>
      %dma_wait3A_168 = arith.constant 0 : i32
      %dma_wait3A_169 = tpu.memref_slice %arg10[%run_scoped3A_106, %dma_wait3A_168] : memref<16x640xf32, #tpu.memory_space<vmem>> -> memref<1x640xf32, #tpu.memory_space<vmem>>
      %dma_wait3A_170 = tpu.memref_squeeze %dma_wait3A_169 : memref<1x640xf32, #tpu.memory_space<vmem>> -> memref<640xf32, #tpu.memory_space<vmem>>
      %dma_wait3A_171 = tpu.memref_slice %arg13[%run_scoped3A_105, %mul3A_104] : memref<16x10240xf32, #tpu.memory_space<vmem_shared>> -> memref<1x640xf32, #tpu.memory_space<vmem_shared>>
      %dma_wait3A_172 = tpu.memref_squeeze %dma_wait3A_171 : memref<1x640xf32, #tpu.memory_space<vmem_shared>> -> memref<640xf32, #tpu.memory_space<vmem_shared>>
      tpu.wait_dma2 semaphore(%run_scoped3A_154 : memref<!tpu.dma_semaphore, #tpu.memory_space<semaphore_mem>>) src(%dma_wait3A_172 : memref<640xf32, #tpu.memory_space<vmem_shared>>) dst(%dma_wait3A_170 : memref<640xf32, #tpu.memory_space<vmem>>)
      tpu.yield
    }) : () -> ()
    %mul3A_107 = arith.constant 640 : i32
    %mul3A_108 = arith.muli %arg1, %mul3A_107 : i32
    %run_scoped3A_109 = arith.constant 6 : i32
    %run_scoped3A_110 = arith.constant 6 : i32
    "tpu.region"() ({
      %run_scoped3A_154 = tpu.sem_alloc : memref<!tpu.dma_semaphore, #tpu.memory_space<semaphore_mem>>
      %dma_start3A = arith.constant 0 : i32
      %dma_start3A_155 = tpu.memref_slice %arg10[%run_scoped3A_110, %dma_start3A] : memref<16x640xf32, #tpu.memory_space<vmem>> -> memref<1x640xf32, #tpu.memory_space<vmem>>
      %dma_start3A_156 = tpu.memref_squeeze %dma_start3A_155 : memref<1x640xf32, #tpu.memory_space<vmem>> -> memref<640xf32, #tpu.memory_space<vmem>>
      %dma_start3A_157 = tpu.memref_slice %arg13[%run_scoped3A_109, %mul3A_108] : memref<16x10240xf32, #tpu.memory_space<vmem_shared>> -> memref<1x640xf32, #tpu.memory_space<vmem_shared>>
      %dma_start3A_158 = tpu.memref_squeeze %dma_start3A_157 : memref<1x640xf32, #tpu.memory_space<vmem_shared>> -> memref<640xf32, #tpu.memory_space<vmem_shared>>
      %dma_start3A_159 = arith.constant 0 : i32
      %dma_start3A_160 = tpu.memref_slice %arg10[%run_scoped3A_110, %dma_start3A_159] : memref<16x640xf32, #tpu.memory_space<vmem>> -> memref<1x640xf32, #tpu.memory_space<vmem>>
      %dma_start3A_161 = tpu.memref_squeeze %dma_start3A_160 : memref<1x640xf32, #tpu.memory_space<vmem>> -> memref<640xf32, #tpu.memory_space<vmem>>
      %dma_start3A_162 = tpu.memref_slice %arg13[%run_scoped3A_109, %mul3A_108] : memref<16x10240xf32, #tpu.memory_space<vmem_shared>> -> memref<1x640xf32, #tpu.memory_space<vmem_shared>>
      %dma_start3A_163 = tpu.memref_squeeze %dma_start3A_162 : memref<1x640xf32, #tpu.memory_space<vmem_shared>> -> memref<640xf32, #tpu.memory_space<vmem_shared>>
      tpu.enqueue_dma source(%dma_start3A_163 : memref<640xf32, #tpu.memory_space<vmem_shared>>) target(%dma_start3A_161 : memref<640xf32, #tpu.memory_space<vmem>>) target_semaphore(%run_scoped3A_154 : memref<!tpu.dma_semaphore, #tpu.memory_space<semaphore_mem>>)
      %dma_wait3A = arith.constant 0 : i32
      %dma_wait3A_164 = tpu.memref_slice %arg10[%run_scoped3A_110, %dma_wait3A] : memref<16x640xf32, #tpu.memory_space<vmem>> -> memref<1x640xf32, #tpu.memory_space<vmem>>
      %dma_wait3A_165 = tpu.memref_squeeze %dma_wait3A_164 : memref<1x640xf32, #tpu.memory_space<vmem>> -> memref<640xf32, #tpu.memory_space<vmem>>
      %dma_wait3A_166 = tpu.memref_slice %arg13[%run_scoped3A_109, %mul3A_108] : memref<16x10240xf32, #tpu.memory_space<vmem_shared>> -> memref<1x640xf32, #tpu.memory_space<vmem_shared>>
      %dma_wait3A_167 = tpu.memref_squeeze %dma_wait3A_166 : memref<1x640xf32, #tpu.memory_space<vmem_shared>> -> memref<640xf32, #tpu.memory_space<vmem_shared>>
      %dma_wait3A_168 = arith.constant 0 : i32
      %dma_wait3A_169 = tpu.memref_slice %arg10[%run_scoped3A_110, %dma_wait3A_168] : memref<16x640xf32, #tpu.memory_space<vmem>> -> memref<1x640xf32, #tpu.memory_space<vmem>>
      %dma_wait3A_170 = tpu.memref_squeeze %dma_wait3A_169 : memref<1x640xf32, #tpu.memory_space<vmem>> -> memref<640xf32, #tpu.memory_space<vmem>>
      %dma_wait3A_171 = tpu.memref_slice %arg13[%run_scoped3A_109, %mul3A_108] : memref<16x10240xf32, #tpu.memory_space<vmem_shared>> -> memref<1x640xf32, #tpu.memory_space<vmem_shared>>
      %dma_wait3A_172 = tpu.memref_squeeze %dma_wait3A_171 : memref<1x640xf32, #tpu.memory_space<vmem_shared>> -> memref<640xf32, #tpu.memory_space<vmem_shared>>
      tpu.wait_dma2 semaphore(%run_scoped3A_154 : memref<!tpu.dma_semaphore, #tpu.memory_space<semaphore_mem>>) src(%dma_wait3A_172 : memref<640xf32, #tpu.memory_space<vmem_shared>>) dst(%dma_wait3A_170 : memref<640xf32, #tpu.memory_space<vmem>>)
      tpu.yield
    }) : () -> ()
    %mul3A_111 = arith.constant 640 : i32
    %mul3A_112 = arith.muli %arg1, %mul3A_111 : i32
    %run_scoped3A_113 = arith.constant 7 : i32
    %run_scoped3A_114 = arith.constant 7 : i32
    "tpu.region"() ({
      %run_scoped3A_154 = tpu.sem_alloc : memref<!tpu.dma_semaphore, #tpu.memory_space<semaphore_mem>>
      %dma_start3A = arith.constant 0 : i32
      %dma_start3A_155 = tpu.memref_slice %arg10[%run_scoped3A_114, %dma_start3A] : memref<16x640xf32, #tpu.memory_space<vmem>> -> memref<1x640xf32, #tpu.memory_space<vmem>>
      %dma_start3A_156 = tpu.memref_squeeze %dma_start3A_155 : memref<1x640xf32, #tpu.memory_space<vmem>> -> memref<640xf32, #tpu.memory_space<vmem>>
      %dma_start3A_157 = tpu.memref_slice %arg13[%run_scoped3A_113, %mul3A_112] : memref<16x10240xf32, #tpu.memory_space<vmem_shared>> -> memref<1x640xf32, #tpu.memory_space<vmem_shared>>
      %dma_start3A_158 = tpu.memref_squeeze %dma_start3A_157 : memref<1x640xf32, #tpu.memory_space<vmem_shared>> -> memref<640xf32, #tpu.memory_space<vmem_shared>>
      %dma_start3A_159 = arith.constant 0 : i32
      %dma_start3A_160 = tpu.memref_slice %arg10[%run_scoped3A_114, %dma_start3A_159] : memref<16x640xf32, #tpu.memory_space<vmem>> -> memref<1x640xf32, #tpu.memory_space<vmem>>
      %dma_start3A_161 = tpu.memref_squeeze %dma_start3A_160 : memref<1x640xf32, #tpu.memory_space<vmem>> -> memref<640xf32, #tpu.memory_space<vmem>>
      %dma_start3A_162 = tpu.memref_slice %arg13[%run_scoped3A_113, %mul3A_112] : memref<16x10240xf32, #tpu.memory_space<vmem_shared>> -> memref<1x640xf32, #tpu.memory_space<vmem_shared>>
      %dma_start3A_163 = tpu.memref_squeeze %dma_start3A_162 : memref<1x640xf32, #tpu.memory_space<vmem_shared>> -> memref<640xf32, #tpu.memory_space<vmem_shared>>
      tpu.enqueue_dma source(%dma_start3A_163 : memref<640xf32, #tpu.memory_space<vmem_shared>>) target(%dma_start3A_161 : memref<640xf32, #tpu.memory_space<vmem>>) target_semaphore(%run_scoped3A_154 : memref<!tpu.dma_semaphore, #tpu.memory_space<semaphore_mem>>)
      %dma_wait3A = arith.constant 0 : i32
      %dma_wait3A_164 = tpu.memref_slice %arg10[%run_scoped3A_114, %dma_wait3A] : memref<16x640xf32, #tpu.memory_space<vmem>> -> memref<1x640xf32, #tpu.memory_space<vmem>>
      %dma_wait3A_165 = tpu.memref_squeeze %dma_wait3A_164 : memref<1x640xf32, #tpu.memory_space<vmem>> -> memref<640xf32, #tpu.memory_space<vmem>>
      %dma_wait3A_166 = tpu.memref_slice %arg13[%run_scoped3A_113, %mul3A_112] : memref<16x10240xf32, #tpu.memory_space<vmem_shared>> -> memref<1x640xf32, #tpu.memory_space<vmem_shared>>
      %dma_wait3A_167 = tpu.memref_squeeze %dma_wait3A_166 : memref<1x640xf32, #tpu.memory_space<vmem_shared>> -> memref<640xf32, #tpu.memory_space<vmem_shared>>
      %dma_wait3A_168 = arith.constant 0 : i32
      %dma_wait3A_169 = tpu.memref_slice %arg10[%run_scoped3A_114, %dma_wait3A_168] : memref<16x640xf32, #tpu.memory_space<vmem>> -> memref<1x640xf32, #tpu.memory_space<vmem>>
      %dma_wait3A_170 = tpu.memref_squeeze %dma_wait3A_169 : memref<1x640xf32, #tpu.memory_space<vmem>> -> memref<640xf32, #tpu.memory_space<vmem>>
      %dma_wait3A_171 = tpu.memref_slice %arg13[%run_scoped3A_113, %mul3A_112] : memref<16x10240xf32, #tpu.memory_space<vmem_shared>> -> memref<1x640xf32, #tpu.memory_space<vmem_shared>>
      %dma_wait3A_172 = tpu.memref_squeeze %dma_wait3A_171 : memref<1x640xf32, #tpu.memory_space<vmem_shared>> -> memref<640xf32, #tpu.memory_space<vmem_shared>>
      tpu.wait_dma2 semaphore(%run_scoped3A_154 : memref<!tpu.dma_semaphore, #tpu.memory_space<semaphore_mem>>) src(%dma_wait3A_172 : memref<640xf32, #tpu.memory_space<vmem_shared>>) dst(%dma_wait3A_170 : memref<640xf32, #tpu.memory_space<vmem>>)
      tpu.yield
    }) : () -> ()
    %mul3A_115 = arith.constant 640 : i32
    %mul3A_116 = arith.muli %arg1, %mul3A_115 : i32
    %run_scoped3A_117 = arith.constant 8 : i32
    %run_scoped3A_118 = arith.constant 8 : i32
    "tpu.region"() ({
      %run_scoped3A_154 = tpu.sem_alloc : memref<!tpu.dma_semaphore, #tpu.memory_space<semaphore_mem>>
      %dma_start3A = arith.constant 0 : i32
      %dma_start3A_155 = tpu.memref_slice %arg10[%run_scoped3A_118, %dma_start3A] : memref<16x640xf32, #tpu.memory_space<vmem>> -> memref<1x640xf32, #tpu.memory_space<vmem>>
      %dma_start3A_156 = tpu.memref_squeeze %dma_start3A_155 : memref<1x640xf32, #tpu.memory_space<vmem>> -> memref<640xf32, #tpu.memory_space<vmem>>
      %dma_start3A_157 = tpu.memref_slice %arg13[%run_scoped3A_117, %mul3A_116] : memref<16x10240xf32, #tpu.memory_space<vmem_shared>> -> memref<1x640xf32, #tpu.memory_space<vmem_shared>>
      %dma_start3A_158 = tpu.memref_squeeze %dma_start3A_157 : memref<1x640xf32, #tpu.memory_space<vmem_shared>> -> memref<640xf32, #tpu.memory_space<vmem_shared>>
      %dma_start3A_159 = arith.constant 0 : i32
      %dma_start3A_160 = tpu.memref_slice %arg10[%run_scoped3A_118, %dma_start3A_159] : memref<16x640xf32, #tpu.memory_space<vmem>> -> memref<1x640xf32, #tpu.memory_space<vmem>>
      %dma_start3A_161 = tpu.memref_squeeze %dma_start3A_160 : memref<1x640xf32, #tpu.memory_space<vmem>> -> memref<640xf32, #tpu.memory_space<vmem>>
      %dma_start3A_162 = tpu.memref_slice %arg13[%run_scoped3A_117, %mul3A_116] : memref<16x10240xf32, #tpu.memory_space<vmem_shared>> -> memref<1x640xf32, #tpu.memory_space<vmem_shared>>
      %dma_start3A_163 = tpu.memref_squeeze %dma_start3A_162 : memref<1x640xf32, #tpu.memory_space<vmem_shared>> -> memref<640xf32, #tpu.memory_space<vmem_shared>>
      tpu.enqueue_dma source(%dma_start3A_163 : memref<640xf32, #tpu.memory_space<vmem_shared>>) target(%dma_start3A_161 : memref<640xf32, #tpu.memory_space<vmem>>) target_semaphore(%run_scoped3A_154 : memref<!tpu.dma_semaphore, #tpu.memory_space<semaphore_mem>>)
      %dma_wait3A = arith.constant 0 : i32
      %dma_wait3A_164 = tpu.memref_slice %arg10[%run_scoped3A_118, %dma_wait3A] : memref<16x640xf32, #tpu.memory_space<vmem>> -> memref<1x640xf32, #tpu.memory_space<vmem>>
      %dma_wait3A_165 = tpu.memref_squeeze %dma_wait3A_164 : memref<1x640xf32, #tpu.memory_space<vmem>> -> memref<640xf32, #tpu.memory_space<vmem>>
      %dma_wait3A_166 = tpu.memref_slice %arg13[%run_scoped3A_117, %mul3A_116] : memref<16x10240xf32, #tpu.memory_space<vmem_shared>> -> memref<1x640xf32, #tpu.memory_space<vmem_shared>>
      %dma_wait3A_167 = tpu.memref_squeeze %dma_wait3A_166 : memref<1x640xf32, #tpu.memory_space<vmem_shared>> -> memref<640xf32, #tpu.memory_space<vmem_shared>>
      %dma_wait3A_168 = arith.constant 0 : i32
      %dma_wait3A_169 = tpu.memref_slice %arg10[%run_scoped3A_118, %dma_wait3A_168] : memref<16x640xf32, #tpu.memory_space<vmem>> -> memref<1x640xf32, #tpu.memory_space<vmem>>
      %dma_wait3A_170 = tpu.memref_squeeze %dma_wait3A_169 : memref<1x640xf32, #tpu.memory_space<vmem>> -> memref<640xf32, #tpu.memory_space<vmem>>
      %dma_wait3A_171 = tpu.memref_slice %arg13[%run_scoped3A_117, %mul3A_116] : memref<16x10240xf32, #tpu.memory_space<vmem_shared>> -> memref<1x640xf32, #tpu.memory_space<vmem_shared>>
      %dma_wait3A_172 = tpu.memref_squeeze %dma_wait3A_171 : memref<1x640xf32, #tpu.memory_space<vmem_shared>> -> memref<640xf32, #tpu.memory_space<vmem_shared>>
      tpu.wait_dma2 semaphore(%run_scoped3A_154 : memref<!tpu.dma_semaphore, #tpu.memory_space<semaphore_mem>>) src(%dma_wait3A_172 : memref<640xf32, #tpu.memory_space<vmem_shared>>) dst(%dma_wait3A_170 : memref<640xf32, #tpu.memory_space<vmem>>)
      tpu.yield
    }) : () -> ()
    %mul3A_119 = arith.constant 640 : i32
    %mul3A_120 = arith.muli %arg1, %mul3A_119 : i32
    %run_scoped3A_121 = arith.constant 9 : i32
    %run_scoped3A_122 = arith.constant 9 : i32
    "tpu.region"() ({
      %run_scoped3A_154 = tpu.sem_alloc : memref<!tpu.dma_semaphore, #tpu.memory_space<semaphore_mem>>
      %dma_start3A = arith.constant 0 : i32
      %dma_start3A_155 = tpu.memref_slice %arg10[%run_scoped3A_122, %dma_start3A] : memref<16x640xf32, #tpu.memory_space<vmem>> -> memref<1x640xf32, #tpu.memory_space<vmem>>
      %dma_start3A_156 = tpu.memref_squeeze %dma_start3A_155 : memref<1x640xf32, #tpu.memory_space<vmem>> -> memref<640xf32, #tpu.memory_space<vmem>>
      %dma_start3A_157 = tpu.memref_slice %arg13[%run_scoped3A_121, %mul3A_120] : memref<16x10240xf32, #tpu.memory_space<vmem_shared>> -> memref<1x640xf32, #tpu.memory_space<vmem_shared>>
      %dma_start3A_158 = tpu.memref_squeeze %dma_start3A_157 : memref<1x640xf32, #tpu.memory_space<vmem_shared>> -> memref<640xf32, #tpu.memory_space<vmem_shared>>
      %dma_start3A_159 = arith.constant 0 : i32
      %dma_start3A_160 = tpu.memref_slice %arg10[%run_scoped3A_122, %dma_start3A_159] : memref<16x640xf32, #tpu.memory_space<vmem>> -> memref<1x640xf32, #tpu.memory_space<vmem>>
      %dma_start3A_161 = tpu.memref_squeeze %dma_start3A_160 : memref<1x640xf32, #tpu.memory_space<vmem>> -> memref<640xf32, #tpu.memory_space<vmem>>
      %dma_start3A_162 = tpu.memref_slice %arg13[%run_scoped3A_121, %mul3A_120] : memref<16x10240xf32, #tpu.memory_space<vmem_shared>> -> memref<1x640xf32, #tpu.memory_space<vmem_shared>>
      %dma_start3A_163 = tpu.memref_squeeze %dma_start3A_162 : memref<1x640xf32, #tpu.memory_space<vmem_shared>> -> memref<640xf32, #tpu.memory_space<vmem_shared>>
      tpu.enqueue_dma source(%dma_start3A_163 : memref<640xf32, #tpu.memory_space<vmem_shared>>) target(%dma_start3A_161 : memref<640xf32, #tpu.memory_space<vmem>>) target_semaphore(%run_scoped3A_154 : memref<!tpu.dma_semaphore, #tpu.memory_space<semaphore_mem>>)
      %dma_wait3A = arith.constant 0 : i32
      %dma_wait3A_164 = tpu.memref_slice %arg10[%run_scoped3A_122, %dma_wait3A] : memref<16x640xf32, #tpu.memory_space<vmem>> -> memref<1x640xf32, #tpu.memory_space<vmem>>
      %dma_wait3A_165 = tpu.memref_squeeze %dma_wait3A_164 : memref<1x640xf32, #tpu.memory_space<vmem>> -> memref<640xf32, #tpu.memory_space<vmem>>
      %dma_wait3A_166 = tpu.memref_slice %arg13[%run_scoped3A_121, %mul3A_120] : memref<16x10240xf32, #tpu.memory_space<vmem_shared>> -> memref<1x640xf32, #tpu.memory_space<vmem_shared>>
      %dma_wait3A_167 = tpu.memref_squeeze %dma_wait3A_166 : memref<1x640xf32, #tpu.memory_space<vmem_shared>> -> memref<640xf32, #tpu.memory_space<vmem_shared>>
      %dma_wait3A_168 = arith.constant 0 : i32
      %dma_wait3A_169 = tpu.memref_slice %arg10[%run_scoped3A_122, %dma_wait3A_168] : memref<16x640xf32, #tpu.memory_space<vmem>> -> memref<1x640xf32, #tpu.memory_space<vmem>>
      %dma_wait3A_170 = tpu.memref_squeeze %dma_wait3A_169 : memref<1x640xf32, #tpu.memory_space<vmem>> -> memref<640xf32, #tpu.memory_space<vmem>>
      %dma_wait3A_171 = tpu.memref_slice %arg13[%run_scoped3A_121, %mul3A_120] : memref<16x10240xf32, #tpu.memory_space<vmem_shared>> -> memref<1x640xf32, #tpu.memory_space<vmem_shared>>
      %dma_wait3A_172 = tpu.memref_squeeze %dma_wait3A_171 : memref<1x640xf32, #tpu.memory_space<vmem_shared>> -> memref<640xf32, #tpu.memory_space<vmem_shared>>
      tpu.wait_dma2 semaphore(%run_scoped3A_154 : memref<!tpu.dma_semaphore, #tpu.memory_space<semaphore_mem>>) src(%dma_wait3A_172 : memref<640xf32, #tpu.memory_space<vmem_shared>>) dst(%dma_wait3A_170 : memref<640xf32, #tpu.memory_space<vmem>>)
      tpu.yield
    }) : () -> ()
    %mul3A_123 = arith.constant 640 : i32
    %mul3A_124 = arith.muli %arg1, %mul3A_123 : i32
    %run_scoped3A_125 = arith.constant 10 : i32
    %run_scoped3A_126 = arith.constant 10 : i32
    "tpu.region"() ({
      %run_scoped3A_154 = tpu.sem_alloc : memref<!tpu.dma_semaphore, #tpu.memory_space<semaphore_mem>>
      %dma_start3A = arith.constant 0 : i32
      %dma_start3A_155 = tpu.memref_slice %arg10[%run_scoped3A_126, %dma_start3A] : memref<16x640xf32, #tpu.memory_space<vmem>> -> memref<1x640xf32, #tpu.memory_space<vmem>>
      %dma_start3A_156 = tpu.memref_squeeze %dma_start3A_155 : memref<1x640xf32, #tpu.memory_space<vmem>> -> memref<640xf32, #tpu.memory_space<vmem>>
      %dma_start3A_157 = tpu.memref_slice %arg13[%run_scoped3A_125, %mul3A_124] : memref<16x10240xf32, #tpu.memory_space<vmem_shared>> -> memref<1x640xf32, #tpu.memory_space<vmem_shared>>
      %dma_start3A_158 = tpu.memref_squeeze %dma_start3A_157 : memref<1x640xf32, #tpu.memory_space<vmem_shared>> -> memref<640xf32, #tpu.memory_space<vmem_shared>>
      %dma_start3A_159 = arith.constant 0 : i32
      %dma_start3A_160 = tpu.memref_slice %arg10[%run_scoped3A_126, %dma_start3A_159] : memref<16x640xf32, #tpu.memory_space<vmem>> -> memref<1x640xf32, #tpu.memory_space<vmem>>
      %dma_start3A_161 = tpu.memref_squeeze %dma_start3A_160 : memref<1x640xf32, #tpu.memory_space<vmem>> -> memref<640xf32, #tpu.memory_space<vmem>>
      %dma_start3A_162 = tpu.memref_slice %arg13[%run_scoped3A_125, %mul3A_124] : memref<16x10240xf32, #tpu.memory_space<vmem_shared>> -> memref<1x640xf32, #tpu.memory_space<vmem_shared>>
      %dma_start3A_163 = tpu.memref_squeeze %dma_start3A_162 : memref<1x640xf32, #tpu.memory_space<vmem_shared>> -> memref<640xf32, #tpu.memory_space<vmem_shared>>
      tpu.enqueue_dma source(%dma_start3A_163 : memref<640xf32, #tpu.memory_space<vmem_shared>>) target(%dma_start3A_161 : memref<640xf32, #tpu.memory_space<vmem>>) target_semaphore(%run_scoped3A_154 : memref<!tpu.dma_semaphore, #tpu.memory_space<semaphore_mem>>)
      %dma_wait3A = arith.constant 0 : i32
      %dma_wait3A_164 = tpu.memref_slice %arg10[%run_scoped3A_126, %dma_wait3A] : memref<16x640xf32, #tpu.memory_space<vmem>> -> memref<1x640xf32, #tpu.memory_space<vmem>>
      %dma_wait3A_165 = tpu.memref_squeeze %dma_wait3A_164 : memref<1x640xf32, #tpu.memory_space<vmem>> -> memref<640xf32, #tpu.memory_space<vmem>>
      %dma_wait3A_166 = tpu.memref_slice %arg13[%run_scoped3A_125, %mul3A_124] : memref<16x10240xf32, #tpu.memory_space<vmem_shared>> -> memref<1x640xf32, #tpu.memory_space<vmem_shared>>
      %dma_wait3A_167 = tpu.memref_squeeze %dma_wait3A_166 : memref<1x640xf32, #tpu.memory_space<vmem_shared>> -> memref<640xf32, #tpu.memory_space<vmem_shared>>
      %dma_wait3A_168 = arith.constant 0 : i32
      %dma_wait3A_169 = tpu.memref_slice %arg10[%run_scoped3A_126, %dma_wait3A_168] : memref<16x640xf32, #tpu.memory_space<vmem>> -> memref<1x640xf32, #tpu.memory_space<vmem>>
      %dma_wait3A_170 = tpu.memref_squeeze %dma_wait3A_169 : memref<1x640xf32, #tpu.memory_space<vmem>> -> memref<640xf32, #tpu.memory_space<vmem>>
      %dma_wait3A_171 = tpu.memref_slice %arg13[%run_scoped3A_125, %mul3A_124] : memref<16x10240xf32, #tpu.memory_space<vmem_shared>> -> memref<1x640xf32, #tpu.memory_space<vmem_shared>>
      %dma_wait3A_172 = tpu.memref_squeeze %dma_wait3A_171 : memref<1x640xf32, #tpu.memory_space<vmem_shared>> -> memref<640xf32, #tpu.memory_space<vmem_shared>>
      tpu.wait_dma2 semaphore(%run_scoped3A_154 : memref<!tpu.dma_semaphore, #tpu.memory_space<semaphore_mem>>) src(%dma_wait3A_172 : memref<640xf32, #tpu.memory_space<vmem_shared>>) dst(%dma_wait3A_170 : memref<640xf32, #tpu.memory_space<vmem>>)
      tpu.yield
    }) : () -> ()
    %mul3A_127 = arith.constant 640 : i32
    %mul3A_128 = arith.muli %arg1, %mul3A_127 : i32
    %run_scoped3A_129 = arith.constant 11 : i32
    %run_scoped3A_130 = arith.constant 11 : i32
    "tpu.region"() ({
      %run_scoped3A_154 = tpu.sem_alloc : memref<!tpu.dma_semaphore, #tpu.memory_space<semaphore_mem>>
      %dma_start3A = arith.constant 0 : i32
      %dma_start3A_155 = tpu.memref_slice %arg10[%run_scoped3A_130, %dma_start3A] : memref<16x640xf32, #tpu.memory_space<vmem>> -> memref<1x640xf32, #tpu.memory_space<vmem>>
      %dma_start3A_156 = tpu.memref_squeeze %dma_start3A_155 : memref<1x640xf32, #tpu.memory_space<vmem>> -> memref<640xf32, #tpu.memory_space<vmem>>
      %dma_start3A_157 = tpu.memref_slice %arg13[%run_scoped3A_129, %mul3A_128] : memref<16x10240xf32, #tpu.memory_space<vmem_shared>> -> memref<1x640xf32, #tpu.memory_space<vmem_shared>>
      %dma_start3A_158 = tpu.memref_squeeze %dma_start3A_157 : memref<1x640xf32, #tpu.memory_space<vmem_shared>> -> memref<640xf32, #tpu.memory_space<vmem_shared>>
      %dma_start3A_159 = arith.constant 0 : i32
      %dma_start3A_160 = tpu.memref_slice %arg10[%run_scoped3A_130, %dma_start3A_159] : memref<16x640xf32, #tpu.memory_space<vmem>> -> memref<1x640xf32, #tpu.memory_space<vmem>>
      %dma_start3A_161 = tpu.memref_squeeze %dma_start3A_160 : memref<1x640xf32, #tpu.memory_space<vmem>> -> memref<640xf32, #tpu.memory_space<vmem>>
      %dma_start3A_162 = tpu.memref_slice %arg13[%run_scoped3A_129, %mul3A_128] : memref<16x10240xf32, #tpu.memory_space<vmem_shared>> -> memref<1x640xf32, #tpu.memory_space<vmem_shared>>
      %dma_start3A_163 = tpu.memref_squeeze %dma_start3A_162 : memref<1x640xf32, #tpu.memory_space<vmem_shared>> -> memref<640xf32, #tpu.memory_space<vmem_shared>>
      tpu.enqueue_dma source(%dma_start3A_163 : memref<640xf32, #tpu.memory_space<vmem_shared>>) target(%dma_start3A_161 : memref<640xf32, #tpu.memory_space<vmem>>) target_semaphore(%run_scoped3A_154 : memref<!tpu.dma_semaphore, #tpu.memory_space<semaphore_mem>>)
      %dma_wait3A = arith.constant 0 : i32
      %dma_wait3A_164 = tpu.memref_slice %arg10[%run_scoped3A_130, %dma_wait3A] : memref<16x640xf32, #tpu.memory_space<vmem>> -> memref<1x640xf32, #tpu.memory_space<vmem>>
      %dma_wait3A_165 = tpu.memref_squeeze %dma_wait3A_164 : memref<1x640xf32, #tpu.memory_space<vmem>> -> memref<640xf32, #tpu.memory_space<vmem>>
      %dma_wait3A_166 = tpu.memref_slice %arg13[%run_scoped3A_129, %mul3A_128] : memref<16x10240xf32, #tpu.memory_space<vmem_shared>> -> memref<1x640xf32, #tpu.memory_space<vmem_shared>>
      %dma_wait3A_167 = tpu.memref_squeeze %dma_wait3A_166 : memref<1x640xf32, #tpu.memory_space<vmem_shared>> -> memref<640xf32, #tpu.memory_space<vmem_shared>>
      %dma_wait3A_168 = arith.constant 0 : i32
      %dma_wait3A_169 = tpu.memref_slice %arg10[%run_scoped3A_130, %dma_wait3A_168] : memref<16x640xf32, #tpu.memory_space<vmem>> -> memref<1x640xf32, #tpu.memory_space<vmem>>
      %dma_wait3A_170 = tpu.memref_squeeze %dma_wait3A_169 : memref<1x640xf32, #tpu.memory_space<vmem>> -> memref<640xf32, #tpu.memory_space<vmem>>
      %dma_wait3A_171 = tpu.memref_slice %arg13[%run_scoped3A_129, %mul3A_128] : memref<16x10240xf32, #tpu.memory_space<vmem_shared>> -> memref<1x640xf32, #tpu.memory_space<vmem_shared>>
      %dma_wait3A_172 = tpu.memref_squeeze %dma_wait3A_171 : memref<1x640xf32, #tpu.memory_space<vmem_shared>> -> memref<640xf32, #tpu.memory_space<vmem_shared>>
      tpu.wait_dma2 semaphore(%run_scoped3A_154 : memref<!tpu.dma_semaphore, #tpu.memory_space<semaphore_mem>>) src(%dma_wait3A_172 : memref<640xf32, #tpu.memory_space<vmem_shared>>) dst(%dma_wait3A_170 : memref<640xf32, #tpu.memory_space<vmem>>)
      tpu.yield
    }) : () -> ()
    %mul3A_131 = arith.constant 640 : i32
    %mul3A_132 = arith.muli %arg1, %mul3A_131 : i32
    %run_scoped3A_133 = arith.constant 12 : i32
    %run_scoped3A_134 = arith.constant 12 : i32
    "tpu.region"() ({
      %run_scoped3A_154 = tpu.sem_alloc : memref<!tpu.dma_semaphore, #tpu.memory_space<semaphore_mem>>
      %dma_start3A = arith.constant 0 : i32
      %dma_start3A_155 = tpu.memref_slice %arg10[%run_scoped3A_134, %dma_start3A] : memref<16x640xf32, #tpu.memory_space<vmem>> -> memref<1x640xf32, #tpu.memory_space<vmem>>
      %dma_start3A_156 = tpu.memref_squeeze %dma_start3A_155 : memref<1x640xf32, #tpu.memory_space<vmem>> -> memref<640xf32, #tpu.memory_space<vmem>>
      %dma_start3A_157 = tpu.memref_slice %arg13[%run_scoped3A_133, %mul3A_132] : memref<16x10240xf32, #tpu.memory_space<vmem_shared>> -> memref<1x640xf32, #tpu.memory_space<vmem_shared>>
      %dma_start3A_158 = tpu.memref_squeeze %dma_start3A_157 : memref<1x640xf32, #tpu.memory_space<vmem_shared>> -> memref<640xf32, #tpu.memory_space<vmem_shared>>
      %dma_start3A_159 = arith.constant 0 : i32
      %dma_start3A_160 = tpu.memref_slice %arg10[%run_scoped3A_134, %dma_start3A_159] : memref<16x640xf32, #tpu.memory_space<vmem>> -> memref<1x640xf32, #tpu.memory_space<vmem>>
      %dma_start3A_161 = tpu.memref_squeeze %dma_start3A_160 : memref<1x640xf32, #tpu.memory_space<vmem>> -> memref<640xf32, #tpu.memory_space<vmem>>
      %dma_start3A_162 = tpu.memref_slice %arg13[%run_scoped3A_133, %mul3A_132] : memref<16x10240xf32, #tpu.memory_space<vmem_shared>> -> memref<1x640xf32, #tpu.memory_space<vmem_shared>>
      %dma_start3A_163 = tpu.memref_squeeze %dma_start3A_162 : memref<1x640xf32, #tpu.memory_space<vmem_shared>> -> memref<640xf32, #tpu.memory_space<vmem_shared>>
      tpu.enqueue_dma source(%dma_start3A_163 : memref<640xf32, #tpu.memory_space<vmem_shared>>) target(%dma_start3A_161 : memref<640xf32, #tpu.memory_space<vmem>>) target_semaphore(%run_scoped3A_154 : memref<!tpu.dma_semaphore, #tpu.memory_space<semaphore_mem>>)
      %dma_wait3A = arith.constant 0 : i32
      %dma_wait3A_164 = tpu.memref_slice %arg10[%run_scoped3A_134, %dma_wait3A] : memref<16x640xf32, #tpu.memory_space<vmem>> -> memref<1x640xf32, #tpu.memory_space<vmem>>
      %dma_wait3A_165 = tpu.memref_squeeze %dma_wait3A_164 : memref<1x640xf32, #tpu.memory_space<vmem>> -> memref<640xf32, #tpu.memory_space<vmem>>
      %dma_wait3A_166 = tpu.memref_slice %arg13[%run_scoped3A_133, %mul3A_132] : memref<16x10240xf32, #tpu.memory_space<vmem_shared>> -> memref<1x640xf32, #tpu.memory_space<vmem_shared>>
      %dma_wait3A_167 = tpu.memref_squeeze %dma_wait3A_166 : memref<1x640xf32, #tpu.memory_space<vmem_shared>> -> memref<640xf32, #tpu.memory_space<vmem_shared>>
      %dma_wait3A_168 = arith.constant 0 : i32
      %dma_wait3A_169 = tpu.memref_slice %arg10[%run_scoped3A_134, %dma_wait3A_168] : memref<16x640xf32, #tpu.memory_space<vmem>> -> memref<1x640xf32, #tpu.memory_space<vmem>>
      %dma_wait3A_170 = tpu.memref_squeeze %dma_wait3A_169 : memref<1x640xf32, #tpu.memory_space<vmem>> -> memref<640xf32, #tpu.memory_space<vmem>>
      %dma_wait3A_171 = tpu.memref_slice %arg13[%run_scoped3A_133, %mul3A_132] : memref<16x10240xf32, #tpu.memory_space<vmem_shared>> -> memref<1x640xf32, #tpu.memory_space<vmem_shared>>
      %dma_wait3A_172 = tpu.memref_squeeze %dma_wait3A_171 : memref<1x640xf32, #tpu.memory_space<vmem_shared>> -> memref<640xf32, #tpu.memory_space<vmem_shared>>
      tpu.wait_dma2 semaphore(%run_scoped3A_154 : memref<!tpu.dma_semaphore, #tpu.memory_space<semaphore_mem>>) src(%dma_wait3A_172 : memref<640xf32, #tpu.memory_space<vmem_shared>>) dst(%dma_wait3A_170 : memref<640xf32, #tpu.memory_space<vmem>>)
      tpu.yield
    }) : () -> ()
    %mul3A_135 = arith.constant 640 : i32
    %mul3A_136 = arith.muli %arg1, %mul3A_135 : i32
    %run_scoped3A_137 = arith.constant 13 : i32
    %run_scoped3A_138 = arith.constant 13 : i32
    "tpu.region"() ({
      %run_scoped3A_154 = tpu.sem_alloc : memref<!tpu.dma_semaphore, #tpu.memory_space<semaphore_mem>>
      %dma_start3A = arith.constant 0 : i32
      %dma_start3A_155 = tpu.memref_slice %arg10[%run_scoped3A_138, %dma_start3A] : memref<16x640xf32, #tpu.memory_space<vmem>> -> memref<1x640xf32, #tpu.memory_space<vmem>>
      %dma_start3A_156 = tpu.memref_squeeze %dma_start3A_155 : memref<1x640xf32, #tpu.memory_space<vmem>> -> memref<640xf32, #tpu.memory_space<vmem>>
      %dma_start3A_157 = tpu.memref_slice %arg13[%run_scoped3A_137, %mul3A_136] : memref<16x10240xf32, #tpu.memory_space<vmem_shared>> -> memref<1x640xf32, #tpu.memory_space<vmem_shared>>
      %dma_start3A_158 = tpu.memref_squeeze %dma_start3A_157 : memref<1x640xf32, #tpu.memory_space<vmem_shared>> -> memref<640xf32, #tpu.memory_space<vmem_shared>>
      %dma_start3A_159 = arith.constant 0 : i32
      %dma_start3A_160 = tpu.memref_slice %arg10[%run_scoped3A_138, %dma_start3A_159] : memref<16x640xf32, #tpu.memory_space<vmem>> -> memref<1x640xf32, #tpu.memory_space<vmem>>
      %dma_start3A_161 = tpu.memref_squeeze %dma_start3A_160 : memref<1x640xf32, #tpu.memory_space<vmem>> -> memref<640xf32, #tpu.memory_space<vmem>>
      %dma_start3A_162 = tpu.memref_slice %arg13[%run_scoped3A_137, %mul3A_136] : memref<16x10240xf32, #tpu.memory_space<vmem_shared>> -> memref<1x640xf32, #tpu.memory_space<vmem_shared>>
      %dma_start3A_163 = tpu.memref_squeeze %dma_start3A_162 : memref<1x640xf32, #tpu.memory_space<vmem_shared>> -> memref<640xf32, #tpu.memory_space<vmem_shared>>
      tpu.enqueue_dma source(%dma_start3A_163 : memref<640xf32, #tpu.memory_space<vmem_shared>>) target(%dma_start3A_161 : memref<640xf32, #tpu.memory_space<vmem>>) target_semaphore(%run_scoped3A_154 : memref<!tpu.dma_semaphore, #tpu.memory_space<semaphore_mem>>)
      %dma_wait3A = arith.constant 0 : i32
      %dma_wait3A_164 = tpu.memref_slice %arg10[%run_scoped3A_138, %dma_wait3A] : memref<16x640xf32, #tpu.memory_space<vmem>> -> memref<1x640xf32, #tpu.memory_space<vmem>>
      %dma_wait3A_165 = tpu.memref_squeeze %dma_wait3A_164 : memref<1x640xf32, #tpu.memory_space<vmem>> -> memref<640xf32, #tpu.memory_space<vmem>>
      %dma_wait3A_166 = tpu.memref_slice %arg13[%run_scoped3A_137, %mul3A_136] : memref<16x10240xf32, #tpu.memory_space<vmem_shared>> -> memref<1x640xf32, #tpu.memory_space<vmem_shared>>
      %dma_wait3A_167 = tpu.memref_squeeze %dma_wait3A_166 : memref<1x640xf32, #tpu.memory_space<vmem_shared>> -> memref<640xf32, #tpu.memory_space<vmem_shared>>
      %dma_wait3A_168 = arith.constant 0 : i32
      %dma_wait3A_169 = tpu.memref_slice %arg10[%run_scoped3A_138, %dma_wait3A_168] : memref<16x640xf32, #tpu.memory_space<vmem>> -> memref<1x640xf32, #tpu.memory_space<vmem>>
      %dma_wait3A_170 = tpu.memref_squeeze %dma_wait3A_169 : memref<1x640xf32, #tpu.memory_space<vmem>> -> memref<640xf32, #tpu.memory_space<vmem>>
      %dma_wait3A_171 = tpu.memref_slice %arg13[%run_scoped3A_137, %mul3A_136] : memref<16x10240xf32, #tpu.memory_space<vmem_shared>> -> memref<1x640xf32, #tpu.memory_space<vmem_shared>>
      %dma_wait3A_172 = tpu.memref_squeeze %dma_wait3A_171 : memref<1x640xf32, #tpu.memory_space<vmem_shared>> -> memref<640xf32, #tpu.memory_space<vmem_shared>>
      tpu.wait_dma2 semaphore(%run_scoped3A_154 : memref<!tpu.dma_semaphore, #tpu.memory_space<semaphore_mem>>) src(%dma_wait3A_172 : memref<640xf32, #tpu.memory_space<vmem_shared>>) dst(%dma_wait3A_170 : memref<640xf32, #tpu.memory_space<vmem>>)
      tpu.yield
    }) : () -> ()
    %mul3A_139 = arith.constant 640 : i32
    %mul3A_140 = arith.muli %arg1, %mul3A_139 : i32
    %run_scoped3A_141 = arith.constant 14 : i32
    %run_scoped3A_142 = arith.constant 14 : i32
    "tpu.region"() ({
      %run_scoped3A_154 = tpu.sem_alloc : memref<!tpu.dma_semaphore, #tpu.memory_space<semaphore_mem>>
      %dma_start3A = arith.constant 0 : i32
      %dma_start3A_155 = tpu.memref_slice %arg10[%run_scoped3A_142, %dma_start3A] : memref<16x640xf32, #tpu.memory_space<vmem>> -> memref<1x640xf32, #tpu.memory_space<vmem>>
      %dma_start3A_156 = tpu.memref_squeeze %dma_start3A_155 : memref<1x640xf32, #tpu.memory_space<vmem>> -> memref<640xf32, #tpu.memory_space<vmem>>
      %dma_start3A_157 = tpu.memref_slice %arg13[%run_scoped3A_141, %mul3A_140] : memref<16x10240xf32, #tpu.memory_space<vmem_shared>> -> memref<1x640xf32, #tpu.memory_space<vmem_shared>>
      %dma_start3A_158 = tpu.memref_squeeze %dma_start3A_157 : memref<1x640xf32, #tpu.memory_space<vmem_shared>> -> memref<640xf32, #tpu.memory_space<vmem_shared>>
      %dma_start3A_159 = arith.constant 0 : i32
      %dma_start3A_160 = tpu.memref_slice %arg10[%run_scoped3A_142, %dma_start3A_159] : memref<16x640xf32, #tpu.memory_space<vmem>> -> memref<1x640xf32, #tpu.memory_space<vmem>>
      %dma_start3A_161 = tpu.memref_squeeze %dma_start3A_160 : memref<1x640xf32, #tpu.memory_space<vmem>> -> memref<640xf32, #tpu.memory_space<vmem>>
      %dma_start3A_162 = tpu.memref_slice %arg13[%run_scoped3A_141, %mul3A_140] : memref<16x10240xf32, #tpu.memory_space<vmem_shared>> -> memref<1x640xf32, #tpu.memory_space<vmem_shared>>
      %dma_start3A_163 = tpu.memref_squeeze %dma_start3A_162 : memref<1x640xf32, #tpu.memory_space<vmem_shared>> -> memref<640xf32, #tpu.memory_space<vmem_shared>>
      tpu.enqueue_dma source(%dma_start3A_163 : memref<640xf32, #tpu.memory_space<vmem_shared>>) target(%dma_start3A_161 : memref<640xf32, #tpu.memory_space<vmem>>) target_semaphore(%run_scoped3A_154 : memref<!tpu.dma_semaphore, #tpu.memory_space<semaphore_mem>>)
      %dma_wait3A = arith.constant 0 : i32
      %dma_wait3A_164 = tpu.memref_slice %arg10[%run_scoped3A_142, %dma_wait3A] : memref<16x640xf32, #tpu.memory_space<vmem>> -> memref<1x640xf32, #tpu.memory_space<vmem>>
      %dma_wait3A_165 = tpu.memref_squeeze %dma_wait3A_164 : memref<1x640xf32, #tpu.memory_space<vmem>> -> memref<640xf32, #tpu.memory_space<vmem>>
      %dma_wait3A_166 = tpu.memref_slice %arg13[%run_scoped3A_141, %mul3A_140] : memref<16x10240xf32, #tpu.memory_space<vmem_shared>> -> memref<1x640xf32, #tpu.memory_space<vmem_shared>>
      %dma_wait3A_167 = tpu.memref_squeeze %dma_wait3A_166 : memref<1x640xf32, #tpu.memory_space<vmem_shared>> -> memref<640xf32, #tpu.memory_space<vmem_shared>>
      %dma_wait3A_168 = arith.constant 0 : i32
      %dma_wait3A_169 = tpu.memref_slice %arg10[%run_scoped3A_142, %dma_wait3A_168] : memref<16x640xf32, #tpu.memory_space<vmem>> -> memref<1x640xf32, #tpu.memory_space<vmem>>
      %dma_wait3A_170 = tpu.memref_squeeze %dma_wait3A_169 : memref<1x640xf32, #tpu.memory_space<vmem>> -> memref<640xf32, #tpu.memory_space<vmem>>
      %dma_wait3A_171 = tpu.memref_slice %arg13[%run_scoped3A_141, %mul3A_140] : memref<16x10240xf32, #tpu.memory_space<vmem_shared>> -> memref<1x640xf32, #tpu.memory_space<vmem_shared>>
      %dma_wait3A_172 = tpu.memref_squeeze %dma_wait3A_171 : memref<1x640xf32, #tpu.memory_space<vmem_shared>> -> memref<640xf32, #tpu.memory_space<vmem_shared>>
      tpu.wait_dma2 semaphore(%run_scoped3A_154 : memref<!tpu.dma_semaphore, #tpu.memory_space<semaphore_mem>>) src(%dma_wait3A_172 : memref<640xf32, #tpu.memory_space<vmem_shared>>) dst(%dma_wait3A_170 : memref<640xf32, #tpu.memory_space<vmem>>)
      tpu.yield
    }) : () -> ()
    %mul3A_143 = arith.constant 640 : i32
    %mul3A_144 = arith.muli %arg1, %mul3A_143 : i32
    %run_scoped3A_145 = arith.constant 15 : i32
    %run_scoped3A_146 = arith.constant 15 : i32
    "tpu.region"() ({
      %run_scoped3A_154 = tpu.sem_alloc : memref<!tpu.dma_semaphore, #tpu.memory_space<semaphore_mem>>
      %dma_start3A = arith.constant 0 : i32
      %dma_start3A_155 = tpu.memref_slice %arg10[%run_scoped3A_146, %dma_start3A] : memref<16x640xf32, #tpu.memory_space<vmem>> -> memref<1x640xf32, #tpu.memory_space<vmem>>
      %dma_start3A_156 = tpu.memref_squeeze %dma_start3A_155 : memref<1x640xf32, #tpu.memory_space<vmem>> -> memref<640xf32, #tpu.memory_space<vmem>>
      %dma_start3A_157 = tpu.memref_slice %arg13[%run_scoped3A_145, %mul3A_144] : memref<16x10240xf32, #tpu.memory_space<vmem_shared>> -> memref<1x640xf32, #tpu.memory_space<vmem_shared>>
      %dma_start3A_158 = tpu.memref_squeeze %dma_start3A_157 : memref<1x640xf32, #tpu.memory_space<vmem_shared>> -> memref<640xf32, #tpu.memory_space<vmem_shared>>
      %dma_start3A_159 = arith.constant 0 : i32
      %dma_start3A_160 = tpu.memref_slice %arg10[%run_scoped3A_146, %dma_start3A_159] : memref<16x640xf32, #tpu.memory_space<vmem>> -> memref<1x640xf32, #tpu.memory_space<vmem>>
      %dma_start3A_161 = tpu.memref_squeeze %dma_start3A_160 : memref<1x640xf32, #tpu.memory_space<vmem>> -> memref<640xf32, #tpu.memory_space<vmem>>
      %dma_start3A_162 = tpu.memref_slice %arg13[%run_scoped3A_145, %mul3A_144] : memref<16x10240xf32, #tpu.memory_space<vmem_shared>> -> memref<1x640xf32, #tpu.memory_space<vmem_shared>>
      %dma_start3A_163 = tpu.memref_squeeze %dma_start3A_162 : memref<1x640xf32, #tpu.memory_space<vmem_shared>> -> memref<640xf32, #tpu.memory_space<vmem_shared>>
      tpu.enqueue_dma source(%dma_start3A_163 : memref<640xf32, #tpu.memory_space<vmem_shared>>) target(%dma_start3A_161 : memref<640xf32, #tpu.memory_space<vmem>>) target_semaphore(%run_scoped3A_154 : memref<!tpu.dma_semaphore, #tpu.memory_space<semaphore_mem>>)
      %dma_wait3A = arith.constant 0 : i32
      %dma_wait3A_164 = tpu.memref_slice %arg10[%run_scoped3A_146, %dma_wait3A] : memref<16x640xf32, #tpu.memory_space<vmem>> -> memref<1x640xf32, #tpu.memory_space<vmem>>
      %dma_wait3A_165 = tpu.memref_squeeze %dma_wait3A_164 : memref<1x640xf32, #tpu.memory_space<vmem>> -> memref<640xf32, #tpu.memory_space<vmem>>
      %dma_wait3A_166 = tpu.memref_slice %arg13[%run_scoped3A_145, %mul3A_144] : memref<16x10240xf32, #tpu.memory_space<vmem_shared>> -> memref<1x640xf32, #tpu.memory_space<vmem_shared>>
      %dma_wait3A_167 = tpu.memref_squeeze %dma_wait3A_166 : memref<1x640xf32, #tpu.memory_space<vmem_shared>> -> memref<640xf32, #tpu.memory_space<vmem_shared>>
      %dma_wait3A_168 = arith.constant 0 : i32
      %dma_wait3A_169 = tpu.memref_slice %arg10[%run_scoped3A_146, %dma_wait3A_168] : memref<16x640xf32, #tpu.memory_space<vmem>> -> memref<1x640xf32, #tpu.memory_space<vmem>>
      %dma_wait3A_170 = tpu.memref_squeeze %dma_wait3A_169 : memref<1x640xf32, #tpu.memory_space<vmem>> -> memref<640xf32, #tpu.memory_space<vmem>>
      %dma_wait3A_171 = tpu.memref_slice %arg13[%run_scoped3A_145, %mul3A_144] : memref<16x10240xf32, #tpu.memory_space<vmem_shared>> -> memref<1x640xf32, #tpu.memory_space<vmem_shared>>
      %dma_wait3A_172 = tpu.memref_squeeze %dma_wait3A_171 : memref<1x640xf32, #tpu.memory_space<vmem_shared>> -> memref<640xf32, #tpu.memory_space<vmem_shared>>
      tpu.wait_dma2 semaphore(%run_scoped3A_154 : memref<!tpu.dma_semaphore, #tpu.memory_space<semaphore_mem>>) src(%dma_wait3A_172 : memref<640xf32, #tpu.memory_space<vmem_shared>>) dst(%dma_wait3A_170 : memref<640xf32, #tpu.memory_space<vmem>>)
      tpu.yield
    }) : () -> ()
    %scan3A_147 = arith.constant 0 : i32
    %scan3A_148 = arith.constant 40 : i32
    %scan3A_149 = arith.addi %scan3A_147, %scan3A_148 : i32
    %scan3A_150 = arith.constant 1 : i32
    scf.for %scan3A_154 = %scan3A_147 to %scan3A_149 step %scan3A_150  : i32 {
      %mul3A_155 = arith.constant 1 : i32
      %mul3A_156 = arith.muli %scan3A_154, %mul3A_155 : i32
      %add3A_157 = arith.constant 0 : i32
      %add3A_158 = arith.addi %add3A_157, %mul3A_156 : i32
      %mul3A_159 = arith.constant 16 : i32
      %mul3A_160 = arith.muli %add3A_158, %mul3A_159 : i32
      %get3A = arith.constant 0 : i32
      %get3A_161 = arith.index_cast %get3A : i32 to index
      %get3A_162 = arith.index_cast %mul3A_160 : i32 to index
      %get3A_163 = tpu.vector_load %arg10[%get3A_161, %get3A_162] {strides = array<i32>} : memref<16x640xf32, #tpu.memory_space<vmem>>, vector<16xf32>,
      %mul3A_164 = arith.constant 16 : i32
      %mul3A_165 = arith.muli %add3A_158, %mul3A_164 : i32
      %get3A_166 = arith.constant 1 : i32
      %get3A_167 = arith.index_cast %get3A_166 : i32 to index
      %get3A_168 = arith.index_cast %mul3A_165 : i32 to index
      %get3A_169 = tpu.vector_load %arg10[%get3A_167, %get3A_168] {strides = array<i32>} : memref<16x640xf32, #tpu.memory_space<vmem>>, vector<16xf32>,
      %add3A_170 = arith.addf %get3A_163, %get3A_169 : vector<16xf32>
      %mul3A_171 = arith.constant 16 : i32
      %mul3A_172 = arith.muli %add3A_158, %mul3A_171 : i32
      %get3A_173 = arith.constant 2 : i32
      %get3A_174 = arith.index_cast %get3A_173 : i32 to index
      %get3A_175 = arith.index_cast %mul3A_172 : i32 to index
      %get3A_176 = tpu.vector_load %arg10[%get3A_174, %get3A_175] {strides = array<i32>} : memref<16x640xf32, #tpu.memory_space<vmem>>, vector<16xf32>,
      %add3A_177 = arith.addf %add3A_170, %get3A_176 : vector<16xf32>
      %mul3A_178 = arith.constant 16 : i32
      %mul3A_179 = arith.muli %add3A_158, %mul3A_178 : i32
      %get3A_180 = arith.constant 3 : i32
      %get3A_181 = arith.index_cast %get3A_180 : i32 to index
      %get3A_182 = arith.index_cast %mul3A_179 : i32 to index
      %get3A_183 = tpu.vector_load %arg10[%get3A_181, %get3A_182] {strides = array<i32>} : memref<16x640xf32, #tpu.memory_space<vmem>>, vector<16xf32>,
      %add3A_184 = arith.addf %add3A_177, %get3A_183 : vector<16xf32>
      %mul3A_185 = arith.constant 16 : i32
      %mul3A_186 = arith.muli %add3A_158, %mul3A_185 : i32
      %get3A_187 = arith.constant 4 : i32
      %get3A_188 = arith.index_cast %get3A_187 : i32 to index
      %get3A_189 = arith.index_cast %mul3A_186 : i32 to index
      %get3A_190 = tpu.vector_load %arg10[%get3A_188, %get3A_189] {strides = array<i32>} : memref<16x640xf32, #tpu.memory_space<vmem>>, vector<16xf32>,
      %add3A_191 = arith.addf %add3A_184, %get3A_190 : vector<16xf32>
      %mul3A_192 = arith.constant 16 : i32
      %mul3A_193 = arith.muli %add3A_158, %mul3A_192 : i32
      %get3A_194 = arith.constant 5 : i32
      %get3A_195 = arith.index_cast %get3A_194 : i32 to index
      %get3A_196 = arith.index_cast %mul3A_193 : i32 to index
      %get3A_197 = tpu.vector_load %arg10[%get3A_195, %get3A_196] {strides = array<i32>} : memref<16x640xf32, #tpu.memory_space<vmem>>, vector<16xf32>,
      %add3A_198 = arith.addf %add3A_191, %get3A_197 : vector<16xf32>
      %mul3A_199 = arith.constant 16 : i32
      %mul3A_200 = arith.muli %add3A_158, %mul3A_199 : i32
      %get3A_201 = arith.constant 6 : i32
      %get3A_202 = arith.index_cast %get3A_201 : i32 to index
      %get3A_203 = arith.index_cast %mul3A_200 : i32 to index
      %get3A_204 = tpu.vector_load %arg10[%get3A_202, %get3A_203] {strides = array<i32>} : memref<16x640xf32, #tpu.memory_space<vmem>>, vector<16xf32>,
      %add3A_205 = arith.addf %add3A_198, %get3A_204 : vector<16xf32>
      %mul3A_206 = arith.constant 16 : i32
      %mul3A_207 = arith.muli %add3A_158, %mul3A_206 : i32
      %get3A_208 = arith.constant 7 : i32
      %get3A_209 = arith.index_cast %get3A_208 : i32 to index
      %get3A_210 = arith.index_cast %mul3A_207 : i32 to index
      %get3A_211 = tpu.vector_load %arg10[%get3A_209, %get3A_210] {strides = array<i32>} : memref<16x640xf32, #tpu.memory_space<vmem>>, vector<16xf32>,
      %add3A_212 = arith.addf %add3A_205, %get3A_211 : vector<16xf32>
      %mul3A_213 = arith.constant 16 : i32
      %mul3A_214 = arith.muli %add3A_158, %mul3A_213 : i32
      %get3A_215 = arith.constant 8 : i32
      %get3A_216 = arith.index_cast %get3A_215 : i32 to index
      %get3A_217 = arith.index_cast %mul3A_214 : i32 to index
      %get3A_218 = tpu.vector_load %arg10[%get3A_216, %get3A_217] {strides = array<i32>} : memref<16x640xf32, #tpu.memory_space<vmem>>, vector<16xf32>,
      %add3A_219 = arith.addf %add3A_212, %get3A_218 : vector<16xf32>
      %mul3A_220 = arith.constant 16 : i32
      %mul3A_221 = arith.muli %add3A_158, %mul3A_220 : i32
      %get3A_222 = arith.constant 9 : i32
      %get3A_223 = arith.index_cast %get3A_222 : i32 to index
      %get3A_224 = arith.index_cast %mul3A_221 : i32 to index
      %get3A_225 = tpu.vector_load %arg10[%get3A_223, %get3A_224] {strides = array<i32>} : memref<16x640xf32, #tpu.memory_space<vmem>>, vector<16xf32>,
      %add3A_226 = arith.addf %add3A_219, %get3A_225 : vector<16xf32>
      %mul3A_227 = arith.constant 16 : i32
      %mul3A_228 = arith.muli %add3A_158, %mul3A_227 : i32
      %get3A_229 = arith.constant 10 : i32
      %get3A_230 = arith.index_cast %get3A_229 : i32 to index
      %get3A_231 = arith.index_cast %mul3A_228 : i32 to index
      %get3A_232 = tpu.vector_load %arg10[%get3A_230, %get3A_231] {strides = array<i32>} : memref<16x640xf32, #tpu.memory_space<vmem>>, vector<16xf32>,
      %add3A_233 = arith.addf %add3A_226, %get3A_232 : vector<16xf32>
      %mul3A_234 = arith.constant 16 : i32
      %mul3A_235 = arith.muli %add3A_158, %mul3A_234 : i32
      %get3A_236 = arith.constant 11 : i32
      %get3A_237 = arith.index_cast %get3A_236 : i32 to index
      %get3A_238 = arith.index_cast %mul3A_235 : i32 to index
      %get3A_239 = tpu.vector_load %arg10[%get3A_237, %get3A_238] {strides = array<i32>} : memref<16x640xf32, #tpu.memory_space<vmem>>, vector<16xf32>,
      %add3A_240 = arith.addf %add3A_233, %get3A_239 : vector<16xf32>
      %mul3A_241 = arith.constant 16 : i32
      %mul3A_242 = arith.muli %add3A_158, %mul3A_241 : i32
      %get3A_243 = arith.constant 12 : i32
      %get3A_244 = arith.index_cast %get3A_243 : i32 to index
      %get3A_245 = arith.index_cast %mul3A_242 : i32 to index
      %get3A_246 = tpu.vector_load %arg10[%get3A_244, %get3A_245] {strides = array<i32>} : memref<16x640xf32, #tpu.memory_space<vmem>>, vector<16xf32>,
      %add3A_247 = arith.addf %add3A_240, %get3A_246 : vector<16xf32>
      %mul3A_248 = arith.constant 16 : i32
      %mul3A_249 = arith.muli %add3A_158, %mul3A_248 : i32
      %get3A_250 = arith.constant 13 : i32
      %get3A_251 = arith.index_cast %get3A_250 : i32 to index
      %get3A_252 = arith.index_cast %mul3A_249 : i32 to index
      %get3A_253 = tpu.vector_load %arg10[%get3A_251, %get3A_252] {strides = array<i32>} : memref<16x640xf32, #tpu.memory_space<vmem>>, vector<16xf32>,
      %add3A_254 = arith.addf %add3A_247, %get3A_253 : vector<16xf32>
      %mul3A_255 = arith.constant 16 : i32
      %mul3A_256 = arith.muli %add3A_158, %mul3A_255 : i32
      %get3A_257 = arith.constant 14 : i32
      %get3A_258 = arith.index_cast %get3A_257 : i32 to index
      %get3A_259 = arith.index_cast %mul3A_256 : i32 to index
      %get3A_260 = tpu.vector_load %arg10[%get3A_258, %get3A_259] {strides = array<i32>} : memref<16x640xf32, #tpu.memory_space<vmem>>, vector<16xf32>,
      %add3A_261 = arith.addf %add3A_254, %get3A_260 : vector<16xf32>
      %mul3A_262 = arith.constant 16 : i32
      %mul3A_263 = arith.muli %add3A_158, %mul3A_262 : i32
      %get3A_264 = arith.constant 15 : i32
      %get3A_265 = arith.index_cast %get3A_264 : i32 to index
      %get3A_266 = arith.index_cast %mul3A_263 : i32 to index
      %get3A_267 = tpu.vector_load %arg10[%get3A_265, %get3A_266] {strides = array<i32>} : memref<16x640xf32, #tpu.memory_space<vmem>>, vector<16xf32>,
      %add3A_268 = arith.addf %add3A_261, %get3A_267 : vector<16xf32>
      %mul3A_269 = arith.constant 16 : i32
      %mul3A_270 = arith.muli %add3A_158, %mul3A_269 : i32
      %swap3A = arith.index_cast %mul3A_270 : i32 to index
      %swap3A_271 = tpu.vector_load %arg11[%swap3A] {strides = array<i32>} : memref<640xf32, #tpu.memory_space<vmem>>, vector<16xf32>,
      tpu.vector_store %arg11[%swap3A], %add3A_268 {strides = array<i32>} : memref<640xf32, #tpu.memory_space<vmem>>, vector<16xf32>,
    }
    %scan3A_151 = arith.constant 40 : i32
    %mul3A_152 = arith.constant 640 : i32
    %mul3A_153 = arith.muli %arg1, %mul3A_152 : i32
    "tpu.region"() ({
      %run_scoped3A_154 = tpu.sem_alloc : memref<!tpu.dma_semaphore, #tpu.memory_space<semaphore_mem>>
      %dma_start3A = tpu.memref_slice %arg5[%arg0, %mul3A_153] : memref<2x10240xf32, #tpu.memory_space<hbm>> -> memref<1x640xf32, #tpu.memory_space<hbm>>
      %dma_start3A_155 = tpu.memref_squeeze %dma_start3A : memref<1x640xf32, #tpu.memory_space<hbm>> -> memref<640xf32, #tpu.memory_space<hbm>>
      %dma_start3A_156 = tpu.memref_slice %arg5[%arg0, %mul3A_153] : memref<2x10240xf32, #tpu.memory_space<hbm>> -> memref<1x640xf32, #tpu.memory_space<hbm>>
      %dma_start3A_157 = tpu.memref_squeeze %dma_start3A_156 : memref<1x640xf32, #tpu.memory_space<hbm>> -> memref<640xf32, #tpu.memory_space<hbm>>
      tpu.enqueue_dma source(%arg11 : memref<640xf32, #tpu.memory_space<vmem>>) target(%dma_start3A_157 : memref<640xf32, #tpu.memory_space<hbm>>) target_semaphore(%run_scoped3A_154 : memref<!tpu.dma_semaphore, #tpu.memory_space<semaphore_mem>>)
      %dma_wait3A = tpu.memref_slice %arg5[%arg0, %mul3A_153] : memref<2x10240xf32, #tpu.memory_space<hbm>> -> memref<1x640xf32, #tpu.memory_space<hbm>>
      %dma_wait3A_158 = tpu.memref_squeeze %dma_wait3A : memref<1x640xf32, #tpu.memory_space<hbm>> -> memref<640xf32, #tpu.memory_space<hbm>>
      %dma_wait3A_159 = tpu.memref_slice %arg5[%arg0, %mul3A_153] : memref<2x10240xf32, #tpu.memory_space<hbm>> -> memref<1x640xf32, #tpu.memory_space<hbm>>
      %dma_wait3A_160 = tpu.memref_squeeze %dma_wait3A_159 : memref<1x640xf32, #tpu.memory_space<hbm>> -> memref<640xf32, #tpu.memory_space<hbm>>
      tpu.wait_dma2 semaphore(%run_scoped3A_154 : memref<!tpu.dma_semaphore, #tpu.memory_space<semaphore_mem>>) src(%arg11 : memref<640xf32, #tpu.memory_space<vmem>>) dst(%dma_wait3A_160 : memref<640xf32, #tpu.memory_space<hbm>>)
      tpu.yield
    }) : () -> ()
    return
  }
}

#map = affine_map<(d0, d1) -> (0, 0)>
#map1 = affine_map<(d0, d1) -> (0)>
#map2 = affine_map<(d0, d1) -> (0, 0, 0)>
module attributes {stable_mosaic.version = 14 : i64} {
  func.func @_mp_body(%arg0: i32, %arg1: i32, %arg2: memref<10240x16xf32, #tpu.memory_space<hbm>>, %arg3: memref<163840xi32, #tpu.memory_space<hbm>>, %arg4: memref<163840xi32, #tpu.memory_space<hbm>>, %arg5: memref<163840xf32, #tpu.memory_space<hbm>>, %arg6: memref<2x10240x16xf32, #tpu.memory_space<hbm>>, %arg7: memref<128xi32, #tpu.memory_space<vmem>>, %arg8: memref<128xi32, #tpu.memory_space<vmem>>, %arg9: memref<128xf32, #tpu.memory_space<vmem>>, %arg10: memref<128x16xf32, #tpu.memory_space<vmem>>, %arg11: memref<!tpu.dma_semaphore, #tpu.memory_space<semaphore_mem>>, %arg12: memref<10240x16xf32, #tpu.memory_space<vmem_shared>>) attributes {dimension_semantics = [#tpu.dimension_semantics<core_parallel>, #tpu.dimension_semantics<subcore_parallel>], iteration_bounds = array<i64: 2, 16>, scalar_prefetch = 0 : i64, scratch_operands = 6 : i64, tpu.core_type = #tpu.core_type<sc_vector_subcore>, window_params = [{transform_indices = #map}, {transform_indices = #map1}, {transform_indices = #map1}, {transform_indices = #map1}, {transform_indices = #map2}]} {
    %mul3A = arith.constant 16 : i32
    %mul3A_0 = arith.muli %arg0, %mul3A : i32
    %add3A = arith.addi %mul3A_0, %arg1 : i32
    %mul3A_1 = arith.constant 5120 : i32
    %mul3A_2 = arith.muli %add3A, %mul3A_1 : i32
    %broadcast_in_dim3A = arith.constant 0.000000e+00 : f32
    %broadcast_in_dim3A_3 = vector.broadcast %broadcast_in_dim3A : f32 to vector<16xf32>
    %scan3A = arith.constant 0 : i32
    %scan3A_4 = arith.constant 128 : i32
    %scan3A_5 = arith.addi %scan3A, %scan3A_4 : i32
    %scan3A_6 = arith.constant 1 : i32
    scf.for %scan3A_38 = %scan3A to %scan3A_5 step %scan3A_6  : i32 {
      %mul3A_39 = arith.constant 1 : i32
      %mul3A_40 = arith.muli %scan3A_38, %mul3A_39 : i32
      %add3A_41 = arith.constant 0 : i32
      %add3A_42 = arith.addi %add3A_41, %mul3A_40 : i32
      %swap3A = arith.index_cast %add3A_42 : i32 to index
      %swap3A_43 = arith.constant 0 : index
      %swap3A_44 = tpu.vector_load %arg10[%swap3A, %swap3A_43] {strides = array<i32>} : memref<128x16xf32, #tpu.memory_space<vmem>>, vector<16xf32>,
      tpu.vector_store %arg10[%swap3A, %swap3A_43], %broadcast_in_dim3A_3 {strides = array<i32>} : memref<128x16xf32, #tpu.memory_space<vmem>>, vector<16xf32>,
    }
    %scan3A_7 = arith.constant 128 : i32
    %mul3A_8 = arith.constant 640 : i32
    %mul3A_9 = arith.muli %arg1, %mul3A_8 : i32
    %add3A_10 = arith.constant 0 : i32
    %add3A_11 = arith.addi %mul3A_9, %add3A_10 : i32
    "tpu.region"() ({
      %run_scoped3A = tpu.sem_alloc : memref<!tpu.dma_semaphore, #tpu.memory_space<semaphore_mem>>
      %dma_start3A = arith.constant 0 : i32
      %dma_start3A_38 = tpu.memref_slice %arg12[%add3A_11, %dma_start3A] : memref<10240x16xf32, #tpu.memory_space<vmem_shared>> -> memref<128x16xf32, #tpu.memory_space<vmem_shared>>
      %dma_start3A_39 = arith.constant 0 : i32
      %dma_start3A_40 = tpu.memref_slice %arg12[%add3A_11, %dma_start3A_39] : memref<10240x16xf32, #tpu.memory_space<vmem_shared>> -> memref<128x16xf32, #tpu.memory_space<vmem_shared>>
      tpu.enqueue_dma source(%arg10 : memref<128x16xf32, #tpu.memory_space<vmem>>) target(%dma_start3A_40 : memref<128x16xf32, #tpu.memory_space<vmem_shared>>) target_semaphore(%run_scoped3A : memref<!tpu.dma_semaphore, #tpu.memory_space<semaphore_mem>>)
      %dma_wait3A = arith.constant 0 : i32
      %dma_wait3A_41 = tpu.memref_slice %arg12[%add3A_11, %dma_wait3A] : memref<10240x16xf32, #tpu.memory_space<vmem_shared>> -> memref<128x16xf32, #tpu.memory_space<vmem_shared>>
      %dma_wait3A_42 = arith.constant 0 : i32
      %dma_wait3A_43 = tpu.memref_slice %arg12[%add3A_11, %dma_wait3A_42] : memref<10240x16xf32, #tpu.memory_space<vmem_shared>> -> memref<128x16xf32, #tpu.memory_space<vmem_shared>>
      tpu.wait_dma2 semaphore(%run_scoped3A : memref<!tpu.dma_semaphore, #tpu.memory_space<semaphore_mem>>) src(%arg10 : memref<128x16xf32, #tpu.memory_space<vmem>>) dst(%dma_wait3A_43 : memref<128x16xf32, #tpu.memory_space<vmem_shared>>)
      tpu.yield
    }) : () -> ()
    %mul3A_12 = arith.constant 640 : i32
    %mul3A_13 = arith.muli %arg1, %mul3A_12 : i32
    %add3A_14 = arith.constant 128 : i32
    %add3A_15 = arith.addi %mul3A_13, %add3A_14 : i32
    "tpu.region"() ({
      %run_scoped3A = tpu.sem_alloc : memref<!tpu.dma_semaphore, #tpu.memory_space<semaphore_mem>>
      %dma_start3A = arith.constant 0 : i32
      %dma_start3A_38 = tpu.memref_slice %arg12[%add3A_15, %dma_start3A] : memref<10240x16xf32, #tpu.memory_space<vmem_shared>> -> memref<128x16xf32, #tpu.memory_space<vmem_shared>>
      %dma_start3A_39 = arith.constant 0 : i32
      %dma_start3A_40 = tpu.memref_slice %arg12[%add3A_15, %dma_start3A_39] : memref<10240x16xf32, #tpu.memory_space<vmem_shared>> -> memref<128x16xf32, #tpu.memory_space<vmem_shared>>
      tpu.enqueue_dma source(%arg10 : memref<128x16xf32, #tpu.memory_space<vmem>>) target(%dma_start3A_40 : memref<128x16xf32, #tpu.memory_space<vmem_shared>>) target_semaphore(%run_scoped3A : memref<!tpu.dma_semaphore, #tpu.memory_space<semaphore_mem>>)
      %dma_wait3A = arith.constant 0 : i32
      %dma_wait3A_41 = tpu.memref_slice %arg12[%add3A_15, %dma_wait3A] : memref<10240x16xf32, #tpu.memory_space<vmem_shared>> -> memref<128x16xf32, #tpu.memory_space<vmem_shared>>
      %dma_wait3A_42 = arith.constant 0 : i32
      %dma_wait3A_43 = tpu.memref_slice %arg12[%add3A_15, %dma_wait3A_42] : memref<10240x16xf32, #tpu.memory_space<vmem_shared>> -> memref<128x16xf32, #tpu.memory_space<vmem_shared>>
      tpu.wait_dma2 semaphore(%run_scoped3A : memref<!tpu.dma_semaphore, #tpu.memory_space<semaphore_mem>>) src(%arg10 : memref<128x16xf32, #tpu.memory_space<vmem>>) dst(%dma_wait3A_43 : memref<128x16xf32, #tpu.memory_space<vmem_shared>>)
      tpu.yield
    }) : () -> ()
    %mul3A_16 = arith.constant 640 : i32
    %mul3A_17 = arith.muli %arg1, %mul3A_16 : i32
    %add3A_18 = arith.constant 256 : i32
    %add3A_19 = arith.addi %mul3A_17, %add3A_18 : i32
    "tpu.region"() ({
      %run_scoped3A = tpu.sem_alloc : memref<!tpu.dma_semaphore, #tpu.memory_space<semaphore_mem>>
      %dma_start3A = arith.constant 0 : i32
      %dma_start3A_38 = tpu.memref_slice %arg12[%add3A_19, %dma_start3A] : memref<10240x16xf32, #tpu.memory_space<vmem_shared>> -> memref<128x16xf32, #tpu.memory_space<vmem_shared>>
      %dma_start3A_39 = arith.constant 0 : i32
      %dma_start3A_40 = tpu.memref_slice %arg12[%add3A_19, %dma_start3A_39] : memref<10240x16xf32, #tpu.memory_space<vmem_shared>> -> memref<128x16xf32, #tpu.memory_space<vmem_shared>>
      tpu.enqueue_dma source(%arg10 : memref<128x16xf32, #tpu.memory_space<vmem>>) target(%dma_start3A_40 : memref<128x16xf32, #tpu.memory_space<vmem_shared>>) target_semaphore(%run_scoped3A : memref<!tpu.dma_semaphore, #tpu.memory_space<semaphore_mem>>)
      %dma_wait3A = arith.constant 0 : i32
      %dma_wait3A_41 = tpu.memref_slice %arg12[%add3A_19, %dma_wait3A] : memref<10240x16xf32, #tpu.memory_space<vmem_shared>> -> memref<128x16xf32, #tpu.memory_space<vmem_shared>>
      %dma_wait3A_42 = arith.constant 0 : i32
      %dma_wait3A_43 = tpu.memref_slice %arg12[%add3A_19, %dma_wait3A_42] : memref<10240x16xf32, #tpu.memory_space<vmem_shared>> -> memref<128x16xf32, #tpu.memory_space<vmem_shared>>
      tpu.wait_dma2 semaphore(%run_scoped3A : memref<!tpu.dma_semaphore, #tpu.memory_space<semaphore_mem>>) src(%arg10 : memref<128x16xf32, #tpu.memory_space<vmem>>) dst(%dma_wait3A_43 : memref<128x16xf32, #tpu.memory_space<vmem_shared>>)
      tpu.yield
    }) : () -> ()
    %mul3A_20 = arith.constant 640 : i32
    %mul3A_21 = arith.muli %arg1, %mul3A_20 : i32
    %add3A_22 = arith.constant 384 : i32
    %add3A_23 = arith.addi %mul3A_21, %add3A_22 : i32
    "tpu.region"() ({
      %run_scoped3A = tpu.sem_alloc : memref<!tpu.dma_semaphore, #tpu.memory_space<semaphore_mem>>
      %dma_start3A = arith.constant 0 : i32
      %dma_start3A_38 = tpu.memref_slice %arg12[%add3A_23, %dma_start3A] : memref<10240x16xf32, #tpu.memory_space<vmem_shared>> -> memref<128x16xf32, #tpu.memory_space<vmem_shared>>
      %dma_start3A_39 = arith.constant 0 : i32
      %dma_start3A_40 = tpu.memref_slice %arg12[%add3A_23, %dma_start3A_39] : memref<10240x16xf32, #tpu.memory_space<vmem_shared>> -> memref<128x16xf32, #tpu.memory_space<vmem_shared>>
      tpu.enqueue_dma source(%arg10 : memref<128x16xf32, #tpu.memory_space<vmem>>) target(%dma_start3A_40 : memref<128x16xf32, #tpu.memory_space<vmem_shared>>) target_semaphore(%run_scoped3A : memref<!tpu.dma_semaphore, #tpu.memory_space<semaphore_mem>>)
      %dma_wait3A = arith.constant 0 : i32
      %dma_wait3A_41 = tpu.memref_slice %arg12[%add3A_23, %dma_wait3A] : memref<10240x16xf32, #tpu.memory_space<vmem_shared>> -> memref<128x16xf32, #tpu.memory_space<vmem_shared>>
      %dma_wait3A_42 = arith.constant 0 : i32
      %dma_wait3A_43 = tpu.memref_slice %arg12[%add3A_23, %dma_wait3A_42] : memref<10240x16xf32, #tpu.memory_space<vmem_shared>> -> memref<128x16xf32, #tpu.memory_space<vmem_shared>>
      tpu.wait_dma2 semaphore(%run_scoped3A : memref<!tpu.dma_semaphore, #tpu.memory_space<semaphore_mem>>) src(%arg10 : memref<128x16xf32, #tpu.memory_space<vmem>>) dst(%dma_wait3A_43 : memref<128x16xf32, #tpu.memory_space<vmem_shared>>)
      tpu.yield
    }) : () -> ()
    %mul3A_24 = arith.constant 640 : i32
    %mul3A_25 = arith.muli %arg1, %mul3A_24 : i32
    %add3A_26 = arith.constant 512 : i32
    %add3A_27 = arith.addi %mul3A_25, %add3A_26 : i32
    "tpu.region"() ({
      %run_scoped3A = tpu.sem_alloc : memref<!tpu.dma_semaphore, #tpu.memory_space<semaphore_mem>>
      %dma_start3A = arith.constant 0 : i32
      %dma_start3A_38 = tpu.memref_slice %arg12[%add3A_27, %dma_start3A] : memref<10240x16xf32, #tpu.memory_space<vmem_shared>> -> memref<128x16xf32, #tpu.memory_space<vmem_shared>>
      %dma_start3A_39 = arith.constant 0 : i32
      %dma_start3A_40 = tpu.memref_slice %arg12[%add3A_27, %dma_start3A_39] : memref<10240x16xf32, #tpu.memory_space<vmem_shared>> -> memref<128x16xf32, #tpu.memory_space<vmem_shared>>
      tpu.enqueue_dma source(%arg10 : memref<128x16xf32, #tpu.memory_space<vmem>>) target(%dma_start3A_40 : memref<128x16xf32, #tpu.memory_space<vmem_shared>>) target_semaphore(%run_scoped3A : memref<!tpu.dma_semaphore, #tpu.memory_space<semaphore_mem>>)
      %dma_wait3A = arith.constant 0 : i32
      %dma_wait3A_41 = tpu.memref_slice %arg12[%add3A_27, %dma_wait3A] : memref<10240x16xf32, #tpu.memory_space<vmem_shared>> -> memref<128x16xf32, #tpu.memory_space<vmem_shared>>
      %dma_wait3A_42 = arith.constant 0 : i32
      %dma_wait3A_43 = tpu.memref_slice %arg12[%add3A_27, %dma_wait3A_42] : memref<10240x16xf32, #tpu.memory_space<vmem_shared>> -> memref<128x16xf32, #tpu.memory_space<vmem_shared>>
      tpu.wait_dma2 semaphore(%run_scoped3A : memref<!tpu.dma_semaphore, #tpu.memory_space<semaphore_mem>>) src(%arg10 : memref<128x16xf32, #tpu.memory_space<vmem>>) dst(%dma_wait3A_43 : memref<128x16xf32, #tpu.memory_space<vmem_shared>>)
      tpu.yield
    }) : () -> ()
    %barrier3A = arith.constant 0 : index
    tpu.barrier barrier_id(%barrier3A)
    %scan3A_28 = arith.constant 0 : i32
    %scan3A_29 = arith.constant 40 : i32
    %scan3A_30 = arith.addi %scan3A_28, %scan3A_29 : i32
    %scan3A_31 = arith.constant 1 : i32
    scf.for %scan3A_38 = %scan3A_28 to %scan3A_30 step %scan3A_31  : i32 {
      %mul3A_39 = arith.constant 1 : i32
      %mul3A_40 = arith.muli %scan3A_38, %mul3A_39 : i32
      %add3A_41 = arith.constant 0 : i32
      %add3A_42 = arith.addi %add3A_41, %mul3A_40 : i32
      %mul3A_43 = arith.constant 128 : i32
      %mul3A_44 = arith.muli %add3A_42, %mul3A_43 : i32
      %add3A_45 = arith.addi %mul3A_2, %mul3A_44 : i32
      "tpu.region"() ({
        %run_scoped3A = tpu.sem_alloc : memref<!tpu.dma_semaphore, #tpu.memory_space<semaphore_mem>>
        %dma_start3A_55 = tpu.memref_slice %arg3[%add3A_45] : memref<163840xi32, #tpu.memory_space<hbm>> -> memref<128xi32, #tpu.memory_space<hbm>>
        %dma_start3A_56 = tpu.memref_slice %arg3[%add3A_45] : memref<163840xi32, #tpu.memory_space<hbm>> -> memref<128xi32, #tpu.memory_space<hbm>>
        tpu.enqueue_dma source(%dma_start3A_56 : memref<128xi32, #tpu.memory_space<hbm>>) target(%arg7 : memref<128xi32, #tpu.memory_space<vmem>>) target_semaphore(%run_scoped3A : memref<!tpu.dma_semaphore, #tpu.memory_space<semaphore_mem>>)
        %dma_wait3A_57 = tpu.memref_slice %arg3[%add3A_45] : memref<163840xi32, #tpu.memory_space<hbm>> -> memref<128xi32, #tpu.memory_space<hbm>>
        %dma_wait3A_58 = tpu.memref_slice %arg3[%add3A_45] : memref<163840xi32, #tpu.memory_space<hbm>> -> memref<128xi32, #tpu.memory_space<hbm>>
        tpu.wait_dma2 semaphore(%run_scoped3A : memref<!tpu.dma_semaphore, #tpu.memory_space<semaphore_mem>>) src(%dma_wait3A_58 : memref<128xi32, #tpu.memory_space<hbm>>) dst(%arg7 : memref<128xi32, #tpu.memory_space<vmem>>)
        tpu.yield
      }) : () -> ()
      "tpu.region"() ({
        %run_scoped3A = tpu.sem_alloc : memref<!tpu.dma_semaphore, #tpu.memory_space<semaphore_mem>>
        %dma_start3A_55 = tpu.memref_slice %arg4[%add3A_45] : memref<163840xi32, #tpu.memory_space<hbm>> -> memref<128xi32, #tpu.memory_space<hbm>>
        %dma_start3A_56 = tpu.memref_slice %arg4[%add3A_45] : memref<163840xi32, #tpu.memory_space<hbm>> -> memref<128xi32, #tpu.memory_space<hbm>>
        tpu.enqueue_dma source(%dma_start3A_56 : memref<128xi32, #tpu.memory_space<hbm>>) target(%arg8 : memref<128xi32, #tpu.memory_space<vmem>>) target_semaphore(%run_scoped3A : memref<!tpu.dma_semaphore, #tpu.memory_space<semaphore_mem>>)
        %dma_wait3A_57 = tpu.memref_slice %arg4[%add3A_45] : memref<163840xi32, #tpu.memory_space<hbm>> -> memref<128xi32, #tpu.memory_space<hbm>>
        %dma_wait3A_58 = tpu.memref_slice %arg4[%add3A_45] : memref<163840xi32, #tpu.memory_space<hbm>> -> memref<128xi32, #tpu.memory_space<hbm>>
        tpu.wait_dma2 semaphore(%run_scoped3A : memref<!tpu.dma_semaphore, #tpu.memory_space<semaphore_mem>>) src(%dma_wait3A_58 : memref<128xi32, #tpu.memory_space<hbm>>) dst(%arg8 : memref<128xi32, #tpu.memory_space<vmem>>)
        tpu.yield
      }) : () -> ()
      "tpu.region"() ({
        %run_scoped3A = tpu.sem_alloc : memref<!tpu.dma_semaphore, #tpu.memory_space<semaphore_mem>>
        %dma_start3A_55 = tpu.memref_slice %arg5[%add3A_45] : memref<163840xf32, #tpu.memory_space<hbm>> -> memref<128xf32, #tpu.memory_space<hbm>>
        %dma_start3A_56 = tpu.memref_slice %arg5[%add3A_45] : memref<163840xf32, #tpu.memory_space<hbm>> -> memref<128xf32, #tpu.memory_space<hbm>>
        tpu.enqueue_dma source(%dma_start3A_56 : memref<128xf32, #tpu.memory_space<hbm>>) target(%arg9 : memref<128xf32, #tpu.memory_space<vmem>>) target_semaphore(%run_scoped3A : memref<!tpu.dma_semaphore, #tpu.memory_space<semaphore_mem>>)
        %dma_wait3A_57 = tpu.memref_slice %arg5[%add3A_45] : memref<163840xf32, #tpu.memory_space<hbm>> -> memref<128xf32, #tpu.memory_space<hbm>>
        %dma_wait3A_58 = tpu.memref_slice %arg5[%add3A_45] : memref<163840xf32, #tpu.memory_space<hbm>> -> memref<128xf32, #tpu.memory_space<hbm>>
        tpu.wait_dma2 semaphore(%run_scoped3A : memref<!tpu.dma_semaphore, #tpu.memory_space<semaphore_mem>>) src(%dma_wait3A_58 : memref<128xf32, #tpu.memory_space<hbm>>) dst(%arg9 : memref<128xf32, #tpu.memory_space<vmem>>)
        tpu.yield
      }) : () -> ()
      %dma_start3A = arith.constant 0 : i32
      %dma_start3A_46 = arith.constant 0 : i32
      %dma_start3A_47 = tpu.memref_slice %arg2[%dma_start3A, %dma_start3A_46] : memref<10240x16xf32, #tpu.memory_space<hbm>> -> memref<10240x16xf32, #tpu.memory_space<hbm>>
      tpu.enqueue_indirect_dma source(%dma_start3A_47 : memref<10240x16xf32, #tpu.memory_space<hbm>>) target(%arg10 : memref<128x16xf32, #tpu.memory_space<vmem>>) offsets(%arg7 : memref<128xi32, #tpu.memory_space<vmem>>) semaphore(%arg11 : memref<!tpu.dma_semaphore, #tpu.memory_space<semaphore_mem>>)
      %dma_wait3A = arith.constant 0 : i32
      %dma_wait3A_48 = arith.constant 0 : i32
      %dma_wait3A_49 = tpu.memref_slice %arg2[%dma_wait3A, %dma_wait3A_48] : memref<10240x16xf32, #tpu.memory_space<hbm>> -> memref<10240x16xf32, #tpu.memory_space<hbm>>
      tpu.wait_indirect_dma semaphore(%arg11 : memref<!tpu.dma_semaphore, #tpu.memory_space<semaphore_mem>>) src(%dma_wait3A_49 : memref<10240x16xf32, #tpu.memory_space<hbm>>) dst(%arg10 : memref<128x16xf32, #tpu.memory_space<vmem>>)
      %scan3A_50 = arith.constant 0 : i32
      %scan3A_51 = arith.constant 8 : i32
      %scan3A_52 = arith.addi %scan3A_50, %scan3A_51 : i32
      %scan3A_53 = arith.constant 1 : i32
      scf.for %scan3A_55 = %scan3A_50 to %scan3A_52 step %scan3A_53  : i32 {
        %mul3A_56 = arith.constant 1 : i32
        %mul3A_57 = arith.muli %scan3A_55, %mul3A_56 : i32
        %add3A_58 = arith.constant 0 : i32
        %add3A_59 = arith.addi %add3A_58, %mul3A_57 : i32
        %mul3A_60 = arith.constant 16 : i32
        %mul3A_61 = arith.muli %add3A_59, %mul3A_60 : i32
        %get3A = arith.index_cast %mul3A_61 : i32 to index
        %get3A_62 = tpu.vector_load %arg9[%get3A] {strides = array<i32>} : memref<128xf32, #tpu.memory_space<vmem>>, vector<16xf32>,
        %slice3A = vector.extract_strided_slice %get3A_62 {offsets = [0], sizes = [1], strides = [1]} : vector<16xf32> to vector<1xf32>
        %squeeze3A = vector.extract %slice3A[0] : f32 from vector<1xf32>
        %mul3A_63 = arith.constant 16 : i32
        %mul3A_64 = arith.muli %add3A_59, %mul3A_63 : i32
        %add3A_65 = arith.constant 0 : i32
        %add3A_66 = arith.addi %mul3A_64, %add3A_65 : i32
        %get3A_67 = arith.index_cast %add3A_66 : i32 to index
        %get3A_68 = arith.constant 0 : index
        %get3A_69 = tpu.vector_load %arg10[%get3A_67, %get3A_68] {strides = array<i32>} : memref<128x16xf32, #tpu.memory_space<vmem>>, vector<16xf32>,
        %mul3A_70 = vector.broadcast %squeeze3A : f32 to vector<16xf32>
        %mul3A_71 = arith.mulf %get3A_69, %mul3A_70 : vector<16xf32>
        %swap3A = arith.index_cast %add3A_66 : i32 to index
        %swap3A_72 = arith.constant 0 : index
        %swap3A_73 = tpu.vector_load %arg10[%swap3A, %swap3A_72] {strides = array<i32>} : memref<128x16xf32, #tpu.memory_space<vmem>>, vector<16xf32>,
        tpu.vector_store %arg10[%swap3A, %swap3A_72], %mul3A_71 {strides = array<i32>} : memref<128x16xf32, #tpu.memory_space<vmem>>, vector<16xf32>,
        %slice3A_74 = vector.extract_strided_slice %get3A_62 {offsets = [1], sizes = [1], strides = [1]} : vector<16xf32> to vector<1xf32>
        %squeeze3A_75 = vector.extract %slice3A_74[0] : f32 from vector<1xf32>
        %mul3A_76 = arith.constant 16 : i32
        %mul3A_77 = arith.muli %add3A_59, %mul3A_76 : i32
        %add3A_78 = arith.constant 1 : i32
        %add3A_79 = arith.addi %mul3A_77, %add3A_78 : i32
        %get3A_80 = arith.index_cast %add3A_79 : i32 to index
        %get3A_81 = arith.constant 0 : index
        %get3A_82 = tpu.vector_load %arg10[%get3A_80, %get3A_81] {strides = array<i32>} : memref<128x16xf32, #tpu.memory_space<vmem>>, vector<16xf32>,
        %mul3A_83 = vector.broadcast %squeeze3A_75 : f32 to vector<16xf32>
        %mul3A_84 = arith.mulf %get3A_82, %mul3A_83 : vector<16xf32>
        %swap3A_85 = arith.index_cast %add3A_79 : i32 to index
        %swap3A_86 = arith.constant 0 : index
        %swap3A_87 = tpu.vector_load %arg10[%swap3A_85, %swap3A_86] {strides = array<i32>} : memref<128x16xf32, #tpu.memory_space<vmem>>, vector<16xf32>,
        tpu.vector_store %arg10[%swap3A_85, %swap3A_86], %mul3A_84 {strides = array<i32>} : memref<128x16xf32, #tpu.memory_space<vmem>>, vector<16xf32>,
        %slice3A_88 = vector.extract_strided_slice %get3A_62 {offsets = [2], sizes = [1], strides = [1]} : vector<16xf32> to vector<1xf32>
        %squeeze3A_89 = vector.extract %slice3A_88[0] : f32 from vector<1xf32>
        %mul3A_90 = arith.constant 16 : i32
        %mul3A_91 = arith.muli %add3A_59, %mul3A_90 : i32
        %add3A_92 = arith.constant 2 : i32
        %add3A_93 = arith.addi %mul3A_91, %add3A_92 : i32
        %get3A_94 = arith.index_cast %add3A_93 : i32 to index
        %get3A_95 = arith.constant 0 : index
        %get3A_96 = tpu.vector_load %arg10[%get3A_94, %get3A_95] {strides = array<i32>} : memref<128x16xf32, #tpu.memory_space<vmem>>, vector<16xf32>,
        %mul3A_97 = vector.broadcast %squeeze3A_89 : f32 to vector<16xf32>
        %mul3A_98 = arith.mulf %get3A_96, %mul3A_97 : vector<16xf32>
        %swap3A_99 = arith.index_cast %add3A_93 : i32 to index
        %swap3A_100 = arith.constant 0 : index
        %swap3A_101 = tpu.vector_load %arg10[%swap3A_99, %swap3A_100] {strides = array<i32>} : memref<128x16xf32, #tpu.memory_space<vmem>>, vector<16xf32>,
        tpu.vector_store %arg10[%swap3A_99, %swap3A_100], %mul3A_98 {strides = array<i32>} : memref<128x16xf32, #tpu.memory_space<vmem>>, vector<16xf32>,
        %slice3A_102 = vector.extract_strided_slice %get3A_62 {offsets = [3], sizes = [1], strides = [1]} : vector<16xf32> to vector<1xf32>
        %squeeze3A_103 = vector.extract %slice3A_102[0] : f32 from vector<1xf32>
        %mul3A_104 = arith.constant 16 : i32
        %mul3A_105 = arith.muli %add3A_59, %mul3A_104 : i32
        %add3A_106 = arith.constant 3 : i32
        %add3A_107 = arith.addi %mul3A_105, %add3A_106 : i32
        %get3A_108 = arith.index_cast %add3A_107 : i32 to index
        %get3A_109 = arith.constant 0 : index
        %get3A_110 = tpu.vector_load %arg10[%get3A_108, %get3A_109] {strides = array<i32>} : memref<128x16xf32, #tpu.memory_space<vmem>>, vector<16xf32>,
        %mul3A_111 = vector.broadcast %squeeze3A_103 : f32 to vector<16xf32>
        %mul3A_112 = arith.mulf %get3A_110, %mul3A_111 : vector<16xf32>
        %swap3A_113 = arith.index_cast %add3A_107 : i32 to index
        %swap3A_114 = arith.constant 0 : index
        %swap3A_115 = tpu.vector_load %arg10[%swap3A_113, %swap3A_114] {strides = array<i32>} : memref<128x16xf32, #tpu.memory_space<vmem>>, vector<16xf32>,
        tpu.vector_store %arg10[%swap3A_113, %swap3A_114], %mul3A_112 {strides = array<i32>} : memref<128x16xf32, #tpu.memory_space<vmem>>, vector<16xf32>,
        %slice3A_116 = vector.extract_strided_slice %get3A_62 {offsets = [4], sizes = [1], strides = [1]} : vector<16xf32> to vector<1xf32>
        %squeeze3A_117 = vector.extract %slice3A_116[0] : f32 from vector<1xf32>
        %mul3A_118 = arith.constant 16 : i32
        %mul3A_119 = arith.muli %add3A_59, %mul3A_118 : i32
        %add3A_120 = arith.constant 4 : i32
        %add3A_121 = arith.addi %mul3A_119, %add3A_120 : i32
        %get3A_122 = arith.index_cast %add3A_121 : i32 to index
        %get3A_123 = arith.constant 0 : index
        %get3A_124 = tpu.vector_load %arg10[%get3A_122, %get3A_123] {strides = array<i32>} : memref<128x16xf32, #tpu.memory_space<vmem>>, vector<16xf32>,
        %mul3A_125 = vector.broadcast %squeeze3A_117 : f32 to vector<16xf32>
        %mul3A_126 = arith.mulf %get3A_124, %mul3A_125 : vector<16xf32>
        %swap3A_127 = arith.index_cast %add3A_121 : i32 to index
        %swap3A_128 = arith.constant 0 : index
        %swap3A_129 = tpu.vector_load %arg10[%swap3A_127, %swap3A_128] {strides = array<i32>} : memref<128x16xf32, #tpu.memory_space<vmem>>, vector<16xf32>,
        tpu.vector_store %arg10[%swap3A_127, %swap3A_128], %mul3A_126 {strides = array<i32>} : memref<128x16xf32, #tpu.memory_space<vmem>>, vector<16xf32>,
        %slice3A_130 = vector.extract_strided_slice %get3A_62 {offsets = [5], sizes = [1], strides = [1]} : vector<16xf32> to vector<1xf32>
        %squeeze3A_131 = vector.extract %slice3A_130[0] : f32 from vector<1xf32>
        %mul3A_132 = arith.constant 16 : i32
        %mul3A_133 = arith.muli %add3A_59, %mul3A_132 : i32
        %add3A_134 = arith.constant 5 : i32
        %add3A_135 = arith.addi %mul3A_133, %add3A_134 : i32
        %get3A_136 = arith.index_cast %add3A_135 : i32 to index
        %get3A_137 = arith.constant 0 : index
        %get3A_138 = tpu.vector_load %arg10[%get3A_136, %get3A_137] {strides = array<i32>} : memref<128x16xf32, #tpu.memory_space<vmem>>, vector<16xf32>,
        %mul3A_139 = vector.broadcast %squeeze3A_131 : f32 to vector<16xf32>
        %mul3A_140 = arith.mulf %get3A_138, %mul3A_139 : vector<16xf32>
        %swap3A_141 = arith.index_cast %add3A_135 : i32 to index
        %swap3A_142 = arith.constant 0 : index
        %swap3A_143 = tpu.vector_load %arg10[%swap3A_141, %swap3A_142] {strides = array<i32>} : memref<128x16xf32, #tpu.memory_space<vmem>>, vector<16xf32>,
        tpu.vector_store %arg10[%swap3A_141, %swap3A_142], %mul3A_140 {strides = array<i32>} : memref<128x16xf32, #tpu.memory_space<vmem>>, vector<16xf32>,
        %slice3A_144 = vector.extract_strided_slice %get3A_62 {offsets = [6], sizes = [1], strides = [1]} : vector<16xf32> to vector<1xf32>
        %squeeze3A_145 = vector.extract %slice3A_144[0] : f32 from vector<1xf32>
        %mul3A_146 = arith.constant 16 : i32
        %mul3A_147 = arith.muli %add3A_59, %mul3A_146 : i32
        %add3A_148 = arith.constant 6 : i32
        %add3A_149 = arith.addi %mul3A_147, %add3A_148 : i32
        %get3A_150 = arith.index_cast %add3A_149 : i32 to index
        %get3A_151 = arith.constant 0 : index
        %get3A_152 = tpu.vector_load %arg10[%get3A_150, %get3A_151] {strides = array<i32>} : memref<128x16xf32, #tpu.memory_space<vmem>>, vector<16xf32>,
        %mul3A_153 = vector.broadcast %squeeze3A_145 : f32 to vector<16xf32>
        %mul3A_154 = arith.mulf %get3A_152, %mul3A_153 : vector<16xf32>
        %swap3A_155 = arith.index_cast %add3A_149 : i32 to index
        %swap3A_156 = arith.constant 0 : index
        %swap3A_157 = tpu.vector_load %arg10[%swap3A_155, %swap3A_156] {strides = array<i32>} : memref<128x16xf32, #tpu.memory_space<vmem>>, vector<16xf32>,
        tpu.vector_store %arg10[%swap3A_155, %swap3A_156], %mul3A_154 {strides = array<i32>} : memref<128x16xf32, #tpu.memory_space<vmem>>, vector<16xf32>,
        %slice3A_158 = vector.extract_strided_slice %get3A_62 {offsets = [7], sizes = [1], strides = [1]} : vector<16xf32> to vector<1xf32>
        %squeeze3A_159 = vector.extract %slice3A_158[0] : f32 from vector<1xf32>
        %mul3A_160 = arith.constant 16 : i32
        %mul3A_161 = arith.muli %add3A_59, %mul3A_160 : i32
        %add3A_162 = arith.constant 7 : i32
        %add3A_163 = arith.addi %mul3A_161, %add3A_162 : i32
        %get3A_164 = arith.index_cast %add3A_163 : i32 to index
        %get3A_165 = arith.constant 0 : index
        %get3A_166 = tpu.vector_load %arg10[%get3A_164, %get3A_165] {strides = array<i32>} : memref<128x16xf32, #tpu.memory_space<vmem>>, vector<16xf32>,
        %mul3A_167 = vector.broadcast %squeeze3A_159 : f32 to vector<16xf32>
        %mul3A_168 = arith.mulf %get3A_166, %mul3A_167 : vector<16xf32>
        %swap3A_169 = arith.index_cast %add3A_163 : i32 to index
        %swap3A_170 = arith.constant 0 : index
        %swap3A_171 = tpu.vector_load %arg10[%swap3A_169, %swap3A_170] {strides = array<i32>} : memref<128x16xf32, #tpu.memory_space<vmem>>, vector<16xf32>,
        tpu.vector_store %arg10[%swap3A_169, %swap3A_170], %mul3A_168 {strides = array<i32>} : memref<128x16xf32, #tpu.memory_space<vmem>>, vector<16xf32>,
        %slice3A_172 = vector.extract_strided_slice %get3A_62 {offsets = [8], sizes = [1], strides = [1]} : vector<16xf32> to vector<1xf32>
        %squeeze3A_173 = vector.extract %slice3A_172[0] : f32 from vector<1xf32>
        %mul3A_174 = arith.constant 16 : i32
        %mul3A_175 = arith.muli %add3A_59, %mul3A_174 : i32
        %add3A_176 = arith.constant 8 : i32
        %add3A_177 = arith.addi %mul3A_175, %add3A_176 : i32
        %get3A_178 = arith.index_cast %add3A_177 : i32 to index
        %get3A_179 = arith.constant 0 : index
        %get3A_180 = tpu.vector_load %arg10[%get3A_178, %get3A_179] {strides = array<i32>} : memref<128x16xf32, #tpu.memory_space<vmem>>, vector<16xf32>,
        %mul3A_181 = vector.broadcast %squeeze3A_173 : f32 to vector<16xf32>
        %mul3A_182 = arith.mulf %get3A_180, %mul3A_181 : vector<16xf32>
        %swap3A_183 = arith.index_cast %add3A_177 : i32 to index
        %swap3A_184 = arith.constant 0 : index
        %swap3A_185 = tpu.vector_load %arg10[%swap3A_183, %swap3A_184] {strides = array<i32>} : memref<128x16xf32, #tpu.memory_space<vmem>>, vector<16xf32>,
        tpu.vector_store %arg10[%swap3A_183, %swap3A_184], %mul3A_182 {strides = array<i32>} : memref<128x16xf32, #tpu.memory_space<vmem>>, vector<16xf32>,
        %slice3A_186 = vector.extract_strided_slice %get3A_62 {offsets = [9], sizes = [1], strides = [1]} : vector<16xf32> to vector<1xf32>
        %squeeze3A_187 = vector.extract %slice3A_186[0] : f32 from vector<1xf32>
        %mul3A_188 = arith.constant 16 : i32
        %mul3A_189 = arith.muli %add3A_59, %mul3A_188 : i32
        %add3A_190 = arith.constant 9 : i32
        %add3A_191 = arith.addi %mul3A_189, %add3A_190 : i32
        %get3A_192 = arith.index_cast %add3A_191 : i32 to index
        %get3A_193 = arith.constant 0 : index
        %get3A_194 = tpu.vector_load %arg10[%get3A_192, %get3A_193] {strides = array<i32>} : memref<128x16xf32, #tpu.memory_space<vmem>>, vector<16xf32>,
        %mul3A_195 = vector.broadcast %squeeze3A_187 : f32 to vector<16xf32>
        %mul3A_196 = arith.mulf %get3A_194, %mul3A_195 : vector<16xf32>
        %swap3A_197 = arith.index_cast %add3A_191 : i32 to index
        %swap3A_198 = arith.constant 0 : index
        %swap3A_199 = tpu.vector_load %arg10[%swap3A_197, %swap3A_198] {strides = array<i32>} : memref<128x16xf32, #tpu.memory_space<vmem>>, vector<16xf32>,
        tpu.vector_store %arg10[%swap3A_197, %swap3A_198], %mul3A_196 {strides = array<i32>} : memref<128x16xf32, #tpu.memory_space<vmem>>, vector<16xf32>,
        %slice3A_200 = vector.extract_strided_slice %get3A_62 {offsets = [10], sizes = [1], strides = [1]} : vector<16xf32> to vector<1xf32>
        %squeeze3A_201 = vector.extract %slice3A_200[0] : f32 from vector<1xf32>
        %mul3A_202 = arith.constant 16 : i32
        %mul3A_203 = arith.muli %add3A_59, %mul3A_202 : i32
        %add3A_204 = arith.constant 10 : i32
        %add3A_205 = arith.addi %mul3A_203, %add3A_204 : i32
        %get3A_206 = arith.index_cast %add3A_205 : i32 to index
        %get3A_207 = arith.constant 0 : index
        %get3A_208 = tpu.vector_load %arg10[%get3A_206, %get3A_207] {strides = array<i32>} : memref<128x16xf32, #tpu.memory_space<vmem>>, vector<16xf32>,
        %mul3A_209 = vector.broadcast %squeeze3A_201 : f32 to vector<16xf32>
        %mul3A_210 = arith.mulf %get3A_208, %mul3A_209 : vector<16xf32>
        %swap3A_211 = arith.index_cast %add3A_205 : i32 to index
        %swap3A_212 = arith.constant 0 : index
        %swap3A_213 = tpu.vector_load %arg10[%swap3A_211, %swap3A_212] {strides = array<i32>} : memref<128x16xf32, #tpu.memory_space<vmem>>, vector<16xf32>,
        tpu.vector_store %arg10[%swap3A_211, %swap3A_212], %mul3A_210 {strides = array<i32>} : memref<128x16xf32, #tpu.memory_space<vmem>>, vector<16xf32>,
        %slice3A_214 = vector.extract_strided_slice %get3A_62 {offsets = [11], sizes = [1], strides = [1]} : vector<16xf32> to vector<1xf32>
        %squeeze3A_215 = vector.extract %slice3A_214[0] : f32 from vector<1xf32>
        %mul3A_216 = arith.constant 16 : i32
        %mul3A_217 = arith.muli %add3A_59, %mul3A_216 : i32
        %add3A_218 = arith.constant 11 : i32
        %add3A_219 = arith.addi %mul3A_217, %add3A_218 : i32
        %get3A_220 = arith.index_cast %add3A_219 : i32 to index
        %get3A_221 = arith.constant 0 : index
        %get3A_222 = tpu.vector_load %arg10[%get3A_220, %get3A_221] {strides = array<i32>} : memref<128x16xf32, #tpu.memory_space<vmem>>, vector<16xf32>,
        %mul3A_223 = vector.broadcast %squeeze3A_215 : f32 to vector<16xf32>
        %mul3A_224 = arith.mulf %get3A_222, %mul3A_223 : vector<16xf32>
        %swap3A_225 = arith.index_cast %add3A_219 : i32 to index
        %swap3A_226 = arith.constant 0 : index
        %swap3A_227 = tpu.vector_load %arg10[%swap3A_225, %swap3A_226] {strides = array<i32>} : memref<128x16xf32, #tpu.memory_space<vmem>>, vector<16xf32>,
        tpu.vector_store %arg10[%swap3A_225, %swap3A_226], %mul3A_224 {strides = array<i32>} : memref<128x16xf32, #tpu.memory_space<vmem>>, vector<16xf32>,
        %slice3A_228 = vector.extract_strided_slice %get3A_62 {offsets = [12], sizes = [1], strides = [1]} : vector<16xf32> to vector<1xf32>
        %squeeze3A_229 = vector.extract %slice3A_228[0] : f32 from vector<1xf32>
        %mul3A_230 = arith.constant 16 : i32
        %mul3A_231 = arith.muli %add3A_59, %mul3A_230 : i32
        %add3A_232 = arith.constant 12 : i32
        %add3A_233 = arith.addi %mul3A_231, %add3A_232 : i32
        %get3A_234 = arith.index_cast %add3A_233 : i32 to index
        %get3A_235 = arith.constant 0 : index
        %get3A_236 = tpu.vector_load %arg10[%get3A_234, %get3A_235] {strides = array<i32>} : memref<128x16xf32, #tpu.memory_space<vmem>>, vector<16xf32>,
        %mul3A_237 = vector.broadcast %squeeze3A_229 : f32 to vector<16xf32>
        %mul3A_238 = arith.mulf %get3A_236, %mul3A_237 : vector<16xf32>
        %swap3A_239 = arith.index_cast %add3A_233 : i32 to index
        %swap3A_240 = arith.constant 0 : index
        %swap3A_241 = tpu.vector_load %arg10[%swap3A_239, %swap3A_240] {strides = array<i32>} : memref<128x16xf32, #tpu.memory_space<vmem>>, vector<16xf32>,
        tpu.vector_store %arg10[%swap3A_239, %swap3A_240], %mul3A_238 {strides = array<i32>} : memref<128x16xf32, #tpu.memory_space<vmem>>, vector<16xf32>,
        %slice3A_242 = vector.extract_strided_slice %get3A_62 {offsets = [13], sizes = [1], strides = [1]} : vector<16xf32> to vector<1xf32>
        %squeeze3A_243 = vector.extract %slice3A_242[0] : f32 from vector<1xf32>
        %mul3A_244 = arith.constant 16 : i32
        %mul3A_245 = arith.muli %add3A_59, %mul3A_244 : i32
        %add3A_246 = arith.constant 13 : i32
        %add3A_247 = arith.addi %mul3A_245, %add3A_246 : i32
        %get3A_248 = arith.index_cast %add3A_247 : i32 to index
        %get3A_249 = arith.constant 0 : index
        %get3A_250 = tpu.vector_load %arg10[%get3A_248, %get3A_249] {strides = array<i32>} : memref<128x16xf32, #tpu.memory_space<vmem>>, vector<16xf32>,
        %mul3A_251 = vector.broadcast %squeeze3A_243 : f32 to vector<16xf32>
        %mul3A_252 = arith.mulf %get3A_250, %mul3A_251 : vector<16xf32>
        %swap3A_253 = arith.index_cast %add3A_247 : i32 to index
        %swap3A_254 = arith.constant 0 : index
        %swap3A_255 = tpu.vector_load %arg10[%swap3A_253, %swap3A_254] {strides = array<i32>} : memref<128x16xf32, #tpu.memory_space<vmem>>, vector<16xf32>,
        tpu.vector_store %arg10[%swap3A_253, %swap3A_254], %mul3A_252 {strides = array<i32>} : memref<128x16xf32, #tpu.memory_space<vmem>>, vector<16xf32>,
        %slice3A_256 = vector.extract_strided_slice %get3A_62 {offsets = [14], sizes = [1], strides = [1]} : vector<16xf32> to vector<1xf32>
        %squeeze3A_257 = vector.extract %slice3A_256[0] : f32 from vector<1xf32>
        %mul3A_258 = arith.constant 16 : i32
        %mul3A_259 = arith.muli %add3A_59, %mul3A_258 : i32
        %add3A_260 = arith.constant 14 : i32
        %add3A_261 = arith.addi %mul3A_259, %add3A_260 : i32
        %get3A_262 = arith.index_cast %add3A_261 : i32 to index
        %get3A_263 = arith.constant 0 : index
        %get3A_264 = tpu.vector_load %arg10[%get3A_262, %get3A_263] {strides = array<i32>} : memref<128x16xf32, #tpu.memory_space<vmem>>, vector<16xf32>,
        %mul3A_265 = vector.broadcast %squeeze3A_257 : f32 to vector<16xf32>
        %mul3A_266 = arith.mulf %get3A_264, %mul3A_265 : vector<16xf32>
        %swap3A_267 = arith.index_cast %add3A_261 : i32 to index
        %swap3A_268 = arith.constant 0 : index
        %swap3A_269 = tpu.vector_load %arg10[%swap3A_267, %swap3A_268] {strides = array<i32>} : memref<128x16xf32, #tpu.memory_space<vmem>>, vector<16xf32>,
        tpu.vector_store %arg10[%swap3A_267, %swap3A_268], %mul3A_266 {strides = array<i32>} : memref<128x16xf32, #tpu.memory_space<vmem>>, vector<16xf32>,
        %slice3A_270 = vector.extract_strided_slice %get3A_62 {offsets = [15], sizes = [1], strides = [1]} : vector<16xf32> to vector<1xf32>
        %squeeze3A_271 = vector.extract %slice3A_270[0] : f32 from vector<1xf32>
        %mul3A_272 = arith.constant 16 : i32
        %mul3A_273 = arith.muli %add3A_59, %mul3A_272 : i32
        %add3A_274 = arith.constant 15 : i32
        %add3A_275 = arith.addi %mul3A_273, %add3A_274 : i32
        %get3A_276 = arith.index_cast %add3A_275 : i32 to index
        %get3A_277 = arith.constant 0 : index
        %get3A_278 = tpu.vector_load %arg10[%get3A_276, %get3A_277] {strides = array<i32>} : memref<128x16xf32, #tpu.memory_space<vmem>>, vector<16xf32>,
        %mul3A_279 = vector.broadcast %squeeze3A_271 : f32 to vector<16xf32>
        %mul3A_280 = arith.mulf %get3A_278, %mul3A_279 : vector<16xf32>
        %swap3A_281 = arith.index_cast %add3A_275 : i32 to index
        %swap3A_282 = arith.constant 0 : index
        %swap3A_283 = tpu.vector_load %arg10[%swap3A_281, %swap3A_282] {strides = array<i32>} : memref<128x16xf32, #tpu.memory_space<vmem>>, vector<16xf32>,
        tpu.vector_store %arg10[%swap3A_281, %swap3A_282], %mul3A_280 {strides = array<i32>} : memref<128x16xf32, #tpu.memory_space<vmem>>, vector<16xf32>,
      }
      %scan3A_54 = arith.constant 8 : i32
      "tpu.region"() ({
        %run_scoped3A = tpu.sem_alloc : memref<!tpu.dma_semaphore, #tpu.memory_space<semaphore_mem>>
        %dma_start3A_55 = arith.constant 0 : i32
        %dma_start3A_56 = arith.constant 0 : i32
        %dma_start3A_57 = tpu.memref_slice %arg12[%dma_start3A_55, %dma_start3A_56] : memref<10240x16xf32, #tpu.memory_space<vmem_shared>> -> memref<10240x16xf32, #tpu.memory_space<vmem_shared>>
        tpu.enqueue_indirect_dma source(%arg10 : memref<128x16xf32, #tpu.memory_space<vmem>>) target(%dma_start3A_57 : memref<10240x16xf32, #tpu.memory_space<vmem_shared>>) offsets(%arg8 : memref<128xi32, #tpu.memory_space<vmem>>) semaphore(%run_scoped3A : memref<!tpu.dma_semaphore, #tpu.memory_space<semaphore_mem>>) {add = true}
        %dma_wait3A_58 = arith.constant 0 : i32
        %dma_wait3A_59 = arith.constant 0 : i32
        %dma_wait3A_60 = tpu.memref_slice %arg12[%dma_wait3A_58, %dma_wait3A_59] : memref<10240x16xf32, #tpu.memory_space<vmem_shared>> -> memref<10240x16xf32, #tpu.memory_space<vmem_shared>>
        tpu.wait_indirect_dma semaphore(%run_scoped3A : memref<!tpu.dma_semaphore, #tpu.memory_space<semaphore_mem>>) src(%arg10 : memref<128x16xf32, #tpu.memory_space<vmem>>) dst(%dma_wait3A_60 : memref<10240x16xf32, #tpu.memory_space<vmem_shared>>)
        tpu.yield
      }) : () -> ()
    }
    %scan3A_32 = arith.constant 40 : i32
    %barrier3A_33 = arith.constant 0 : index
    tpu.barrier barrier_id(%barrier3A_33)
    %mul3A_34 = arith.constant 640 : i32
    %mul3A_35 = arith.muli %arg1, %mul3A_34 : i32
    %mul3A_36 = arith.constant 640 : i32
    %mul3A_37 = arith.muli %arg1, %mul3A_36 : i32
    "tpu.region"() ({
      %run_scoped3A = tpu.sem_alloc : memref<!tpu.dma_semaphore, #tpu.memory_space<semaphore_mem>>
      %dma_start3A = arith.constant 0 : i32
      %dma_start3A_38 = tpu.memref_slice %arg6[%arg0, %mul3A_37, %dma_start3A] : memref<2x10240x16xf32, #tpu.memory_space<hbm>> -> memref<1x640x16xf32, #tpu.memory_space<hbm>>
      %dma_start3A_39 = tpu.memref_squeeze %dma_start3A_38 : memref<1x640x16xf32, #tpu.memory_space<hbm>> -> memref<640x16xf32, #tpu.memory_space<hbm>>
      %dma_start3A_40 = arith.constant 0 : i32
      %dma_start3A_41 = tpu.memref_slice %arg12[%mul3A_35, %dma_start3A_40] : memref<10240x16xf32, #tpu.memory_space<vmem_shared>> -> memref<640x16xf32, #tpu.memory_space<vmem_shared>>
      tpu.enqueue_dma source(%dma_start3A_41 : memref<640x16xf32, #tpu.memory_space<vmem_shared>>) target(%dma_start3A_39 : memref<640x16xf32, #tpu.memory_space<hbm>>) target_semaphore(%run_scoped3A : memref<!tpu.dma_semaphore, #tpu.memory_space<semaphore_mem>>)
      %dma_wait3A = arith.constant 0 : i32
      %dma_wait3A_42 = tpu.memref_slice %arg6[%arg0, %mul3A_37, %dma_wait3A] : memref<2x10240x16xf32, #tpu.memory_space<hbm>> -> memref<1x640x16xf32, #tpu.memory_space<hbm>>
      %dma_wait3A_43 = tpu.memref_squeeze %dma_wait3A_42 : memref<1x640x16xf32, #tpu.memory_space<hbm>> -> memref<640x16xf32, #tpu.memory_space<hbm>>
      %dma_wait3A_44 = arith.constant 0 : i32
      %dma_wait3A_45 = tpu.memref_slice %arg12[%mul3A_35, %dma_wait3A_44] : memref<10240x16xf32, #tpu.memory_space<vmem_shared>> -> memref<640x16xf32, #tpu.memory_space<vmem_shared>>
      tpu.wait_dma2 semaphore(%run_scoped3A : memref<!tpu.dma_semaphore, #tpu.memory_space<semaphore_mem>>) src(%dma_wait3A_45 : memref<640x16xf32, #tpu.memory_space<vmem_shared>>) dst(%dma_wait3A_43 : memref<640x16xf32, #tpu.memory_space<hbm>>)
      tpu.yield
    }) : () -> ()
    return
  }
}

#map = affine_map<(d0, d1) -> (0, 0)>
#map1 = affine_map<(d0, d1) -> (0)>
#map2 = affine_map<(d0, d1) -> (0, 0, 0)>
module attributes {stable_mosaic.version = 14 : i64} {
  func.func @_mp_body(%arg0: i32, %arg1: i32, %arg2: memref<10240x16xf32, #tpu.memory_space<hbm>>, %arg3: memref<163840xi32, #tpu.memory_space<hbm>>, %arg4: memref<163840xi32, #tpu.memory_space<hbm>>, %arg5: memref<163840xf32, #tpu.memory_space<hbm>>, %arg6: memref<2x10240x16xf32, #tpu.memory_space<hbm>>, %arg7: memref<128xi32, #tpu.memory_space<vmem>>, %arg8: memref<128xi32, #tpu.memory_space<vmem>>, %arg9: memref<128xf32, #tpu.memory_space<vmem>>, %arg10: memref<128x16xf32, #tpu.memory_space<vmem>>, %arg11: memref<!tpu.dma_semaphore, #tpu.memory_space<semaphore_mem>>, %arg12: memref<10240x16xf32, #tpu.memory_space<vmem_shared>>) attributes {dimension_semantics = [#tpu.dimension_semantics<core_parallel>, #tpu.dimension_semantics<subcore_parallel>], iteration_bounds = array<i64: 2, 16>, scalar_prefetch = 0 : i64, scratch_operands = 6 : i64, tpu.core_type = #tpu.core_type<sc_vector_subcore>, window_params = [{transform_indices = #map}, {transform_indices = #map1}, {transform_indices = #map1}, {transform_indices = #map1}, {transform_indices = #map2}]} {
    %mul3A = arith.constant 16 : i32
    %mul3A_0 = arith.muli %arg0, %mul3A : i32
    %add3A = arith.addi %mul3A_0, %arg1 : i32
    %mul3A_1 = arith.constant 5120 : i32
    %mul3A_2 = arith.muli %add3A, %mul3A_1 : i32
    %broadcast_in_dim3A = arith.constant 0.000000e+00 : f32
    %broadcast_in_dim3A_3 = vector.broadcast %broadcast_in_dim3A : f32 to vector<16xf32>
    %scan3A = arith.constant 0 : i32
    %scan3A_4 = arith.constant 128 : i32
    %scan3A_5 = arith.addi %scan3A, %scan3A_4 : i32
    %scan3A_6 = arith.constant 1 : i32
    scf.for %scan3A_38 = %scan3A to %scan3A_5 step %scan3A_6  : i32 {
      %mul3A_39 = arith.constant 1 : i32
      %mul3A_40 = arith.muli %scan3A_38, %mul3A_39 : i32
      %add3A_41 = arith.constant 0 : i32
      %add3A_42 = arith.addi %add3A_41, %mul3A_40 : i32
      %swap3A = arith.index_cast %add3A_42 : i32 to index
      %swap3A_43 = arith.constant 0 : index
      %swap3A_44 = tpu.vector_load %arg10[%swap3A, %swap3A_43] {strides = array<i32>} : memref<128x16xf32, #tpu.memory_space<vmem>>, vector<16xf32>,
      tpu.vector_store %arg10[%swap3A, %swap3A_43], %broadcast_in_dim3A_3 {strides = array<i32>} : memref<128x16xf32, #tpu.memory_space<vmem>>, vector<16xf32>,
    }
    %scan3A_7 = arith.constant 128 : i32
    %mul3A_8 = arith.constant 640 : i32
    %mul3A_9 = arith.muli %arg1, %mul3A_8 : i32
    %add3A_10 = arith.constant 0 : i32
    %add3A_11 = arith.addi %mul3A_9, %add3A_10 : i32
    "tpu.region"() ({
      %run_scoped3A = tpu.sem_alloc : memref<!tpu.dma_semaphore, #tpu.memory_space<semaphore_mem>>
      %dma_start3A = arith.constant 0 : i32
      %dma_start3A_38 = tpu.memref_slice %arg12[%add3A_11, %dma_start3A] : memref<10240x16xf32, #tpu.memory_space<vmem_shared>> -> memref<128x16xf32, #tpu.memory_space<vmem_shared>>
      %dma_start3A_39 = arith.constant 0 : i32
      %dma_start3A_40 = tpu.memref_slice %arg12[%add3A_11, %dma_start3A_39] : memref<10240x16xf32, #tpu.memory_space<vmem_shared>> -> memref<128x16xf32, #tpu.memory_space<vmem_shared>>
      tpu.enqueue_dma source(%arg10 : memref<128x16xf32, #tpu.memory_space<vmem>>) target(%dma_start3A_40 : memref<128x16xf32, #tpu.memory_space<vmem_shared>>) target_semaphore(%run_scoped3A : memref<!tpu.dma_semaphore, #tpu.memory_space<semaphore_mem>>)
      %dma_wait3A = arith.constant 0 : i32
      %dma_wait3A_41 = tpu.memref_slice %arg12[%add3A_11, %dma_wait3A] : memref<10240x16xf32, #tpu.memory_space<vmem_shared>> -> memref<128x16xf32, #tpu.memory_space<vmem_shared>>
      %dma_wait3A_42 = arith.constant 0 : i32
      %dma_wait3A_43 = tpu.memref_slice %arg12[%add3A_11, %dma_wait3A_42] : memref<10240x16xf32, #tpu.memory_space<vmem_shared>> -> memref<128x16xf32, #tpu.memory_space<vmem_shared>>
      tpu.wait_dma2 semaphore(%run_scoped3A : memref<!tpu.dma_semaphore, #tpu.memory_space<semaphore_mem>>) src(%arg10 : memref<128x16xf32, #tpu.memory_space<vmem>>) dst(%dma_wait3A_43 : memref<128x16xf32, #tpu.memory_space<vmem_shared>>)
      tpu.yield
    }) : () -> ()
    %mul3A_12 = arith.constant 640 : i32
    %mul3A_13 = arith.muli %arg1, %mul3A_12 : i32
    %add3A_14 = arith.constant 128 : i32
    %add3A_15 = arith.addi %mul3A_13, %add3A_14 : i32
    "tpu.region"() ({
      %run_scoped3A = tpu.sem_alloc : memref<!tpu.dma_semaphore, #tpu.memory_space<semaphore_mem>>
      %dma_start3A = arith.constant 0 : i32
      %dma_start3A_38 = tpu.memref_slice %arg12[%add3A_15, %dma_start3A] : memref<10240x16xf32, #tpu.memory_space<vmem_shared>> -> memref<128x16xf32, #tpu.memory_space<vmem_shared>>
      %dma_start3A_39 = arith.constant 0 : i32
      %dma_start3A_40 = tpu.memref_slice %arg12[%add3A_15, %dma_start3A_39] : memref<10240x16xf32, #tpu.memory_space<vmem_shared>> -> memref<128x16xf32, #tpu.memory_space<vmem_shared>>
      tpu.enqueue_dma source(%arg10 : memref<128x16xf32, #tpu.memory_space<vmem>>) target(%dma_start3A_40 : memref<128x16xf32, #tpu.memory_space<vmem_shared>>) target_semaphore(%run_scoped3A : memref<!tpu.dma_semaphore, #tpu.memory_space<semaphore_mem>>)
      %dma_wait3A = arith.constant 0 : i32
      %dma_wait3A_41 = tpu.memref_slice %arg12[%add3A_15, %dma_wait3A] : memref<10240x16xf32, #tpu.memory_space<vmem_shared>> -> memref<128x16xf32, #tpu.memory_space<vmem_shared>>
      %dma_wait3A_42 = arith.constant 0 : i32
      %dma_wait3A_43 = tpu.memref_slice %arg12[%add3A_15, %dma_wait3A_42] : memref<10240x16xf32, #tpu.memory_space<vmem_shared>> -> memref<128x16xf32, #tpu.memory_space<vmem_shared>>
      tpu.wait_dma2 semaphore(%run_scoped3A : memref<!tpu.dma_semaphore, #tpu.memory_space<semaphore_mem>>) src(%arg10 : memref<128x16xf32, #tpu.memory_space<vmem>>) dst(%dma_wait3A_43 : memref<128x16xf32, #tpu.memory_space<vmem_shared>>)
      tpu.yield
    }) : () -> ()
    %mul3A_16 = arith.constant 640 : i32
    %mul3A_17 = arith.muli %arg1, %mul3A_16 : i32
    %add3A_18 = arith.constant 256 : i32
    %add3A_19 = arith.addi %mul3A_17, %add3A_18 : i32
    "tpu.region"() ({
      %run_scoped3A = tpu.sem_alloc : memref<!tpu.dma_semaphore, #tpu.memory_space<semaphore_mem>>
      %dma_start3A = arith.constant 0 : i32
      %dma_start3A_38 = tpu.memref_slice %arg12[%add3A_19, %dma_start3A] : memref<10240x16xf32, #tpu.memory_space<vmem_shared>> -> memref<128x16xf32, #tpu.memory_space<vmem_shared>>
      %dma_start3A_39 = arith.constant 0 : i32
      %dma_start3A_40 = tpu.memref_slice %arg12[%add3A_19, %dma_start3A_39] : memref<10240x16xf32, #tpu.memory_space<vmem_shared>> -> memref<128x16xf32, #tpu.memory_space<vmem_shared>>
      tpu.enqueue_dma source(%arg10 : memref<128x16xf32, #tpu.memory_space<vmem>>) target(%dma_start3A_40 : memref<128x16xf32, #tpu.memory_space<vmem_shared>>) target_semaphore(%run_scoped3A : memref<!tpu.dma_semaphore, #tpu.memory_space<semaphore_mem>>)
      %dma_wait3A = arith.constant 0 : i32
      %dma_wait3A_41 = tpu.memref_slice %arg12[%add3A_19, %dma_wait3A] : memref<10240x16xf32, #tpu.memory_space<vmem_shared>> -> memref<128x16xf32, #tpu.memory_space<vmem_shared>>
      %dma_wait3A_42 = arith.constant 0 : i32
      %dma_wait3A_43 = tpu.memref_slice %arg12[%add3A_19, %dma_wait3A_42] : memref<10240x16xf32, #tpu.memory_space<vmem_shared>> -> memref<128x16xf32, #tpu.memory_space<vmem_shared>>
      tpu.wait_dma2 semaphore(%run_scoped3A : memref<!tpu.dma_semaphore, #tpu.memory_space<semaphore_mem>>) src(%arg10 : memref<128x16xf32, #tpu.memory_space<vmem>>) dst(%dma_wait3A_43 : memref<128x16xf32, #tpu.memory_space<vmem_shared>>)
      tpu.yield
    }) : () -> ()
    %mul3A_20 = arith.constant 640 : i32
    %mul3A_21 = arith.muli %arg1, %mul3A_20 : i32
    %add3A_22 = arith.constant 384 : i32
    %add3A_23 = arith.addi %mul3A_21, %add3A_22 : i32
    "tpu.region"() ({
      %run_scoped3A = tpu.sem_alloc : memref<!tpu.dma_semaphore, #tpu.memory_space<semaphore_mem>>
      %dma_start3A = arith.constant 0 : i32
      %dma_start3A_38 = tpu.memref_slice %arg12[%add3A_23, %dma_start3A] : memref<10240x16xf32, #tpu.memory_space<vmem_shared>> -> memref<128x16xf32, #tpu.memory_space<vmem_shared>>
      %dma_start3A_39 = arith.constant 0 : i32
      %dma_start3A_40 = tpu.memref_slice %arg12[%add3A_23, %dma_start3A_39] : memref<10240x16xf32, #tpu.memory_space<vmem_shared>> -> memref<128x16xf32, #tpu.memory_space<vmem_shared>>
      tpu.enqueue_dma source(%arg10 : memref<128x16xf32, #tpu.memory_space<vmem>>) target(%dma_start3A_40 : memref<128x16xf32, #tpu.memory_space<vmem_shared>>) target_semaphore(%run_scoped3A : memref<!tpu.dma_semaphore, #tpu.memory_space<semaphore_mem>>)
      %dma_wait3A = arith.constant 0 : i32
      %dma_wait3A_41 = tpu.memref_slice %arg12[%add3A_23, %dma_wait3A] : memref<10240x16xf32, #tpu.memory_space<vmem_shared>> -> memref<128x16xf32, #tpu.memory_space<vmem_shared>>
      %dma_wait3A_42 = arith.constant 0 : i32
      %dma_wait3A_43 = tpu.memref_slice %arg12[%add3A_23, %dma_wait3A_42] : memref<10240x16xf32, #tpu.memory_space<vmem_shared>> -> memref<128x16xf32, #tpu.memory_space<vmem_shared>>
      tpu.wait_dma2 semaphore(%run_scoped3A : memref<!tpu.dma_semaphore, #tpu.memory_space<semaphore_mem>>) src(%arg10 : memref<128x16xf32, #tpu.memory_space<vmem>>) dst(%dma_wait3A_43 : memref<128x16xf32, #tpu.memory_space<vmem_shared>>)
      tpu.yield
    }) : () -> ()
    %mul3A_24 = arith.constant 640 : i32
    %mul3A_25 = arith.muli %arg1, %mul3A_24 : i32
    %add3A_26 = arith.constant 512 : i32
    %add3A_27 = arith.addi %mul3A_25, %add3A_26 : i32
    "tpu.region"() ({
      %run_scoped3A = tpu.sem_alloc : memref<!tpu.dma_semaphore, #tpu.memory_space<semaphore_mem>>
      %dma_start3A = arith.constant 0 : i32
      %dma_start3A_38 = tpu.memref_slice %arg12[%add3A_27, %dma_start3A] : memref<10240x16xf32, #tpu.memory_space<vmem_shared>> -> memref<128x16xf32, #tpu.memory_space<vmem_shared>>
      %dma_start3A_39 = arith.constant 0 : i32
      %dma_start3A_40 = tpu.memref_slice %arg12[%add3A_27, %dma_start3A_39] : memref<10240x16xf32, #tpu.memory_space<vmem_shared>> -> memref<128x16xf32, #tpu.memory_space<vmem_shared>>
      tpu.enqueue_dma source(%arg10 : memref<128x16xf32, #tpu.memory_space<vmem>>) target(%dma_start3A_40 : memref<128x16xf32, #tpu.memory_space<vmem_shared>>) target_semaphore(%run_scoped3A : memref<!tpu.dma_semaphore, #tpu.memory_space<semaphore_mem>>)
      %dma_wait3A = arith.constant 0 : i32
      %dma_wait3A_41 = tpu.memref_slice %arg12[%add3A_27, %dma_wait3A] : memref<10240x16xf32, #tpu.memory_space<vmem_shared>> -> memref<128x16xf32, #tpu.memory_space<vmem_shared>>
      %dma_wait3A_42 = arith.constant 0 : i32
      %dma_wait3A_43 = tpu.memref_slice %arg12[%add3A_27, %dma_wait3A_42] : memref<10240x16xf32, #tpu.memory_space<vmem_shared>> -> memref<128x16xf32, #tpu.memory_space<vmem_shared>>
      tpu.wait_dma2 semaphore(%run_scoped3A : memref<!tpu.dma_semaphore, #tpu.memory_space<semaphore_mem>>) src(%arg10 : memref<128x16xf32, #tpu.memory_space<vmem>>) dst(%dma_wait3A_43 : memref<128x16xf32, #tpu.memory_space<vmem_shared>>)
      tpu.yield
    }) : () -> ()
    %barrier3A = arith.constant 0 : index
    tpu.barrier barrier_id(%barrier3A)
    %scan3A_28 = arith.constant 0 : i32
    %scan3A_29 = arith.constant 40 : i32
    %scan3A_30 = arith.addi %scan3A_28, %scan3A_29 : i32
    %scan3A_31 = arith.constant 1 : i32
    scf.for %scan3A_38 = %scan3A_28 to %scan3A_30 step %scan3A_31  : i32 {
      %mul3A_39 = arith.constant 1 : i32
      %mul3A_40 = arith.muli %scan3A_38, %mul3A_39 : i32
      %add3A_41 = arith.constant 0 : i32
      %add3A_42 = arith.addi %add3A_41, %mul3A_40 : i32
      %mul3A_43 = arith.constant 128 : i32
      %mul3A_44 = arith.muli %add3A_42, %mul3A_43 : i32
      %add3A_45 = arith.addi %mul3A_2, %mul3A_44 : i32
      "tpu.region"() ({
        %run_scoped3A = tpu.sem_alloc : memref<!tpu.dma_semaphore, #tpu.memory_space<semaphore_mem>>
        %dma_start3A_55 = tpu.memref_slice %arg3[%add3A_45] : memref<163840xi32, #tpu.memory_space<hbm>> -> memref<128xi32, #tpu.memory_space<hbm>>
        %dma_start3A_56 = tpu.memref_slice %arg3[%add3A_45] : memref<163840xi32, #tpu.memory_space<hbm>> -> memref<128xi32, #tpu.memory_space<hbm>>
        tpu.enqueue_dma source(%dma_start3A_56 : memref<128xi32, #tpu.memory_space<hbm>>) target(%arg7 : memref<128xi32, #tpu.memory_space<vmem>>) target_semaphore(%run_scoped3A : memref<!tpu.dma_semaphore, #tpu.memory_space<semaphore_mem>>)
        %dma_wait3A_57 = tpu.memref_slice %arg3[%add3A_45] : memref<163840xi32, #tpu.memory_space<hbm>> -> memref<128xi32, #tpu.memory_space<hbm>>
        %dma_wait3A_58 = tpu.memref_slice %arg3[%add3A_45] : memref<163840xi32, #tpu.memory_space<hbm>> -> memref<128xi32, #tpu.memory_space<hbm>>
        tpu.wait_dma2 semaphore(%run_scoped3A : memref<!tpu.dma_semaphore, #tpu.memory_space<semaphore_mem>>) src(%dma_wait3A_58 : memref<128xi32, #tpu.memory_space<hbm>>) dst(%arg7 : memref<128xi32, #tpu.memory_space<vmem>>)
        tpu.yield
      }) : () -> ()
      "tpu.region"() ({
        %run_scoped3A = tpu.sem_alloc : memref<!tpu.dma_semaphore, #tpu.memory_space<semaphore_mem>>
        %dma_start3A_55 = tpu.memref_slice %arg4[%add3A_45] : memref<163840xi32, #tpu.memory_space<hbm>> -> memref<128xi32, #tpu.memory_space<hbm>>
        %dma_start3A_56 = tpu.memref_slice %arg4[%add3A_45] : memref<163840xi32, #tpu.memory_space<hbm>> -> memref<128xi32, #tpu.memory_space<hbm>>
        tpu.enqueue_dma source(%dma_start3A_56 : memref<128xi32, #tpu.memory_space<hbm>>) target(%arg8 : memref<128xi32, #tpu.memory_space<vmem>>) target_semaphore(%run_scoped3A : memref<!tpu.dma_semaphore, #tpu.memory_space<semaphore_mem>>)
        %dma_wait3A_57 = tpu.memref_slice %arg4[%add3A_45] : memref<163840xi32, #tpu.memory_space<hbm>> -> memref<128xi32, #tpu.memory_space<hbm>>
        %dma_wait3A_58 = tpu.memref_slice %arg4[%add3A_45] : memref<163840xi32, #tpu.memory_space<hbm>> -> memref<128xi32, #tpu.memory_space<hbm>>
        tpu.wait_dma2 semaphore(%run_scoped3A : memref<!tpu.dma_semaphore, #tpu.memory_space<semaphore_mem>>) src(%dma_wait3A_58 : memref<128xi32, #tpu.memory_space<hbm>>) dst(%arg8 : memref<128xi32, #tpu.memory_space<vmem>>)
        tpu.yield
      }) : () -> ()
      "tpu.region"() ({
        %run_scoped3A = tpu.sem_alloc : memref<!tpu.dma_semaphore, #tpu.memory_space<semaphore_mem>>
        %dma_start3A_55 = tpu.memref_slice %arg5[%add3A_45] : memref<163840xf32, #tpu.memory_space<hbm>> -> memref<128xf32, #tpu.memory_space<hbm>>
        %dma_start3A_56 = tpu.memref_slice %arg5[%add3A_45] : memref<163840xf32, #tpu.memory_space<hbm>> -> memref<128xf32, #tpu.memory_space<hbm>>
        tpu.enqueue_dma source(%dma_start3A_56 : memref<128xf32, #tpu.memory_space<hbm>>) target(%arg9 : memref<128xf32, #tpu.memory_space<vmem>>) target_semaphore(%run_scoped3A : memref<!tpu.dma_semaphore, #tpu.memory_space<semaphore_mem>>)
        %dma_wait3A_57 = tpu.memref_slice %arg5[%add3A_45] : memref<163840xf32, #tpu.memory_space<hbm>> -> memref<128xf32, #tpu.memory_space<hbm>>
        %dma_wait3A_58 = tpu.memref_slice %arg5[%add3A_45] : memref<163840xf32, #tpu.memory_space<hbm>> -> memref<128xf32, #tpu.memory_space<hbm>>
        tpu.wait_dma2 semaphore(%run_scoped3A : memref<!tpu.dma_semaphore, #tpu.memory_space<semaphore_mem>>) src(%dma_wait3A_58 : memref<128xf32, #tpu.memory_space<hbm>>) dst(%arg9 : memref<128xf32, #tpu.memory_space<vmem>>)
        tpu.yield
      }) : () -> ()
      %dma_start3A = arith.constant 0 : i32
      %dma_start3A_46 = arith.constant 0 : i32
      %dma_start3A_47 = tpu.memref_slice %arg2[%dma_start3A, %dma_start3A_46] : memref<10240x16xf32, #tpu.memory_space<hbm>> -> memref<10240x16xf32, #tpu.memory_space<hbm>>
      tpu.enqueue_indirect_dma source(%dma_start3A_47 : memref<10240x16xf32, #tpu.memory_space<hbm>>) target(%arg10 : memref<128x16xf32, #tpu.memory_space<vmem>>) offsets(%arg7 : memref<128xi32, #tpu.memory_space<vmem>>) semaphore(%arg11 : memref<!tpu.dma_semaphore, #tpu.memory_space<semaphore_mem>>)
      %dma_wait3A = arith.constant 0 : i32
      %dma_wait3A_48 = arith.constant 0 : i32
      %dma_wait3A_49 = tpu.memref_slice %arg2[%dma_wait3A, %dma_wait3A_48] : memref<10240x16xf32, #tpu.memory_space<hbm>> -> memref<10240x16xf32, #tpu.memory_space<hbm>>
      tpu.wait_indirect_dma semaphore(%arg11 : memref<!tpu.dma_semaphore, #tpu.memory_space<semaphore_mem>>) src(%dma_wait3A_49 : memref<10240x16xf32, #tpu.memory_space<hbm>>) dst(%arg10 : memref<128x16xf32, #tpu.memory_space<vmem>>)
      %scan3A_50 = arith.constant 0 : i32
      %scan3A_51 = arith.constant 8 : i32
      %scan3A_52 = arith.addi %scan3A_50, %scan3A_51 : i32
      %scan3A_53 = arith.constant 1 : i32
      scf.for %scan3A_55 = %scan3A_50 to %scan3A_52 step %scan3A_53  : i32 {
        %mul3A_56 = arith.constant 1 : i32
        %mul3A_57 = arith.muli %scan3A_55, %mul3A_56 : i32
        %add3A_58 = arith.constant 0 : i32
        %add3A_59 = arith.addi %add3A_58, %mul3A_57 : i32
        %mul3A_60 = arith.constant 16 : i32
        %mul3A_61 = arith.muli %add3A_59, %mul3A_60 : i32
        %get3A = arith.index_cast %mul3A_61 : i32 to index
        %get3A_62 = tpu.vector_load %arg9[%get3A] {strides = array<i32>} : memref<128xf32, #tpu.memory_space<vmem>>, vector<16xf32>,
        %slice3A = vector.extract_strided_slice %get3A_62 {offsets = [0], sizes = [1], strides = [1]} : vector<16xf32> to vector<1xf32>
        %squeeze3A = vector.extract %slice3A[0] : f32 from vector<1xf32>
        %mul3A_63 = arith.constant 16 : i32
        %mul3A_64 = arith.muli %add3A_59, %mul3A_63 : i32
        %add3A_65 = arith.constant 0 : i32
        %add3A_66 = arith.addi %mul3A_64, %add3A_65 : i32
        %get3A_67 = arith.index_cast %add3A_66 : i32 to index
        %get3A_68 = arith.constant 0 : index
        %get3A_69 = tpu.vector_load %arg10[%get3A_67, %get3A_68] {strides = array<i32>} : memref<128x16xf32, #tpu.memory_space<vmem>>, vector<16xf32>,
        %mul3A_70 = vector.broadcast %squeeze3A : f32 to vector<16xf32>
        %mul3A_71 = arith.mulf %get3A_69, %mul3A_70 : vector<16xf32>
        %swap3A = arith.index_cast %add3A_66 : i32 to index
        %swap3A_72 = arith.constant 0 : index
        %swap3A_73 = tpu.vector_load %arg10[%swap3A, %swap3A_72] {strides = array<i32>} : memref<128x16xf32, #tpu.memory_space<vmem>>, vector<16xf32>,
        tpu.vector_store %arg10[%swap3A, %swap3A_72], %mul3A_71 {strides = array<i32>} : memref<128x16xf32, #tpu.memory_space<vmem>>, vector<16xf32>,
        %slice3A_74 = vector.extract_strided_slice %get3A_62 {offsets = [1], sizes = [1], strides = [1]} : vector<16xf32> to vector<1xf32>
        %squeeze3A_75 = vector.extract %slice3A_74[0] : f32 from vector<1xf32>
        %mul3A_76 = arith.constant 16 : i32
        %mul3A_77 = arith.muli %add3A_59, %mul3A_76 : i32
        %add3A_78 = arith.constant 1 : i32
        %add3A_79 = arith.addi %mul3A_77, %add3A_78 : i32
        %get3A_80 = arith.index_cast %add3A_79 : i32 to index
        %get3A_81 = arith.constant 0 : index
        %get3A_82 = tpu.vector_load %arg10[%get3A_80, %get3A_81] {strides = array<i32>} : memref<128x16xf32, #tpu.memory_space<vmem>>, vector<16xf32>,
        %mul3A_83 = vector.broadcast %squeeze3A_75 : f32 to vector<16xf32>
        %mul3A_84 = arith.mulf %get3A_82, %mul3A_83 : vector<16xf32>
        %swap3A_85 = arith.index_cast %add3A_79 : i32 to index
        %swap3A_86 = arith.constant 0 : index
        %swap3A_87 = tpu.vector_load %arg10[%swap3A_85, %swap3A_86] {strides = array<i32>} : memref<128x16xf32, #tpu.memory_space<vmem>>, vector<16xf32>,
        tpu.vector_store %arg10[%swap3A_85, %swap3A_86], %mul3A_84 {strides = array<i32>} : memref<128x16xf32, #tpu.memory_space<vmem>>, vector<16xf32>,
        %slice3A_88 = vector.extract_strided_slice %get3A_62 {offsets = [2], sizes = [1], strides = [1]} : vector<16xf32> to vector<1xf32>
        %squeeze3A_89 = vector.extract %slice3A_88[0] : f32 from vector<1xf32>
        %mul3A_90 = arith.constant 16 : i32
        %mul3A_91 = arith.muli %add3A_59, %mul3A_90 : i32
        %add3A_92 = arith.constant 2 : i32
        %add3A_93 = arith.addi %mul3A_91, %add3A_92 : i32
        %get3A_94 = arith.index_cast %add3A_93 : i32 to index
        %get3A_95 = arith.constant 0 : index
        %get3A_96 = tpu.vector_load %arg10[%get3A_94, %get3A_95] {strides = array<i32>} : memref<128x16xf32, #tpu.memory_space<vmem>>, vector<16xf32>,
        %mul3A_97 = vector.broadcast %squeeze3A_89 : f32 to vector<16xf32>
        %mul3A_98 = arith.mulf %get3A_96, %mul3A_97 : vector<16xf32>
        %swap3A_99 = arith.index_cast %add3A_93 : i32 to index
        %swap3A_100 = arith.constant 0 : index
        %swap3A_101 = tpu.vector_load %arg10[%swap3A_99, %swap3A_100] {strides = array<i32>} : memref<128x16xf32, #tpu.memory_space<vmem>>, vector<16xf32>,
        tpu.vector_store %arg10[%swap3A_99, %swap3A_100], %mul3A_98 {strides = array<i32>} : memref<128x16xf32, #tpu.memory_space<vmem>>, vector<16xf32>,
        %slice3A_102 = vector.extract_strided_slice %get3A_62 {offsets = [3], sizes = [1], strides = [1]} : vector<16xf32> to vector<1xf32>
        %squeeze3A_103 = vector.extract %slice3A_102[0] : f32 from vector<1xf32>
        %mul3A_104 = arith.constant 16 : i32
        %mul3A_105 = arith.muli %add3A_59, %mul3A_104 : i32
        %add3A_106 = arith.constant 3 : i32
        %add3A_107 = arith.addi %mul3A_105, %add3A_106 : i32
        %get3A_108 = arith.index_cast %add3A_107 : i32 to index
        %get3A_109 = arith.constant 0 : index
        %get3A_110 = tpu.vector_load %arg10[%get3A_108, %get3A_109] {strides = array<i32>} : memref<128x16xf32, #tpu.memory_space<vmem>>, vector<16xf32>,
        %mul3A_111 = vector.broadcast %squeeze3A_103 : f32 to vector<16xf32>
        %mul3A_112 = arith.mulf %get3A_110, %mul3A_111 : vector<16xf32>
        %swap3A_113 = arith.index_cast %add3A_107 : i32 to index
        %swap3A_114 = arith.constant 0 : index
        %swap3A_115 = tpu.vector_load %arg10[%swap3A_113, %swap3A_114] {strides = array<i32>} : memref<128x16xf32, #tpu.memory_space<vmem>>, vector<16xf32>,
        tpu.vector_store %arg10[%swap3A_113, %swap3A_114], %mul3A_112 {strides = array<i32>} : memref<128x16xf32, #tpu.memory_space<vmem>>, vector<16xf32>,
        %slice3A_116 = vector.extract_strided_slice %get3A_62 {offsets = [4], sizes = [1], strides = [1]} : vector<16xf32> to vector<1xf32>
        %squeeze3A_117 = vector.extract %slice3A_116[0] : f32 from vector<1xf32>
        %mul3A_118 = arith.constant 16 : i32
        %mul3A_119 = arith.muli %add3A_59, %mul3A_118 : i32
        %add3A_120 = arith.constant 4 : i32
        %add3A_121 = arith.addi %mul3A_119, %add3A_120 : i32
        %get3A_122 = arith.index_cast %add3A_121 : i32 to index
        %get3A_123 = arith.constant 0 : index
        %get3A_124 = tpu.vector_load %arg10[%get3A_122, %get3A_123] {strides = array<i32>} : memref<128x16xf32, #tpu.memory_space<vmem>>, vector<16xf32>,
        %mul3A_125 = vector.broadcast %squeeze3A_117 : f32 to vector<16xf32>
        %mul3A_126 = arith.mulf %get3A_124, %mul3A_125 : vector<16xf32>
        %swap3A_127 = arith.index_cast %add3A_121 : i32 to index
        %swap3A_128 = arith.constant 0 : index
        %swap3A_129 = tpu.vector_load %arg10[%swap3A_127, %swap3A_128] {strides = array<i32>} : memref<128x16xf32, #tpu.memory_space<vmem>>, vector<16xf32>,
        tpu.vector_store %arg10[%swap3A_127, %swap3A_128], %mul3A_126 {strides = array<i32>} : memref<128x16xf32, #tpu.memory_space<vmem>>, vector<16xf32>,
        %slice3A_130 = vector.extract_strided_slice %get3A_62 {offsets = [5], sizes = [1], strides = [1]} : vector<16xf32> to vector<1xf32>
        %squeeze3A_131 = vector.extract %slice3A_130[0] : f32 from vector<1xf32>
        %mul3A_132 = arith.constant 16 : i32
        %mul3A_133 = arith.muli %add3A_59, %mul3A_132 : i32
        %add3A_134 = arith.constant 5 : i32
        %add3A_135 = arith.addi %mul3A_133, %add3A_134 : i32
        %get3A_136 = arith.index_cast %add3A_135 : i32 to index
        %get3A_137 = arith.constant 0 : index
        %get3A_138 = tpu.vector_load %arg10[%get3A_136, %get3A_137] {strides = array<i32>} : memref<128x16xf32, #tpu.memory_space<vmem>>, vector<16xf32>,
        %mul3A_139 = vector.broadcast %squeeze3A_131 : f32 to vector<16xf32>
        %mul3A_140 = arith.mulf %get3A_138, %mul3A_139 : vector<16xf32>
        %swap3A_141 = arith.index_cast %add3A_135 : i32 to index
        %swap3A_142 = arith.constant 0 : index
        %swap3A_143 = tpu.vector_load %arg10[%swap3A_141, %swap3A_142] {strides = array<i32>} : memref<128x16xf32, #tpu.memory_space<vmem>>, vector<16xf32>,
        tpu.vector_store %arg10[%swap3A_141, %swap3A_142], %mul3A_140 {strides = array<i32>} : memref<128x16xf32, #tpu.memory_space<vmem>>, vector<16xf32>,
        %slice3A_144 = vector.extract_strided_slice %get3A_62 {offsets = [6], sizes = [1], strides = [1]} : vector<16xf32> to vector<1xf32>
        %squeeze3A_145 = vector.extract %slice3A_144[0] : f32 from vector<1xf32>
        %mul3A_146 = arith.constant 16 : i32
        %mul3A_147 = arith.muli %add3A_59, %mul3A_146 : i32
        %add3A_148 = arith.constant 6 : i32
        %add3A_149 = arith.addi %mul3A_147, %add3A_148 : i32
        %get3A_150 = arith.index_cast %add3A_149 : i32 to index
        %get3A_151 = arith.constant 0 : index
        %get3A_152 = tpu.vector_load %arg10[%get3A_150, %get3A_151] {strides = array<i32>} : memref<128x16xf32, #tpu.memory_space<vmem>>, vector<16xf32>,
        %mul3A_153 = vector.broadcast %squeeze3A_145 : f32 to vector<16xf32>
        %mul3A_154 = arith.mulf %get3A_152, %mul3A_153 : vector<16xf32>
        %swap3A_155 = arith.index_cast %add3A_149 : i32 to index
        %swap3A_156 = arith.constant 0 : index
        %swap3A_157 = tpu.vector_load %arg10[%swap3A_155, %swap3A_156] {strides = array<i32>} : memref<128x16xf32, #tpu.memory_space<vmem>>, vector<16xf32>,
        tpu.vector_store %arg10[%swap3A_155, %swap3A_156], %mul3A_154 {strides = array<i32>} : memref<128x16xf32, #tpu.memory_space<vmem>>, vector<16xf32>,
        %slice3A_158 = vector.extract_strided_slice %get3A_62 {offsets = [7], sizes = [1], strides = [1]} : vector<16xf32> to vector<1xf32>
        %squeeze3A_159 = vector.extract %slice3A_158[0] : f32 from vector<1xf32>
        %mul3A_160 = arith.constant 16 : i32
        %mul3A_161 = arith.muli %add3A_59, %mul3A_160 : i32
        %add3A_162 = arith.constant 7 : i32
        %add3A_163 = arith.addi %mul3A_161, %add3A_162 : i32
        %get3A_164 = arith.index_cast %add3A_163 : i32 to index
        %get3A_165 = arith.constant 0 : index
        %get3A_166 = tpu.vector_load %arg10[%get3A_164, %get3A_165] {strides = array<i32>} : memref<128x16xf32, #tpu.memory_space<vmem>>, vector<16xf32>,
        %mul3A_167 = vector.broadcast %squeeze3A_159 : f32 to vector<16xf32>
        %mul3A_168 = arith.mulf %get3A_166, %mul3A_167 : vector<16xf32>
        %swap3A_169 = arith.index_cast %add3A_163 : i32 to index
        %swap3A_170 = arith.constant 0 : index
        %swap3A_171 = tpu.vector_load %arg10[%swap3A_169, %swap3A_170] {strides = array<i32>} : memref<128x16xf32, #tpu.memory_space<vmem>>, vector<16xf32>,
        tpu.vector_store %arg10[%swap3A_169, %swap3A_170], %mul3A_168 {strides = array<i32>} : memref<128x16xf32, #tpu.memory_space<vmem>>, vector<16xf32>,
        %slice3A_172 = vector.extract_strided_slice %get3A_62 {offsets = [8], sizes = [1], strides = [1]} : vector<16xf32> to vector<1xf32>
        %squeeze3A_173 = vector.extract %slice3A_172[0] : f32 from vector<1xf32>
        %mul3A_174 = arith.constant 16 : i32
        %mul3A_175 = arith.muli %add3A_59, %mul3A_174 : i32
        %add3A_176 = arith.constant 8 : i32
        %add3A_177 = arith.addi %mul3A_175, %add3A_176 : i32
        %get3A_178 = arith.index_cast %add3A_177 : i32 to index
        %get3A_179 = arith.constant 0 : index
        %get3A_180 = tpu.vector_load %arg10[%get3A_178, %get3A_179] {strides = array<i32>} : memref<128x16xf32, #tpu.memory_space<vmem>>, vector<16xf32>,
        %mul3A_181 = vector.broadcast %squeeze3A_173 : f32 to vector<16xf32>
        %mul3A_182 = arith.mulf %get3A_180, %mul3A_181 : vector<16xf32>
        %swap3A_183 = arith.index_cast %add3A_177 : i32 to index
        %swap3A_184 = arith.constant 0 : index
        %swap3A_185 = tpu.vector_load %arg10[%swap3A_183, %swap3A_184] {strides = array<i32>} : memref<128x16xf32, #tpu.memory_space<vmem>>, vector<16xf32>,
        tpu.vector_store %arg10[%swap3A_183, %swap3A_184], %mul3A_182 {strides = array<i32>} : memref<128x16xf32, #tpu.memory_space<vmem>>, vector<16xf32>,
        %slice3A_186 = vector.extract_strided_slice %get3A_62 {offsets = [9], sizes = [1], strides = [1]} : vector<16xf32> to vector<1xf32>
        %squeeze3A_187 = vector.extract %slice3A_186[0] : f32 from vector<1xf32>
        %mul3A_188 = arith.constant 16 : i32
        %mul3A_189 = arith.muli %add3A_59, %mul3A_188 : i32
        %add3A_190 = arith.constant 9 : i32
        %add3A_191 = arith.addi %mul3A_189, %add3A_190 : i32
        %get3A_192 = arith.index_cast %add3A_191 : i32 to index
        %get3A_193 = arith.constant 0 : index
        %get3A_194 = tpu.vector_load %arg10[%get3A_192, %get3A_193] {strides = array<i32>} : memref<128x16xf32, #tpu.memory_space<vmem>>, vector<16xf32>,
        %mul3A_195 = vector.broadcast %squeeze3A_187 : f32 to vector<16xf32>
        %mul3A_196 = arith.mulf %get3A_194, %mul3A_195 : vector<16xf32>
        %swap3A_197 = arith.index_cast %add3A_191 : i32 to index
        %swap3A_198 = arith.constant 0 : index
        %swap3A_199 = tpu.vector_load %arg10[%swap3A_197, %swap3A_198] {strides = array<i32>} : memref<128x16xf32, #tpu.memory_space<vmem>>, vector<16xf32>,
        tpu.vector_store %arg10[%swap3A_197, %swap3A_198], %mul3A_196 {strides = array<i32>} : memref<128x16xf32, #tpu.memory_space<vmem>>, vector<16xf32>,
        %slice3A_200 = vector.extract_strided_slice %get3A_62 {offsets = [10], sizes = [1], strides = [1]} : vector<16xf32> to vector<1xf32>
        %squeeze3A_201 = vector.extract %slice3A_200[0] : f32 from vector<1xf32>
        %mul3A_202 = arith.constant 16 : i32
        %mul3A_203 = arith.muli %add3A_59, %mul3A_202 : i32
        %add3A_204 = arith.constant 10 : i32
        %add3A_205 = arith.addi %mul3A_203, %add3A_204 : i32
        %get3A_206 = arith.index_cast %add3A_205 : i32 to index
        %get3A_207 = arith.constant 0 : index
        %get3A_208 = tpu.vector_load %arg10[%get3A_206, %get3A_207] {strides = array<i32>} : memref<128x16xf32, #tpu.memory_space<vmem>>, vector<16xf32>,
        %mul3A_209 = vector.broadcast %squeeze3A_201 : f32 to vector<16xf32>
        %mul3A_210 = arith.mulf %get3A_208, %mul3A_209 : vector<16xf32>
        %swap3A_211 = arith.index_cast %add3A_205 : i32 to index
        %swap3A_212 = arith.constant 0 : index
        %swap3A_213 = tpu.vector_load %arg10[%swap3A_211, %swap3A_212] {strides = array<i32>} : memref<128x16xf32, #tpu.memory_space<vmem>>, vector<16xf32>,
        tpu.vector_store %arg10[%swap3A_211, %swap3A_212], %mul3A_210 {strides = array<i32>} : memref<128x16xf32, #tpu.memory_space<vmem>>, vector<16xf32>,
        %slice3A_214 = vector.extract_strided_slice %get3A_62 {offsets = [11], sizes = [1], strides = [1]} : vector<16xf32> to vector<1xf32>
        %squeeze3A_215 = vector.extract %slice3A_214[0] : f32 from vector<1xf32>
        %mul3A_216 = arith.constant 16 : i32
        %mul3A_217 = arith.muli %add3A_59, %mul3A_216 : i32
        %add3A_218 = arith.constant 11 : i32
        %add3A_219 = arith.addi %mul3A_217, %add3A_218 : i32
        %get3A_220 = arith.index_cast %add3A_219 : i32 to index
        %get3A_221 = arith.constant 0 : index
        %get3A_222 = tpu.vector_load %arg10[%get3A_220, %get3A_221] {strides = array<i32>} : memref<128x16xf32, #tpu.memory_space<vmem>>, vector<16xf32>,
        %mul3A_223 = vector.broadcast %squeeze3A_215 : f32 to vector<16xf32>
        %mul3A_224 = arith.mulf %get3A_222, %mul3A_223 : vector<16xf32>
        %swap3A_225 = arith.index_cast %add3A_219 : i32 to index
        %swap3A_226 = arith.constant 0 : index
        %swap3A_227 = tpu.vector_load %arg10[%swap3A_225, %swap3A_226] {strides = array<i32>} : memref<128x16xf32, #tpu.memory_space<vmem>>, vector<16xf32>,
        tpu.vector_store %arg10[%swap3A_225, %swap3A_226], %mul3A_224 {strides = array<i32>} : memref<128x16xf32, #tpu.memory_space<vmem>>, vector<16xf32>,
        %slice3A_228 = vector.extract_strided_slice %get3A_62 {offsets = [12], sizes = [1], strides = [1]} : vector<16xf32> to vector<1xf32>
        %squeeze3A_229 = vector.extract %slice3A_228[0] : f32 from vector<1xf32>
        %mul3A_230 = arith.constant 16 : i32
        %mul3A_231 = arith.muli %add3A_59, %mul3A_230 : i32
        %add3A_232 = arith.constant 12 : i32
        %add3A_233 = arith.addi %mul3A_231, %add3A_232 : i32
        %get3A_234 = arith.index_cast %add3A_233 : i32 to index
        %get3A_235 = arith.constant 0 : index
        %get3A_236 = tpu.vector_load %arg10[%get3A_234, %get3A_235] {strides = array<i32>} : memref<128x16xf32, #tpu.memory_space<vmem>>, vector<16xf32>,
        %mul3A_237 = vector.broadcast %squeeze3A_229 : f32 to vector<16xf32>
        %mul3A_238 = arith.mulf %get3A_236, %mul3A_237 : vector<16xf32>
        %swap3A_239 = arith.index_cast %add3A_233 : i32 to index
        %swap3A_240 = arith.constant 0 : index
        %swap3A_241 = tpu.vector_load %arg10[%swap3A_239, %swap3A_240] {strides = array<i32>} : memref<128x16xf32, #tpu.memory_space<vmem>>, vector<16xf32>,
        tpu.vector_store %arg10[%swap3A_239, %swap3A_240], %mul3A_238 {strides = array<i32>} : memref<128x16xf32, #tpu.memory_space<vmem>>, vector<16xf32>,
        %slice3A_242 = vector.extract_strided_slice %get3A_62 {offsets = [13], sizes = [1], strides = [1]} : vector<16xf32> to vector<1xf32>
        %squeeze3A_243 = vector.extract %slice3A_242[0] : f32 from vector<1xf32>
        %mul3A_244 = arith.constant 16 : i32
        %mul3A_245 = arith.muli %add3A_59, %mul3A_244 : i32
        %add3A_246 = arith.constant 13 : i32
        %add3A_247 = arith.addi %mul3A_245, %add3A_246 : i32
        %get3A_248 = arith.index_cast %add3A_247 : i32 to index
        %get3A_249 = arith.constant 0 : index
        %get3A_250 = tpu.vector_load %arg10[%get3A_248, %get3A_249] {strides = array<i32>} : memref<128x16xf32, #tpu.memory_space<vmem>>, vector<16xf32>,
        %mul3A_251 = vector.broadcast %squeeze3A_243 : f32 to vector<16xf32>
        %mul3A_252 = arith.mulf %get3A_250, %mul3A_251 : vector<16xf32>
        %swap3A_253 = arith.index_cast %add3A_247 : i32 to index
        %swap3A_254 = arith.constant 0 : index
        %swap3A_255 = tpu.vector_load %arg10[%swap3A_253, %swap3A_254] {strides = array<i32>} : memref<128x16xf32, #tpu.memory_space<vmem>>, vector<16xf32>,
        tpu.vector_store %arg10[%swap3A_253, %swap3A_254], %mul3A_252 {strides = array<i32>} : memref<128x16xf32, #tpu.memory_space<vmem>>, vector<16xf32>,
        %slice3A_256 = vector.extract_strided_slice %get3A_62 {offsets = [14], sizes = [1], strides = [1]} : vector<16xf32> to vector<1xf32>
        %squeeze3A_257 = vector.extract %slice3A_256[0] : f32 from vector<1xf32>
        %mul3A_258 = arith.constant 16 : i32
        %mul3A_259 = arith.muli %add3A_59, %mul3A_258 : i32
        %add3A_260 = arith.constant 14 : i32
        %add3A_261 = arith.addi %mul3A_259, %add3A_260 : i32
        %get3A_262 = arith.index_cast %add3A_261 : i32 to index
        %get3A_263 = arith.constant 0 : index
        %get3A_264 = tpu.vector_load %arg10[%get3A_262, %get3A_263] {strides = array<i32>} : memref<128x16xf32, #tpu.memory_space<vmem>>, vector<16xf32>,
        %mul3A_265 = vector.broadcast %squeeze3A_257 : f32 to vector<16xf32>
        %mul3A_266 = arith.mulf %get3A_264, %mul3A_265 : vector<16xf32>
        %swap3A_267 = arith.index_cast %add3A_261 : i32 to index
        %swap3A_268 = arith.constant 0 : index
        %swap3A_269 = tpu.vector_load %arg10[%swap3A_267, %swap3A_268] {strides = array<i32>} : memref<128x16xf32, #tpu.memory_space<vmem>>, vector<16xf32>,
        tpu.vector_store %arg10[%swap3A_267, %swap3A_268], %mul3A_266 {strides = array<i32>} : memref<128x16xf32, #tpu.memory_space<vmem>>, vector<16xf32>,
        %slice3A_270 = vector.extract_strided_slice %get3A_62 {offsets = [15], sizes = [1], strides = [1]} : vector<16xf32> to vector<1xf32>
        %squeeze3A_271 = vector.extract %slice3A_270[0] : f32 from vector<1xf32>
        %mul3A_272 = arith.constant 16 : i32
        %mul3A_273 = arith.muli %add3A_59, %mul3A_272 : i32
        %add3A_274 = arith.constant 15 : i32
        %add3A_275 = arith.addi %mul3A_273, %add3A_274 : i32
        %get3A_276 = arith.index_cast %add3A_275 : i32 to index
        %get3A_277 = arith.constant 0 : index
        %get3A_278 = tpu.vector_load %arg10[%get3A_276, %get3A_277] {strides = array<i32>} : memref<128x16xf32, #tpu.memory_space<vmem>>, vector<16xf32>,
        %mul3A_279 = vector.broadcast %squeeze3A_271 : f32 to vector<16xf32>
        %mul3A_280 = arith.mulf %get3A_278, %mul3A_279 : vector<16xf32>
        %swap3A_281 = arith.index_cast %add3A_275 : i32 to index
        %swap3A_282 = arith.constant 0 : index
        %swap3A_283 = tpu.vector_load %arg10[%swap3A_281, %swap3A_282] {strides = array<i32>} : memref<128x16xf32, #tpu.memory_space<vmem>>, vector<16xf32>,
        tpu.vector_store %arg10[%swap3A_281, %swap3A_282], %mul3A_280 {strides = array<i32>} : memref<128x16xf32, #tpu.memory_space<vmem>>, vector<16xf32>,
      }
      %scan3A_54 = arith.constant 8 : i32
      "tpu.region"() ({
        %run_scoped3A = tpu.sem_alloc : memref<!tpu.dma_semaphore, #tpu.memory_space<semaphore_mem>>
        %dma_start3A_55 = arith.constant 0 : i32
        %dma_start3A_56 = arith.constant 0 : i32
        %dma_start3A_57 = tpu.memref_slice %arg12[%dma_start3A_55, %dma_start3A_56] : memref<10240x16xf32, #tpu.memory_space<vmem_shared>> -> memref<10240x16xf32, #tpu.memory_space<vmem_shared>>
        tpu.enqueue_indirect_dma source(%arg10 : memref<128x16xf32, #tpu.memory_space<vmem>>) target(%dma_start3A_57 : memref<10240x16xf32, #tpu.memory_space<vmem_shared>>) offsets(%arg8 : memref<128xi32, #tpu.memory_space<vmem>>) semaphore(%run_scoped3A : memref<!tpu.dma_semaphore, #tpu.memory_space<semaphore_mem>>) {add = true}
        %dma_wait3A_58 = arith.constant 0 : i32
        %dma_wait3A_59 = arith.constant 0 : i32
        %dma_wait3A_60 = tpu.memref_slice %arg12[%dma_wait3A_58, %dma_wait3A_59] : memref<10240x16xf32, #tpu.memory_space<vmem_shared>> -> memref<10240x16xf32, #tpu.memory_space<vmem_shared>>
        tpu.wait_indirect_dma semaphore(%run_scoped3A : memref<!tpu.dma_semaphore, #tpu.memory_space<semaphore_mem>>) src(%arg10 : memref<128x16xf32, #tpu.memory_space<vmem>>) dst(%dma_wait3A_60 : memref<10240x16xf32, #tpu.memory_space<vmem_shared>>)
        tpu.yield
      }) : () -> ()
    }
    %scan3A_32 = arith.constant 40 : i32
    %barrier3A_33 = arith.constant 0 : index
    tpu.barrier barrier_id(%barrier3A_33)
    %mul3A_34 = arith.constant 640 : i32
    %mul3A_35 = arith.muli %arg1, %mul3A_34 : i32
    %mul3A_36 = arith.constant 640 : i32
    %mul3A_37 = arith.muli %arg1, %mul3A_36 : i32
    "tpu.region"() ({
      %run_scoped3A = tpu.sem_alloc : memref<!tpu.dma_semaphore, #tpu.memory_space<semaphore_mem>>
      %dma_start3A = arith.constant 0 : i32
      %dma_start3A_38 = tpu.memref_slice %arg6[%arg0, %mul3A_37, %dma_start3A] : memref<2x10240x16xf32, #tpu.memory_space<hbm>> -> memref<1x640x16xf32, #tpu.memory_space<hbm>>
      %dma_start3A_39 = tpu.memref_squeeze %dma_start3A_38 : memref<1x640x16xf32, #tpu.memory_space<hbm>> -> memref<640x16xf32, #tpu.memory_space<hbm>>
      %dma_start3A_40 = arith.constant 0 : i32
      %dma_start3A_41 = tpu.memref_slice %arg12[%mul3A_35, %dma_start3A_40] : memref<10240x16xf32, #tpu.memory_space<vmem_shared>> -> memref<640x16xf32, #tpu.memory_space<vmem_shared>>
      tpu.enqueue_dma source(%dma_start3A_41 : memref<640x16xf32, #tpu.memory_space<vmem_shared>>) target(%dma_start3A_39 : memref<640x16xf32, #tpu.memory_space<hbm>>) target_semaphore(%run_scoped3A : memref<!tpu.dma_semaphore, #tpu.memory_space<semaphore_mem>>)
      %dma_wait3A = arith.constant 0 : i32
      %dma_wait3A_42 = tpu.memref_slice %arg6[%arg0, %mul3A_37, %dma_wait3A] : memref<2x10240x16xf32, #tpu.memory_space<hbm>> -> memref<1x640x16xf32, #tpu.memory_space<hbm>>
      %dma_wait3A_43 = tpu.memref_squeeze %dma_wait3A_42 : memref<1x640x16xf32, #tpu.memory_space<hbm>> -> memref<640x16xf32, #tpu.memory_space<hbm>>
      %dma_wait3A_44 = arith.constant 0 : i32
      %dma_wait3A_45 = tpu.memref_slice %arg12[%mul3A_35, %dma_wait3A_44] : memref<10240x16xf32, #tpu.memory_space<vmem_shared>> -> memref<640x16xf32, #tpu.memory_space<vmem_shared>>
      tpu.wait_dma2 semaphore(%run_scoped3A : memref<!tpu.dma_semaphore, #tpu.memory_space<semaphore_mem>>) src(%dma_wait3A_45 : memref<640x16xf32, #tpu.memory_space<vmem_shared>>) dst(%dma_wait3A_43 : memref<640x16xf32, #tpu.memory_space<hbm>>)
      tpu.yield
    }) : () -> ()
    return
  }
}

module attributes {stable_mosaic.version = 14 : i64} {
  func.func @_tc1_body(%arg0: i32, %arg1: memref<512x128xf32, #tpu.memory_space<vmem>>, %arg2: memref<128x16xf32, #tpu.memory_space<vmem>>, %arg3: memref<512x1xf32, #tpu.memory_space<vmem>>, %arg4: memref<512x16xf32, #tpu.memory_space<vmem>>) attributes {dimension_semantics = [#tpu.dimension_semantics<arbitrary>], iteration_bounds = array<i64: 20>, scalar_prefetch = 0 : i64, scratch_operands = 0 : i64, tpu.core_type = #tpu.core_type<tc>, window_params = [{transform_indices = @transform_0, window_bounds = array<i64: 512, 128>}, {pipeline_mode = #tpu.pipeline_mode<synchronous>, transform_indices = @transform_1, window_bounds = array<i64: 128, 16>}, {transform_indices = @transform_2, window_bounds = array<i64: 512, 1>}, {transform_indices = @transform_3, window_bounds = array<i64: 512, 16>}]} {
    %get3A = arith.constant 0 : index
    %get3A_0 = arith.constant 0 : index
    %get3A_1 = vector.load %arg1[%get3A, %get3A_0] : memref<512x128xf32, #tpu.memory_space<vmem>>, vector<512x128xf32>
    %get3A_2 = arith.constant 0 : index
    %get3A_3 = arith.constant 0 : index
    %get3A_4 = vector.load %arg3[%get3A_2, %get3A_3] : memref<512x1xf32, #tpu.memory_space<vmem>>, vector<512x1xf32>
    %mul3A = vector.broadcast %get3A_4 : vector<512x1xf32> to vector<512x128xf32>
    %mul3A_5 = arith.mulf %get3A_1, %mul3A : vector<512x128xf32>
    %get3A_6 = arith.constant 0 : index
    %get3A_7 = arith.constant 0 : index
    %get3A_8 = vector.load %arg2[%get3A_6, %get3A_7] : memref<128x16xf32, #tpu.memory_space<vmem>>, vector<128x16xf32>
    %dot_general3A = arith.constant dense<0.000000e+00> : vector<512x16xf32>
    %dot_general3A_9 = tpu.matmul %mul3A_5, %get3A_8, %dot_general3A {dimension_numbers = #tpu.dot_dimension_numbers<[1], [0], [0], [1], [0, 0, 1, 1], [], []>, transpose_lhs_hint = false} : vector<512x128xf32>, vector<128x16xf32>, vector<512x16xf32> -> vector<512x16xf32>
    %swap3A = arith.constant 0 : index
    %swap3A_10 = arith.constant 0 : index
    %swap3A_11 = vector.load %arg4[%swap3A, %swap3A_10] : memref<512x16xf32, #tpu.memory_space<vmem>>, vector<512x16xf32>
    tpu.vector_store %arg4[%swap3A, %swap3A_10], %dot_general3A_9 {strides = array<i32>} : memref<512x16xf32, #tpu.memory_space<vmem>>, vector<512x16xf32>,
    return
  }
  func.func @transform_0(%arg0: i32) -> (i32, i32) {
    %c0_i32 = arith.constant 0 : i32
    %c0_i32_0 = arith.constant 0 : i32
    return %arg0, %c0_i32 : i32, i32
  }
  func.func @transform_1(%arg0: i32) -> (i32, i32) {
    %c0_i32 = arith.constant 0 : i32
    %c0_i32_0 = arith.constant 0 : i32
    %c0_i32_1 = arith.constant 0 : i32
    return %c0_i32, %c0_i32_0 : i32, i32
  }
  func.func @transform_2(%arg0: i32) -> (i32, i32) {
    %c0_i32 = arith.constant 0 : i32
    %c0_i32_0 = arith.constant 0 : i32
    return %arg0, %c0_i32 : i32, i32
  }
  func.func @transform_3(%arg0: i32) -> (i32, i32) {
    %c0_i32 = arith.constant 0 : i32
    %c0_i32_0 = arith.constant 0 : i32
    return %arg0, %c0_i32 : i32, i32
  }
}

module attributes {stable_mosaic.version = 14 : i64} {
  func.func @_tcmid_body(%arg0: i32, %arg1: memref<512x16xf32, #tpu.memory_space<vmem>>, %arg2: memref<512x16xf32, #tpu.memory_space<vmem>>, %arg3: memref<512x1xf32, #tpu.memory_space<vmem>>, %arg4: memref<512x1xf32, #tpu.memory_space<vmem>>, %arg5: memref<1x16xf32, #tpu.memory_space<vmem>>, %arg6: memref<512x16xf32, #tpu.memory_space<vmem>>) attributes {dimension_semantics = [#tpu.dimension_semantics<arbitrary>], iteration_bounds = array<i64: 20>, scalar_prefetch = 0 : i64, scratch_operands = 0 : i64, tpu.core_type = #tpu.core_type<tc>, window_params = [{transform_indices = @transform_0, window_bounds = array<i64: 512, 16>}, {transform_indices = @transform_1, window_bounds = array<i64: 512, 16>}, {transform_indices = @transform_2, window_bounds = array<i64: 512, 1>}, {transform_indices = @transform_3, window_bounds = array<i64: 512, 1>}, {pipeline_mode = #tpu.pipeline_mode<synchronous>, transform_indices = @transform_4, window_bounds = array<i64: 1, 16>}, {transform_indices = @transform_5, window_bounds = array<i64: 512, 16>}]} {
    %get3A = arith.constant 0 : index
    %get3A_0 = arith.constant 0 : index
    %get3A_1 = vector.load %arg1[%get3A, %get3A_0] : memref<512x16xf32, #tpu.memory_space<vmem>>, vector<512x16xf32>
    %get3A_2 = arith.constant 0 : index
    %get3A_3 = arith.constant 0 : index
    %get3A_4 = vector.load %arg2[%get3A_2, %get3A_3] : memref<512x16xf32, #tpu.memory_space<vmem>>, vector<512x16xf32>
    %add3A = arith.addf %get3A_1, %get3A_4 : vector<512x16xf32>
    %get3A_5 = arith.constant 0 : index
    %get3A_6 = arith.constant 0 : index
    %get3A_7 = vector.load %arg3[%get3A_5, %get3A_6] : memref<512x1xf32, #tpu.memory_space<vmem>>, vector<512x1xf32>
    %mul3A = vector.broadcast %get3A_7 : vector<512x1xf32> to vector<512x16xf32>
    %mul3A_8 = arith.mulf %add3A, %mul3A : vector<512x16xf32>
    %get3A_9 = arith.constant 0 : index
    %get3A_10 = arith.constant 0 : index
    %get3A_11 = vector.load %arg5[%get3A_9, %get3A_10] : memref<1x16xf32, #tpu.memory_space<vmem>>, vector<1x16xf32>
    %add3A_12 = vector.broadcast %get3A_11 : vector<1x16xf32> to vector<512x16xf32>
    %add3A_13 = arith.addf %mul3A_8, %add3A_12 : vector<512x16xf32>
    %ge3A = arith.constant 0.000000e+00 : f32
    %ge3A_14 = vector.broadcast %ge3A : f32 to vector<512x16xf32>
    %ge3A_15 = arith.cmpf oge, %add3A_13, %ge3A_14 : vector<512x16xf32>
    %mul3A_16 = arith.constant 0.00999999977 : f32
    %mul3A_17 = vector.broadcast %mul3A_16 : f32 to vector<512x16xf32>
    %mul3A_18 = arith.mulf %mul3A_17, %add3A_13 : vector<512x16xf32>
    %select_n3A = arith.select %ge3A_15, %add3A_13, %mul3A_18 : vector<512x16xi1>, vector<512x16xf32>
    %get3A_19 = arith.constant 0 : index
    %get3A_20 = arith.constant 0 : index
    %get3A_21 = vector.load %arg4[%get3A_19, %get3A_20] : memref<512x1xf32, #tpu.memory_space<vmem>>, vector<512x1xf32>
    %mul3A_22 = vector.broadcast %get3A_21 : vector<512x1xf32> to vector<512x16xf32>
    %mul3A_23 = arith.mulf %select_n3A, %mul3A_22 : vector<512x16xf32>
    %swap3A = arith.constant 0 : index
    %swap3A_24 = arith.constant 0 : index
    %swap3A_25 = vector.load %arg6[%swap3A, %swap3A_24] : memref<512x16xf32, #tpu.memory_space<vmem>>, vector<512x16xf32>
    tpu.vector_store %arg6[%swap3A, %swap3A_24], %mul3A_23 {strides = array<i32>} : memref<512x16xf32, #tpu.memory_space<vmem>>, vector<512x16xf32>,
    return
  }
  func.func @transform_0(%arg0: i32) -> (i32, i32) {
    %c0_i32 = arith.constant 0 : i32
    %c0_i32_0 = arith.constant 0 : i32
    return %arg0, %c0_i32 : i32, i32
  }
  func.func @transform_1(%arg0: i32) -> (i32, i32) {
    %c0_i32 = arith.constant 0 : i32
    %c0_i32_0 = arith.constant 0 : i32
    return %arg0, %c0_i32 : i32, i32
  }
  func.func @transform_2(%arg0: i32) -> (i32, i32) {
    %c0_i32 = arith.constant 0 : i32
    %c0_i32_0 = arith.constant 0 : i32
    return %arg0, %c0_i32 : i32, i32
  }
  func.func @transform_3(%arg0: i32) -> (i32, i32) {
    %c0_i32 = arith.constant 0 : i32
    %c0_i32_0 = arith.constant 0 : i32
    return %arg0, %c0_i32 : i32, i32
  }
  func.func @transform_4(%arg0: i32) -> (i32, i32) {
    %c0_i32 = arith.constant 0 : i32
    %c0_i32_0 = arith.constant 0 : i32
    %c0_i32_1 = arith.constant 0 : i32
    return %c0_i32, %c0_i32_0 : i32, i32
  }
  func.func @transform_5(%arg0: i32) -> (i32, i32) {
    %c0_i32 = arith.constant 0 : i32
    %c0_i32_0 = arith.constant 0 : i32
    return %arg0, %c0_i32 : i32, i32
  }
}

module attributes {stable_mosaic.version = 14 : i64} {
  func.func @_tc2_body(%arg0: i32, %arg1: memref<512x16xf32, #tpu.memory_space<vmem>>, %arg2: memref<512x16xf32, #tpu.memory_space<vmem>>, %arg3: memref<512x1xf32, #tpu.memory_space<vmem>>, %arg4: memref<512x1xf32, #tpu.memory_space<vmem>>, %arg5: memref<16x4096xf32, #tpu.memory_space<vmem>>, %arg6: memref<4096x64xf32, #tpu.memory_space<vmem>>, %arg7: memref<512x64xf32, #tpu.memory_space<vmem>>) attributes {dimension_semantics = [#tpu.dimension_semantics<arbitrary>], iteration_bounds = array<i64: 20>, scalar_prefetch = 0 : i64, scratch_operands = 0 : i64, tpu.core_type = #tpu.core_type<tc>, window_params = [{transform_indices = @transform_0, window_bounds = array<i64: 512, 16>}, {transform_indices = @transform_1, window_bounds = array<i64: 512, 16>}, {transform_indices = @transform_2, window_bounds = array<i64: 512, 1>}, {transform_indices = @transform_3, window_bounds = array<i64: 512, 1>}, {pipeline_mode = #tpu.pipeline_mode<synchronous>, transform_indices = @transform_4, window_bounds = array<i64: 16, 4096>}, {pipeline_mode = #tpu.pipeline_mode<synchronous>, transform_indices = @transform_5, window_bounds = array<i64: 4096, 64>}, {transform_indices = @transform_6, window_bounds = array<i64: 512, 64>}]} {
    %get3A = arith.constant 0 : index
    %get3A_0 = arith.constant 0 : index
    %get3A_1 = vector.load %arg1[%get3A, %get3A_0] : memref<512x16xf32, #tpu.memory_space<vmem>>, vector<512x16xf32>
    %get3A_2 = arith.constant 0 : index
    %get3A_3 = arith.constant 0 : index
    %get3A_4 = vector.load %arg2[%get3A_2, %get3A_3] : memref<512x16xf32, #tpu.memory_space<vmem>>, vector<512x16xf32>
    %add3A = arith.addf %get3A_1, %get3A_4 : vector<512x16xf32>
    %get3A_5 = arith.constant 0 : index
    %get3A_6 = arith.constant 0 : index
    %get3A_7 = vector.load %arg3[%get3A_5, %get3A_6] : memref<512x1xf32, #tpu.memory_space<vmem>>, vector<512x1xf32>
    %mul3A = vector.broadcast %get3A_7 : vector<512x1xf32> to vector<512x16xf32>
    %mul3A_8 = arith.mulf %add3A, %mul3A : vector<512x16xf32>
    %get3A_9 = arith.constant 0 : index
    %get3A_10 = arith.constant 0 : index
    %get3A_11 = vector.load %arg5[%get3A_9, %get3A_10] : memref<16x4096xf32, #tpu.memory_space<vmem>>, vector<16x4096xf32>
    %dot_general3A = arith.constant dense<0.000000e+00> : vector<512x4096xf32>
    %dot_general3A_12 = tpu.matmul %mul3A_8, %get3A_11, %dot_general3A {dimension_numbers = #tpu.dot_dimension_numbers<[1], [0], [0], [1], [0, 0, 1, 1], [], []>, transpose_lhs_hint = false} : vector<512x16xf32>, vector<16x4096xf32>, vector<512x4096xf32> -> vector<512x4096xf32>
    %ge3A = arith.constant 0.000000e+00 : f32
    %ge3A_13 = vector.broadcast %ge3A : f32 to vector<512x4096xf32>
    %ge3A_14 = arith.cmpf oge, %dot_general3A_12, %ge3A_13 : vector<512x4096xf32>
    %mul3A_15 = arith.constant 0.00999999977 : f32
    %mul3A_16 = vector.broadcast %mul3A_15 : f32 to vector<512x4096xf32>
    %mul3A_17 = arith.mulf %mul3A_16, %dot_general3A_12 : vector<512x4096xf32>
    %select_n3A = arith.select %ge3A_14, %dot_general3A_12, %mul3A_17 : vector<512x4096xi1>, vector<512x4096xf32>
    %get3A_18 = arith.constant 0 : index
    %get3A_19 = arith.constant 0 : index
    %get3A_20 = vector.load %arg4[%get3A_18, %get3A_19] : memref<512x1xf32, #tpu.memory_space<vmem>>, vector<512x1xf32>
    %mul3A_21 = vector.broadcast %get3A_20 : vector<512x1xf32> to vector<512x4096xf32>
    %mul3A_22 = arith.mulf %select_n3A, %mul3A_21 : vector<512x4096xf32>
    %get3A_23 = arith.constant 0 : index
    %get3A_24 = arith.constant 0 : index
    %get3A_25 = vector.load %arg6[%get3A_23, %get3A_24] : memref<4096x64xf32, #tpu.memory_space<vmem>>, vector<4096x64xf32>
    %dot_general3A_26 = arith.constant dense<0.000000e+00> : vector<512x64xf32>
    %dot_general3A_27 = tpu.matmul %mul3A_22, %get3A_25, %dot_general3A_26 {dimension_numbers = #tpu.dot_dimension_numbers<[1], [0], [0], [1], [0, 0, 1, 1], [], []>, transpose_lhs_hint = false} : vector<512x4096xf32>, vector<4096x64xf32>, vector<512x64xf32> -> vector<512x64xf32>
    %swap3A = arith.constant 0 : index
    %swap3A_28 = arith.constant 0 : index
    %swap3A_29 = vector.load %arg7[%swap3A, %swap3A_28] : memref<512x64xf32, #tpu.memory_space<vmem>>, vector<512x64xf32>
    tpu.vector_store %arg7[%swap3A, %swap3A_28], %dot_general3A_27 {strides = array<i32>} : memref<512x64xf32, #tpu.memory_space<vmem>>, vector<512x64xf32>,
    return
  }
  func.func @transform_0(%arg0: i32) -> (i32, i32) {
    %c0_i32 = arith.constant 0 : i32
    %c0_i32_0 = arith.constant 0 : i32
    return %arg0, %c0_i32 : i32, i32
  }
  func.func @transform_1(%arg0: i32) -> (i32, i32) {
    %c0_i32 = arith.constant 0 : i32
    %c0_i32_0 = arith.constant 0 : i32
    return %arg0, %c0_i32 : i32, i32
  }
  func.func @transform_2(%arg0: i32) -> (i32, i32) {
    %c0_i32 = arith.constant 0 : i32
    %c0_i32_0 = arith.constant 0 : i32
    return %arg0, %c0_i32 : i32, i32
  }
  func.func @transform_3(%arg0: i32) -> (i32, i32) {
    %c0_i32 = arith.constant 0 : i32
    %c0_i32_0 = arith.constant 0 : i32
    return %arg0, %c0_i32 : i32, i32
  }
  func.func @transform_4(%arg0: i32) -> (i32, i32) {
    %c0_i32 = arith.constant 0 : i32
    %c0_i32_0 = arith.constant 0 : i32
    %c0_i32_1 = arith.constant 0 : i32
    return %c0_i32, %c0_i32_0 : i32, i32
  }
  func.func @transform_5(%arg0: i32) -> (i32, i32) {
    %c0_i32 = arith.constant 0 : i32
    %c0_i32_0 = arith.constant 0 : i32
    %c0_i32_1 = arith.constant 0 : i32
    return %c0_i32, %c0_i32_0 : i32, i32
  }
  func.func @transform_6(%arg0: i32) -> (i32, i32) {
    %c0_i32 = arith.constant 0 : i32
    %c0_i32_0 = arith.constant 0 : i32
    return %arg0, %c0_i32 : i32, i32
  }
}

module attributes {stable_mosaic.version = 14 : i64} {
  func.func @_tc3_body(%arg0: i32, %arg1: memref<512x64xf32, #tpu.memory_space<vmem>>, %arg2: memref<512x64xf32, #tpu.memory_space<vmem>>, %arg3: memref<512x1xf32, #tpu.memory_space<vmem>>, %arg4: memref<1x64xf32, #tpu.memory_space<vmem>>, %arg5: memref<64x512xf32, #tpu.memory_space<vmem>>, %arg6: memref<1x512xf32, #tpu.memory_space<vmem>>, %arg7: memref<512x1024xf32, #tpu.memory_space<vmem>>, %arg8: memref<1x1024xf32, #tpu.memory_space<vmem>>, %arg9: memref<1024x512xf32, #tpu.memory_space<vmem>>, %arg10: memref<1x512xf32, #tpu.memory_space<vmem>>, %arg11: memref<512x64xf32, #tpu.memory_space<vmem>>, %arg12: memref<1x64xf32, #tpu.memory_space<vmem>>, %arg13: memref<64x1xf32, #tpu.memory_space<vmem>>, %arg14: memref<1x1xf32, #tpu.memory_space<vmem>>, %arg15: memref<512x1xf32, #tpu.memory_space<vmem>>) attributes {dimension_semantics = [#tpu.dimension_semantics<arbitrary>], iteration_bounds = array<i64: 20>, scalar_prefetch = 0 : i64, scratch_operands = 0 : i64, tpu.core_type = #tpu.core_type<tc>, window_params = [{transform_indices = @transform_0, window_bounds = array<i64: 512, 64>}, {transform_indices = @transform_1, window_bounds = array<i64: 512, 64>}, {transform_indices = @transform_2, window_bounds = array<i64: 512, 1>}, {pipeline_mode = #tpu.pipeline_mode<synchronous>, transform_indices = @transform_3, window_bounds = array<i64: 1, 64>}, {pipeline_mode = #tpu.pipeline_mode<synchronous>, transform_indices = @transform_4, window_bounds = array<i64: 64, 512>}, {pipeline_mode = #tpu.pipeline_mode<synchronous>, transform_indices = @transform_5, window_bounds = array<i64: 1, 512>}, {pipeline_mode = #tpu.pipeline_mode<synchronous>, transform_indices = @transform_6, window_bounds = array<i64: 512, 1024>}, {pipeline_mode = #tpu.pipeline_mode<synchronous>, transform_indices = @transform_7, window_bounds = array<i64: 1, 1024>}, {pipeline_mode = #tpu.pipeline_mode<synchronous>, transform_indices = @transform_8, window_bounds = array<i64: 1024, 512>}, {pipeline_mode = #tpu.pipeline_mode<synchronous>, transform_indices = @transform_9, window_bounds = array<i64: 1, 512>}, {pipeline_mode = #tpu.pipeline_mode<synchronous>, transform_indices = @transform_10, window_bounds = array<i64: 512, 64>}, {pipeline_mode = #tpu.pipeline_mode<synchronous>, transform_indices = @transform_11, window_bounds = array<i64: 1, 64>}, {pipeline_mode = #tpu.pipeline_mode<synchronous>, transform_indices = @transform_12, window_bounds = array<i64: 64, 1>}, {pipeline_mode = #tpu.pipeline_mode<synchronous>, transform_indices = @transform_13, window_bounds = array<i64: 1, 1>}, {transform_indices = @transform_14, window_bounds = array<i64: 512, 1>}]} {
    %get3A = arith.constant 0 : index
    %get3A_0 = arith.constant 0 : index
    %get3A_1 = vector.load %arg1[%get3A, %get3A_0] : memref<512x64xf32, #tpu.memory_space<vmem>>, vector<512x64xf32>
    %get3A_2 = arith.constant 0 : index
    %get3A_3 = arith.constant 0 : index
    %get3A_4 = vector.load %arg2[%get3A_2, %get3A_3] : memref<512x64xf32, #tpu.memory_space<vmem>>, vector<512x64xf32>
    %add3A = arith.addf %get3A_1, %get3A_4 : vector<512x64xf32>
    %get3A_5 = arith.constant 0 : index
    %get3A_6 = arith.constant 0 : index
    %get3A_7 = vector.load %arg3[%get3A_5, %get3A_6] : memref<512x1xf32, #tpu.memory_space<vmem>>, vector<512x1xf32>
    %mul3A = vector.broadcast %get3A_7 : vector<512x1xf32> to vector<512x64xf32>
    %mul3A_8 = arith.mulf %add3A, %mul3A : vector<512x64xf32>
    %get3A_9 = arith.constant 0 : index
    %get3A_10 = arith.constant 0 : index
    %get3A_11 = vector.load %arg4[%get3A_9, %get3A_10] : memref<1x64xf32, #tpu.memory_space<vmem>>, vector<1x64xf32>
    %add3A_12 = vector.broadcast %get3A_11 : vector<1x64xf32> to vector<512x64xf32>
    %add3A_13 = arith.addf %mul3A_8, %add3A_12 : vector<512x64xf32>
    %ge3A = arith.constant 0.000000e+00 : f32
    %ge3A_14 = vector.broadcast %ge3A : f32 to vector<512x64xf32>
    %ge3A_15 = arith.cmpf oge, %add3A_13, %ge3A_14 : vector<512x64xf32>
    %mul3A_16 = arith.constant 0.00999999977 : f32
    %mul3A_17 = vector.broadcast %mul3A_16 : f32 to vector<512x64xf32>
    %mul3A_18 = arith.mulf %mul3A_17, %add3A_13 : vector<512x64xf32>
    %select_n3A = arith.select %ge3A_15, %add3A_13, %mul3A_18 : vector<512x64xi1>, vector<512x64xf32>
    %get3A_19 = arith.constant 0 : index
    %get3A_20 = arith.constant 0 : index
    %get3A_21 = vector.load %arg5[%get3A_19, %get3A_20] : memref<64x512xf32, #tpu.memory_space<vmem>>, vector<64x512xf32>
    %dot_general3A = arith.constant dense<0.000000e+00> : vector<512x512xf32>
    %dot_general3A_22 = tpu.matmul %select_n3A, %get3A_21, %dot_general3A {dimension_numbers = #tpu.dot_dimension_numbers<[1], [0], [0], [1], [0, 0, 1, 1], [], []>, transpose_lhs_hint = false} : vector<512x64xf32>, vector<64x512xf32>, vector<512x512xf32> -> vector<512x512xf32>
    %get3A_23 = arith.constant 0 : index
    %get3A_24 = arith.constant 0 : index
    %get3A_25 = vector.load %arg6[%get3A_23, %get3A_24] : memref<1x512xf32, #tpu.memory_space<vmem>>, vector<1x512xf32>
    %add3A_26 = vector.broadcast %get3A_25 : vector<1x512xf32> to vector<512x512xf32>
    %add3A_27 = arith.addf %dot_general3A_22, %add3A_26 : vector<512x512xf32>
    %ge3A_28 = arith.constant 0.000000e+00 : f32
    %ge3A_29 = vector.broadcast %ge3A_28 : f32 to vector<512x512xf32>
    %ge3A_30 = arith.cmpf oge, %add3A_27, %ge3A_29 : vector<512x512xf32>
    %mul3A_31 = arith.constant 0.00999999977 : f32
    %mul3A_32 = vector.broadcast %mul3A_31 : f32 to vector<512x512xf32>
    %mul3A_33 = arith.mulf %mul3A_32, %add3A_27 : vector<512x512xf32>
    %select_n3A_34 = arith.select %ge3A_30, %add3A_27, %mul3A_33 : vector<512x512xi1>, vector<512x512xf32>
    %get3A_35 = arith.constant 0 : index
    %get3A_36 = arith.constant 0 : index
    %get3A_37 = vector.load %arg7[%get3A_35, %get3A_36] : memref<512x1024xf32, #tpu.memory_space<vmem>>, vector<512x1024xf32>
    %dot_general3A_38 = arith.constant dense<0.000000e+00> : vector<512x1024xf32>
    %dot_general3A_39 = tpu.matmul %select_n3A_34, %get3A_37, %dot_general3A_38 {dimension_numbers = #tpu.dot_dimension_numbers<[1], [0], [0], [1], [0, 0, 1, 1], [], []>, transpose_lhs_hint = false} : vector<512x512xf32>, vector<512x1024xf32>, vector<512x1024xf32> -> vector<512x1024xf32>
    %get3A_40 = arith.constant 0 : index
    %get3A_41 = arith.constant 0 : index
    %get3A_42 = vector.load %arg8[%get3A_40, %get3A_41] : memref<1x1024xf32, #tpu.memory_space<vmem>>, vector<1x1024xf32>
    %add3A_43 = vector.broadcast %get3A_42 : vector<1x1024xf32> to vector<512x1024xf32>
    %add3A_44 = arith.addf %dot_general3A_39, %add3A_43 : vector<512x1024xf32>
    %ge3A_45 = arith.constant 0.000000e+00 : f32
    %ge3A_46 = vector.broadcast %ge3A_45 : f32 to vector<512x1024xf32>
    %ge3A_47 = arith.cmpf oge, %add3A_44, %ge3A_46 : vector<512x1024xf32>
    %mul3A_48 = arith.constant 0.00999999977 : f32
    %mul3A_49 = vector.broadcast %mul3A_48 : f32 to vector<512x1024xf32>
    %mul3A_50 = arith.mulf %mul3A_49, %add3A_44 : vector<512x1024xf32>
    %select_n3A_51 = arith.select %ge3A_47, %add3A_44, %mul3A_50 : vector<512x1024xi1>, vector<512x1024xf32>
    %get3A_52 = arith.constant 0 : index
    %get3A_53 = arith.constant 0 : index
    %get3A_54 = vector.load %arg9[%get3A_52, %get3A_53] : memref<1024x512xf32, #tpu.memory_space<vmem>>, vector<1024x512xf32>
    %dot_general3A_55 = arith.constant dense<0.000000e+00> : vector<512x512xf32>
    %dot_general3A_56 = tpu.matmul %select_n3A_51, %get3A_54, %dot_general3A_55 {dimension_numbers = #tpu.dot_dimension_numbers<[1], [0], [0], [1], [0, 0, 1, 1], [], []>, transpose_lhs_hint = false} : vector<512x1024xf32>, vector<1024x512xf32>, vector<512x512xf32> -> vector<512x512xf32>
    %get3A_57 = arith.constant 0 : index
    %get3A_58 = arith.constant 0 : index
    %get3A_59 = vector.load %arg10[%get3A_57, %get3A_58] : memref<1x512xf32, #tpu.memory_space<vmem>>, vector<1x512xf32>
    %add3A_60 = vector.broadcast %get3A_59 : vector<1x512xf32> to vector<512x512xf32>
    %add3A_61 = arith.addf %dot_general3A_56, %add3A_60 : vector<512x512xf32>
    %ge3A_62 = arith.constant 0.000000e+00 : f32
    %ge3A_63 = vector.broadcast %ge3A_62 : f32 to vector<512x512xf32>
    %ge3A_64 = arith.cmpf oge, %add3A_61, %ge3A_63 : vector<512x512xf32>
    %mul3A_65 = arith.constant 0.00999999977 : f32
    %mul3A_66 = vector.broadcast %mul3A_65 : f32 to vector<512x512xf32>
    %mul3A_67 = arith.mulf %mul3A_66, %add3A_61 : vector<512x512xf32>
    %select_n3A_68 = arith.select %ge3A_64, %add3A_61, %mul3A_67 : vector<512x512xi1>, vector<512x512xf32>
    %get3A_69 = arith.constant 0 : index
    %get3A_70 = arith.constant 0 : index
    %get3A_71 = vector.load %arg11[%get3A_69, %get3A_70] : memref<512x64xf32, #tpu.memory_space<vmem>>, vector<512x64xf32>
    %dot_general3A_72 = arith.constant dense<0.000000e+00> : vector<512x64xf32>
    %dot_general3A_73 = tpu.matmul %select_n3A_68, %get3A_71, %dot_general3A_72 {dimension_numbers = #tpu.dot_dimension_numbers<[1], [0], [0], [1], [0, 0, 1, 1], [], []>, transpose_lhs_hint = false} : vector<512x512xf32>, vector<512x64xf32>, vector<512x64xf32> -> vector<512x64xf32>
    %get3A_74 = arith.constant 0 : index
    %get3A_75 = arith.constant 0 : index
    %get3A_76 = vector.load %arg12[%get3A_74, %get3A_75] : memref<1x64xf32, #tpu.memory_space<vmem>>, vector<1x64xf32>
    %add3A_77 = vector.broadcast %get3A_76 : vector<1x64xf32> to vector<512x64xf32>
    %add3A_78 = arith.addf %dot_general3A_73, %add3A_77 : vector<512x64xf32>
    %ge3A_79 = arith.constant 0.000000e+00 : f32
    %ge3A_80 = vector.broadcast %ge3A_79 : f32 to vector<512x64xf32>
    %ge3A_81 = arith.cmpf oge, %add3A_78, %ge3A_80 : vector<512x64xf32>
    %mul3A_82 = arith.constant 0.00999999977 : f32
    %mul3A_83 = vector.broadcast %mul3A_82 : f32 to vector<512x64xf32>
    %mul3A_84 = arith.mulf %mul3A_83, %add3A_78 : vector<512x64xf32>
    %select_n3A_85 = arith.select %ge3A_81, %add3A_78, %mul3A_84 : vector<512x64xi1>, vector<512x64xf32>
    %get3A_86 = arith.constant 0 : index
    %get3A_87 = arith.constant 0 : index
    %get3A_88 = vector.load %arg13[%get3A_86, %get3A_87] : memref<64x1xf32, #tpu.memory_space<vmem>>, vector<64x1xf32>
    %dot_general3A_89 = arith.constant dense<0.000000e+00> : vector<512x1xf32>
    %dot_general3A_90 = tpu.matmul %select_n3A_85, %get3A_88, %dot_general3A_89 {dimension_numbers = #tpu.dot_dimension_numbers<[1], [0], [0], [1], [0, 0, 1, 1], [], []>, transpose_lhs_hint = false} : vector<512x64xf32>, vector<64x1xf32>, vector<512x1xf32> -> vector<512x1xf32>
    %get3A_91 = arith.constant 0 : index
    %get3A_92 = arith.constant 0 : index
    %get3A_93 = vector.load %arg14[%get3A_91, %get3A_92] : memref<1x1xf32, #tpu.memory_space<vmem>>, vector<1x1xf32>
    %add3A_94 = vector.broadcast %get3A_93 : vector<1x1xf32> to vector<512x1xf32>
    %add3A_95 = arith.addf %dot_general3A_90, %add3A_94 : vector<512x1xf32>
    %swap3A = arith.constant 0 : index
    %swap3A_96 = arith.constant 0 : index
    %swap3A_97 = vector.load %arg15[%swap3A, %swap3A_96] : memref<512x1xf32, #tpu.memory_space<vmem>>, vector<512x1xf32>
    tpu.vector_store %arg15[%swap3A, %swap3A_96], %add3A_95 {strides = array<i32>} : memref<512x1xf32, #tpu.memory_space<vmem>>, vector<512x1xf32>,
    return
  }
  func.func @transform_0(%arg0: i32) -> (i32, i32) {
    %c0_i32 = arith.constant 0 : i32
    %c0_i32_0 = arith.constant 0 : i32
    return %arg0, %c0_i32 : i32, i32
  }
  func.func @transform_1(%arg0: i32) -> (i32, i32) {
    %c0_i32 = arith.constant 0 : i32
    %c0_i32_0 = arith.constant 0 : i32
    return %arg0, %c0_i32 : i32, i32
  }
  func.func @transform_2(%arg0: i32) -> (i32, i32) {
    %c0_i32 = arith.constant 0 : i32
    %c0_i32_0 = arith.constant 0 : i32
    return %arg0, %c0_i32 : i32, i32
  }
  func.func @transform_3(%arg0: i32) -> (i32, i32) {
    %c0_i32 = arith.constant 0 : i32
    %c0_i32_0 = arith.constant 0 : i32
    %c0_i32_1 = arith.constant 0 : i32
    return %c0_i32, %c0_i32_0 : i32, i32
  }
  func.func @transform_4(%arg0: i32) -> (i32, i32) {
    %c0_i32 = arith.constant 0 : i32
    %c0_i32_0 = arith.constant 0 : i32
    %c0_i32_1 = arith.constant 0 : i32
    return %c0_i32, %c0_i32_0 : i32, i32
  }
  func.func @transform_5(%arg0: i32) -> (i32, i32) {
    %c0_i32 = arith.constant 0 : i32
    %c0_i32_0 = arith.constant 0 : i32
    %c0_i32_1 = arith.constant 0 : i32
    return %c0_i32, %c0_i32_0 : i32, i32
  }
  func.func @transform_6(%arg0: i32) -> (i32, i32) {
    %c0_i32 = arith.constant 0 : i32
    %c0_i32_0 = arith.constant 0 : i32
    %c0_i32_1 = arith.constant 0 : i32
    return %c0_i32, %c0_i32_0 : i32, i32
  }
  func.func @transform_7(%arg0: i32) -> (i32, i32) {
    %c0_i32 = arith.constant 0 : i32
    %c0_i32_0 = arith.constant 0 : i32
    %c0_i32_1 = arith.constant 0 : i32
    return %c0_i32, %c0_i32_0 : i32, i32
  }
  func.func @transform_8(%arg0: i32) -> (i32, i32) {
    %c0_i32 = arith.constant 0 : i32
    %c0_i32_0 = arith.constant 0 : i32
    %c0_i32_1 = arith.constant 0 : i32
    return %c0_i32, %c0_i32_0 : i32, i32
  }
  func.func @transform_9(%arg0: i32) -> (i32, i32) {
    %c0_i32 = arith.constant 0 : i32
    %c0_i32_0 = arith.constant 0 : i32
    %c0_i32_1 = arith.constant 0 : i32
    return %c0_i32, %c0_i32_0 : i32, i32
  }
  func.func @transform_10(%arg0: i32) -> (i32, i32) {
    %c0_i32 = arith.constant 0 : i32
    %c0_i32_0 = arith.constant 0 : i32
    %c0_i32_1 = arith.constant 0 : i32
    return %c0_i32, %c0_i32_0 : i32, i32
  }
  func.func @transform_11(%arg0: i32) -> (i32, i32) {
    %c0_i32 = arith.constant 0 : i32
    %c0_i32_0 = arith.constant 0 : i32
    %c0_i32_1 = arith.constant 0 : i32
    return %c0_i32, %c0_i32_0 : i32, i32
  }
  func.func @transform_12(%arg0: i32) -> (i32, i32) {
    %c0_i32 = arith.constant 0 : i32
    %c0_i32_0 = arith.constant 0 : i32
    %c0_i32_1 = arith.constant 0 : i32
    return %c0_i32, %c0_i32_0 : i32, i32
  }
  func.func @transform_13(%arg0: i32) -> (i32, i32) {
    %c0_i32 = arith.constant 0 : i32
    %c0_i32_0 = arith.constant 0 : i32
    %c0_i32_1 = arith.constant 0 : i32
    return %c0_i32, %c0_i32_0 : i32, i32
  }
  func.func @transform_14(%arg0: i32) -> (i32, i32) {
    %c0_i32 = arith.constant 0 : i32
    %c0_i32_0 = arith.constant 0 : i32
    return %arg0, %c0_i32 : i32, i32
  }
}

</mosaic_0001>

<sc_bundles>
// kernel: kernel.10.cloned.1.call-start
scs
__scs_entry_jumppad:
0x0: {  	(pc) =	sbr.rel $0x88, $3  }
0x1: {  	(tag) =	ssettag $0x0;
	lr =	simm.s32 $0x1  }
0x2: {  	[smem:$0x3F8F] =	sst lr;
	_ =	strace $0xD0000000  }
0x3: {  	_ = 	snop  }
0x4: {  	_ = 	snop  }
0x5: {  	_ = 	snop  }
0x6: {  	_ = 	snop  }
0x7: {  	_ = 	snop  }
__scs_overlays_trampoline_lowered:
0x8: {  	[smem:$0x3F9E] =	sst s0  }
0x9: {  	[smem:$0x3F9F] =	sst s1  }
0xa: {  	[smem:$0x3FA0] =	sst s2  }
0xb: {  	[smem:$0x3FA1] =	sst s3  }
0xc: {  	[smem:$0x3FA2] =	sst s4  }
0xd: {  	[smem:$0x3FA3] =	sst s5  }
0xe: {  	[smem:$0x3FA4] =	sst s6  }
0xf: {  	[smem:$0x3FA5] =	sst s7  }
0x10: {  	[smem:$0x3FA6] =	sst s8  }
0x11: {  	[smem:$0x3FA7] =	sst s9;
	s0 =	simm.s32 @!p0 $0x0  }
0x12: {  	s1 =	sld [smem:$0x3F8D];
	s0 =	simm.s32 @p0 $0x1  }
0x13: {  	[smem:$0x3FA8] =	sst s0;
	s0 =	simm.s32 @!p1 $0x0  }
0x14: {  	s2 =	sld [smem:$0x3F8C];
	s0 =	simm.s32 @p1 $0x1  }
0x15: {  	[smem:$0x3FA9] =	sst s0;
	s0 =	simm.s32 @!p2 $0x0  }
0x16: {  	s3 =	sld [smem:$0x3FDB];
	s0 =	simm.s32 @p2 $0x1  }
0x17: {  	s4 =	simm.s32 $0x1BF5;
	[smem:$0x3FAB] =	sst s0  }
0x18: {  	s0 =	sld [smem:$0x3F8E];
	_ =	swait.ge [sflag:s4], $0x0  }
0x19: {  	s7 =	sld [smem:$0x3F8F]  }
0x1a: {  	s8 =	sadd.s32 $0xFFFFE003, lr  }
0x1b: {  	s9 =	sadd.s32 $0xFFFFFEF7, lr;
	s5 =	simm.s32 $0xFFFFFFFF;
	p2 =	slt.u32 s8, $0xFFFFF086  }
0x1c: {  	p1 =	slt.u32 s9, $0xF7A;
	s5 =	simm.s32 @!p2 $0x0  }
0x1d: {  	s5 =	simm.s32 @p1 $0x1;
	p0 =	seq.s32 s7, s2  }
0x1e: {  	s7 =	smul.u32 @!p0 $0xF7A, s2;
	p2 =	seq.s32 @!p0 s5, $0x0  }
0x1f: {  	s9 =	smul.u32 $0xF7A, s1;
	s8 =	simm.s32 @!p0 $0x1BF5;
	p2 =	por !p2, p0  }
0x20: {  	[sflag:s8] =	ssyncset.s32 @!p0 $0xFFFFF086;
	s6 =	sadd.s32 @!p0 s3, s7;
	s7 =	simm.s32 @!p0 $0x108  }
0x21: {  	s3 =	sadd.s32 s3, s9;
	s6 =	sadd.s32 @!p0 $0x88, s6;
	s7 =	simm.s32 @p2 $0x1082  }
0x22: {  	[simem:s7], [sflag:s8] =	dma.local @!p0 [hbm:s6], $0xF7A  }
0x23: {  	s9 =	sor.u32 $0xD0000000, s2;
	s6 =	simm.s32 $0x108;
	_ =	swait.ge @!p0 [sflag:s8], $0x0  }
0x24: {  	s3 =	sadd.s32 $0x88, s3;
	s6 =	simm.s32 @!p1 $0x1082;
	[sflag:s4] =	ssyncset.s32 $0xFFFFF086  }
0x25: {  	[simem:s6], [sflag:s4] =	dma.local [hbm:s3], $0xF7A  }
0x26: {  	[smem:$0x3F8F] =	sst s1;
	(tag) =	ssettag s2;
	_ =	strace s9  }
0x27: {  	s1 =	sld [smem:$0x3F9F]  }
0x28: {  	s2 =	sld [smem:$0x3FA0]  }
0x29: {  	s4 =	sld [smem:$0x3FA2]  }
0x2a: {  	p0 =	seq.s32 s5, $0x0;
	s5 =	sld [smem:$0x3FA3]  }
0x2b: {  	s6 =	sld [smem:$0x3FA4]  }
0x2c: {  	s7 =	sld [smem:$0x3FA5]  }
0x2d: {  	s3 =	simm.s32 $0x108;
	s8 =	sld [smem:$0x3FA6]  }
0x2e: {  	s3 =	simm.s32 @!p0 $0x1082;
	s9 =	sld [smem:$0x3FA7]  }
0x2f: {  	lr =	sadd.s32 s0, s3;
	s0 =	sld [smem:$0x3F9E]  }
0x30: {  	s3 =	sld [smem:$0x3FA1]  }
0x31: {  	[smem:$0x3FAA] =	sst s10  }
0x32: {  	s10 =	sld [smem:$0x3FA8];
	_ =	sdelay $0x3  }
0x33: {  	p0 =	seq.s32 s10, $0x1;
	s10 =	sld [smem:$0x3FAA];
	_ =	sdelay $0x3  }
0x34: {  	[smem:$0x3FAA] =	sst s10  }
0x35: {  	s10 =	sld [smem:$0x3FA9];
	_ =	sdelay $0x3  }
0x36: {  	p1 =	seq.s32 s10, $0x1;
	s10 =	sld [smem:$0x3FAA];
	_ =	sdelay $0x3  }
0x37: {  	[smem:$0x3FAA] =	sst s10  }
0x38: {  	s10 =	sld [smem:$0x3FAB]  }
0x39: {  	_ = 	snop;
	(pc) =	sbr.ind lr, $3  }
0x3a: {  	_ = 	snop  }
0x3b: {  	_ = 	snop  }
0x3c: {  	p2 =	seq.s32 s10, $0x1;
	s10 =	sld [smem:$0x3FAA]  }
0x3d: {  	_ =	shalt  }
0x3e: {  	_ =	shalt  }
0x3f: {  	_ =	shalt  }
0x40: {  	_ =	shalt  }
0x41: {  	_ =	shalt  }
0x42: {  	_ =	shalt  }
0x43: {  	_ =	shalt  }
0x44: {  	_ =	shalt  }
0x45: {  	_ =	shalt  }
0x46: {  	_ =	shalt  }
0x47: {  	_ =	shalt  }
0x48: {  	_ =	shalt  }
0x49: {  	_ =	shalt  }
0x4a: {  	_ =	shalt  }
0x4b: {  	_ =	shalt  }
0x4c: {  	_ =	shalt  }
0x4d: {  	_ =	shalt  }
0x4e: {  	_ =	shalt  }
0x4f: {  	_ =	shalt  }
0x50: {  	_ =	shalt  }
0x51: {  	_ =	shalt  }
0x52: {  	_ =	shalt  }
0x53: {  	_ =	shalt  }
0x54: {  	_ =	shalt  }
0x55: {  	_ =	shalt  }
0x56: {  	_ =	shalt  }
0x57: {  	_ =	shalt  }
0x58: {  	_ =	shalt  }
0x59: {  	_ =	shalt  }
0x5a: {  	_ =	shalt  }
0x5b: {  	_ =	shalt  }
0x5c: {  	_ =	shalt  }
0x5d: {  	_ =	shalt  }
0x5e: {  	_ =	shalt  }
0x5f: {  	_ =	shalt  }
0x60: {  	_ =	shalt  }
0x61: {  	_ =	shalt  }
0x62: {  	_ =	shalt  }
0x63: {  	_ =	shalt  }
0x64: {  	_ =	shalt  }
0x65: {  	_ =	shalt  }
0x66: {  	_ =	shalt  }
0x67: {  	_ =	shalt  }
0x68: {  	_ =	shalt  }
0x69: {  	_ =	shalt  }
0x6a: {  	_ =	shalt  }
0x6b: {  	_ =	shalt  }
0x6c: {  	_ =	shalt  }
0x6d: {  	_ =	shalt  }
0x6e: {  	_ =	shalt  }
0x6f: {  	_ =	shalt  }
0x70: {  	_ =	shalt  }
0x71: {  	_ =	shalt  }
0x72: {  	_ =	shalt  }
0x73: {  	_ =	shalt  }
0x74: {  	_ =	shalt  }
0x75: {  	_ =	shalt  }
0x76: {  	_ =	shalt  }
0x77: {  	_ =	shalt  }
0x78: {  	_ =	shalt  }
0x79: {  	_ =	shalt  }
0x7a: {  	_ =	shalt  }
0x7b: {  	_ =	shalt  }
0x7c: {  	_ =	shalt  }
0x7d: {  	_ =	shalt  }
0x7e: {  	_ =	shalt  }
0x7f: {  	_ =	shalt  }
0x80: {  	_ =	shalt  }
0x81: {  	_ =	shalt  }
0x82: {  	_ =	shalt  }
0x83: {  	_ =	shalt  }
0x84: {  	_ =	shalt  }
0x85: {  	_ =	shalt  }
0x86: {  	_ =	shalt  }
0x87: {  	_ =	shalt  }
.Lfunc_end0:
.L_simem_size_0:
called_computation_lowered:
.L_overlay_start_0:
0x88: {  	s2 =	sld [smem:$0x3FD9]  }
0x89: {  	s3 =	sld [smem:$0x3FFE];
	_ =	sdelay $0x1  }
0x8a: {  	s1 =	srdreg.scid  }
0x8b: {  	s0 =	sand.u32 $0x1, s1  }
0x8c: {  	s16 =	sshll.u32 s0, $0xA;
	s2 =	sadd.s32 s3, s2  }
0x8d: {  	s2 =	sadd.s32 s2, s16  }
0x8e: {  	[smem:$0x3FB6] =	sst s2  }
0x8f: {  	_ = 	snop  }
0x90: {  	(tm) =	ssettm $0x1  }
0x91: {  	s17 =	sld [smem:$0x3FFB];
	_ =	sdelay $0x3  }
0x92: {  	_ =	strace s17  }
0x93: {  	s2 =	sld [smem:$0x3FFC];
	_ =	sdelay $0x3  }
0x94: {  	_ =	strace s2  }
0x95: {  	s2 =	sld [smem:$0x3FFD];
	_ =	sdelay $0x3  }
0x96: {  	_ =	strace s2  }
0x97: {  	_ =	strace $0x8FFFFFFF  }
0x98: {  	s18 =	sld [smem:$0x3FDB];
	_ =	sdelay $0x1  }
0x99: {  	s19 =	simm.s32 $_scs_section_size  }
0x9a: {  	s4 =	simm.s32 $_size__tile_overlayer_lowered;
	s5 =	simm.s32 $_tile_overlayer_lowered  }
0x9b: {  	s22 =	simm.s32 $0x1BFF;
	s21 =	sshll.u32 s5, $0x1;
	s2 =	sadd.s32 s19, s18  }
0x9c: {  	s6 =	simm.s32 $0x0;
	s20 =	sshll.u32 s4, $0x1;
	s4 =	sadd.s32 s21, s2  }
0x9d: {  	[timem:s6], [sflag:s22] =	dma.local [hbm:s4], s20  }
0x9e: {  	_ =	swait.ge [sflag:s22], s20  }
0x9f: {  	s3 =	ssub.s32 $0x0, s20;
	[sflag:s22] =	ssyncset.done $0x0  }
0xa0: {  	[sflag:s22] =	ssyncadd.s32 s3;
	_ =	sdelay $0x1  }
0xa1: {  	s23 =	simm.s32 $0x1B8B  }
0xa2: {  	_ =	swait.ge [sflag:s23], $0x1  }
0xa3: {  	[sflag:s23] =	ssyncset.done $0x0  }
0xa4: {  	s25 =	simm.s32 $0x1B8E;
	s24 =	sld [smem:$0x3FFE];
	[sflag:s23] =	ssyncadd.s32 $0xFFFFFFFF  }
0xa5: {  	s26 =	simm.s32 $execute0_lowered;
	[smem:$0x3FD2] =	sst s25  }
0xa6: {  	s4 =	sshll.u32 s26, $0x1;
	_ =	strace $0x80000046;
	[dreg:$0x1] =	wrdreg $0xFFFFFFFF  }
0xa7: {  	s28 =	simm.s32 $_size_execute0_lowered;
	s2 =	sadd.s32 s2, s4;
	[dreg:$0x0] =	wrdreg $0x0  }
0xa8: {  	s4 =	sshll.u32 s28, $0x1;
	[dreg:$0x2] =	wrdreg s2  }
0xa9: {  	[dreg:$0x3] =	wrdreg s4  }
0xaa: {  	[dreg:$0x4] =	wrdreg $0xC0  }
0xab: {  	_ =	task [dreg:s6], $0x5FFFF  }
0xac: {  	[dreg:$0x1] =	wrdreg $0xFFFFFFFF  }
0xad: {  	[dreg:$0x0] =	wrdreg $0x60  }
0xae: {  	[dreg:$0x2] =	wrdreg s24  }
0xaf: {  	[dreg:$0x3] =	wrdreg $0xA2800  }
0xb0: {  	[dreg:$0x4] =	wrdreg $0xCA800  }
0xb1: {  	[dreg:$0x5] =	wrdreg $0x9  }
0xb2: {  	_ =	task.clear_ibuf [dreg:s6], $0x6FFFF;
	_ =	strace $0x90000046  }
0xb3: {  	s29 =	simm.s32 $0x9;
	_ =	strace $0x80000048  }
0xb4: {  	_ =	swait.ge [sflag:s29], $0x1  }
0xb5: {  	[sflag:s29] =	ssyncadd.s32 $0xFFFFFFFF  }
0xb6: {  	_ =	strace $0x90000048  }
0xb7: {  	_ =	sfence  }
0xb8: {  	s30 =	sld [smem:$0x0];
	_ =	sdelay $0x2  }
0xb9: {  	s31 =	sshll.u32 s1, $0xD;
	s1 =	sshrl.u32 s1, $0x2  }
0xba: {  	s3 =	sand.u32 $0x4000, s31;
	s1 =	sadd.s32 s1, s30  }
0xbb: {  	s0 =	sor.u32 s3, s0;
	s1 =	sshll.u32 s1, $0x11  }
0xbc: {  	s0 =	sor.u32 s1, s0  }
0xbd: {  	s0 =	sadd.s32 $0x8F2B, s0  }
0xbe: {  	[sflag:s0] =	ssyncadd.remote.s32 $0x1  }
0xbf: {  	_ =	sfence.sel $0xFFFF  }
0xc0: {  	[dreg:$0x0] =	wrdreg $0xFFFFFFFF;
	(pc) =	sbr.abs _section_cstart, $3  }
0xc1: {  	[dreg:$0x1] =	wrdreg $0xFFFFFFFF  }
0xc2: {  	_ =	task.clear_ibuf [dreg:s6], $0x2FFFF;
	_ =	strace $0x9FFFFFFF  }
0xc3: {  	(tm) =	ssettm $0x7FFFFFFF  }
tec
execute0_lowered:
.L_overlay_start_1:
0x0: {  	(tag) =	ssettag $0x1  }
0x1: {  	s0 =	srdreg.scid;
	s3 =	rddreg [dreg:$0x0]  }
0x2: {  	s23 =	stileid.u32;
	s5 =	rddreg [dreg:$0x1]  }
0x3: {  	s2 =	rddreg [dreg:$0x2];
	s28 =	simm.s32 $0x9600;
	s6 =	smul.u32 $0x280, s23  }
0x4: {  	s29 =	simm.s32 $0x9880;
	s0 =	sand.u32 $0x1, s0;
	s10 =	smul.u32 $0x2800, s23  }
0x5: {  	s30 =	simm.s32 $0x9B00;
	s31 =	simm.s32 $0x9D80;
	s7 =	smul.u32 $0x2800, s0  }
0x6: {  	s1 =	sshll.u32 s0, $0x4;
	s8 =	ssub.s32 $0x2, s0;
	s0 =	smul.u32 $0x14000, s0  }
0x7: {  	s1 =	sor.u32 s23, s1;
	s9 =	sshrl.u32 s8, $0x1;
	s13 =	sadd.s32 s10, s5  }
0x8: {  	s14 =	sadd.s32 s10, s2;
	s15 =	sadd.s32 s6, s5;
	s10 =	sadd.s32 $0x7800, s6  }
0x9: {  	s12 =	sadd.s32 $0xC800, s6;
	s23 =	smul.u32 $0x1400, s23;
	[dreg:$0x4] =	wrdreg s13  }
0xa: {  	s25 =	sadd.s32 $0x20800, s6;
	s4 =	smul.u32 $0x1400, s1;
	[dreg:$0x5] =	wrdreg s14  }
0xb: {  	s1 =	simm.s32 $0x0;
	s7 =	sadd.s32 s6, s7;
	[dreg:$0x6] =	wrdreg s15  }
0xc: {  	s17 =	sadd.s32 s10, s5;
	s13 =	sadd.s32 $0xF000, s6;
	[smem:$0x7FF] =	sst s1  }
0xd: {  	s18 =	sadd.s32 s12, s5;
	s15 =	sor.u32 $0x14000, s6;
	[dreg:$0x9] =	wrdreg s17  }
0xe: {  	s10 =	sadd.s32 s10, s2;
	s12 =	sadd.s32 s12, s2;
	[dreg:$0xb] =	wrdreg s18  }
0xf: {  	s7 =	sshrl.u32 s7, $0x3;
	s19 =	sadd.s32 s13, s5;
	[dreg:$0x19] =	wrdreg s10  }
0x10: {  	s20 =	sadd.s32 s15, s5;
	s18 =	sadd.s32 $0x1B800, s6;
	[dreg:$0x1b] =	wrdreg s12  }
0x11: {  	s13 =	sadd.s32 s13, s2;
	s15 =	sadd.s32 s15, s2;
	[dreg:$0xc] =	wrdreg s19  }
0x12: {  	s12 =	simm.s32 $0x1;
	s4 =	sshrl.u32 s4, $0x3;
	[dreg:$0xe] =	wrdreg s20  }
0x13: {  	s19 =	sadd.s32 $0x1E000, s6;
	s22 =	sadd.s32 s18, s5;
	[dreg:$0x1c] =	wrdreg s13  }
0x14: {  	[dreg:$0x1e] =	wrdreg s15;
	s18 =	sadd.s32 s18, s2;
	s13 =	simm.s32 $0x2800  }
0x15: {  	s15 =	simm.s32 $0x7800;
	s4 =	sadd.s32 s4, s3;
	s3 =	sadd.s32 s7, s3  }
0x16: {  	s7 =	ssub.s32 s8, s9;
	s8 =	sadd.s32 $0x2800, s6;
	[dreg:$0x11] =	wrdreg s22  }
0x17: {  	s9 =	sadd.s32 $0x5000, s6;
	s24 =	sadd.s32 s19, s5;
	[smem:$0x7F8] =	sst s18  }
0x18: {  	s22 =	sadd.s32 $0x25800, s6;
	s19 =	sadd.s32 s19, s2;
	[dreg:$0x12] =	wrdreg s24  }
0x19: {  	s18 =	simm.s32 $0x7F80;
	s11 =	sadd.s32 s8, s5;
	[smem:$0x7F9] =	sst s19  }
0x1a: {  	s16 =	sadd.s32 s9, s5;
	s24 =	sadd.s32 s25, s5;
	[dreg:$0x7] =	wrdreg s11  }
0x1b: {  	s8 =	sadd.s32 s8, s2;
	s9 =	sadd.s32 s9, s2;
	[dreg:$0x8] =	wrdreg s16  }
0x1c: {  	s10 =	sadd.s32 $0xE200, s3;
	s19 =	simm.s32 $0x8200;
	[dreg:$0x13] =	wrdreg s24  }
0x1d: {  	s11 =	sadd.s32 $0xA000, s6;
	s16 =	sadd.s32 $0x16800, s6;
	[dreg:$0x17] =	wrdreg s8  }
0x1e: {  	[dreg:$0x18] =	wrdreg s9;
	s24 =	sadd.s32 s25, s2;
	s8 =	sadd.s32 $0x3800, s4  }
0x1f: {  	s9 =	sadd.s32 $0xD800, s3;
	s14 =	sadd.s32 s11, s5;
	[smem:$0x7FA] =	sst s24  }
0x20: {  	s21 =	sadd.s32 s16, s5;
	s11 =	sadd.s32 s11, s2;
	[dreg:$0xa] =	wrdreg s14  }
0x21: {  	s16 =	sadd.s32 s16, s2;
	s24 =	simm.s32 $0x8E80;
	[dreg:$0xf] =	wrdreg s21  }
0x22: {  	s14 =	sadd.s32 $0x11800, s6;
	s21 =	sadd.s32 $0x23000, s6;
	[dreg:$0x1a] =	wrdreg s11  }
0x23: {  	[dreg:$0x1f] =	wrdreg s16;
	s11 =	smax.u32 s7, $0x1;
	s17 =	sadd.s32 s14, s5  }
0x24: {  	s16 =	simm.s32 $0x7A80;
	s26 =	sadd.s32 s21, s5;
	[dreg:$0xd] =	wrdreg s17  }
0x25: {  	s14 =	sadd.s32 s14, s2;
	s25 =	sadd.s32 s21, s2;
	[dreg:$0x14] =	wrdreg s26  }
0x26: {  	s21 =	simm.s32 $0x8700;
	s17 =	sadd.s32 $0x19000, s6;
	[dreg:$0x1d] =	wrdreg s14  }
0x27: {  	s6 =	sadd.s32 s6, s2;
	[smem:$0x7FB] =	sst s25;
	s26 =	sadd.s32 $0x8800, s4  }
0x28: {  	s14 =	simm.s32 $0x5000;
	s20 =	sadd.s32 s17, s5;
	[dreg:$0x16] =	wrdreg s6  }
0x29: {  	s25 =	simm.s32 $0x9100;
	s5 =	sadd.s32 s22, s5;
	[dreg:$0x10] =	wrdreg s20  }
0x2a: {  	s17 =	sadd.s32 s17, s2;
	s2 =	sadd.s32 s22, s2;
	[dreg:$0x15] =	wrdreg s5  }
0x2b: {  	s6 =	sadd.s32 s23, s0;
	s22 =	simm.s32 $0x8980;
	[smem:$0x7F7] =	sst s17  }
0x2c: {  	s23 =	simm.s32 $0x8C00;
	s0 =	simm.s32 $0xA000;
	[smem:$0x7FC] =	sst s2  }
0x2d: {  	s17 =	simm.s32 $0x7D00;
	s20 =	simm.s32 $0x8480;
	s2 =	simm.s32 $0x0  }
0x2e: {  	v0 =	vimm.f32 $0.0e+00;
	v1 =	vimm.f32 $1.000000000e+00;
	_ =	strace $0x80000047;
	[smem:$0x7FD] =	sst s26;
	s26 =	simm.s32 $0x9380  }
.LBB2_1:
0x2f: {  	s3 =	sld [smem:$0x7FD];
	_ =	sdelay $0x2  }
0x30: {  	[tilespmem:s1], [sflag:$0x1] =	stream.linear.gather [hbm4b:s3+s1], $0x1400, $0x38;
	[tilespmem:$0xF280] =	vst v63  }
0x31: {  	_ =	swait.ge [sflag:s12], $0x1400  }
0x32: {  	[sflag:s12] =	ssyncset.done $0x0  }
0x33: {  	s7 =	simm.s32 $0x1400;
	[sflag:s12] =	ssyncadd.s32 $0xFFFFEC00  }
0x34: {  	[tilespmem:s7], [sflag:$0x1] =	stream.linear.gather [hbm4b:s8+s1], $0x1400, $0x38;
	[tilespmem:$0xF280] =	vst v63  }
0x35: {  	_ =	swait.ge [sflag:s12], $0x1400  }
0x36: {  	[sflag:s12] =	ssyncset.done $0x0  }
0x37: {  	s3 =	simm.s32 $0x0;
	[sflag:s12] =	ssyncadd.s32 $0xFFFFEC00  }
.LBB2_2:
0x38: {  	p0 =	sne.s32 s3, $0x9FC0  }
.Ltmp0:
0x39: {  	_ = 	snop;
	(pc) =	sbr.rel @p0 .LBB2_2-.Ltmp0, $4  }
0x3a: {  	_ = 	snop  }
0x3b: {  	s4 =	sshra.s32 s3, $0x2  }
0x3c: {  	[tilespmem:s4+$0x2800] =	vst v0  }
0x3d: {  	s3 =	sadd.s32 $0x40, s3;
	[tilespmem:s4+$0x5000] =	vst v0  }
0x3e: {  	s3 =	simm.s32 $0x0  }
0x3f: {  	v2 =	vld [tilespmem:s3+$0x0]  }
0x40: {  	v3 =	vld [tilespmem:s3+$0x1400];
	_ =	sdelay $0x4  }
0x41: {  	p0 =	slt.u32 s6, $0x27100  }
0x42: {  	v4 =	vpsel !p0, $0x0, v1  }
0x43: {  	[tilespmem:v2+s13+$0x0] =	vst.idx.add.f32.msk $0xffff, v4  }
0x44: {  	s5 =	simm.s32 $0x10;
	[tilespmem:v3+s14+$0x0] =	vst.idx.add.f32.msk $0xffff, v4  }
0x45: {  	s4 =	simm.s32 $0x80;
	s3 =	smov.u32 s6;
	v2 =	vld [tilespmem:s5+$0x0]  }
.LBB2_4:
0x46: {  	p0 =	sne.s32 s4, $0x4FC0;
	v3 =	vld [tilespmem:s5+$0x1400];
	_ =	sdelay $0x3  }
0x47: {  	s3 =	sadd.s32 $0x10, s3  }
.Ltmp1:
0x48: {  	p1 =	slt.u32 s3, $0x27100;
	(pc) =	sbr.rel @p0 .LBB2_4-.Ltmp1, $4  }
0x49: {  	v4 =	vpsel !p1, $0x0, v1  }
0x4a: {  	[tilespmem:v2+s13+$0x0] =	vst.idx.add.f32.msk $0xffff, v4  }
0x4b: {  	s5 =	sshra.s32 s4, $0x2;
	[tilespmem:v3+s14+$0x0] =	vst.idx.add.f32.msk $0xffff, v4  }
0x4c: {  	s4 =	sadd.s32 $0x40, s4;
	v2 =	vld [tilespmem:s5+$0x0]  }
0x4d: {  	_ = 	snop  }
0x4e: {  	v3 =	vld [tilespmem:s5+$0x1400];
	_ =	sdelay $0x3  }
0x4f: {  	s3 =	sadd.s32 $0x10, s3  }
0x50: {  	p0 =	slt.u32 s3, $0x27100  }
0x51: {  	v4 =	vpsel !p0, $0x0, v1  }
0x52: {  	[tilespmem:v2+s13+$0x0] =	vst.idx.add.f32.msk $0xffff, v4  }
0x53: {  	s4 =	rddreg [dreg:$0x4];
	[tilespmem:v3+s14+$0x0] =	vst.idx.add.f32.msk $0xffff, v4  }
0x54: {  	[spmem:s4] =	stream.linear.scatter [tilespmem:s13], [sflag:$0x1], $0x2800, $0x38;
	[tilespmem:$0xF280] =	vst v63  }
0x55: {  	_ =	swait.ge [sflag:s12], $0x2800  }
0x56: {  	[sflag:s12] =	ssyncset.done $0x0  }
0x57: {  	s5 =	rddreg [dreg:$0x5];
	[sflag:s12] =	ssyncadd.s32 $0xFFFFD800  }
0x58: {  	[spmem:s5] =	stream.linear.scatter [tilespmem:s14], [sflag:$0x1], $0x2800, $0x38;
	[tilespmem:$0xF280] =	vst v63  }
0x59: {  	_ =	swait.ge [sflag:s12], $0x2800  }
0x5a: {  	[sflag:s12] =	ssyncset.done $0x0  }
0x5b: {  	[sflag:s12] =	ssyncadd.s32 $0xFFFFD800  }
0x5c: {  	[bflag:$0x0] =	sbarrier.arrive $0xFFFF  }
0x5d: {  	s7 =	rddreg [dreg:$0x6]  }
0x5e: {  	[tilespmem:s15], [sflag:$0x1] =	stream.linear.gather [spmem:s7], $0x280, $0x38;
	[tilespmem:$0xF280] =	vst v63  }
0x5f: {  	_ =	swait.ge [sflag:s12], $0x280  }
0x60: {  	[sflag:s12] =	ssyncset.done $0x0  }
0x61: {  	s4 =	rddreg [dreg:$0x7];
	[sflag:s12] =	ssyncadd.s32 $0xFFFFFD80  }
0x62: {  	[tilespmem:s16], [sflag:$0x1] =	stream.linear.gather [spmem:s4], $0x280, $0x38;
	[tilespmem:$0xF280] =	vst v63  }
0x63: {  	_ =	swait.ge [sflag:s12], $0x280  }
0x64: {  	[sflag:s12] =	ssyncset.done $0x0  }
0x65: {  	s5 =	rddreg [dreg:$0x8];
	[sflag:s12] =	ssyncadd.s32 $0xFFFFFD80  }
0x66: {  	[tilespmem:s17], [sflag:$0x1] =	stream.linear.gather [spmem:s5], $0x280, $0x38;
	[tilespmem:$0xF280] =	vst v63  }
0x67: {  	_ =	swait.ge [sflag:s12], $0x280  }
0x68: {  	[sflag:s12] =	ssyncset.done $0x0  }
0x69: {  	s7 =	rddreg [dreg:$0x9];
	[sflag:s12] =	ssyncadd.s32 $0xFFFFFD80  }
0x6a: {  	[tilespmem:s18], [sflag:$0x1] =	stream.linear.gather [spmem:s7], $0x280, $0x38;
	[tilespmem:$0xF280] =	vst v63  }
0x6b: {  	_ =	swait.ge [sflag:s12], $0x280  }
0x6c: {  	[sflag:s12] =	ssyncset.done $0x0  }
0x6d: {  	s4 =	rddreg [dreg:$0xa];
	[sflag:s12] =	ssyncadd.s32 $0xFFFFFD80  }
0x6e: {  	[tilespmem:s19], [sflag:$0x1] =	stream.linear.gather [spmem:s4], $0x280, $0x38;
	[tilespmem:$0xF280] =	vst v63  }
0x6f: {  	_ =	swait.ge [sflag:s12], $0x280  }
0x70: {  	[sflag:s12] =	ssyncset.done $0x0  }
0x71: {  	s5 =	rddreg [dreg:$0xb];
	[sflag:s12] =	ssyncadd.s32 $0xFFFFFD80  }
0x72: {  	[tilespmem:s20], [sflag:$0x1] =	stream.linear.gather [spmem:s5], $0x280, $0x38;
	[tilespmem:$0xF280] =	vst v63  }
0x73: {  	_ =	swait.ge [sflag:s12], $0x280  }
0x74: {  	[sflag:s12] =	ssyncset.done $0x0  }
0x75: {  	s7 =	rddreg [dreg:$0xc];
	[sflag:s12] =	ssyncadd.s32 $0xFFFFFD80  }
0x76: {  	[tilespmem:s21], [sflag:$0x1] =	stream.linear.gather [spmem:s7], $0x280, $0x38;
	[tilespmem:$0xF280] =	vst v63  }
0x77: {  	_ =	swait.ge [sflag:s12], $0x280  }
0x78: {  	[sflag:s12] =	ssyncset.done $0x0  }
0x79: {  	s4 =	rddreg [dreg:$0xd];
	[sflag:s12] =	ssyncadd.s32 $0xFFFFFD80  }
0x7a: {  	[tilespmem:s22], [sflag:$0x1] =	stream.linear.gather [spmem:s4], $0x280, $0x38;
	[tilespmem:$0xF280] =	vst v63  }
0x7b: {  	_ =	swait.ge [sflag:s12], $0x280  }
0x7c: {  	[sflag:s12] =	ssyncset.done $0x0  }
0x7d: {  	s5 =	rddreg [dreg:$0xe];
	[sflag:s12] =	ssyncadd.s32 $0xFFFFFD80  }
0x7e: {  	[tilespmem:s23], [sflag:$0x1] =	stream.linear.gather [spmem:s5], $0x280, $0x38;
	[tilespmem:$0xF280] =	vst v63  }
0x7f: {  	_ =	swait.ge [sflag:s12], $0x280  }
0x80: {  	[sflag:s12] =	ssyncset.done $0x0  }
0x81: {  	s7 =	rddreg [dreg:$0xf];
	[sflag:s12] =	ssyncadd.s32 $0xFFFFFD80  }
0x82: {  	[tilespmem:s24], [sflag:$0x1] =	stream.linear.gather [spmem:s7], $0x280, $0x38;
	[tilespmem:$0xF280] =	vst v63  }
0x83: {  	_ =	swait.ge [sflag:s12], $0x280  }
0x84: {  	[sflag:s12] =	ssyncset.done $0x0  }
0x85: {  	s4 =	rddreg [dreg:$0x10];
	[sflag:s12] =	ssyncadd.s32 $0xFFFFFD80  }
0x86: {  	[tilespmem:s25], [sflag:$0x1] =	stream.linear.gather [spmem:s4], $0x280, $0x38;
	[tilespmem:$0xF280] =	vst v63  }
0x87: {  	_ =	swait.ge [sflag:s12], $0x280  }
0x88: {  	[sflag:s12] =	ssyncset.done $0x0  }
0x89: {  	s5 =	rddreg [dreg:$0x11];
	[sflag:s12] =	ssyncadd.s32 $0xFFFFFD80  }
0x8a: {  	[tilespmem:s26], [sflag:$0x1] =	stream.linear.gather [spmem:s5], $0x280, $0x38;
	[tilespmem:$0xF280] =	vst v63  }
0x8b: {  	_ =	swait.ge [sflag:s12], $0x280  }
0x8c: {  	[sflag:s12] =	ssyncset.done $0x0  }
0x8d: {  	s7 =	rddreg [dreg:$0x12];
	[sflag:s12] =	ssyncadd.s32 $0xFFFFFD80  }
0x8e: {  	[tilespmem:s28], [sflag:$0x1] =	stream.linear.gather [spmem:s7], $0x280, $0x38;
	[tilespmem:$0xF280] =	vst v63  }
0x8f: {  	_ =	swait.ge [sflag:s12], $0x280  }
0x90: {  	[sflag:s12] =	ssyncset.done $0x0  }
0x91: {  	s4 =	rddreg [dreg:$0x13];
	[sflag:s12] =	ssyncadd.s32 $0xFFFFFD80  }
0x92: {  	[tilespmem:s29], [sflag:$0x1] =	stream.linear.gather [spmem:s4], $0x280, $0x38;
	[tilespmem:$0xF280] =	vst v63  }
0x93: {  	_ =	swait.ge [sflag:s12], $0x280  }
0x94: {  	[sflag:s12] =	ssyncset.done $0x0  }
0x95: {  	s5 =	rddreg [dreg:$0x14];
	[sflag:s12] =	ssyncadd.s32 $0xFFFFFD80  }
0x96: {  	[tilespmem:s30], [sflag:$0x1] =	stream.linear.gather [spmem:s5], $0x280, $0x38;
	[tilespmem:$0xF280] =	vst v63  }
0x97: {  	_ =	swait.ge [sflag:s12], $0x280  }
0x98: {  	[sflag:s12] =	ssyncset.done $0x0  }
0x99: {  	s7 =	rddreg [dreg:$0x15];
	[sflag:s12] =	ssyncadd.s32 $0xFFFFFD80  }
0x9a: {  	[tilespmem:s31], [sflag:$0x1] =	stream.linear.gather [spmem:s7], $0x280, $0x38;
	[tilespmem:$0xF280] =	vst v63  }
0x9b: {  	_ =	swait.ge [sflag:s12], $0x280  }
0x9c: {  	[sflag:s12] =	ssyncset.done $0x0  }
0x9d: {  	s4 =	simm.s32 $0x0;
	[sflag:s12] =	ssyncadd.s32 $0xFFFFFD80  }
0x9e: {  	v2 =	vld [tilespmem:s4+$0x7800]  }
0x9f: {  	v3 =	vld [tilespmem:s4+$0x7A80];
	_ =	sdelay $0x1  }
0xa0: {  	v4 =	vld [tilespmem:s4+$0x7D00];
	_ =	sdelay $0x1  }
0xa1: {  	v5 =	vld [tilespmem:s4+$0x7F80]  }
0xa2: {  	v2 =	vadd.f32 v3, v2  }
0xa3: {  	v3 =	vld [tilespmem:s4+$0x8200]  }
0xa4: {  	v2 =	vadd.f32 v4, v2  }
0xa5: {  	v4 =	vld [tilespmem:s4+$0x8480]  }
0xa6: {  	v2 =	vadd.f32 v5, v2  }
0xa7: {  	v5 =	vld [tilespmem:s4+$0x8700]  }
0xa8: {  	v2 =	vadd.f32 v3, v2  }
0xa9: {  	v3 =	vld [tilespmem:s4+$0x8980]  }
0xaa: {  	s3 =	simm.s32 $0x10;
	v6 =	vld [tilespmem:s4+$0x8C00];
	v2 =	vadd.f32 v4, v2  }
0xab: {  	v7 =	vld [tilespmem:s3+$0x7800]  }
0xac: {  	v4 =	vld [tilespmem:s4+$0x8E80];
	v2 =	vadd.f32 v5, v2  }
0xad: {  	v5 =	vld [tilespmem:s3+$0x7A80]  }
0xae: {  	v8 =	vld [tilespmem:s3+$0x7D00];
	v2 =	vadd.f32 v3, v2  }
0xaf: {  	v3 =	vld [tilespmem:s4+$0x9100]  }
0xb0: {  	v9 =	vld [tilespmem:s3+$0x7F80];
	v2 =	vadd.f32 v6, v2  }
0xb1: {  	v6 =	vld [tilespmem:s4+$0x9380]  }
0xb2: {  	v5 =	vadd.f32 v5, v7;
	v7 =	vld [tilespmem:s3+$0x8200];
	v2 =	vadd.f32 v4, v2  }
0xb3: {  	v4 =	vld [tilespmem:s4+$0x9600]  }
0xb4: {  	v5 =	vadd.f32 v8, v5;
	v8 =	vld [tilespmem:s3+$0x8480];
	v2 =	vadd.f32 v3, v2  }
0xb5: {  	v3 =	vld [tilespmem:s4+$0x9880]  }
0xb6: {  	v10 =	vld [tilespmem:s3+$0x8700];
	v5 =	vadd.f32 v9, v5;
	v2 =	vadd.f32 v6, v2  }
0xb7: {  	v9 =	vld [tilespmem:s4+$0x9B00]  }
0xb8: {  	v6 =	vadd.f32 v7, v5;
	v5 =	vld [tilespmem:s3+$0x8980];
	v7 =	vadd.f32 v4, v2  }
0xb9: {  	v4 =	vld [tilespmem:s4+$0x9D80]  }
0xba: {  	v2 =	vld [tilespmem:s3+$0x8E80];
	v8 =	vadd.f32 v8, v6;
	v11 =	vadd.f32 v3, v7  }
0xbb: {  	s5 =	simm.s32 $0x20;
	v6 =	vld [tilespmem:s3+$0x8C00]  }
0xbc: {  	s7 =	simm.s32 $0xC0;
	v3 =	vld [tilespmem:s5+$0x7800];
	v7 =	vadd.f32 v10, v8;
	v8 =	vadd.f32 v9, v11  }
.LBB2_6:
0xbd: {  	p0 =	sne.s32 s7, $0x9C0;
	v9 =	vld [tilespmem:s5+$0x7A80]  }
0xbe: {  	v5 =	vadd.f32 v5, v7;
	v7 =	vld [tilespmem:s3+$0x9100];
	v4 =	vadd.f32 v4, v8  }
0xbf: {  	v8 =	vld [tilespmem:s5+$0x7D00]  }
0xc0: {  	v5 =	vadd.f32 v6, v5;
	v6 =	vld [tilespmem:s3+$0x9380];
	[tilespmem:s4+$0xA000] =	vst v4;
	s4 =	smov.u32 s3;
	s3 =	smov.u32 s5  }
0xc1: {  	v4 =	vld [tilespmem:s3+$0x7F80]  }
0xc2: {  	v3 =	vadd.f32 v9, v3;
	v2 =	vadd.f32 v2, v5;
	v5 =	vld [tilespmem:s4+$0x9600]  }
0xc3: {  	v9 =	vld [tilespmem:s3+$0x8200]  }
0xc4: {  	v3 =	vadd.f32 v8, v3;
	v2 =	vadd.f32 v7, v2;
	v7 =	vld [tilespmem:s4+$0x9880]  }
0xc5: {  	v8 =	vld [tilespmem:s3+$0x8480]  }
0xc6: {  	v3 =	vadd.f32 v4, v3;
	v2 =	vadd.f32 v6, v2;
	v10 =	vld [tilespmem:s4+$0x9B00]  }
0xc7: {  	v11 =	vld [tilespmem:s3+$0x8700]  }
.Ltmp2:
0xc8: {  	v3 =	vadd.f32 v9, v3;
	v6 =	vadd.f32 v5, v2;
	v4 =	vld [tilespmem:s4+$0x9D80];
	(pc) =	sbr.rel @p0 .LBB2_6-.Ltmp2, $4  }
0xc9: {  	v5 =	vld [tilespmem:s3+$0x8980]  }
0xca: {  	v8 =	vadd.f32 v8, v3;
	v2 =	vld [tilespmem:s3+$0x8E80];
	v9 =	vadd.f32 v7, v6  }
0xcb: {  	s5 =	sshra.s32 s7, $0x2;
	v6 =	vld [tilespmem:s3+$0x8C00]  }
0xcc: {  	s7 =	sadd.s32 $0x40, s7;
	v3 =	vld [tilespmem:s5+$0x7800];
	v7 =	vadd.f32 v11, v8;
	v8 =	vadd.f32 v10, v9  }
0xcd: {  	v9 =	vld [tilespmem:s5+$0x7A80]  }
0xce: {  	v10 =	vld [tilespmem:s3+$0x9100];
	v4 =	vadd.f32 v4, v8  }
0xcf: {  	v8 =	vld [tilespmem:s5+$0x7D00]  }
0xd0: {  	v11 =	vld [tilespmem:s3+$0x9380];
	v5 =	vadd.f32 v5, v7;
	[tilespmem:s4+$0xA000] =	vst v4  }
0xd1: {  	v4 =	vld [tilespmem:s5+$0x7F80]  }
0xd2: {  	v5 =	vadd.f32 v6, v5;
	v3 =	vadd.f32 v9, v3  }
0xd3: {  	v6 =	vld [tilespmem:s5+$0x8200]  }
0xd4: {  	v7 =	vld [tilespmem:s5+$0x8480];
	v2 =	vadd.f32 v2, v5;
	v3 =	vadd.f32 v8, v3  }
0xd5: {  	v5 =	vld [tilespmem:s3+$0x9600]  }
0xd6: {  	v2 =	vadd.f32 v10, v2;
	v8 =	vld [tilespmem:s3+$0x9880];
	v3 =	vadd.f32 v4, v3  }
0xd7: {  	v4 =	vld [tilespmem:s5+$0x8700]  }
0xd8: {  	v9 =	vld [tilespmem:s3+$0x9B00];
	v2 =	vadd.f32 v11, v2;
	v3 =	vadd.f32 v6, v3  }
0xd9: {  	v6 =	vld [tilespmem:s5+$0x8980]  }
0xda: {  	v2 =	vadd.f32 v5, v2;
	v5 =	vld [tilespmem:s3+$0x9D80];
	v3 =	vadd.f32 v7, v3  }
0xdb: {  	v7 =	vld [tilespmem:s5+$0x8C00]  }
0xdc: {  	v2 =	vadd.f32 v8, v2;
	v3 =	vadd.f32 v4, v3  }
0xdd: {  	v4 =	vld [tilespmem:s5+$0x8E80]  }
0xde: {  	v2 =	vadd.f32 v9, v2;
	v3 =	vadd.f32 v6, v3  }
0xdf: {  	v6 =	vld [tilespmem:s5+$0x9100]  }
0xe0: {  	v2 =	vadd.f32 v5, v2;
	v3 =	vadd.f32 v7, v3  }
0xe1: {  	v5 =	vld [tilespmem:s5+$0x9380]  }
0xe2: {  	[tilespmem:s3+$0xA000] =	vst v2;
	v2 =	vadd.f32 v4, v3  }
0xe3: {  	v3 =	vld [tilespmem:s5+$0x9600]  }
0xe4: {  	v2 =	vadd.f32 v6, v2  }
0xe5: {  	v4 =	vld [tilespmem:s5+$0x9880]  }
0xe6: {  	v2 =	vadd.f32 v5, v2  }
0xe7: {  	v5 =	vld [tilespmem:s5+$0x9B00]  }
0xe8: {  	v2 =	vadd.f32 v3, v2  }
0xe9: {  	v3 =	vld [tilespmem:s5+$0x9D80]  }
0xea: {  	v2 =	vadd.f32 v4, v2;
	_ =	sdelay $0x1  }
0xeb: {  	v2 =	vadd.f32 v5, v2;
	_ =	sdelay $0x1  }
0xec: {  	v2 =	vadd.f32 v3, v2;
	_ =	sdelay $0x1  }
0xed: {  	[tilespmem:s5+$0xA000] =	vst v2;
	s5 =	simm.s32 $0x0  }
0xee: {  	[hbm4b:s9+s5] =	stream.linear.scatter [tilespmem:s0], [sflag:$0x1], $0x280, $0x38;
	[tilespmem:$0xF280] =	vst v63  }
0xef: {  	_ =	swait.ge [sflag:s12], $0x280  }
0xf0: {  	[sflag:s12] =	ssyncset.done $0x0  }
0xf1: {  	s7 =	rddreg [dreg:$0x16];
	[sflag:s12] =	ssyncadd.s32 $0xFFFFFD80  }
0xf2: {  	[tilespmem:s15], [sflag:$0x1] =	stream.linear.gather [spmem:s7], $0x280, $0x38;
	[tilespmem:$0xF280] =	vst v63  }
0xf3: {  	_ =	swait.ge [sflag:s12], $0x280  }
0xf4: {  	[sflag:s12] =	ssyncset.done $0x0  }
0xf5: {  	s4 =	rddreg [dreg:$0x17];
	[sflag:s12] =	ssyncadd.s32 $0xFFFFFD80  }
0xf6: {  	[tilespmem:s16], [sflag:$0x1] =	stream.linear.gather [spmem:s4], $0x280, $0x38;
	[tilespmem:$0xF280] =	vst v63  }
0xf7: {  	_ =	swait.ge [sflag:s12], $0x280  }
0xf8: {  	[sflag:s12] =	ssyncset.done $0x0  }
0xf9: {  	s5 =	rddreg [dreg:$0x18];
	[sflag:s12] =	ssyncadd.s32 $0xFFFFFD80  }
0xfa: {  	[tilespmem:s17], [sflag:$0x1] =	stream.linear.gather [spmem:s5], $0x280, $0x38;
	[tilespmem:$0xF280] =	vst v63  }
0xfb: {  	_ =	swait.ge [sflag:s12], $0x280  }
0xfc: {  	[sflag:s12] =	ssyncset.done $0x0  }
0xfd: {  	s7 =	rddreg [dreg:$0x19];
	[sflag:s12] =	ssyncadd.s32 $0xFFFFFD80  }
0xfe: {  	[tilespmem:s18], [sflag:$0x1] =	stream.linear.gather [spmem:s7], $0x280, $0x38;
	[tilespmem:$0xF280] =	vst v63  }
0xff: {  	_ =	swait.ge [sflag:s12], $0x280  }
0x100: {  	[sflag:s12] =	ssyncset.done $0x0  }
0x101: {  	s4 =	rddreg [dreg:$0x1a];
	[sflag:s12] =	ssyncadd.s32 $0xFFFFFD80  }
0x102: {  	[tilespmem:s19], [sflag:$0x1] =	stream.linear.gather [spmem:s4], $0x280, $0x38;
	[tilespmem:$0xF280] =	vst v63  }
0x103: {  	_ =	swait.ge [sflag:s12], $0x280  }
0x104: {  	[sflag:s12] =	ssyncset.done $0x0  }
0x105: {  	s5 =	rddreg [dreg:$0x1b];
	[sflag:s12] =	ssyncadd.s32 $0xFFFFFD80  }
0x106: {  	[tilespmem:s20], [sflag:$0x1] =	stream.linear.gather [spmem:s5], $0x280, $0x38;
	[tilespmem:$0xF280] =	vst v63  }
0x107: {  	_ =	swait.ge [sflag:s12], $0x280  }
0x108: {  	[sflag:s12] =	ssyncset.done $0x0  }
0x109: {  	s7 =	rddreg [dreg:$0x1c];
	[sflag:s12] =	ssyncadd.s32 $0xFFFFFD80  }
0x10a: {  	[tilespmem:s21], [sflag:$0x1] =	stream.linear.gather [spmem:s7], $0x280, $0x38;
	[tilespmem:$0xF280] =	vst v63  }
0x10b: {  	_ =	swait.ge [sflag:s12], $0x280  }
0x10c: {  	[sflag:s12] =	ssyncset.done $0x0  }
0x10d: {  	s4 =	rddreg [dreg:$0x1d];
	[sflag:s12] =	ssyncadd.s32 $0xFFFFFD80  }
0x10e: {  	[tilespmem:s22], [sflag:$0x1] =	stream.linear.gather [spmem:s4], $0x280, $0x38;
	[tilespmem:$0xF280] =	vst v63  }
0x10f: {  	_ =	swait.ge [sflag:s12], $0x280  }
0x110: {  	[sflag:s12] =	ssyncset.done $0x0  }
0x111: {  	s5 =	rddreg [dreg:$0x1e];
	[sflag:s12] =	ssyncadd.s32 $0xFFFFFD80  }
0x112: {  	[tilespmem:s23], [sflag:$0x1] =	stream.linear.gather [spmem:s5], $0x280, $0x38;
	[tilespmem:$0xF280] =	vst v63  }
0x113: {  	_ =	swait.ge [sflag:s12], $0x280  }
0x114: {  	[sflag:s12] =	ssyncset.done $0x0  }
0x115: {  	s7 =	rddreg [dreg:$0x1f];
	[sflag:s12] =	ssyncadd.s32 $0xFFFFFD80  }
0x116: {  	[tilespmem:s24], [sflag:$0x1] =	stream.linear.gather [spmem:s7], $0x280, $0x38;
	[tilespmem:$0xF280] =	vst v63  }
0x117: {  	_ =	swait.ge [sflag:s12], $0x280  }
0x118: {  	s4 =	sld [smem:$0x7F7]  }
0x119: {  	[sflag:s12] =	ssyncset.done $0x0  }
0x11a: {  	[sflag:s12] =	ssyncadd.s32 $0xFFFFFD80  }
0x11b: {  	[tilespmem:s25], [sflag:$0x1] =	stream.linear.gather [spmem:s4], $0x280, $0x38;
	[tilespmem:$0xF280] =	vst v63  }
0x11c: {  	_ =	swait.ge [sflag:s12], $0x280  }
0x11d: {  	s5 =	sld [smem:$0x7F8]  }
0x11e: {  	[sflag:s12] =	ssyncset.done $0x0  }
0x11f: {  	[sflag:s12] =	ssyncadd.s32 $0xFFFFFD80  }
0x120: {  	[tilespmem:s26], [sflag:$0x1] =	stream.linear.gather [spmem:s5], $0x280, $0x38;
	[tilespmem:$0xF280] =	vst v63  }
0x121: {  	_ =	swait.ge [sflag:s12], $0x280  }
0x122: {  	s7 =	sld [smem:$0x7F9]  }
0x123: {  	[sflag:s12] =	ssyncset.done $0x0  }
0x124: {  	[sflag:s12] =	ssyncadd.s32 $0xFFFFFD80  }
0x125: {  	[tilespmem:s28], [sflag:$0x1] =	stream.linear.gather [spmem:s7], $0x280, $0x38;
	[tilespmem:$0xF280] =	vst v63  }
0x126: {  	_ =	swait.ge [sflag:s12], $0x280  }
0x127: {  	s4 =	sld [smem:$0x7FA]  }
0x128: {  	[sflag:s12] =	ssyncset.done $0x0  }
0x129: {  	[sflag:s12] =	ssyncadd.s32 $0xFFFFFD80  }
0x12a: {  	[tilespmem:s29], [sflag:$0x1] =	stream.linear.gather [spmem:s4], $0x280, $0x38;
	[tilespmem:$0xF280] =	vst v63  }
0x12b: {  	_ =	swait.ge [sflag:s12], $0x280  }
0x12c: {  	s5 =	sld [smem:$0x7FB]  }
0x12d: {  	[sflag:s12] =	ssyncset.done $0x0  }
0x12e: {  	[sflag:s12] =	ssyncadd.s32 $0xFFFFFD80  }
0x12f: {  	[tilespmem:s30], [sflag:$0x1] =	stream.linear.gather [spmem:s5], $0x280, $0x38;
	[tilespmem:$0xF280] =	vst v63  }
0x130: {  	_ =	swait.ge [sflag:s12], $0x280  }
0x131: {  	s7 =	sld [smem:$0x7FC]  }
0x132: {  	[sflag:s12] =	ssyncset.done $0x0  }
0x133: {  	[sflag:s12] =	ssyncadd.s32 $0xFFFFFD80  }
0x134: {  	[tilespmem:s31], [sflag:$0x1] =	stream.linear.gather [spmem:s7], $0x280, $0x38;
	[tilespmem:$0xF280] =	vst v63  }
0x135: {  	_ =	swait.ge [sflag:s12], $0x280  }
0x136: {  	[sflag:s12] =	ssyncset.done $0x0  }
0x137: {  	s4 =	simm.s32 $0x0;
	[sflag:s12] =	ssyncadd.s32 $0xFFFFFD80  }
0x138: {  	v2 =	vld [tilespmem:s4+$0x7800]  }
0x139: {  	v3 =	vld [tilespmem:s4+$0x7A80];
	_ =	sdelay $0x1  }
0x13a: {  	v4 =	vld [tilespmem:s4+$0x7D00];
	_ =	sdelay $0x1  }
0x13b: {  	v5 =	vld [tilespmem:s4+$0x7F80]  }
0x13c: {  	v2 =	vadd.f32 v3, v2  }
0x13d: {  	v3 =	vld [tilespmem:s4+$0x8200]  }
0x13e: {  	v2 =	vadd.f32 v4, v2  }
0x13f: {  	v4 =	vld [tilespmem:s4+$0x8480]  }
0x140: {  	v2 =	vadd.f32 v5, v2  }
0x141: {  	v5 =	vld [tilespmem:s4+$0x8700]  }
0x142: {  	v2 =	vadd.f32 v3, v2  }
0x143: {  	v3 =	vld [tilespmem:s4+$0x8980]  }
0x144: {  	s3 =	simm.s32 $0x10;
	v6 =	vld [tilespmem:s4+$0x8C00];
	v2 =	vadd.f32 v4, v2  }
0x145: {  	v7 =	vld [tilespmem:s3+$0x7800]  }
0x146: {  	v4 =	vld [tilespmem:s4+$0x8E80];
	v2 =	vadd.f32 v5, v2  }
0x147: {  	v5 =	vld [tilespmem:s3+$0x7A80]  }
0x148: {  	v8 =	vld [tilespmem:s3+$0x7D00];
	v2 =	vadd.f32 v3, v2  }
0x149: {  	v3 =	vld [tilespmem:s4+$0x9100]  }
0x14a: {  	v9 =	vld [tilespmem:s3+$0x7F80];
	v2 =	vadd.f32 v6, v2  }
0x14b: {  	v6 =	vld [tilespmem:s4+$0x9380]  }
0x14c: {  	v5 =	vadd.f32 v5, v7;
	v7 =	vld [tilespmem:s3+$0x8200];
	v2 =	vadd.f32 v4, v2  }
0x14d: {  	v4 =	vld [tilespmem:s4+$0x9600]  }
0x14e: {  	v5 =	vadd.f32 v8, v5;
	v8 =	vld [tilespmem:s3+$0x8480];
	v2 =	vadd.f32 v3, v2  }
0x14f: {  	v3 =	vld [tilespmem:s4+$0x9880]  }
0x150: {  	v10 =	vld [tilespmem:s3+$0x8700];
	v5 =	vadd.f32 v9, v5;
	v2 =	vadd.f32 v6, v2  }
0x151: {  	v9 =	vld [tilespmem:s4+$0x9B00]  }
0x152: {  	v6 =	vadd.f32 v7, v5;
	v5 =	vld [tilespmem:s3+$0x8980];
	v7 =	vadd.f32 v4, v2  }
0x153: {  	v4 =	vld [tilespmem:s4+$0x9D80]  }
0x154: {  	v2 =	vld [tilespmem:s3+$0x8E80];
	v8 =	vadd.f32 v8, v6;
	v11 =	vadd.f32 v3, v7  }
0x155: {  	s5 =	simm.s32 $0x20;
	v6 =	vld [tilespmem:s3+$0x8C00]  }
0x156: {  	s7 =	simm.s32 $0xC0;
	v3 =	vld [tilespmem:s5+$0x7800];
	v7 =	vadd.f32 v10, v8;
	v8 =	vadd.f32 v9, v11  }
.LBB2_8:
0x157: {  	p0 =	sne.s32 s7, $0x9C0;
	v9 =	vld [tilespmem:s5+$0x7A80]  }
0x158: {  	v5 =	vadd.f32 v5, v7;
	v7 =	vld [tilespmem:s3+$0x9100];
	v4 =	vadd.f32 v4, v8  }
0x159: {  	v8 =	vld [tilespmem:s5+$0x7D00]  }
0x15a: {  	v5 =	vadd.f32 v6, v5;
	v6 =	vld [tilespmem:s3+$0x9380];
	[tilespmem:s4+$0xA000] =	vst v4;
	s4 =	smov.u32 s3;
	s3 =	smov.u32 s5  }
0x15b: {  	v4 =	vld [tilespmem:s3+$0x7F80]  }
0x15c: {  	v3 =	vadd.f32 v9, v3;
	v2 =	vadd.f32 v2, v5;
	v5 =	vld [tilespmem:s4+$0x9600]  }
0x15d: {  	v9 =	vld [tilespmem:s3+$0x8200]  }
0x15e: {  	v3 =	vadd.f32 v8, v3;
	v2 =	vadd.f32 v7, v2;
	v7 =	vld [tilespmem:s4+$0x9880]  }
0x15f: {  	v8 =	vld [tilespmem:s3+$0x8480]  }
0x160: {  	v3 =	vadd.f32 v4, v3;
	v2 =	vadd.f32 v6, v2;
	v10 =	vld [tilespmem:s4+$0x9B00]  }
0x161: {  	v11 =	vld [tilespmem:s3+$0x8700]  }
.Ltmp3:
0x162: {  	v3 =	vadd.f32 v9, v3;
	v6 =	vadd.f32 v5, v2;
	v4 =	vld [tilespmem:s4+$0x9D80];
	(pc) =	sbr.rel @p0 .LBB2_8-.Ltmp3, $4  }
0x163: {  	v5 =	vld [tilespmem:s3+$0x8980]  }
0x164: {  	v8 =	vadd.f32 v8, v3;
	v2 =	vld [tilespmem:s3+$0x8E80];
	v9 =	vadd.f32 v7, v6  }
0x165: {  	s5 =	sshra.s32 s7, $0x2;
	v6 =	vld [tilespmem:s3+$0x8C00]  }
0x166: {  	s7 =	sadd.s32 $0x40, s7;
	v3 =	vld [tilespmem:s5+$0x7800];
	v7 =	vadd.f32 v11, v8;
	v8 =	vadd.f32 v10, v9  }
0x167: {  	v9 =	vld [tilespmem:s5+$0x7A80]  }
0x168: {  	v10 =	vld [tilespmem:s3+$0x9100];
	v4 =	vadd.f32 v4, v8  }
0x169: {  	v49 =	vld [tilespmem:s5+$0x7D00]  }
0x16a: {  	v11 =	vld [tilespmem:s3+$0x9380];
	v5 =	vadd.f32 v5, v7;
	[tilespmem:s4+$0xA000] =	vst v4  }
0x16b: {  	v4 =	vld [tilespmem:s5+$0x7F80]  }
0x16c: {  	v5 =	vadd.f32 v6, v5;
	v3 =	vadd.f32 v9, v3  }
0x16d: {  	v50 =	vld [tilespmem:s5+$0x8200]  }
0x16e: {  	v51 =	vld [tilespmem:s3+$0x9600];
	v2 =	vadd.f32 v2, v5;
	v3 =	vadd.f32 v49, v3  }
0x16f: {  	v52 =	vld [tilespmem:s5+$0x8480]  }
0x170: {  	v53 =	vld [tilespmem:s3+$0x9880];
	v2 =	vadd.f32 v10, v2;
	v3 =	vadd.f32 v4, v3  }
0x171: {  	v54 =	vld [tilespmem:s5+$0x8700]  }
0x172: {  	v55 =	vld [tilespmem:s3+$0x9B00];
	v2 =	vadd.f32 v11, v2;
	v3 =	vadd.f32 v50, v3  }
0x173: {  	v56 =	vld [tilespmem:s5+$0x8980]  }
0x174: {  	v57 =	vld [tilespmem:s3+$0x9D80];
	v2 =	vadd.f32 v51, v2;
	v3 =	vadd.f32 v52, v3  }
0x175: {  	v58 =	vld [tilespmem:s5+$0x8C00]  }
0x176: {  	v2 =	vadd.f32 v53, v2;
	v3 =	vadd.f32 v54, v3  }
0x177: {  	v59 =	vld [tilespmem:s5+$0x8E80]  }
0x178: {  	v2 =	vadd.f32 v55, v2;
	v3 =	vadd.f32 v56, v3  }
0x179: {  	v60 =	vld [tilespmem:s5+$0x9100]  }
0x17a: {  	v2 =	vadd.f32 v57, v2;
	v3 =	vadd.f32 v58, v3  }
0x17b: {  	v61 =	vld [tilespmem:s5+$0x9380]  }
0x17c: {  	[tilespmem:s3+$0xA000] =	vst v2;
	v2 =	vadd.f32 v59, v3  }
0x17d: {  	v3 =	vld [tilespmem:s5+$0x9600]  }
0x17e: {  	v2 =	vadd.f32 v60, v2  }
0x17f: {  	v62 =	vld [tilespmem:s5+$0x9880]  }
0x180: {  	v2 =	vadd.f32 v61, v2  }
0x181: {  	v63 =	vld [tilespmem:s5+$0x9B00]  }
0x182: {  	v2 =	vadd.f32 v3, v2  }
0x183: {  	v3 =	vld [tilespmem:s5+$0x9D80]  }
0x184: {  	v2 =	vadd.f32 v62, v2;
	_ =	sdelay $0x1  }
0x185: {  	v2 =	vadd.f32 v63, v2;
	_ =	sdelay $0x1  }
0x186: {  	s2 =	sadd.s32 $0x1, s2;
	v2 =	vadd.f32 v3, v2  }
0x187: {  	p0 =	sne.s32 s2, s11  }
.Ltmp4:
0x188: {  	[tilespmem:s5+$0xA000] =	vst v2;
	(pc) =	sbr.rel @p0 .LBB2_1-.Ltmp4, $4  }
0x189: {  	[hbm4b:s10+s1] =	stream.linear.scatter [tilespmem:s0], [sflag:$0x1], $0x280, $0x38;
	[tilespmem:$0xF280] =	vst v63  }
0x18a: {  	_ =	swait.ge [sflag:s12], $0x280  }
0x18b: {  	[sflag:s12] =	ssyncset.done $0x0  }
0x18c: {  	[sflag:s12] =	ssyncadd.s32 $0xFFFFFD80  }
0x18d: {  	_ =	sfence.sel $0x180000  }
0x18e: {  	[bflag:$0x0] =	sbarrier.arrive $0xFFFF  }
0x18f: {  	_ =	strace $0x90000047  }
0x190: {  	s0 =	stileid.u32;
	[bflag:$0x2] =	sbarrier.arrive $0xFFFF  }
0x191: {  	p0 =	sne.s32 s0, $0x0;
	s0 =	rddreg [dreg:$0x3]  }
0x192: {  	s0 =	sadd.s32 @!p0 $0x100000, s0  }
0x193: {  	[sflag:s0] =	ssyncadd.tile.s32 @!p0 $0x1;
	_ =	shalt  }
.Lfunc_end2:
_tile_overlayer_lowered:
.L_overlay_start_2:
0x194: {  	(tag) =	ssettag $0x2  }
0x195: {  	s0 =	rddreg [dreg:$0x0];
	s2 =	stileid.u32  }
0x196: {  	s1 =	rddreg [dreg:$0x1];
	p0 =	sne.s32 s2, $0x0  }
0x197: {  	s3 =	rddreg [dreg:$0x2];
	[bflag:$0x3] =	sbarrier.arrive $0xFFFF;
	s2 =	simm.s32 @!p0 $0x1C01  }
0x198: {  	[timem:s3], [sflag:s2] =	dma.local @!p0 [hbm:s0], s1  }
0x199: {  	s0 =	simm.s32 @!p0 $0x1  }
0x19a: {  	_ =	swait.ge @!p0 [sflag:s0], s1  }
0x19b: {  	s1 =	ssub.s32 @!p0 $0x0, s1;
	[sflag:s0] =	ssyncset.done @!p0 $0x0  }
0x19c: {  	[sflag:s0] =	ssyncadd.s32 @!p0 s1  }
0x19d: {  	[bflag:$0x3] =	sbarrier.arrive $0xFFFF  }
0x19e: {  	_ =	shalt  }

// kernel: kernel.13.cloned.1.call-start
scs
__scs_entry_jumppad:
0x0: {  	(pc) =	sbr.rel $0x88, $3  }
0x1: {  	(tag) =	ssettag $0x0;
	lr =	simm.s32 $0x1  }
0x2: {  	[smem:$0x3F8F] =	sst lr;
	_ =	strace $0xD0000000  }
0x3: {  	_ = 	snop  }
0x4: {  	_ = 	snop  }
0x5: {  	_ = 	snop  }
0x6: {  	_ = 	snop  }
0x7: {  	_ = 	snop  }
__scs_overlays_trampoline_lowered:
0x8: {  	[smem:$0x3F9E] =	sst s0  }
0x9: {  	[smem:$0x3F9F] =	sst s1  }
0xa: {  	[smem:$0x3FA0] =	sst s2  }
0xb: {  	[smem:$0x3FA1] =	sst s3  }
0xc: {  	[smem:$0x3FA2] =	sst s4  }
0xd: {  	[smem:$0x3FA3] =	sst s5  }
0xe: {  	[smem:$0x3FA4] =	sst s6  }
0xf: {  	[smem:$0x3FA5] =	sst s7  }
0x10: {  	[smem:$0x3FA6] =	sst s8  }
0x11: {  	[smem:$0x3FA7] =	sst s9;
	s0 =	simm.s32 @!p0 $0x0  }
0x12: {  	s1 =	sld [smem:$0x3F8D];
	s0 =	simm.s32 @p0 $0x1  }
0x13: {  	[smem:$0x3FA8] =	sst s0;
	s0 =	simm.s32 @!p1 $0x0  }
0x14: {  	s2 =	sld [smem:$0x3F8C];
	s0 =	simm.s32 @p1 $0x1  }
0x15: {  	[smem:$0x3FA9] =	sst s0;
	s0 =	simm.s32 @!p2 $0x0  }
0x16: {  	s3 =	sld [smem:$0x3FDB];
	s0 =	simm.s32 @p2 $0x1  }
0x17: {  	s4 =	simm.s32 $0x1BF5;
	[smem:$0x3FAB] =	sst s0  }
0x18: {  	s0 =	sld [smem:$0x3F8E];
	_ =	swait.ge [sflag:s4], $0x0  }
0x19: {  	s7 =	sld [smem:$0x3F8F]  }
0x1a: {  	s8 =	sadd.s32 $0xFFFFE003, lr  }
0x1b: {  	s9 =	sadd.s32 $0xFFFFFEF7, lr;
	s5 =	simm.s32 $0xFFFFFFFF;
	p2 =	slt.u32 s8, $0xFFFFF086  }
0x1c: {  	p1 =	slt.u32 s9, $0xF7A;
	s5 =	simm.s32 @!p2 $0x0  }
0x1d: {  	s5 =	simm.s32 @p1 $0x1;
	p0 =	seq.s32 s7, s2  }
0x1e: {  	s7 =	smul.u32 @!p0 $0xF7A, s2;
	p2 =	seq.s32 @!p0 s5, $0x0  }
0x1f: {  	s9 =	smul.u32 $0xF7A, s1;
	s8 =	simm.s32 @!p0 $0x1BF5;
	p2 =	por !p2, p0  }
0x20: {  	[sflag:s8] =	ssyncset.s32 @!p0 $0xFFFFF086;
	s6 =	sadd.s32 @!p0 s3, s7;
	s7 =	simm.s32 @!p0 $0x108  }
0x21: {  	s3 =	sadd.s32 s3, s9;
	s6 =	sadd.s32 @!p0 $0x88, s6;
	s7 =	simm.s32 @p2 $0x1082  }
0x22: {  	[simem:s7], [sflag:s8] =	dma.local @!p0 [hbm:s6], $0xF7A  }
0x23: {  	s9 =	sor.u32 $0xD0000000, s2;
	s6 =	simm.s32 $0x108;
	_ =	swait.ge @!p0 [sflag:s8], $0x0  }
0x24: {  	s3 =	sadd.s32 $0x88, s3;
	s6 =	simm.s32 @!p1 $0x1082;
	[sflag:s4] =	ssyncset.s32 $0xFFFFF086  }
0x25: {  	[simem:s6], [sflag:s4] =	dma.local [hbm:s3], $0xF7A  }
0x26: {  	[smem:$0x3F8F] =	sst s1;
	(tag) =	ssettag s2;
	_ =	strace s9  }
0x27: {  	s1 =	sld [smem:$0x3F9F]  }
0x28: {  	s2 =	sld [smem:$0x3FA0]  }
0x29: {  	s4 =	sld [smem:$0x3FA2]  }
0x2a: {  	p0 =	seq.s32 s5, $0x0;
	s5 =	sld [smem:$0x3FA3]  }
0x2b: {  	s6 =	sld [smem:$0x3FA4]  }
0x2c: {  	s7 =	sld [smem:$0x3FA5]  }
0x2d: {  	s3 =	simm.s32 $0x108;
	s8 =	sld [smem:$0x3FA6]  }
0x2e: {  	s3 =	simm.s32 @!p0 $0x1082;
	s9 =	sld [smem:$0x3FA7]  }
0x2f: {  	lr =	sadd.s32 s0, s3;
	s0 =	sld [smem:$0x3F9E]  }
0x30: {  	s3 =	sld [smem:$0x3FA1]  }
0x31: {  	[smem:$0x3FAA] =	sst s10  }
0x32: {  	s10 =	sld [smem:$0x3FA8];
	_ =	sdelay $0x3  }
0x33: {  	p0 =	seq.s32 s10, $0x1;
	s10 =	sld [smem:$0x3FAA];
	_ =	sdelay $0x3  }
0x34: {  	[smem:$0x3FAA] =	sst s10  }
0x35: {  	s10 =	sld [smem:$0x3FA9];
	_ =	sdelay $0x3  }
0x36: {  	p1 =	seq.s32 s10, $0x1;
	s10 =	sld [smem:$0x3FAA];
	_ =	sdelay $0x3  }
0x37: {  	[smem:$0x3FAA] =	sst s10  }
0x38: {  	s10 =	sld [smem:$0x3FAB]  }
0x39: {  	_ = 	snop;
	(pc) =	sbr.ind lr, $3  }
0x3a: {  	_ = 	snop  }
0x3b: {  	_ = 	snop  }
0x3c: {  	p2 =	seq.s32 s10, $0x1;
	s10 =	sld [smem:$0x3FAA]  }
0x3d: {  	_ =	shalt  }
0x3e: {  	_ =	shalt  }
0x3f: {  	_ =	shalt  }
0x40: {  	_ =	shalt  }
0x41: {  	_ =	shalt  }
0x42: {  	_ =	shalt  }
0x43: {  	_ =	shalt  }
0x44: {  	_ =	shalt  }
0x45: {  	_ =	shalt  }
0x46: {  	_ =	shalt  }
0x47: {  	_ =	shalt  }
0x48: {  	_ =	shalt  }
0x49: {  	_ =	shalt  }
0x4a: {  	_ =	shalt  }
0x4b: {  	_ =	shalt  }
0x4c: {  	_ =	shalt  }
0x4d: {  	_ =	shalt  }
0x4e: {  	_ =	shalt  }
0x4f: {  	_ =	shalt  }
0x50: {  	_ =	shalt  }
0x51: {  	_ =	shalt  }
0x52: {  	_ =	shalt  }
0x53: {  	_ =	shalt  }
0x54: {  	_ =	shalt  }
0x55: {  	_ =	shalt  }
0x56: {  	_ =	shalt  }
0x57: {  	_ =	shalt  }
0x58: {  	_ =	shalt  }
0x59: {  	_ =	shalt  }
0x5a: {  	_ =	shalt  }
0x5b: {  	_ =	shalt  }
0x5c: {  	_ =	shalt  }
0x5d: {  	_ =	shalt  }
0x5e: {  	_ =	shalt  }
0x5f: {  	_ =	shalt  }
0x60: {  	_ =	shalt  }
0x61: {  	_ =	shalt  }
0x62: {  	_ =	shalt  }
0x63: {  	_ =	shalt  }
0x64: {  	_ =	shalt  }
0x65: {  	_ =	shalt  }
0x66: {  	_ =	shalt  }
0x67: {  	_ =	shalt  }
0x68: {  	_ =	shalt  }
0x69: {  	_ =	shalt  }
0x6a: {  	_ =	shalt  }
0x6b: {  	_ =	shalt  }
0x6c: {  	_ =	shalt  }
0x6d: {  	_ =	shalt  }
0x6e: {  	_ =	shalt  }
0x6f: {  	_ =	shalt  }
0x70: {  	_ =	shalt  }
0x71: {  	_ =	shalt  }
0x72: {  	_ =	shalt  }
0x73: {  	_ =	shalt  }
0x74: {  	_ =	shalt  }
0x75: {  	_ =	shalt  }
0x76: {  	_ =	shalt  }
0x77: {  	_ =	shalt  }
0x78: {  	_ =	shalt  }
0x79: {  	_ =	shalt  }
0x7a: {  	_ =	shalt  }
0x7b: {  	_ =	shalt  }
0x7c: {  	_ =	shalt  }
0x7d: {  	_ =	shalt  }
0x7e: {  	_ =	shalt  }
0x7f: {  	_ =	shalt  }
0x80: {  	_ =	shalt  }
0x81: {  	_ =	shalt  }
0x82: {  	_ =	shalt  }
0x83: {  	_ =	shalt  }
0x84: {  	_ =	shalt  }
0x85: {  	_ =	shalt  }
0x86: {  	_ =	shalt  }
0x87: {  	_ =	shalt  }
.Lfunc_end0:
.L_simem_size_0:
called_computation.1_lowered:
.L_overlay_start_0:
0x88: {  	s2 =	sld [smem:$0x3FD9]  }
0x89: {  	s3 =	sld [smem:$0x3FFE];
	_ =	sdelay $0x1  }
0x8a: {  	s1 =	srdreg.scid  }
0x8b: {  	s0 =	sand.u32 $0x1, s1  }
0x8c: {  	s16 =	sshll.u32 s0, $0xA;
	s2 =	sadd.s32 s3, s2  }
0x8d: {  	s2 =	sadd.s32 s2, s16  }
0x8e: {  	[smem:$0x3FB6] =	sst s2  }
0x8f: {  	_ = 	snop  }
0x90: {  	(tm) =	ssettm $0x1  }
0x91: {  	s17 =	sld [smem:$0x3FFB];
	_ =	sdelay $0x3  }
0x92: {  	_ =	strace s17  }
0x93: {  	s2 =	sld [smem:$0x3FFC];
	_ =	sdelay $0x3  }
0x94: {  	_ =	strace s2  }
0x95: {  	s2 =	sld [smem:$0x3FFD];
	_ =	sdelay $0x3  }
0x96: {  	_ =	strace s2  }
0x97: {  	_ =	strace $0x8FFFFFFF  }
0x98: {  	s18 =	sld [smem:$0x3FDB];
	_ =	sdelay $0x1  }
0x99: {  	s19 =	simm.s32 $_scs_section_size  }
0x9a: {  	s4 =	simm.s32 $_size__tile_overlayer_lowered;
	s5 =	simm.s32 $_tile_overlayer_lowered  }
0x9b: {  	s22 =	simm.s32 $0x1BFF;
	s21 =	sshll.u32 s5, $0x1;
	s2 =	sadd.s32 s19, s18  }
0x9c: {  	s6 =	simm.s32 $0x0;
	s20 =	sshll.u32 s4, $0x1;
	s4 =	sadd.s32 s21, s2  }
0x9d: {  	[timem:s6], [sflag:s22] =	dma.local [hbm:s4], s20  }
0x9e: {  	_ =	swait.ge [sflag:s22], s20  }
0x9f: {  	s3 =	ssub.s32 $0x0, s20;
	[sflag:s22] =	ssyncset.done $0x0  }
0xa0: {  	[sflag:s22] =	ssyncadd.s32 s3;
	_ =	sdelay $0x1  }
0xa1: {  	s23 =	simm.s32 $0x1B8B  }
0xa2: {  	_ =	swait.ge [sflag:s23], $0x1  }
0xa3: {  	[sflag:s23] =	ssyncset.done $0x0  }
0xa4: {  	s25 =	simm.s32 $0x1B8E;
	s24 =	sld [smem:$0x3FFE];
	[sflag:s23] =	ssyncadd.s32 $0xFFFFFFFF  }
0xa5: {  	s26 =	simm.s32 $execute0_lowered;
	[smem:$0x3FD2] =	sst s25  }
0xa6: {  	s4 =	sshll.u32 s26, $0x1;
	_ =	strace $0x80000049;
	[dreg:$0x1] =	wrdreg $0xFFFFFFFF  }
0xa7: {  	s28 =	simm.s32 $_size_execute0_lowered;
	s2 =	sadd.s32 s2, s4;
	[dreg:$0x0] =	wrdreg $0x0  }
0xa8: {  	s4 =	sshll.u32 s28, $0x1;
	[dreg:$0x2] =	wrdreg s2  }
0xa9: {  	[dreg:$0x3] =	wrdreg s4  }
0xaa: {  	[dreg:$0x4] =	wrdreg $0xC0  }
0xab: {  	_ =	task [dreg:s6], $0x5FFFF  }
0xac: {  	[dreg:$0x1] =	wrdreg $0xFFFFFFFF  }
0xad: {  	[dreg:$0x0] =	wrdreg $0x60  }
0xae: {  	[dreg:$0x2] =	wrdreg s24  }
0xaf: {  	[dreg:$0x3] =	wrdreg $0x9800  }
0xb0: {  	[dreg:$0x4] =	wrdreg $0x9  }
0xb1: {  	_ =	task.clear_ibuf [dreg:s6], $0x5FFFF;
	_ =	strace $0x90000049  }
0xb2: {  	s29 =	simm.s32 $0x9;
	_ =	strace $0x8000004B  }
0xb3: {  	_ =	swait.ge [sflag:s29], $0x1  }
0xb4: {  	[sflag:s29] =	ssyncadd.s32 $0xFFFFFFFF  }
0xb5: {  	_ =	strace $0x9000004B  }
0xb6: {  	_ =	sfence  }
0xb7: {  	s30 =	sld [smem:$0x0];
	_ =	sdelay $0x2  }
0xb8: {  	s31 =	sshll.u32 s1, $0xD;
	s1 =	sshrl.u32 s1, $0x2  }
0xb9: {  	s3 =	sand.u32 $0x4000, s31;
	s1 =	sadd.s32 s1, s30  }
0xba: {  	s0 =	sor.u32 s3, s0;
	s1 =	sshll.u32 s1, $0x11  }
0xbb: {  	s0 =	sor.u32 s1, s0  }
0xbc: {  	s0 =	sadd.s32 $0x8F2B, s0  }
0xbd: {  	[sflag:s0] =	ssyncadd.remote.s32 $0x1  }
0xbe: {  	_ =	sfence.sel $0xFFFF  }
0xbf: {  	[dreg:$0x0] =	wrdreg $0xFFFFFFFF;
	(pc) =	sbr.abs _section_cstart, $3  }
0xc0: {  	[dreg:$0x1] =	wrdreg $0xFFFFFFFF  }
0xc1: {  	_ =	task.clear_ibuf [dreg:s6], $0x2FFFF;
	_ =	strace $0x9FFFFFFF  }
0xc2: {  	(tm) =	ssettm $0x7FFFFFFF  }
0xc3: {  	_ =	shalt  }
tec
execute0_lowered:
.L_overlay_start_1:
0x0: {  	(tag) =	ssettag $0x1  }
0x1: {  	s8 =	rddreg [dreg:$0x0]  }
0x2: {  	s2 =	rddreg [dreg:$0x1]  }
0x3: {  	s0 =	rddreg [dreg:$0x2]  }
0x4: {  	s4 =	srdreg.scid;
	s1 =	stileid.u32  }
0x5: {  	s3 =	simm.s32 $0x0;
	s16 =	simm.s32 $0x180;
	s17 =	simm.s32 $0x2  }
0x6: {  	s18 =	simm.s32 $0x80;
	s19 =	simm.s32 $0x100;
	s20 =	simm.s32 $0x1  }
0x7: {  	s9 =	sand.u32 $0x1, s4;
	s10 =	smul.u32 $0x2800, s1;
	[smem:$0x7FF] =	sst s3  }
0x8: {  	s4 =	sadd.s32 $0x3BC00, s8;
	s5 =	sadd.s32 $0x8800, s8;
	s12 =	smul.u32 $0xA000, s1  }
0x9: {  	s21 =	sshll.u32 s1, $0x6;
	s6 =	smul.u32 $0x28000, s9;
	_ =	strace $0x8000004A  }
0xa: {  	s29 =	ssub.s32 $0x2, s9;
	s9 =	sshll.u32 s9, $0x4;
	s21 =	sor.u32 $0x1C02, s21  }
0xb: {  	s30 =	sshrl.u32 s29, $0x1;
	s12 =	sshrl.u32 s12, $0x2;
	s31 =	sor.u32 s1, s9  }
0xc: {  	s9 =	sadd.s32 s10, s2;
	s7 =	sadd.s32 s10, s6;
	s6 =	sadd.s32 $0x3800, s8  }
0xd: {  	s15 =	ssub.s32 s29, s30;
	s13 =	sadd.s32 s12, s2;
	s11 =	sshrl.u32 s7, $0x3  }
0xe: {  	s7 =	sadd.s32 $0xEC00, s8;
	s10 =	sadd.s32 $0x800, s13;
	s12 =	sadd.s32 $0x1800, s13  }
0xf: {  	s15 =	smax.u32 s15, $0x1;
	s14 =	sadd.s32 s11, s8;
	s8 =	smul.u32 $0x1400, s31  }
0x10: {  	v0 =	vimm.f32 $0.0e+00;
	s11 =	sadd.s32 $0x1000, s13;
	s13 =	sadd.s32 $0x2000, s13;
	s14 =	sadd.s32 $0x40C00, s14  }
.LBB2_1:
0x11: {  	s22 =	simm.s32 $0x40;
	s23 =	simm.s32 $0x0  }
.LBB2_2:
0x12: {  	p0 =	sne.s32 s22, $0x1FC0;
	[tilespmem:s23+$0x180] =	vst v0;
	s23 =	smov.u32 s22;
	s22 =	sadd.s32 $0x40, s22  }
.Ltmp0:
0x13: {  	(pc) =	sbr.rel @p0 .LBB2_2-.Ltmp0, $2  }
0x14: {  	_ =	sdelay $0x2  }
0x15: {  	s23 =	sshra.s32 s23, $0x2  }
0x16: {  	[tilespmem:s23+$0x180] =	vst v0  }
0x17: {  	[spmem:s9] =	stream.linear.scatter [tilespmem:s16], [sflag:$0x2], $0x800, $0x38;
	[tilespmem:$0x3180] =	vst v63  }
0x18: {  	_ =	swait.ge [sflag:s17], $0x800  }
0x19: {  	[sflag:s17] =	ssyncset.done $0x0  }
0x1a: {  	[sflag:s17] =	ssyncadd.s32 $0xFFFFF800  }
0x1b: {  	[spmem:s10] =	stream.linear.scatter [tilespmem:s16], [sflag:$0x2], $0x800, $0x38;
	[tilespmem:$0x3180] =	vst v63  }
0x1c: {  	_ =	swait.ge [sflag:s17], $0x800  }
0x1d: {  	[sflag:s17] =	ssyncset.done $0x0  }
0x1e: {  	[sflag:s17] =	ssyncadd.s32 $0xFFFFF800  }
0x1f: {  	[spmem:s11] =	stream.linear.scatter [tilespmem:s16], [sflag:$0x2], $0x800, $0x38;
	[tilespmem:$0x3180] =	vst v63  }
0x20: {  	_ =	swait.ge [sflag:s17], $0x800  }
0x21: {  	[sflag:s17] =	ssyncset.done $0x0  }
0x22: {  	[sflag:s17] =	ssyncadd.s32 $0xFFFFF800  }
0x23: {  	[spmem:s12] =	stream.linear.scatter [tilespmem:s16], [sflag:$0x2], $0x800, $0x38;
	[tilespmem:$0x3180] =	vst v63  }
0x24: {  	_ =	swait.ge [sflag:s17], $0x800  }
0x25: {  	[sflag:s17] =	ssyncset.done $0x0  }
0x26: {  	[sflag:s17] =	ssyncadd.s32 $0xFFFFF800  }
0x27: {  	[spmem:s13] =	stream.linear.scatter [tilespmem:s16], [sflag:$0x2], $0x800, $0x38;
	[tilespmem:$0x3180] =	vst v63  }
0x28: {  	_ =	swait.ge [sflag:s17], $0x800  }
0x29: {  	[sflag:s17] =	ssyncset.done $0x0  }
0x2a: {  	[sflag:s17] =	ssyncadd.s32 $0xFFFFF800  }
0x2b: {  	s22 =	simm.s32 $0x0;
	s23 =	simm.s32 $0x0;
	[bflag:$0x0] =	sbarrier.arrive $0xFFFF  }
.LBB2_4:
0x2c: {  	s24 =	sshll.u32 s23, $0x7  }
0x2d: {  	s24 =	sadd.s32 s8, s24  }
0x2e: {  	s24 =	sshrl.u32 s24, $0x3  }
0x2f: {  	s25 =	sadd.s32 s5, s24  }
0x30: {  	[tilespmem:s22], [sflag:$0x2] =	stream.linear.gather [hbm4b:s25+s22], $0x80, $0x38;
	[tilespmem:$0x3180] =	vst v63  }
0x31: {  	_ =	swait.ge [sflag:s17], $0x80  }
0x32: {  	[sflag:s17] =	ssyncset.done $0x0  }
0x33: {  	s31 =	sadd.s32 s6, s24;
	[sflag:s17] =	ssyncadd.s32 $0xFFFFFF80  }
0x34: {  	[tilespmem:s18], [sflag:$0x2] =	stream.linear.gather [hbm4b:s31+s22], $0x80, $0x38;
	[tilespmem:$0x3180] =	vst v63  }
0x35: {  	_ =	swait.ge [sflag:s17], $0x80  }
0x36: {  	[sflag:s17] =	ssyncset.done $0x0  }
0x37: {  	s24 =	sadd.s32 s7, s24;
	[sflag:s17] =	ssyncadd.s32 $0xFFFFFF80  }
0x38: {  	[tilespmem:s19], [sflag:$0x2] =	stream.linear.gather [hbm4b:s24+s22], $0x80, $0x38;
	[tilespmem:$0x3180] =	vst v63  }
0x39: {  	_ =	swait.ge [sflag:s17], $0x80  }
0x3a: {  	[sflag:s17] =	ssyncset.done $0x0  }
0x3b: {  	[sflag:s17] =	ssyncadd.s32 $0xFFFFFF80  }
0x3c: {  	[tilespmem:s16], [sflag:$0x1] =	stream.indirect.gather [hbm4b:s4+s18], $0x10, s22, s18, $0xb8;
	[tilespmem:$0x3180] =	vst v63  }
0x3d: {  	_ =	swait.ge [sflag:s20], $0x800  }
0x3e: {  	[sflag:s20] =	ssyncset.done $0x0  }
0x3f: {  	s24 =	simm.s32 $0x200;
	[sflag:s20] =	ssyncadd.s32 $0xFFFFF800  }
0x40: {  	s28 =	simm.s32 $0x0;
	s26 =	simm.s32 $0x40;
	s25 =	simm.s32 $0x200;
	v1 =	vld [tilespmem:s24+$0xFFFFFFB0]  }
.LBB2_5:
0x41: {  	p0 =	sne.s32 s26, $0x1C0;
	v2 =	vld [tilespmem:s28+$0x100]  }
0x42: {  	v3 =	vld [tilespmem:s24+$0xFFFFFF90]  }
0x43: {  	v4 =	vld [tilespmem:s24+$0xFFFFFF80]  }
0x44: {  	v5 =	vld [tilespmem:s24+$0xFFFFFFA0]  }
0x45: {  	v6 =	vld [tilespmem:s24+$0xFFFFFFF0]  }
0x46: {  	v7 =	vbroadcast v2, $0x0;
	v8 =	vbroadcast v2, $0x1;
	v9 =	vld [tilespmem:s24+$0xFFFFFFD0]  }
0x47: {  	v10 =	vbroadcast v2, $0x2;
	v11 =	vbroadcast v2, $0x3;
	v12 =	vld [tilespmem:s24+$0xFFFFFFC0]  }
0x48: {  	v4 =	vmul.f32 v7, v4;
	v3 =	vmul.f32 v3, v8;
	v7 =	vld [tilespmem:s24+$0xFFFFFFE0]  }
0x49: {  	v1 =	vmul.f32 v1, v11;
	v5 =	vmul.f32 v5, v10;
	v8 =	vld [tilespmem:s24+$0x30]  }
0x4a: {  	v10 =	vbroadcast v2, $0x5;
	[tilespmem:s24+$0xFFFFFF80] =	vst v4;
	v4 =	vbroadcast v2, $0x4;
	v11 =	vld [tilespmem:s24+$0x10]  }
0x4b: {  	v13 =	vbroadcast v2, $0x7;
	[tilespmem:s24+$0xFFFFFF90] =	vst v3;
	v3 =	vbroadcast v2, $0x6;
	v14 =	vld [tilespmem:s24+$0x0]  }
0x4c: {  	[tilespmem:s24+$0xFFFFFFA0] =	vst v5;
	v4 =	vmul.f32 v12, v4;
	v5 =	vmul.f32 v9, v10;
	v9 =	vld [tilespmem:s24+$0x20]  }
0x4d: {  	[tilespmem:s24+$0xFFFFFFB0] =	vst v1;
	v1 =	vmul.f32 v7, v3;
	v3 =	vmul.f32 v6, v13;
	v6 =	vld [tilespmem:s24+$0x70]  }
0x4e: {  	v7 =	vbroadcast v2, $0x9;
	[tilespmem:s24+$0xFFFFFFC0] =	vst v4;
	v4 =	vbroadcast v2, $0x8;
	v10 =	vld [tilespmem:s24+$0x50]  }
0x4f: {  	v12 =	vbroadcast v2, $0xB;
	[tilespmem:s24+$0xFFFFFFD0] =	vst v5;
	v5 =	vbroadcast v2, $0xA;
	v13 =	vld [tilespmem:s24+$0x40]  }
0x50: {  	[tilespmem:s24+$0xFFFFFFE0] =	vst v1;
	v1 =	vmul.f32 v14, v4;
	v4 =	vmul.f32 v11, v7;
	v7 =	vld [tilespmem:s24+$0x60]  }
0x51: {  	[tilespmem:s24+$0xFFFFFFF0] =	vst v3;
	v3 =	vmul.f32 v9, v5;
	v5 =	vmul.f32 v8, v12  }
0x52: {  	v8 =	vbroadcast v2, $0xD;
	[tilespmem:s24+$0x0] =	vst v1;
	v1 =	vbroadcast v2, $0xC  }
0x53: {  	[tilespmem:s24+$0x10] =	vst v4;
	v4 =	vbroadcast v2, $0xE;
	v2 =	vbroadcast v2, $0xF  }
0x54: {  	[tilespmem:s24+$0x20] =	vst v3;
	v1 =	vmul.f32 v13, v1;
	v3 =	vmul.f32 v10, v8  }
.Ltmp1:
0x55: {  	[tilespmem:s24+$0x30] =	vst v5;
	v4 =	vmul.f32 v7, v4;
	v2 =	vmul.f32 v6, v2;
	(pc) =	sbr.rel @p0 .LBB2_5-.Ltmp1, $4  }
0x56: {  	[tilespmem:s24+$0x40] =	vst v1  }
0x57: {  	[tilespmem:s24+$0x50] =	vst v3  }
0x58: {  	s24 =	sadd.s32 $0x100, s24;
	[tilespmem:s25+$0x60] =	vst v4  }
0x59: {  	s28 =	sshra.s32 s26, $0x2;
	s26 =	sadd.s32 $0x40, s26;
	v1 =	vld [tilespmem:s24+$0xFFFFFFB0];
	[tilespmem:s25+$0x70] =	vst v2;
	s25 =	smov.u32 s24  }
0x5a: {  	v2 =	vld [tilespmem:s28+$0x100];
	_ =	sdelay $0x1  }
0x5b: {  	v3 =	vld [tilespmem:s24+$0xFFFFFF80]  }
0x5c: {  	v4 =	vld [tilespmem:s24+$0xFFFFFF90]  }
0x5d: {  	v5 =	vld [tilespmem:s24+$0xFFFFFFA0]  }
0x5e: {  	v6 =	vbroadcast v2, $0x0  }
0x5f: {  	v9 =	vld [tilespmem:s24+$0xFFFFFFD0];
	v7 =	vbroadcast v2, $0x1  }
0x60: {  	v8 =	vld [tilespmem:s24+$0xFFFFFFC0];
	v10 =	vbroadcast v2, $0x2;
	v3 =	vmul.f32 v6, v3  }
0x61: {  	v48 =	vld [tilespmem:s24+$0xFFFFFFE0];
	v47 =	vbroadcast v2, $0x3;
	v4 =	vmul.f32 v4, v7  }
0x62: {  	v51 =	vld [tilespmem:s24+$0x10];
	v49 =	vbroadcast v2, $0x5;
	v5 =	vmul.f32 v5, v10;
	[tilespmem:s24+$0xFFFFFF80] =	vst v3  }
0x63: {  	v11 =	vld [tilespmem:s24+$0xFFFFFFF0];
	v1 =	vmul.f32 v1, v47;
	v3 =	vbroadcast v2, $0x4;
	[tilespmem:s24+$0xFFFFFF90] =	vst v4  }
0x64: {  	v50 =	vld [tilespmem:s24+$0x0];
	v12 =	vbroadcast v2, $0x6;
	v6 =	vmul.f32 v9, v49;
	[tilespmem:s24+$0xFFFFFFA0] =	vst v5  }
0x65: {  	v56 =	vld [tilespmem:s24+$0x50];
	v54 =	vbroadcast v2, $0x9;
	[tilespmem:s24+$0xFFFFFFB0] =	vst v1;
	v3 =	vmul.f32 v8, v3  }
0x66: {  	v53 =	vld [tilespmem:s24+$0x20];
	v52 =	vbroadcast v2, $0x7;
	v7 =	vmul.f32 v48, v12;
	[tilespmem:s24+$0xFFFFFFD0] =	vst v6  }
0x67: {  	v59 =	vmul.f32 v51, v54;
	v1 =	vld [tilespmem:s24+$0x30];
	[tilespmem:s24+$0xFFFFFFC0] =	vst v3;
	v3 =	vbroadcast v2, $0x8  }
0x68: {  	v55 =	vld [tilespmem:s24+$0x40];
	v62 =	vbroadcast v2, $0xD;
	v5 =	vmul.f32 v11, v52;
	[tilespmem:s24+$0xFFFFFFE0] =	vst v7  }
0x69: {  	v60 =	vld [tilespmem:s24+$0x60];
	v57 =	vbroadcast v2, $0xA;
	[tilespmem:s24+$0x10] =	vst v59;
	v3 =	vmul.f32 v50, v3  }
0x6a: {  	v61 =	vld [tilespmem:s24+$0x70];
	v58 =	vbroadcast v2, $0xB;
	v4 =	vmul.f32 v56, v62;
	[tilespmem:s24+$0xFFFFFFF0] =	vst v5  }
0x6b: {  	v8 =	vmul.f32 v53, v57;
	[tilespmem:s24+$0x0] =	vst v3;
	v3 =	vbroadcast v2, $0xC  }
0x6c: {  	v63 =	vbroadcast v2, $0xE;
	[tilespmem:s24+$0x50] =	vst v4;
	v1 =	vmul.f32 v1, v58  }
0x6d: {  	[tilespmem:s24+$0x20] =	vst v8;
	v2 =	vbroadcast v2, $0xF;
	v3 =	vmul.f32 v55, v3  }
0x6e: {  	[tilespmem:s24+$0x30] =	vst v1;
	v1 =	vmul.f32 v60, v63  }
0x6f: {  	s23 =	sadd.s32 $0x1, s23;
	v2 =	vmul.f32 v61, v2;
	[tilespmem:s24+$0x40] =	vst v3  }
0x70: {  	p0 =	sne.s32 s23, $0x28;
	[tilespmem:s25+$0x60] =	vst v1  }
.Ltmp2:
0x71: {  	[tilespmem:s25+$0x70] =	vst v2;
	(pc) =	sbr.rel @p0 .LBB2_4-.Ltmp2, $4  }
0x72: {  	[spmem:s2] =	stream.indirect.scatter.add.f32 [tilespmem:s16], [sflag:$0x2], $0x10, s18, s18, $0xb8;
	[tilespmem:$0x3180] =	vst v63  }
0x73: {  	_ =	swait.ge [sflag:s17], $0x800  }
0x74: {  	[sflag:s17] =	ssyncset.done $0x0  }
0x75: {  	[sflag:s17] =	ssyncadd.s32 $0xFFFFF800  }
0x76: {  	s3 =	sadd.s32 $0x1, s3  }
0x77: {  	p0 =	sne.s32 s3, s15  }
.Ltmp3:
0x78: {  	[bflag:$0x0] =	sbarrier.arrive $0xFFFF;
	s22 =	sshrl.u32 s9, $0x3;
	(pc) =	sbr.rel @p0 .LBB2_1-.Ltmp3, $4  }
0x79: {  	[hbm:s14], [sflag:s21] =	dma.local [spmem:s22], $0x500  }
0x7a: {  	_ =	swait.ge [sflag:s17], $0x500  }
0x7b: {  	[sflag:s17] =	ssyncset.done $0x0  }
0x7c: {  	[sflag:s17] =	ssyncadd.s32 $0xFFFFFB00  }
0x7d: {  	_ =	sfence.sel $0x180000  }
0x7e: {  	[bflag:$0x0] =	sbarrier.arrive $0xFFFF  }
0x7f: {  	p0 =	sne.s32 s1, $0x0;
	_ =	strace $0x9000004A  }
0x80: {  	s0 =	sadd.s32 @!p0 $0x100000, s0;
	[bflag:$0x2] =	sbarrier.arrive $0xFFFF  }
0x81: {  	[sflag:s0] =	ssyncadd.tile.s32 @!p0 $0x1;
	_ =	shalt  }
.Lfunc_end2:
_tile_overlayer_lowered:
.L_overlay_start_2:
0x82: {  	(tag) =	ssettag $0x2  }
0x83: {  	s0 =	rddreg [dreg:$0x0];
	s2 =	stileid.u32  }
0x84: {  	s1 =	rddreg [dreg:$0x1];
	p0 =	sne.s32 s2, $0x0  }
0x85: {  	s3 =	rddreg [dreg:$0x2];
	[bflag:$0x3] =	sbarrier.arrive $0xFFFF;
	s2 =	simm.s32 @!p0 $0x1C02  }
0x86: {  	[timem:s3], [sflag:s2] =	dma.local @!p0 [hbm:s0], s1  }
0x87: {  	s0 =	simm.s32 @!p0 $0x2  }
0x88: {  	_ =	swait.ge @!p0 [sflag:s0], s1  }
0x89: {  	s1 =	ssub.s32 @!p0 $0x0, s1;
	[sflag:s0] =	ssyncset.done @!p0 $0x0  }
0x8a: {  	[sflag:s0] =	ssyncadd.s32 @!p0 s1  }
0x8b: {  	[bflag:$0x3] =	sbarrier.arrive $0xFFFF  }
0x8c: {  	_ =	shalt  }

// kernel: kernel.16.cloned.1.call-start
scs
__scs_entry_jumppad:
0x0: {  	(pc) =	sbr.rel $0x88, $3  }
0x1: {  	(tag) =	ssettag $0x0;
	lr =	simm.s32 $0x1  }
0x2: {  	[smem:$0x3F8F] =	sst lr;
	_ =	strace $0xD0000000  }
0x3: {  	_ = 	snop  }
0x4: {  	_ = 	snop  }
0x5: {  	_ = 	snop  }
0x6: {  	_ = 	snop  }
0x7: {  	_ = 	snop  }
__scs_overlays_trampoline_lowered:
0x8: {  	[smem:$0x3F9E] =	sst s0  }
0x9: {  	[smem:$0x3F9F] =	sst s1  }
0xa: {  	[smem:$0x3FA0] =	sst s2  }
0xb: {  	[smem:$0x3FA1] =	sst s3  }
0xc: {  	[smem:$0x3FA2] =	sst s4  }
0xd: {  	[smem:$0x3FA3] =	sst s5  }
0xe: {  	[smem:$0x3FA4] =	sst s6  }
0xf: {  	[smem:$0x3FA5] =	sst s7  }
0x10: {  	[smem:$0x3FA6] =	sst s8  }
0x11: {  	[smem:$0x3FA7] =	sst s9;
	s0 =	simm.s32 @!p0 $0x0  }
0x12: {  	s1 =	sld [smem:$0x3F8D];
	s0 =	simm.s32 @p0 $0x1  }
0x13: {  	[smem:$0x3FA8] =	sst s0;
	s0 =	simm.s32 @!p1 $0x0  }
0x14: {  	s2 =	sld [smem:$0x3F8C];
	s0 =	simm.s32 @p1 $0x1  }
0x15: {  	[smem:$0x3FA9] =	sst s0;
	s0 =	simm.s32 @!p2 $0x0  }
0x16: {  	s3 =	sld [smem:$0x3FDB];
	s0 =	simm.s32 @p2 $0x1  }
0x17: {  	s4 =	simm.s32 $0x1BF5;
	[smem:$0x3FAB] =	sst s0  }
0x18: {  	s0 =	sld [smem:$0x3F8E];
	_ =	swait.ge [sflag:s4], $0x0  }
0x19: {  	s7 =	sld [smem:$0x3F8F]  }
0x1a: {  	s8 =	sadd.s32 $0xFFFFE003, lr  }
0x1b: {  	s9 =	sadd.s32 $0xFFFFFEF7, lr;
	s5 =	simm.s32 $0xFFFFFFFF;
	p2 =	slt.u32 s8, $0xFFFFF086  }
0x1c: {  	p1 =	slt.u32 s9, $0xF7A;
	s5 =	simm.s32 @!p2 $0x0  }
0x1d: {  	s5 =	simm.s32 @p1 $0x1;
	p0 =	seq.s32 s7, s2  }
0x1e: {  	s7 =	smul.u32 @!p0 $0xF7A, s2;
	p2 =	seq.s32 @!p0 s5, $0x0  }
0x1f: {  	s9 =	smul.u32 $0xF7A, s1;
	s8 =	simm.s32 @!p0 $0x1BF5;
	p2 =	por !p2, p0  }
0x20: {  	[sflag:s8] =	ssyncset.s32 @!p0 $0xFFFFF086;
	s6 =	sadd.s32 @!p0 s3, s7;
	s7 =	simm.s32 @!p0 $0x108  }
0x21: {  	s3 =	sadd.s32 s3, s9;
	s6 =	sadd.s32 @!p0 $0x88, s6;
	s7 =	simm.s32 @p2 $0x1082  }
0x22: {  	[simem:s7], [sflag:s8] =	dma.local @!p0 [hbm:s6], $0xF7A  }
0x23: {  	s9 =	sor.u32 $0xD0000000, s2;
	s6 =	simm.s32 $0x108;
	_ =	swait.ge @!p0 [sflag:s8], $0x0  }
0x24: {  	s3 =	sadd.s32 $0x88, s3;
	s6 =	simm.s32 @!p1 $0x1082;
	[sflag:s4] =	ssyncset.s32 $0xFFFFF086  }
0x25: {  	[simem:s6], [sflag:s4] =	dma.local [hbm:s3], $0xF7A  }
0x26: {  	[smem:$0x3F8F] =	sst s1;
	(tag) =	ssettag s2;
	_ =	strace s9  }
0x27: {  	s1 =	sld [smem:$0x3F9F]  }
0x28: {  	s2 =	sld [smem:$0x3FA0]  }
0x29: {  	s4 =	sld [smem:$0x3FA2]  }
0x2a: {  	p0 =	seq.s32 s5, $0x0;
	s5 =	sld [smem:$0x3FA3]  }
0x2b: {  	s6 =	sld [smem:$0x3FA4]  }
0x2c: {  	s7 =	sld [smem:$0x3FA5]  }
0x2d: {  	s3 =	simm.s32 $0x108;
	s8 =	sld [smem:$0x3FA6]  }
0x2e: {  	s3 =	simm.s32 @!p0 $0x1082;
	s9 =	sld [smem:$0x3FA7]  }
0x2f: {  	lr =	sadd.s32 s0, s3;
	s0 =	sld [smem:$0x3F9E]  }
0x30: {  	s3 =	sld [smem:$0x3FA1]  }
0x31: {  	[smem:$0x3FAA] =	sst s10  }
0x32: {  	s10 =	sld [smem:$0x3FA8];
	_ =	sdelay $0x3  }
0x33: {  	p0 =	seq.s32 s10, $0x1;
	s10 =	sld [smem:$0x3FAA];
	_ =	sdelay $0x3  }
0x34: {  	[smem:$0x3FAA] =	sst s10  }
0x35: {  	s10 =	sld [smem:$0x3FA9];
	_ =	sdelay $0x3  }
0x36: {  	p1 =	seq.s32 s10, $0x1;
	s10 =	sld [smem:$0x3FAA];
	_ =	sdelay $0x3  }
0x37: {  	[smem:$0x3FAA] =	sst s10  }
0x38: {  	s10 =	sld [smem:$0x3FAB]  }
0x39: {  	_ = 	snop;
	(pc) =	sbr.ind lr, $3  }
0x3a: {  	_ = 	snop  }
0x3b: {  	_ = 	snop  }
0x3c: {  	p2 =	seq.s32 s10, $0x1;
	s10 =	sld [smem:$0x3FAA]  }
0x3d: {  	_ =	shalt  }
0x3e: {  	_ =	shalt  }
0x3f: {  	_ =	shalt  }
0x40: {  	_ =	shalt  }
0x41: {  	_ =	shalt  }
0x42: {  	_ =	shalt  }
0x43: {  	_ =	shalt  }
0x44: {  	_ =	shalt  }
0x45: {  	_ =	shalt  }
0x46: {  	_ =	shalt  }
0x47: {  	_ =	shalt  }
0x48: {  	_ =	shalt  }
0x49: {  	_ =	shalt  }
0x4a: {  	_ =	shalt  }
0x4b: {  	_ =	shalt  }
0x4c: {  	_ =	shalt  }
0x4d: {  	_ =	shalt  }
0x4e: {  	_ =	shalt  }
0x4f: {  	_ =	shalt  }
0x50: {  	_ =	shalt  }
0x51: {  	_ =	shalt  }
0x52: {  	_ =	shalt  }
0x53: {  	_ =	shalt  }
0x54: {  	_ =	shalt  }
0x55: {  	_ =	shalt  }
0x56: {  	_ =	shalt  }
0x57: {  	_ =	shalt  }
0x58: {  	_ =	shalt  }
0x59: {  	_ =	shalt  }
0x5a: {  	_ =	shalt  }
0x5b: {  	_ =	shalt  }
0x5c: {  	_ =	shalt  }
0x5d: {  	_ =	shalt  }
0x5e: {  	_ =	shalt  }
0x5f: {  	_ =	shalt  }
0x60: {  	_ =	shalt  }
0x61: {  	_ =	shalt  }
0x62: {  	_ =	shalt  }
0x63: {  	_ =	shalt  }
0x64: {  	_ =	shalt  }
0x65: {  	_ =	shalt  }
0x66: {  	_ =	shalt  }
0x67: {  	_ =	shalt  }
0x68: {  	_ =	shalt  }
0x69: {  	_ =	shalt  }
0x6a: {  	_ =	shalt  }
0x6b: {  	_ =	shalt  }
0x6c: {  	_ =	shalt  }
0x6d: {  	_ =	shalt  }
0x6e: {  	_ =	shalt  }
0x6f: {  	_ =	shalt  }
0x70: {  	_ =	shalt  }
0x71: {  	_ =	shalt  }
0x72: {  	_ =	shalt  }
0x73: {  	_ =	shalt  }
0x74: {  	_ =	shalt  }
0x75: {  	_ =	shalt  }
0x76: {  	_ =	shalt  }
0x77: {  	_ =	shalt  }
0x78: {  	_ =	shalt  }
0x79: {  	_ =	shalt  }
0x7a: {  	_ =	shalt  }
0x7b: {  	_ =	shalt  }
0x7c: {  	_ =	shalt  }
0x7d: {  	_ =	shalt  }
0x7e: {  	_ =	shalt  }
0x7f: {  	_ =	shalt  }
0x80: {  	_ =	shalt  }
0x81: {  	_ =	shalt  }
0x82: {  	_ =	shalt  }
0x83: {  	_ =	shalt  }
0x84: {  	_ =	shalt  }
0x85: {  	_ =	shalt  }
0x86: {  	_ =	shalt  }
0x87: {  	_ =	shalt  }
.Lfunc_end0:
.L_simem_size_0:
called_computation.2_lowered:
.L_overlay_start_0:
0x88: {  	s2 =	sld [smem:$0x3FD9]  }
0x89: {  	s3 =	sld [smem:$0x3FFE];
	_ =	sdelay $0x1  }
0x8a: {  	s1 =	srdreg.scid  }
0x8b: {  	s0 =	sand.u32 $0x1, s1  }
0x8c: {  	s16 =	sshll.u32 s0, $0xA;
	s2 =	sadd.s32 s3, s2  }
0x8d: {  	s2 =	sadd.s32 s2, s16  }
0x8e: {  	[smem:$0x3FB6] =	sst s2  }
0x8f: {  	_ = 	snop  }
0x90: {  	(tm) =	ssettm $0x1  }
0x91: {  	s17 =	sld [smem:$0x3FFB];
	_ =	sdelay $0x3  }
0x92: {  	_ =	strace s17  }
0x93: {  	s2 =	sld [smem:$0x3FFC];
	_ =	sdelay $0x3  }
0x94: {  	_ =	strace s2  }
0x95: {  	s2 =	sld [smem:$0x3FFD];
	_ =	sdelay $0x3  }
0x96: {  	_ =	strace s2  }
0x97: {  	_ =	strace $0x8FFFFFFF  }
0x98: {  	s18 =	sld [smem:$0x3FDB];
	_ =	sdelay $0x1  }
0x99: {  	s19 =	simm.s32 $_scs_section_size  }
0x9a: {  	s4 =	simm.s32 $_size__tile_overlayer_lowered;
	s5 =	simm.s32 $_tile_overlayer_lowered  }
0x9b: {  	s22 =	simm.s32 $0x1BFF;
	s21 =	sshll.u32 s5, $0x1;
	s2 =	sadd.s32 s19, s18  }
0x9c: {  	s6 =	simm.s32 $0x0;
	s20 =	sshll.u32 s4, $0x1;
	s4 =	sadd.s32 s21, s2  }
0x9d: {  	[timem:s6], [sflag:s22] =	dma.local [hbm:s4], s20  }
0x9e: {  	_ =	swait.ge [sflag:s22], s20  }
0x9f: {  	s3 =	ssub.s32 $0x0, s20;
	[sflag:s22] =	ssyncset.done $0x0  }
0xa0: {  	[sflag:s22] =	ssyncadd.s32 s3;
	_ =	sdelay $0x1  }
0xa1: {  	s23 =	simm.s32 $0x1B8B  }
0xa2: {  	_ =	swait.ge [sflag:s23], $0x1  }
0xa3: {  	[sflag:s23] =	ssyncset.done $0x0  }
0xa4: {  	s25 =	simm.s32 $0x1B8E;
	s24 =	sld [smem:$0x3FFE];
	[sflag:s23] =	ssyncadd.s32 $0xFFFFFFFF  }
0xa5: {  	s26 =	simm.s32 $execute0_lowered;
	[smem:$0x3FD2] =	sst s25  }
0xa6: {  	s4 =	sshll.u32 s26, $0x1;
	_ =	strace $0x8000004C;
	[dreg:$0x1] =	wrdreg $0xFFFFFFFF  }
0xa7: {  	s28 =	simm.s32 $_size_execute0_lowered;
	s2 =	sadd.s32 s2, s4;
	[dreg:$0x0] =	wrdreg $0x0  }
0xa8: {  	s4 =	sshll.u32 s28, $0x1;
	[dreg:$0x2] =	wrdreg s2  }
0xa9: {  	[dreg:$0x3] =	wrdreg s4  }
0xaa: {  	[dreg:$0x4] =	wrdreg $0xC0  }
0xab: {  	_ =	task [dreg:s6], $0x5FFFF  }
0xac: {  	[dreg:$0x1] =	wrdreg $0xFFFFFFFF  }
0xad: {  	[dreg:$0x0] =	wrdreg $0x60  }
0xae: {  	[dreg:$0x2] =	wrdreg s24  }
0xaf: {  	[dreg:$0x3] =	wrdreg $0x9800  }
0xb0: {  	[dreg:$0x4] =	wrdreg $0x9  }
0xb1: {  	_ =	task.clear_ibuf [dreg:s6], $0x5FFFF;
	_ =	strace $0x9000004C  }
0xb2: {  	s29 =	simm.s32 $0x9;
	_ =	strace $0x8000004E  }
0xb3: {  	_ =	swait.ge [sflag:s29], $0x1  }
0xb4: {  	[sflag:s29] =	ssyncadd.s32 $0xFFFFFFFF  }
0xb5: {  	_ =	strace $0x9000004E  }
0xb6: {  	_ =	sfence  }
0xb7: {  	s30 =	sld [smem:$0x0];
	_ =	sdelay $0x2  }
0xb8: {  	s31 =	sshll.u32 s1, $0xD;
	s1 =	sshrl.u32 s1, $0x2  }
0xb9: {  	s3 =	sand.u32 $0x4000, s31;
	s1 =	sadd.s32 s1, s30  }
0xba: {  	s0 =	sor.u32 s3, s0;
	s1 =	sshll.u32 s1, $0x11  }
0xbb: {  	s0 =	sor.u32 s1, s0  }
0xbc: {  	s0 =	sadd.s32 $0x8F2B, s0  }
0xbd: {  	[sflag:s0] =	ssyncadd.remote.s32 $0x1  }
0xbe: {  	_ =	sfence.sel $0xFFFF  }
0xbf: {  	[dreg:$0x0] =	wrdreg $0xFFFFFFFF;
	(pc) =	sbr.abs _section_cstart, $3  }
0xc0: {  	[dreg:$0x1] =	wrdreg $0xFFFFFFFF  }
0xc1: {  	_ =	task.clear_ibuf [dreg:s6], $0x2FFFF;
	_ =	strace $0x9FFFFFFF  }
0xc2: {  	(tm) =	ssettm $0x7FFFFFFF  }
0xc3: {  	_ =	shalt  }
tec
execute0_lowered:
.L_overlay_start_1:
0x0: {  	(tag) =	ssettag $0x1  }
0x1: {  	s8 =	rddreg [dreg:$0x0]  }
0x2: {  	s2 =	rddreg [dreg:$0x1]  }
0x3: {  	s0 =	rddreg [dreg:$0x2]  }
0x4: {  	s4 =	srdreg.scid;
	s1 =	stileid.u32  }
0x5: {  	s3 =	simm.s32 $0x0;
	s16 =	simm.s32 $0x180;
	s17 =	simm.s32 $0x2  }
0x6: {  	s18 =	simm.s32 $0x80;
	s19 =	simm.s32 $0x100;
	s20 =	simm.s32 $0x1  }
0x7: {  	s9 =	sand.u32 $0x1, s4;
	s10 =	smul.u32 $0x2800, s1;
	[smem:$0x7FF] =	sst s3  }
0x8: {  	s4 =	sadd.s32 $0xD800, s8;
	s5 =	sadd.s32 $0x8800, s8;
	s12 =	smul.u32 $0xA000, s1  }
0x9: {  	s21 =	sshll.u32 s1, $0x6;
	s6 =	smul.u32 $0x28000, s9;
	_ =	strace $0x8000004D  }
0xa: {  	s29 =	ssub.s32 $0x2, s9;
	s9 =	sshll.u32 s9, $0x4;
	s21 =	sor.u32 $0x1C02, s21  }
0xb: {  	s30 =	sshrl.u32 s29, $0x1;
	s12 =	sshrl.u32 s12, $0x2;
	s31 =	sor.u32 s1, s9  }
0xc: {  	s9 =	sadd.s32 s10, s2;
	s7 =	sadd.s32 s10, s6;
	s6 =	sadd.s32 $0x3800, s8  }
0xd: {  	s15 =	ssub.s32 s29, s30;
	s13 =	sadd.s32 s12, s2;
	s11 =	sshrl.u32 s7, $0x3  }
0xe: {  	s7 =	sadd.s32 $0x4AC00, s8;
	s10 =	sadd.s32 $0x800, s13;
	s12 =	sadd.s32 $0x1800, s13  }
0xf: {  	s15 =	smax.u32 s15, $0x1;
	s14 =	sadd.s32 s11, s8;
	s8 =	smul.u32 $0x1400, s31  }
0x10: {  	v0 =	vimm.f32 $0.0e+00;
	s11 =	sadd.s32 $0x1000, s13;
	s13 =	sadd.s32 $0x2000, s13;
	s14 =	sadd.s32 $0x3BC00, s14  }
.LBB2_1:
0x11: {  	s22 =	simm.s32 $0x40;
	s23 =	simm.s32 $0x0  }
.LBB2_2:
0x12: {  	p0 =	sne.s32 s22, $0x1FC0;
	[tilespmem:s23+$0x180] =	vst v0;
	s23 =	smov.u32 s22;
	s22 =	sadd.s32 $0x40, s22  }
.Ltmp0:
0x13: {  	(pc) =	sbr.rel @p0 .LBB2_2-.Ltmp0, $2  }
0x14: {  	_ =	sdelay $0x2  }
0x15: {  	s23 =	sshra.s32 s23, $0x2  }
0x16: {  	[tilespmem:s23+$0x180] =	vst v0  }
0x17: {  	[spmem:s9] =	stream.linear.scatter [tilespmem:s16], [sflag:$0x2], $0x800, $0x38;
	[tilespmem:$0x3180] =	vst v63  }
0x18: {  	_ =	swait.ge [sflag:s17], $0x800  }
0x19: {  	[sflag:s17] =	ssyncset.done $0x0  }
0x1a: {  	[sflag:s17] =	ssyncadd.s32 $0xFFFFF800  }
0x1b: {  	[spmem:s10] =	stream.linear.scatter [tilespmem:s16], [sflag:$0x2], $0x800, $0x38;
	[tilespmem:$0x3180] =	vst v63  }
0x1c: {  	_ =	swait.ge [sflag:s17], $0x800  }
0x1d: {  	[sflag:s17] =	ssyncset.done $0x0  }
0x1e: {  	[sflag:s17] =	ssyncadd.s32 $0xFFFFF800  }
0x1f: {  	[spmem:s11] =	stream.linear.scatter [tilespmem:s16], [sflag:$0x2], $0x800, $0x38;
	[tilespmem:$0x3180] =	vst v63  }
0x20: {  	_ =	swait.ge [sflag:s17], $0x800  }
0x21: {  	[sflag:s17] =	ssyncset.done $0x0  }
0x22: {  	[sflag:s17] =	ssyncadd.s32 $0xFFFFF800  }
0x23: {  	[spmem:s12] =	stream.linear.scatter [tilespmem:s16], [sflag:$0x2], $0x800, $0x38;
	[tilespmem:$0x3180] =	vst v63  }
0x24: {  	_ =	swait.ge [sflag:s17], $0x800  }
0x25: {  	[sflag:s17] =	ssyncset.done $0x0  }
0x26: {  	[sflag:s17] =	ssyncadd.s32 $0xFFFFF800  }
0x27: {  	[spmem:s13] =	stream.linear.scatter [tilespmem:s16], [sflag:$0x2], $0x800, $0x38;
	[tilespmem:$0x3180] =	vst v63  }
0x28: {  	_ =	swait.ge [sflag:s17], $0x800  }
0x29: {  	[sflag:s17] =	ssyncset.done $0x0  }
0x2a: {  	[sflag:s17] =	ssyncadd.s32 $0xFFFFF800  }
0x2b: {  	s22 =	simm.s32 $0x0;
	s23 =	simm.s32 $0x0;
	[bflag:$0x0] =	sbarrier.arrive $0xFFFF  }
.LBB2_4:
0x2c: {  	s24 =	sshll.u32 s23, $0x7  }
0x2d: {  	s24 =	sadd.s32 s8, s24  }
0x2e: {  	s24 =	sshrl.u32 s24, $0x3  }
0x2f: {  	s25 =	sadd.s32 s5, s24  }
0x30: {  	[tilespmem:s22], [sflag:$0x2] =	stream.linear.gather [hbm4b:s25+s22], $0x80, $0x38;
	[tilespmem:$0x3180] =	vst v63  }
0x31: {  	_ =	swait.ge [sflag:s17], $0x80  }
0x32: {  	[sflag:s17] =	ssyncset.done $0x0  }
0x33: {  	s31 =	sadd.s32 s6, s24;
	[sflag:s17] =	ssyncadd.s32 $0xFFFFFF80  }
0x34: {  	[tilespmem:s18], [sflag:$0x2] =	stream.linear.gather [hbm4b:s31+s22], $0x80, $0x38;
	[tilespmem:$0x3180] =	vst v63  }
0x35: {  	_ =	swait.ge [sflag:s17], $0x80  }
0x36: {  	[sflag:s17] =	ssyncset.done $0x0  }
0x37: {  	s24 =	sadd.s32 s7, s24;
	[sflag:s17] =	ssyncadd.s32 $0xFFFFFF80  }
0x38: {  	[tilespmem:s19], [sflag:$0x2] =	stream.linear.gather [hbm4b:s24+s22], $0x80, $0x38;
	[tilespmem:$0x3180] =	vst v63  }
0x39: {  	_ =	swait.ge [sflag:s17], $0x80  }
0x3a: {  	[sflag:s17] =	ssyncset.done $0x0  }
0x3b: {  	[sflag:s17] =	ssyncadd.s32 $0xFFFFFF80  }
0x3c: {  	[tilespmem:s16], [sflag:$0x1] =	stream.indirect.gather [hbm4b:s4+s18], $0x10, s22, s18, $0xb8;
	[tilespmem:$0x3180] =	vst v63  }
0x3d: {  	_ =	swait.ge [sflag:s20], $0x800  }
0x3e: {  	[sflag:s20] =	ssyncset.done $0x0  }
0x3f: {  	s24 =	simm.s32 $0x200;
	[sflag:s20] =	ssyncadd.s32 $0xFFFFF800  }
0x40: {  	s28 =	simm.s32 $0x0;
	s26 =	simm.s32 $0x40;
	s25 =	simm.s32 $0x200;
	v1 =	vld [tilespmem:s24+$0xFFFFFFB0]  }
.LBB2_5:
0x41: {  	p0 =	sne.s32 s26, $0x1C0;
	v2 =	vld [tilespmem:s28+$0x100]  }
0x42: {  	v3 =	vld [tilespmem:s24+$0xFFFFFF90]  }
0x43: {  	v4 =	vld [tilespmem:s24+$0xFFFFFF80]  }
0x44: {  	v5 =	vld [tilespmem:s24+$0xFFFFFFA0]  }
0x45: {  	v6 =	vld [tilespmem:s24+$0xFFFFFFF0]  }
0x46: {  	v7 =	vbroadcast v2, $0x0;
	v8 =	vbroadcast v2, $0x1;
	v9 =	vld [tilespmem:s24+$0xFFFFFFD0]  }
0x47: {  	v10 =	vbroadcast v2, $0x2;
	v11 =	vbroadcast v2, $0x3;
	v12 =	vld [tilespmem:s24+$0xFFFFFFC0]  }
0x48: {  	v4 =	vmul.f32 v7, v4;
	v3 =	vmul.f32 v3, v8;
	v7 =	vld [tilespmem:s24+$0xFFFFFFE0]  }
0x49: {  	v1 =	vmul.f32 v1, v11;
	v5 =	vmul.f32 v5, v10;
	v8 =	vld [tilespmem:s24+$0x30]  }
0x4a: {  	v10 =	vbroadcast v2, $0x5;
	[tilespmem:s24+$0xFFFFFF80] =	vst v4;
	v4 =	vbroadcast v2, $0x4;
	v11 =	vld [tilespmem:s24+$0x10]  }
0x4b: {  	v13 =	vbroadcast v2, $0x7;
	[tilespmem:s24+$0xFFFFFF90] =	vst v3;
	v3 =	vbroadcast v2, $0x6;
	v14 =	vld [tilespmem:s24+$0x0]  }
0x4c: {  	[tilespmem:s24+$0xFFFFFFA0] =	vst v5;
	v4 =	vmul.f32 v12, v4;
	v5 =	vmul.f32 v9, v10;
	v9 =	vld [tilespmem:s24+$0x20]  }
0x4d: {  	[tilespmem:s24+$0xFFFFFFB0] =	vst v1;
	v1 =	vmul.f32 v7, v3;
	v3 =	vmul.f32 v6, v13;
	v6 =	vld [tilespmem:s24+$0x70]  }
0x4e: {  	v7 =	vbroadcast v2, $0x9;
	[tilespmem:s24+$0xFFFFFFC0] =	vst v4;
	v4 =	vbroadcast v2, $0x8;
	v10 =	vld [tilespmem:s24+$0x50]  }
0x4f: {  	v12 =	vbroadcast v2, $0xB;
	[tilespmem:s24+$0xFFFFFFD0] =	vst v5;
	v5 =	vbroadcast v2, $0xA;
	v13 =	vld [tilespmem:s24+$0x40]  }
0x50: {  	[tilespmem:s24+$0xFFFFFFE0] =	vst v1;
	v1 =	vmul.f32 v14, v4;
	v4 =	vmul.f32 v11, v7;
	v7 =	vld [tilespmem:s24+$0x60]  }
0x51: {  	[tilespmem:s24+$0xFFFFFFF0] =	vst v3;
	v3 =	vmul.f32 v9, v5;
	v5 =	vmul.f32 v8, v12  }
0x52: {  	v8 =	vbroadcast v2, $0xD;
	[tilespmem:s24+$0x0] =	vst v1;
	v1 =	vbroadcast v2, $0xC  }
0x53: {  	[tilespmem:s24+$0x10] =	vst v4;
	v4 =	vbroadcast v2, $0xE;
	v2 =	vbroadcast v2, $0xF  }
0x54: {  	[tilespmem:s24+$0x20] =	vst v3;
	v1 =	vmul.f32 v13, v1;
	v3 =	vmul.f32 v10, v8  }
.Ltmp1:
0x55: {  	[tilespmem:s24+$0x30] =	vst v5;
	v4 =	vmul.f32 v7, v4;
	v2 =	vmul.f32 v6, v2;
	(pc) =	sbr.rel @p0 .LBB2_5-.Ltmp1, $4  }
0x56: {  	[tilespmem:s24+$0x40] =	vst v1  }
0x57: {  	[tilespmem:s24+$0x50] =	vst v3  }
0x58: {  	s24 =	sadd.s32 $0x100, s24;
	[tilespmem:s25+$0x60] =	vst v4  }
0x59: {  	s28 =	sshra.s32 s26, $0x2;
	s26 =	sadd.s32 $0x40, s26;
	v1 =	vld [tilespmem:s24+$0xFFFFFFB0];
	[tilespmem:s25+$0x70] =	vst v2;
	s25 =	smov.u32 s24  }
0x5a: {  	v2 =	vld [tilespmem:s28+$0x100];
	_ =	sdelay $0x1  }
0x5b: {  	v3 =	vld [tilespmem:s24+$0xFFFFFF80]  }
0x5c: {  	v4 =	vld [tilespmem:s24+$0xFFFFFF90]  }
0x5d: {  	v5 =	vld [tilespmem:s24+$0xFFFFFFA0]  }
0x5e: {  	v6 =	vbroadcast v2, $0x0  }
0x5f: {  	v9 =	vld [tilespmem:s24+$0xFFFFFFD0];
	v7 =	vbroadcast v2, $0x1  }
0x60: {  	v8 =	vld [tilespmem:s24+$0xFFFFFFC0];
	v10 =	vbroadcast v2, $0x2;
	v3 =	vmul.f32 v6, v3  }
0x61: {  	v48 =	vld [tilespmem:s24+$0xFFFFFFE0];
	v47 =	vbroadcast v2, $0x3;
	v4 =	vmul.f32 v4, v7  }
0x62: {  	v51 =	vld [tilespmem:s24+$0x10];
	v49 =	vbroadcast v2, $0x5;
	v5 =	vmul.f32 v5, v10;
	[tilespmem:s24+$0xFFFFFF80] =	vst v3  }
0x63: {  	v11 =	vld [tilespmem:s24+$0xFFFFFFF0];
	v1 =	vmul.f32 v1, v47;
	v3 =	vbroadcast v2, $0x4;
	[tilespmem:s24+$0xFFFFFF90] =	vst v4  }
0x64: {  	v50 =	vld [tilespmem:s24+$0x0];
	v12 =	vbroadcast v2, $0x6;
	v6 =	vmul.f32 v9, v49;
	[tilespmem:s24+$0xFFFFFFA0] =	vst v5  }
0x65: {  	v56 =	vld [tilespmem:s24+$0x50];
	v54 =	vbroadcast v2, $0x9;
	[tilespmem:s24+$0xFFFFFFB0] =	vst v1;
	v3 =	vmul.f32 v8, v3  }
0x66: {  	v53 =	vld [tilespmem:s24+$0x20];
	v52 =	vbroadcast v2, $0x7;
	v7 =	vmul.f32 v48, v12;
	[tilespmem:s24+$0xFFFFFFD0] =	vst v6  }
0x67: {  	v59 =	vmul.f32 v51, v54;
	v1 =	vld [tilespmem:s24+$0x30];
	[tilespmem:s24+$0xFFFFFFC0] =	vst v3;
	v3 =	vbroadcast v2, $0x8  }
0x68: {  	v55 =	vld [tilespmem:s24+$0x40];
	v62 =	vbroadcast v2, $0xD;
	v5 =	vmul.f32 v11, v52;
	[tilespmem:s24+$0xFFFFFFE0] =	vst v7  }
0x69: {  	v60 =	vld [tilespmem:s24+$0x60];
	v57 =	vbroadcast v2, $0xA;
	[tilespmem:s24+$0x10] =	vst v59;
	v3 =	vmul.f32 v50, v3  }
0x6a: {  	v61 =	vld [tilespmem:s24+$0x70];
	v58 =	vbroadcast v2, $0xB;
	v4 =	vmul.f32 v56, v62;
	[tilespmem:s24+$0xFFFFFFF0] =	vst v5  }
0x6b: {  	v8 =	vmul.f32 v53, v57;
	[tilespmem:s24+$0x0] =	vst v3;
	v3 =	vbroadcast v2, $0xC  }
0x6c: {  	v63 =	vbroadcast v2, $0xE;
	[tilespmem:s24+$0x50] =	vst v4;
	v1 =	vmul.f32 v1, v58  }
0x6d: {  	[tilespmem:s24+$0x20] =	vst v8;
	v2 =	vbroadcast v2, $0xF;
	v3 =	vmul.f32 v55, v3  }
0x6e: {  	[tilespmem:s24+$0x30] =	vst v1;
	v1 =	vmul.f32 v60, v63  }
0x6f: {  	s23 =	sadd.s32 $0x1, s23;
	v2 =	vmul.f32 v61, v2;
	[tilespmem:s24+$0x40] =	vst v3  }
0x70: {  	p0 =	sne.s32 s23, $0x28;
	[tilespmem:s25+$0x60] =	vst v1  }
.Ltmp2:
0x71: {  	[tilespmem:s25+$0x70] =	vst v2;
	(pc) =	sbr.rel @p0 .LBB2_4-.Ltmp2, $4  }
0x72: {  	[spmem:s2] =	stream.indirect.scatter.add.f32 [tilespmem:s16], [sflag:$0x2], $0x10, s18, s18, $0xb8;
	[tilespmem:$0x3180] =	vst v63  }
0x73: {  	_ =	swait.ge [sflag:s17], $0x800  }
0x74: {  	[sflag:s17] =	ssyncset.done $0x0  }
0x75: {  	[sflag:s17] =	ssyncadd.s32 $0xFFFFF800  }
0x76: {  	s3 =	sadd.s32 $0x1, s3  }
0x77: {  	p0 =	sne.s32 s3, s15  }
.Ltmp3:
0x78: {  	[bflag:$0x0] =	sbarrier.arrive $0xFFFF;
	s22 =	sshrl.u32 s9, $0x3;
	(pc) =	sbr.rel @p0 .LBB2_1-.Ltmp3, $4  }
0x79: {  	[hbm:s14], [sflag:s21] =	dma.local [spmem:s22], $0x500  }
0x7a: {  	_ =	swait.ge [sflag:s17], $0x500  }
0x7b: {  	[sflag:s17] =	ssyncset.done $0x0  }
0x7c: {  	[sflag:s17] =	ssyncadd.s32 $0xFFFFFB00  }
0x7d: {  	_ =	sfence.sel $0x180000  }
0x7e: {  	[bflag:$0x0] =	sbarrier.arrive $0xFFFF  }
0x7f: {  	p0 =	sne.s32 s1, $0x0;
	_ =	strace $0x9000004D  }
0x80: {  	s0 =	sadd.s32 @!p0 $0x100000, s0;
	[bflag:$0x2] =	sbarrier.arrive $0xFFFF  }
0x81: {  	[sflag:s0] =	ssyncadd.tile.s32 @!p0 $0x1;
	_ =	shalt  }
.Lfunc_end2:
_tile_overlayer_lowered:
.L_overlay_start_2:
0x82: {  	(tag) =	ssettag $0x2  }
0x83: {  	s0 =	rddreg [dreg:$0x0];
	s2 =	stileid.u32  }
0x84: {  	s1 =	rddreg [dreg:$0x1];
	p0 =	sne.s32 s2, $0x0  }
0x85: {  	s3 =	rddreg [dreg:$0x2];
	[bflag:$0x3] =	sbarrier.arrive $0xFFFF;
	s2 =	simm.s32 @!p0 $0x1C02  }
0x86: {  	[timem:s3], [sflag:s2] =	dma.local @!p0 [hbm:s0], s1  }
0x87: {  	s0 =	simm.s32 @!p0 $0x2  }
0x88: {  	_ =	swait.ge @!p0 [sflag:s0], s1  }
0x89: {  	s1 =	ssub.s32 @!p0 $0x0, s1;
	[sflag:s0] =	ssyncset.done @!p0 $0x0  }
0x8a: {  	[sflag:s0] =	ssyncadd.s32 @!p0 s1  }
0x8b: {  	[bflag:$0x3] =	sbarrier.arrive $0xFFFF  }
0x8c: {  	_ =	shalt  }

// kernel: kernel.19.cloned.1.call-start
scs
__scs_entry_jumppad:
0x0: {  	(pc) =	sbr.rel $0x88, $3  }
0x1: {  	(tag) =	ssettag $0x0;
	lr =	simm.s32 $0x1  }
0x2: {  	[smem:$0x3F8F] =	sst lr;
	_ =	strace $0xD0000000  }
0x3: {  	_ = 	snop  }
0x4: {  	_ = 	snop  }
0x5: {  	_ = 	snop  }
0x6: {  	_ = 	snop  }
0x7: {  	_ = 	snop  }
__scs_overlays_trampoline_lowered:
0x8: {  	[smem:$0x3F9E] =	sst s0  }
0x9: {  	[smem:$0x3F9F] =	sst s1  }
0xa: {  	[smem:$0x3FA0] =	sst s2  }
0xb: {  	[smem:$0x3FA1] =	sst s3  }
0xc: {  	[smem:$0x3FA2] =	sst s4  }
0xd: {  	[smem:$0x3FA3] =	sst s5  }
0xe: {  	[smem:$0x3FA4] =	sst s6  }
0xf: {  	[smem:$0x3FA5] =	sst s7  }
0x10: {  	[smem:$0x3FA6] =	sst s8  }
0x11: {  	[smem:$0x3FA7] =	sst s9;
	s0 =	simm.s32 @!p0 $0x0  }
0x12: {  	s1 =	sld [smem:$0x3F8D];
	s0 =	simm.s32 @p0 $0x1  }
0x13: {  	[smem:$0x3FA8] =	sst s0;
	s0 =	simm.s32 @!p1 $0x0  }
0x14: {  	s2 =	sld [smem:$0x3F8C];
	s0 =	simm.s32 @p1 $0x1  }
0x15: {  	[smem:$0x3FA9] =	sst s0;
	s0 =	simm.s32 @!p2 $0x0  }
0x16: {  	s3 =	sld [smem:$0x3FDB];
	s0 =	simm.s32 @p2 $0x1  }
0x17: {  	s4 =	simm.s32 $0x1BF5;
	[smem:$0x3FAB] =	sst s0  }
0x18: {  	s0 =	sld [smem:$0x3F8E];
	_ =	swait.ge [sflag:s4], $0x0  }
0x19: {  	s7 =	sld [smem:$0x3F8F]  }
0x1a: {  	s8 =	sadd.s32 $0xFFFFE003, lr  }
0x1b: {  	s9 =	sadd.s32 $0xFFFFFEF7, lr;
	s5 =	simm.s32 $0xFFFFFFFF;
	p2 =	slt.u32 s8, $0xFFFFF086  }
0x1c: {  	p1 =	slt.u32 s9, $0xF7A;
	s5 =	simm.s32 @!p2 $0x0  }
0x1d: {  	s5 =	simm.s32 @p1 $0x1;
	p0 =	seq.s32 s7, s2  }
0x1e: {  	s7 =	smul.u32 @!p0 $0xF7A, s2;
	p2 =	seq.s32 @!p0 s5, $0x0  }
0x1f: {  	s9 =	smul.u32 $0xF7A, s1;
	s8 =	simm.s32 @!p0 $0x1BF5;
	p2 =	por !p2, p0  }
0x20: {  	[sflag:s8] =	ssyncset.s32 @!p0 $0xFFFFF086;
	s6 =	sadd.s32 @!p0 s3, s7;
	s7 =	simm.s32 @!p0 $0x108  }
0x21: {  	s3 =	sadd.s32 s3, s9;
	s6 =	sadd.s32 @!p0 $0x88, s6;
	s7 =	simm.s32 @p2 $0x1082  }
0x22: {  	[simem:s7], [sflag:s8] =	dma.local @!p0 [hbm:s6], $0xF7A  }
0x23: {  	s9 =	sor.u32 $0xD0000000, s2;
	s6 =	simm.s32 $0x108;
	_ =	swait.ge @!p0 [sflag:s8], $0x0  }
0x24: {  	s3 =	sadd.s32 $0x88, s3;
	s6 =	simm.s32 @!p1 $0x1082;
	[sflag:s4] =	ssyncset.s32 $0xFFFFF086  }
0x25: {  	[simem:s6], [sflag:s4] =	dma.local [hbm:s3], $0xF7A  }
0x26: {  	[smem:$0x3F8F] =	sst s1;
	(tag) =	ssettag s2;
	_ =	strace s9  }
0x27: {  	s1 =	sld [smem:$0x3F9F]  }
0x28: {  	s2 =	sld [smem:$0x3FA0]  }
0x29: {  	s4 =	sld [smem:$0x3FA2]  }
0x2a: {  	p0 =	seq.s32 s5, $0x0;
	s5 =	sld [smem:$0x3FA3]  }
0x2b: {  	s6 =	sld [smem:$0x3FA4]  }
0x2c: {  	s7 =	sld [smem:$0x3FA5]  }
0x2d: {  	s3 =	simm.s32 $0x108;
	s8 =	sld [smem:$0x3FA6]  }
0x2e: {  	s3 =	simm.s32 @!p0 $0x1082;
	s9 =	sld [smem:$0x3FA7]  }
0x2f: {  	lr =	sadd.s32 s0, s3;
	s0 =	sld [smem:$0x3F9E]  }
0x30: {  	s3 =	sld [smem:$0x3FA1]  }
0x31: {  	[smem:$0x3FAA] =	sst s10  }
0x32: {  	s10 =	sld [smem:$0x3FA8];
	_ =	sdelay $0x3  }
0x33: {  	p0 =	seq.s32 s10, $0x1;
	s10 =	sld [smem:$0x3FAA];
	_ =	sdelay $0x3  }
0x34: {  	[smem:$0x3FAA] =	sst s10  }
0x35: {  	s10 =	sld [smem:$0x3FA9];
	_ =	sdelay $0x3  }
0x36: {  	p1 =	seq.s32 s10, $0x1;
	s10 =	sld [smem:$0x3FAA];
	_ =	sdelay $0x3  }
0x37: {  	[smem:$0x3FAA] =	sst s10  }
0x38: {  	s10 =	sld [smem:$0x3FAB]  }
0x39: {  	_ = 	snop;
	(pc) =	sbr.ind lr, $3  }
0x3a: {  	_ = 	snop  }
0x3b: {  	_ = 	snop  }
0x3c: {  	p2 =	seq.s32 s10, $0x1;
	s10 =	sld [smem:$0x3FAA]  }
0x3d: {  	_ =	shalt  }
0x3e: {  	_ =	shalt  }
0x3f: {  	_ =	shalt  }
0x40: {  	_ =	shalt  }
0x41: {  	_ =	shalt  }
0x42: {  	_ =	shalt  }
0x43: {  	_ =	shalt  }
0x44: {  	_ =	shalt  }
0x45: {  	_ =	shalt  }
0x46: {  	_ =	shalt  }
0x47: {  	_ =	shalt  }
0x48: {  	_ =	shalt  }
0x49: {  	_ =	shalt  }
0x4a: {  	_ =	shalt  }
0x4b: {  	_ =	shalt  }
0x4c: {  	_ =	shalt  }
0x4d: {  	_ =	shalt  }
0x4e: {  	_ =	shalt  }
0x4f: {  	_ =	shalt  }
0x50: {  	_ =	shalt  }
0x51: {  	_ =	shalt  }
0x52: {  	_ =	shalt  }
0x53: {  	_ =	shalt  }
0x54: {  	_ =	shalt  }
0x55: {  	_ =	shalt  }
0x56: {  	_ =	shalt  }
0x57: {  	_ =	shalt  }
0x58: {  	_ =	shalt  }
0x59: {  	_ =	shalt  }
0x5a: {  	_ =	shalt  }
0x5b: {  	_ =	shalt  }
0x5c: {  	_ =	shalt  }
0x5d: {  	_ =	shalt  }
0x5e: {  	_ =	shalt  }
0x5f: {  	_ =	shalt  }
0x60: {  	_ =	shalt  }
0x61: {  	_ =	shalt  }
0x62: {  	_ =	shalt  }
0x63: {  	_ =	shalt  }
0x64: {  	_ =	shalt  }
0x65: {  	_ =	shalt  }
0x66: {  	_ =	shalt  }
0x67: {  	_ =	shalt  }
0x68: {  	_ =	shalt  }
0x69: {  	_ =	shalt  }
0x6a: {  	_ =	shalt  }
0x6b: {  	_ =	shalt  }
0x6c: {  	_ =	shalt  }
0x6d: {  	_ =	shalt  }
0x6e: {  	_ =	shalt  }
0x6f: {  	_ =	shalt  }
0x70: {  	_ =	shalt  }
0x71: {  	_ =	shalt  }
0x72: {  	_ =	shalt  }
0x73: {  	_ =	shalt  }
0x74: {  	_ =	shalt  }
0x75: {  	_ =	shalt  }
0x76: {  	_ =	shalt  }
0x77: {  	_ =	shalt  }
0x78: {  	_ =	shalt  }
0x79: {  	_ =	shalt  }
0x7a: {  	_ =	shalt  }
0x7b: {  	_ =	shalt  }
0x7c: {  	_ =	shalt  }
0x7d: {  	_ =	shalt  }
0x7e: {  	_ =	shalt  }
0x7f: {  	_ =	shalt  }
0x80: {  	_ =	shalt  }
0x81: {  	_ =	shalt  }
0x82: {  	_ =	shalt  }
0x83: {  	_ =	shalt  }
0x84: {  	_ =	shalt  }
0x85: {  	_ =	shalt  }
0x86: {  	_ =	shalt  }
0x87: {  	_ =	shalt  }
.Lfunc_end0:
.L_simem_size_0:
called_computation.3_lowered:
.L_overlay_start_0:
0x88: {  	s2 =	sld [smem:$0x3FD9]  }
0x89: {  	s3 =	sld [smem:$0x3FFE];
	_ =	sdelay $0x1  }
0x8a: {  	s1 =	srdreg.scid  }
0x8b: {  	s0 =	sand.u32 $0x1, s1  }
0x8c: {  	s16 =	sshll.u32 s0, $0xA;
	s2 =	sadd.s32 s3, s2  }
0x8d: {  	s2 =	sadd.s32 s2, s16  }
0x8e: {  	[smem:$0x3FB6] =	sst s2  }
0x8f: {  	_ = 	snop  }
0x90: {  	(tm) =	ssettm $0x1  }
0x91: {  	s17 =	sld [smem:$0x3FFB];
	_ =	sdelay $0x3  }
0x92: {  	_ =	strace s17  }
0x93: {  	s2 =	sld [smem:$0x3FFC];
	_ =	sdelay $0x3  }
0x94: {  	_ =	strace s2  }
0x95: {  	s2 =	sld [smem:$0x3FFD];
	_ =	sdelay $0x3  }
0x96: {  	_ =	strace s2  }
0x97: {  	_ =	strace $0x8FFFFFFF  }
0x98: {  	s18 =	sld [smem:$0x3FDB];
	_ =	sdelay $0x1  }
0x99: {  	s19 =	simm.s32 $_scs_section_size  }
0x9a: {  	s4 =	simm.s32 $_size__tile_overlayer_lowered;
	s5 =	simm.s32 $_tile_overlayer_lowered  }
0x9b: {  	s22 =	simm.s32 $0x1BFF;
	s21 =	sshll.u32 s5, $0x1;
	s2 =	sadd.s32 s19, s18  }
0x9c: {  	s6 =	simm.s32 $0x0;
	s20 =	sshll.u32 s4, $0x1;
	s4 =	sadd.s32 s21, s2  }
0x9d: {  	[timem:s6], [sflag:s22] =	dma.local [hbm:s4], s20  }
0x9e: {  	_ =	swait.ge [sflag:s22], s20  }
0x9f: {  	s3 =	ssub.s32 $0x0, s20;
	[sflag:s22] =	ssyncset.done $0x0  }
0xa0: {  	[sflag:s22] =	ssyncadd.s32 s3;
	_ =	sdelay $0x1  }
0xa1: {  	s23 =	simm.s32 $0x1B8B  }
0xa2: {  	_ =	swait.ge [sflag:s23], $0x1  }
0xa3: {  	[sflag:s23] =	ssyncset.done $0x0  }
0xa4: {  	s25 =	simm.s32 $0x1B8E;
	s24 =	sld [smem:$0x3FFE];
	[sflag:s23] =	ssyncadd.s32 $0xFFFFFFFF  }
0xa5: {  	s26 =	simm.s32 $execute0_lowered;
	[smem:$0x3FD2] =	sst s25  }
0xa6: {  	s4 =	sshll.u32 s26, $0x1;
	_ =	strace $0x8000004F;
	[dreg:$0x1] =	wrdreg $0xFFFFFFFF  }
0xa7: {  	s28 =	simm.s32 $_size_execute0_lowered;
	s2 =	sadd.s32 s2, s4;
	[dreg:$0x0] =	wrdreg $0x0  }
0xa8: {  	s4 =	sshll.u32 s28, $0x1;
	[dreg:$0x2] =	wrdreg s2  }
0xa9: {  	[dreg:$0x3] =	wrdreg s4  }
0xaa: {  	[dreg:$0x4] =	wrdreg $0xC0  }
0xab: {  	_ =	task [dreg:s6], $0x5FFFF  }
0xac: {  	[dreg:$0x1] =	wrdreg $0xFFFFFFFF  }
0xad: {  	[dreg:$0x0] =	wrdreg $0x60  }
0xae: {  	[dreg:$0x2] =	wrdreg s24  }
0xaf: {  	[dreg:$0x3] =	wrdreg $0x21800  }
0xb0: {  	[dreg:$0x4] =	wrdreg $0x9  }
0xb1: {  	_ =	task.clear_ibuf [dreg:s6], $0x5FFFF;
	_ =	strace $0x9000004F  }
0xb2: {  	s29 =	simm.s32 $0x9;
	_ =	strace $0x80000051  }
0xb3: {  	_ =	swait.ge [sflag:s29], $0x1  }
0xb4: {  	[sflag:s29] =	ssyncadd.s32 $0xFFFFFFFF  }
0xb5: {  	_ =	strace $0x90000051  }
0xb6: {  	_ =	sfence  }
0xb7: {  	s30 =	sld [smem:$0x0];
	_ =	sdelay $0x2  }
0xb8: {  	s31 =	sshll.u32 s1, $0xD;
	s1 =	sshrl.u32 s1, $0x2  }
0xb9: {  	s3 =	sand.u32 $0x4000, s31;
	s1 =	sadd.s32 s1, s30  }
0xba: {  	s0 =	sor.u32 s3, s0;
	s1 =	sshll.u32 s1, $0x11  }
0xbb: {  	s0 =	sor.u32 s1, s0  }
0xbc: {  	s0 =	sadd.s32 $0x8F2B, s0  }
0xbd: {  	[sflag:s0] =	ssyncadd.remote.s32 $0x1  }
0xbe: {  	_ =	sfence.sel $0xFFFF  }
0xbf: {  	[dreg:$0x0] =	wrdreg $0xFFFFFFFF;
	(pc) =	sbr.abs _section_cstart, $3  }
0xc0: {  	[dreg:$0x1] =	wrdreg $0xFFFFFFFF  }
0xc1: {  	_ =	task.clear_ibuf [dreg:s6], $0x2FFFF;
	_ =	strace $0x9FFFFFFF  }
0xc2: {  	(tm) =	ssettm $0x7FFFFFFF  }
0xc3: {  	_ =	shalt  }
tec
execute0_lowered:
.L_overlay_start_1:
0x0: {  	(tag) =	ssettag $0x1  }
0x1: {  	s8 =	rddreg [dreg:$0x0]  }
0x2: {  	s2 =	rddreg [dreg:$0x1]  }
0x3: {  	s0 =	rddreg [dreg:$0x2]  }
0x4: {  	s4 =	srdreg.scid;
	s1 =	stileid.u32;
	s3 =	simm.s32 $0x0  }
0x5: {  	s16 =	simm.s32 $0x180;
	s17 =	simm.s32 $0x2;
	s18 =	simm.s32 $0x80  }
0x6: {  	s19 =	simm.s32 $0x100;
	s20 =	simm.s32 $0x1;
	s9 =	sand.u32 $0x1, s4  }
0x7: {  	s10 =	smul.u32 $0xA000, s1;
	[smem:$0x7FF] =	sst s3;
	s4 =	sadd.s32 $0xD800, s8  }
0x8: {  	s5 =	sadd.s32 $0x8800, s8;
	s6 =	sadd.s32 $0x3800, s8;
	s12 =	smul.u32 $0x28000, s1  }
0x9: {  	s7 =	smul.u32 $0xA0000, s9;
	s30 =	ssub.s32 $0x2, s9;
	s9 =	sshll.u32 s9, $0x4  }
0xa: {  	_ =	strace $0x80000050;
	s31 =	sshrl.u32 s30, $0x1;
	s9 =	sor.u32 s1, s9  }
0xb: {  	s12 =	sshrl.u32 s12, $0x2;
	s11 =	sadd.s32 s10, s7;
	s7 =	sadd.s32 $0x4AC00, s8  }
0xc: {  	s15 =	ssub.s32 s30, s31;
	s13 =	sadd.s32 s12, s2;
	s11 =	sshrl.u32 s11, $0x3  }
0xd: {  	s12 =	sadd.s32 $0x6000, s13;
	s15 =	smax.u32 s15, $0x1;
	s14 =	sadd.s32 s11, s8  }
0xe: {  	s8 =	smul.u32 $0x1400, s9;
	s9 =	sadd.s32 s10, s2;
	s10 =	sadd.s32 $0x2000, s13  }
0xf: {  	v0 =	vimm.f32 $0.0e+00;
	s11 =	sadd.s32 $0x4000, s13;
	s13 =	sadd.s32 $0x8000, s13;
	s14 =	sadd.s32 $0x21800, s14  }
.LBB2_1:
0x10: {  	s22 =	simm.s32 $0x100;
	s21 =	simm.s32 $0x0  }
.LBB2_2:
0x11: {  	p0 =	sne.s32 s22, $0x7F00;
	[tilespmem:s21+$0x1B0] =	vst v0;
	s23 =	smov.u32 s22;
	s22 =	sadd.s32 $0x100, s22  }
.Ltmp0:
0x12: {  	[tilespmem:s21+$0x1A0] =	vst v0;
	(pc) =	sbr.rel @p0 .LBB2_2-.Ltmp0, $3  }
0x13: {  	[tilespmem:s21+$0x180] =	vst v0  }
0x14: {  	[tilespmem:s21+$0x190] =	vst v0;
	_ =	sdelay $0x1  }
0x15: {  	s21 =	sshra.s32 s23, $0x2  }
0x16: {  	[tilespmem:s21+$0x1B0] =	vst v0  }
0x17: {  	[tilespmem:s21+$0x1A0] =	vst v0  }
0x18: {  	[tilespmem:s21+$0x180] =	vst v0  }
0x19: {  	[tilespmem:s21+$0x190] =	vst v0  }
0x1a: {  	[spmem:s9] =	stream.linear.scatter [tilespmem:s16], [sflag:$0x2], $0x2000, $0x38;
	[tilespmem:$0xC180] =	vst v63  }
0x1b: {  	_ =	swait.ge [sflag:s17], $0x2000  }
0x1c: {  	[sflag:s17] =	ssyncset.done $0x0  }
0x1d: {  	[sflag:s17] =	ssyncadd.s32 $0xFFFFE000  }
0x1e: {  	[spmem:s10] =	stream.linear.scatter [tilespmem:s16], [sflag:$0x2], $0x2000, $0x38;
	[tilespmem:$0xC180] =	vst v63  }
0x1f: {  	_ =	swait.ge [sflag:s17], $0x2000  }
0x20: {  	[sflag:s17] =	ssyncset.done $0x0  }
0x21: {  	[sflag:s17] =	ssyncadd.s32 $0xFFFFE000  }
0x22: {  	[spmem:s11] =	stream.linear.scatter [tilespmem:s16], [sflag:$0x2], $0x2000, $0x38;
	[tilespmem:$0xC180] =	vst v63  }
0x23: {  	_ =	swait.ge [sflag:s17], $0x2000  }
0x24: {  	[sflag:s17] =	ssyncset.done $0x0  }
0x25: {  	[sflag:s17] =	ssyncadd.s32 $0xFFFFE000  }
0x26: {  	[spmem:s12] =	stream.linear.scatter [tilespmem:s16], [sflag:$0x2], $0x2000, $0x38;
	[tilespmem:$0xC180] =	vst v63  }
0x27: {  	_ =	swait.ge [sflag:s17], $0x2000  }
0x28: {  	[sflag:s17] =	ssyncset.done $0x0  }
0x29: {  	[sflag:s17] =	ssyncadd.s32 $0xFFFFE000  }
0x2a: {  	[spmem:s13] =	stream.linear.scatter [tilespmem:s16], [sflag:$0x2], $0x2000, $0x38;
	[tilespmem:$0xC180] =	vst v63  }
0x2b: {  	_ =	swait.ge [sflag:s17], $0x2000  }
0x2c: {  	[sflag:s17] =	ssyncset.done $0x0  }
0x2d: {  	[sflag:s17] =	ssyncadd.s32 $0xFFFFE000  }
0x2e: {  	s21 =	simm.s32 $0x0;
	s22 =	simm.s32 $0x0;
	[bflag:$0x0] =	sbarrier.arrive $0xFFFF  }
.LBB2_4:
0x2f: {  	s23 =	sshll.u32 s22, $0x7  }
0x30: {  	s23 =	sadd.s32 s8, s23  }
0x31: {  	s23 =	sshrl.u32 s23, $0x3  }
0x32: {  	s24 =	sadd.s32 s5, s23  }
0x33: {  	[tilespmem:s21], [sflag:$0x2] =	stream.linear.gather [hbm4b:s24+s21], $0x80, $0x38;
	[tilespmem:$0xC180] =	vst v63  }
0x34: {  	_ =	swait.ge [sflag:s17], $0x80  }
0x35: {  	[sflag:s17] =	ssyncset.done $0x0  }
0x36: {  	s31 =	sadd.s32 s6, s23;
	[sflag:s17] =	ssyncadd.s32 $0xFFFFFF80  }
0x37: {  	[tilespmem:s18], [sflag:$0x2] =	stream.linear.gather [hbm4b:s31+s21], $0x80, $0x38;
	[tilespmem:$0xC180] =	vst v63  }
0x38: {  	_ =	swait.ge [sflag:s17], $0x80  }
0x39: {  	[sflag:s17] =	ssyncset.done $0x0  }
0x3a: {  	s23 =	sadd.s32 s7, s23;
	[sflag:s17] =	ssyncadd.s32 $0xFFFFFF80  }
0x3b: {  	[tilespmem:s19], [sflag:$0x2] =	stream.linear.gather [hbm4b:s23+s21], $0x80, $0x38;
	[tilespmem:$0xC180] =	vst v63  }
0x3c: {  	_ =	swait.ge [sflag:s17], $0x80  }
0x3d: {  	[sflag:s17] =	ssyncset.done $0x0  }
0x3e: {  	[sflag:s17] =	ssyncadd.s32 $0xFFFFFF80  }
0x3f: {  	[tilespmem:s16], [sflag:$0x1] =	stream.indirect.gather [hbm4b:s4+s18], $0x40, s21, s18, $0xb8;
	[tilespmem:$0xC180] =	vst v63  }
0x40: {  	_ =	swait.ge [sflag:s20], $0x2000  }
0x41: {  	[sflag:s20] =	ssyncset.done $0x0  }
0x42: {  	s24 =	simm.s32 $0x0;
	s23 =	simm.s32 $0x380;
	[sflag:s20] =	ssyncadd.s32 $0xFFFFE000  }
.LBB2_5:
0x43: {  	s25 =	sshra.s32 s24, $0x2  }
0x44: {  	v1 =	vld [tilespmem:s25+$0x100];
	_ =	sdelay $0x1  }
0x45: {  	v2 =	vld [tilespmem:s23+$0xFFFFFE00];
	_ =	sdelay $0x2  }
0x46: {  	v3 =	vbroadcast v1, $0x0;
	_ =	sdelay $0x1  }
0x47: {  	v2 =	vmul.f32 v3, v2;
	_ =	sdelay $0x1  }
0x48: {  	[tilespmem:s23+$0xFFFFFE00] =	vst v2;
	v2 =	vld [tilespmem:s23+$0xFFFFFE10];
	_ =	sdelay $0x4  }
0x49: {  	v2 =	vmul.f32 v2, v3;
	_ =	sdelay $0x1  }
0x4a: {  	[tilespmem:s23+$0xFFFFFE10] =	vst v2;
	v2 =	vld [tilespmem:s23+$0xFFFFFE20];
	_ =	sdelay $0x4  }
0x4b: {  	v2 =	vmul.f32 v2, v3;
	_ =	sdelay $0x1  }
0x4c: {  	[tilespmem:s23+$0xFFFFFE20] =	vst v2;
	v2 =	vld [tilespmem:s23+$0xFFFFFE30];
	_ =	sdelay $0x4  }
0x4d: {  	v2 =	vmul.f32 v2, v3;
	_ =	sdelay $0x1  }
0x4e: {  	[tilespmem:s23+$0xFFFFFE30] =	vst v2;
	v2 =	vld [tilespmem:s23+$0xFFFFFE40];
	_ =	sdelay $0x2  }
0x4f: {  	v3 =	vbroadcast v1, $0x1;
	_ =	sdelay $0x1  }
0x50: {  	v2 =	vmul.f32 v2, v3;
	_ =	sdelay $0x1  }
0x51: {  	[tilespmem:s23+$0xFFFFFE40] =	vst v2;
	v2 =	vld [tilespmem:s23+$0xFFFFFE50];
	_ =	sdelay $0x4  }
0x52: {  	v2 =	vmul.f32 v2, v3;
	_ =	sdelay $0x1  }
0x53: {  	[tilespmem:s23+$0xFFFFFE50] =	vst v2;
	v2 =	vld [tilespmem:s23+$0xFFFFFE60];
	_ =	sdelay $0x4  }
0x54: {  	v2 =	vmul.f32 v2, v3;
	_ =	sdelay $0x1  }
0x55: {  	[tilespmem:s23+$0xFFFFFE60] =	vst v2;
	v2 =	vld [tilespmem:s23+$0xFFFFFE70];
	_ =	sdelay $0x4  }
0x56: {  	v2 =	vmul.f32 v2, v3;
	_ =	sdelay $0x1  }
0x57: {  	[tilespmem:s23+$0xFFFFFE70] =	vst v2;
	v2 =	vld [tilespmem:s23+$0xFFFFFE80];
	_ =	sdelay $0x2  }
0x58: {  	v3 =	vbroadcast v1, $0x2;
	_ =	sdelay $0x1  }
0x59: {  	v2 =	vmul.f32 v2, v3;
	_ =	sdelay $0x1  }
0x5a: {  	[tilespmem:s23+$0xFFFFFE80] =	vst v2;
	v2 =	vld [tilespmem:s23+$0xFFFFFE90];
	_ =	sdelay $0x4  }
0x5b: {  	v2 =	vmul.f32 v2, v3;
	_ =	sdelay $0x1  }
0x5c: {  	[tilespmem:s23+$0xFFFFFE90] =	vst v2;
	v2 =	vld [tilespmem:s23+$0xFFFFFEA0];
	_ =	sdelay $0x4  }
0x5d: {  	v2 =	vmul.f32 v2, v3;
	_ =	sdelay $0x1  }
0x5e: {  	[tilespmem:s23+$0xFFFFFEA0] =	vst v2;
	v2 =	vld [tilespmem:s23+$0xFFFFFEB0];
	_ =	sdelay $0x4  }
0x5f: {  	v2 =	vmul.f32 v2, v3;
	_ =	sdelay $0x1  }
0x60: {  	[tilespmem:s23+$0xFFFFFEB0] =	vst v2;
	v2 =	vld [tilespmem:s23+$0xFFFFFEC0];
	_ =	sdelay $0x2  }
0x61: {  	v3 =	vbroadcast v1, $0x3;
	_ =	sdelay $0x1  }
0x62: {  	v2 =	vmul.f32 v2, v3;
	_ =	sdelay $0x1  }
0x63: {  	[tilespmem:s23+$0xFFFFFEC0] =	vst v2;
	v2 =	vld [tilespmem:s23+$0xFFFFFED0];
	_ =	sdelay $0x4  }
0x64: {  	v2 =	vmul.f32 v2, v3;
	_ =	sdelay $0x1  }
0x65: {  	[tilespmem:s23+$0xFFFFFED0] =	vst v2;
	v2 =	vld [tilespmem:s23+$0xFFFFFEE0];
	_ =	sdelay $0x4  }
0x66: {  	v2 =	vmul.f32 v2, v3;
	_ =	sdelay $0x1  }
0x67: {  	[tilespmem:s23+$0xFFFFFEE0] =	vst v2;
	v2 =	vld [tilespmem:s23+$0xFFFFFEF0];
	_ =	sdelay $0x4  }
0x68: {  	v2 =	vmul.f32 v2, v3;
	_ =	sdelay $0x1  }
0x69: {  	[tilespmem:s23+$0xFFFFFEF0] =	vst v2;
	v2 =	vld [tilespmem:s23+$0xFFFFFF00];
	_ =	sdelay $0x2  }
0x6a: {  	v3 =	vbroadcast v1, $0x4;
	_ =	sdelay $0x1  }
0x6b: {  	v2 =	vmul.f32 v2, v3;
	_ =	sdelay $0x1  }
0x6c: {  	[tilespmem:s23+$0xFFFFFF00] =	vst v2;
	v2 =	vld [tilespmem:s23+$0xFFFFFF10];
	_ =	sdelay $0x4  }
0x6d: {  	v2 =	vmul.f32 v2, v3;
	_ =	sdelay $0x1  }
0x6e: {  	[tilespmem:s23+$0xFFFFFF10] =	vst v2;
	v2 =	vld [tilespmem:s23+$0xFFFFFF20];
	_ =	sdelay $0x4  }
0x6f: {  	v2 =	vmul.f32 v2, v3;
	_ =	sdelay $0x1  }
0x70: {  	[tilespmem:s23+$0xFFFFFF20] =	vst v2;
	v2 =	vld [tilespmem:s23+$0xFFFFFF30];
	_ =	sdelay $0x4  }
0x71: {  	v2 =	vmul.f32 v2, v3;
	_ =	sdelay $0x1  }
0x72: {  	[tilespmem:s23+$0xFFFFFF30] =	vst v2;
	v2 =	vld [tilespmem:s23+$0xFFFFFF40];
	_ =	sdelay $0x2  }
0x73: {  	v3 =	vbroadcast v1, $0x5;
	_ =	sdelay $0x1  }
0x74: {  	v2 =	vmul.f32 v2, v3;
	_ =	sdelay $0x1  }
0x75: {  	[tilespmem:s23+$0xFFFFFF40] =	vst v2;
	v2 =	vld [tilespmem:s23+$0xFFFFFF50];
	_ =	sdelay $0x4  }
0x76: {  	v2 =	vmul.f32 v2, v3;
	_ =	sdelay $0x1  }
0x77: {  	[tilespmem:s23+$0xFFFFFF50] =	vst v2;
	v2 =	vld [tilespmem:s23+$0xFFFFFF60];
	_ =	sdelay $0x4  }
0x78: {  	v2 =	vmul.f32 v2, v3;
	_ =	sdelay $0x1  }
0x79: {  	[tilespmem:s23+$0xFFFFFF60] =	vst v2;
	v2 =	vld [tilespmem:s23+$0xFFFFFF70];
	_ =	sdelay $0x4  }
0x7a: {  	v2 =	vmul.f32 v2, v3;
	_ =	sdelay $0x1  }
0x7b: {  	[tilespmem:s23+$0xFFFFFF70] =	vst v2;
	v2 =	vld [tilespmem:s23+$0xFFFFFF80];
	_ =	sdelay $0x2  }
0x7c: {  	v3 =	vbroadcast v1, $0x6;
	_ =	sdelay $0x1  }
0x7d: {  	v2 =	vmul.f32 v2, v3;
	_ =	sdelay $0x1  }
0x7e: {  	[tilespmem:s23+$0xFFFFFF80] =	vst v2;
	v2 =	vld [tilespmem:s23+$0xFFFFFF90];
	_ =	sdelay $0x4  }
0x7f: {  	v2 =	vmul.f32 v2, v3;
	_ =	sdelay $0x1  }
0x80: {  	[tilespmem:s23+$0xFFFFFF90] =	vst v2;
	v2 =	vld [tilespmem:s23+$0xFFFFFFA0];
	_ =	sdelay $0x4  }
0x81: {  	v2 =	vmul.f32 v2, v3;
	_ =	sdelay $0x1  }
0x82: {  	[tilespmem:s23+$0xFFFFFFA0] =	vst v2;
	v2 =	vld [tilespmem:s23+$0xFFFFFFB0];
	_ =	sdelay $0x4  }
0x83: {  	v2 =	vmul.f32 v2, v3;
	_ =	sdelay $0x1  }
0x84: {  	[tilespmem:s23+$0xFFFFFFB0] =	vst v2;
	v2 =	vld [tilespmem:s23+$0xFFFFFFC0];
	_ =	sdelay $0x2  }
0x85: {  	v3 =	vbroadcast v1, $0x7;
	_ =	sdelay $0x1  }
0x86: {  	v2 =	vmul.f32 v2, v3;
	_ =	sdelay $0x1  }
0x87: {  	[tilespmem:s23+$0xFFFFFFC0] =	vst v2;
	v2 =	vld [tilespmem:s23+$0xFFFFFFD0];
	_ =	sdelay $0x4  }
0x88: {  	v2 =	vmul.f32 v2, v3;
	_ =	sdelay $0x1  }
0x89: {  	[tilespmem:s23+$0xFFFFFFD0] =	vst v2;
	v2 =	vld [tilespmem:s23+$0xFFFFFFE0];
	_ =	sdelay $0x4  }
0x8a: {  	v2 =	vmul.f32 v2, v3;
	_ =	sdelay $0x1  }
0x8b: {  	[tilespmem:s23+$0xFFFFFFE0] =	vst v2;
	v2 =	vld [tilespmem:s23+$0xFFFFFFF0];
	_ =	sdelay $0x4  }
0x8c: {  	v2 =	vmul.f32 v2, v3;
	_ =	sdelay $0x1  }
0x8d: {  	[tilespmem:s23+$0xFFFFFFF0] =	vst v2;
	v2 =	vld [tilespmem:s23+$0x0];
	_ =	sdelay $0x2  }
0x8e: {  	v3 =	vbroadcast v1, $0x8;
	_ =	sdelay $0x1  }
0x8f: {  	v2 =	vmul.f32 v2, v3;
	_ =	sdelay $0x1  }
0x90: {  	[tilespmem:s23+$0x0] =	vst v2;
	v2 =	vld [tilespmem:s23+$0x10];
	_ =	sdelay $0x4  }
0x91: {  	v2 =	vmul.f32 v2, v3;
	_ =	sdelay $0x1  }
0x92: {  	[tilespmem:s23+$0x10] =	vst v2;
	v2 =	vld [tilespmem:s23+$0x20];
	_ =	sdelay $0x4  }
0x93: {  	v2 =	vmul.f32 v2, v3;
	_ =	sdelay $0x1  }
0x94: {  	[tilespmem:s23+$0x20] =	vst v2;
	v2 =	vld [tilespmem:s23+$0x30];
	_ =	sdelay $0x4  }
0x95: {  	v2 =	vmul.f32 v2, v3;
	_ =	sdelay $0x1  }
0x96: {  	[tilespmem:s23+$0x30] =	vst v2;
	v2 =	vld [tilespmem:s23+$0x40];
	_ =	sdelay $0x2  }
0x97: {  	v3 =	vbroadcast v1, $0x9;
	_ =	sdelay $0x1  }
0x98: {  	v2 =	vmul.f32 v2, v3;
	_ =	sdelay $0x1  }
0x99: {  	[tilespmem:s23+$0x40] =	vst v2;
	v2 =	vld [tilespmem:s23+$0x50];
	_ =	sdelay $0x4  }
0x9a: {  	v2 =	vmul.f32 v2, v3;
	_ =	sdelay $0x1  }
0x9b: {  	[tilespmem:s23+$0x50] =	vst v2;
	v2 =	vld [tilespmem:s23+$0x60];
	_ =	sdelay $0x4  }
0x9c: {  	v2 =	vmul.f32 v2, v3;
	_ =	sdelay $0x1  }
0x9d: {  	[tilespmem:s23+$0x60] =	vst v2;
	v2 =	vld [tilespmem:s23+$0x70];
	_ =	sdelay $0x4  }
0x9e: {  	v2 =	vmul.f32 v2, v3;
	_ =	sdelay $0x1  }
0x9f: {  	[tilespmem:s23+$0x70] =	vst v2;
	v2 =	vld [tilespmem:s23+$0x80];
	_ =	sdelay $0x2  }
0xa0: {  	v3 =	vbroadcast v1, $0xA;
	_ =	sdelay $0x1  }
0xa1: {  	v2 =	vmul.f32 v2, v3;
	_ =	sdelay $0x1  }
0xa2: {  	[tilespmem:s23+$0x80] =	vst v2;
	v2 =	vld [tilespmem:s23+$0x90];
	_ =	sdelay $0x4  }
0xa3: {  	v2 =	vmul.f32 v2, v3;
	_ =	sdelay $0x1  }
0xa4: {  	[tilespmem:s23+$0x90] =	vst v2;
	v2 =	vld [tilespmem:s23+$0xA0];
	_ =	sdelay $0x4  }
0xa5: {  	v2 =	vmul.f32 v2, v3;
	_ =	sdelay $0x1  }
0xa6: {  	[tilespmem:s23+$0xA0] =	vst v2;
	v2 =	vld [tilespmem:s23+$0xB0];
	_ =	sdelay $0x4  }
0xa7: {  	v2 =	vmul.f32 v2, v3;
	_ =	sdelay $0x1  }
0xa8: {  	[tilespmem:s23+$0xB0] =	vst v2;
	v2 =	vld [tilespmem:s23+$0xC0];
	_ =	sdelay $0x2  }
0xa9: {  	v3 =	vbroadcast v1, $0xB;
	_ =	sdelay $0x1  }
0xaa: {  	v2 =	vmul.f32 v2, v3;
	_ =	sdelay $0x1  }
0xab: {  	[tilespmem:s23+$0xC0] =	vst v2;
	v2 =	vld [tilespmem:s23+$0xD0];
	_ =	sdelay $0x4  }
0xac: {  	v2 =	vmul.f32 v2, v3;
	_ =	sdelay $0x1  }
0xad: {  	[tilespmem:s23+$0xD0] =	vst v2;
	v2 =	vld [tilespmem:s23+$0xE0];
	_ =	sdelay $0x4  }
0xae: {  	v2 =	vmul.f32 v2, v3;
	_ =	sdelay $0x1  }
0xaf: {  	[tilespmem:s23+$0xE0] =	vst v2;
	v2 =	vld [tilespmem:s23+$0xF0];
	_ =	sdelay $0x4  }
0xb0: {  	v2 =	vmul.f32 v2, v3;
	_ =	sdelay $0x1  }
0xb1: {  	[tilespmem:s23+$0xF0] =	vst v2;
	v2 =	vld [tilespmem:s23+$0x100];
	_ =	sdelay $0x2  }
0xb2: {  	v3 =	vbroadcast v1, $0xC;
	_ =	sdelay $0x1  }
0xb3: {  	v2 =	vmul.f32 v2, v3;
	_ =	sdelay $0x1  }
0xb4: {  	[tilespmem:s23+$0x100] =	vst v2;
	v2 =	vld [tilespmem:s23+$0x110];
	_ =	sdelay $0x4  }
0xb5: {  	v2 =	vmul.f32 v2, v3;
	_ =	sdelay $0x1  }
0xb6: {  	[tilespmem:s23+$0x110] =	vst v2;
	v2 =	vld [tilespmem:s23+$0x120];
	_ =	sdelay $0x4  }
0xb7: {  	v2 =	vmul.f32 v2, v3;
	_ =	sdelay $0x1  }
0xb8: {  	[tilespmem:s23+$0x120] =	vst v2;
	v2 =	vld [tilespmem:s23+$0x130];
	_ =	sdelay $0x4  }
0xb9: {  	v2 =	vmul.f32 v2, v3;
	_ =	sdelay $0x1  }
0xba: {  	[tilespmem:s23+$0x130] =	vst v2;
	v2 =	vld [tilespmem:s23+$0x140];
	_ =	sdelay $0x2  }
0xbb: {  	v3 =	vbroadcast v1, $0xD;
	_ =	sdelay $0x1  }
0xbc: {  	v2 =	vmul.f32 v2, v3;
	_ =	sdelay $0x1  }
0xbd: {  	[tilespmem:s23+$0x140] =	vst v2;
	v2 =	vld [tilespmem:s23+$0x150];
	_ =	sdelay $0x4  }
0xbe: {  	v2 =	vmul.f32 v2, v3;
	_ =	sdelay $0x1  }
0xbf: {  	[tilespmem:s23+$0x150] =	vst v2;
	v2 =	vld [tilespmem:s23+$0x160];
	_ =	sdelay $0x4  }
0xc0: {  	v2 =	vmul.f32 v2, v3;
	_ =	sdelay $0x1  }
0xc1: {  	[tilespmem:s23+$0x160] =	vst v2;
	v2 =	vld [tilespmem:s23+$0x170];
	_ =	sdelay $0x4  }
0xc2: {  	v2 =	vmul.f32 v2, v3;
	_ =	sdelay $0x1  }
0xc3: {  	[tilespmem:s23+$0x170] =	vst v2;
	v2 =	vld [tilespmem:s23+$0x180];
	_ =	sdelay $0x2  }
0xc4: {  	v3 =	vbroadcast v1, $0xE;
	_ =	sdelay $0x1  }
0xc5: {  	v2 =	vmul.f32 v2, v3;
	_ =	sdelay $0x1  }
0xc6: {  	[tilespmem:s23+$0x180] =	vst v2;
	v2 =	vld [tilespmem:s23+$0x190];
	_ =	sdelay $0x4  }
0xc7: {  	v2 =	vmul.f32 v2, v3;
	_ =	sdelay $0x1  }
0xc8: {  	[tilespmem:s23+$0x190] =	vst v2;
	v2 =	vld [tilespmem:s23+$0x1A0];
	_ =	sdelay $0x4  }
0xc9: {  	v2 =	vmul.f32 v2, v3;
	_ =	sdelay $0x1  }
0xca: {  	[tilespmem:s23+$0x1A0] =	vst v2;
	v2 =	vld [tilespmem:s23+$0x1B0];
	_ =	sdelay $0x4  }
0xcb: {  	v2 =	vmul.f32 v2, v3;
	_ =	sdelay $0x1  }
0xcc: {  	[tilespmem:s23+$0x1B0] =	vst v2;
	v2 =	vld [tilespmem:s23+$0x1C0];
	_ =	sdelay $0x2  }
0xcd: {  	v1 =	vbroadcast v1, $0xF;
	_ =	sdelay $0x1  }
0xce: {  	v2 =	vmul.f32 v2, v1;
	_ =	sdelay $0x1  }
0xcf: {  	[tilespmem:s23+$0x1C0] =	vst v2;
	v2 =	vld [tilespmem:s23+$0x1D0];
	_ =	sdelay $0x4  }
0xd0: {  	v2 =	vmul.f32 v2, v1;
	_ =	sdelay $0x1  }
0xd1: {  	[tilespmem:s23+$0x1D0] =	vst v2;
	v2 =	vld [tilespmem:s23+$0x1E0];
	_ =	sdelay $0x4  }
0xd2: {  	v2 =	vmul.f32 v2, v1;
	_ =	sdelay $0x1  }
0xd3: {  	[tilespmem:s23+$0x1E0] =	vst v2;
	v2 =	vld [tilespmem:s23+$0x1F0];
	_ =	sdelay $0x1  }
0xd4: {  	p0 =	sne.s32 s24, $0x1C0  }
.Ltmp1:
0xd5: {  	_ = 	snop;
	(pc) =	sbr.rel @p0 .LBB2_5-.Ltmp1, $3  }
0xd6: {  	_ = 	snop  }
0xd7: {  	v1 =	vmul.f32 v2, v1;
	_ =	sdelay $0x1  }
0xd8: {  	s24 =	sadd.s32 $0x40, s24;
	[tilespmem:s23+$0x1F0] =	vst v1;
	s23 =	sadd.s32 $0x400, s23  }
0xd9: {  	s22 =	sadd.s32 $0x1, s22  }
0xda: {  	p0 =	sne.s32 s22, $0x28  }
.Ltmp2:
0xdb: {  	_ = 	snop;
	(pc) =	sbr.rel @p0 .LBB2_4-.Ltmp2, $4  }
0xdc: {  	[spmem:s2] =	stream.indirect.scatter.add.f32 [tilespmem:s16], [sflag:$0x2], $0x40, s18, s18, $0xb8;
	[tilespmem:$0xC180] =	vst v63  }
0xdd: {  	_ =	swait.ge [sflag:s17], $0x2000  }
0xde: {  	[sflag:s17] =	ssyncset.done $0x0  }
0xdf: {  	[sflag:s17] =	ssyncadd.s32 $0xFFFFE000  }
0xe0: {  	s3 =	sadd.s32 $0x1, s3  }
0xe1: {  	s21 =	sshll.u32 s1, $0x6;
	[bflag:$0x0] =	sbarrier.arrive $0xFFFF;
	p0 =	sne.s32 s3, s15  }
.Ltmp3:
0xe2: {  	s22 =	sshrl.u32 s9, $0x3;
	s21 =	sor.u32 $0x1C02, s21;
	(pc) =	sbr.rel @p0 .LBB2_1-.Ltmp3, $4  }
0xe3: {  	[hbm:s14], [sflag:s21] =	dma.local [spmem:s22], $0x1400  }
0xe4: {  	_ =	swait.ge [sflag:s17], $0x1400  }
0xe5: {  	[sflag:s17] =	ssyncset.done $0x0  }
0xe6: {  	[sflag:s17] =	ssyncadd.s32 $0xFFFFEC00  }
0xe7: {  	_ =	sfence.sel $0x180000  }
0xe8: {  	[bflag:$0x0] =	sbarrier.arrive $0xFFFF  }
0xe9: {  	p0 =	sne.s32 s1, $0x0;
	_ =	strace $0x90000050  }
0xea: {  	s0 =	sadd.s32 @!p0 $0x100000, s0;
	[bflag:$0x2] =	sbarrier.arrive $0xFFFF  }
0xeb: {  	[sflag:s0] =	ssyncadd.tile.s32 @!p0 $0x1;
	_ =	shalt  }
.Lfunc_end2:
_tile_overlayer_lowered:
.L_overlay_start_2:
0xec: {  	(tag) =	ssettag $0x2  }
0xed: {  	s0 =	rddreg [dreg:$0x0];
	s2 =	stileid.u32  }
0xee: {  	s1 =	rddreg [dreg:$0x1];
	p0 =	sne.s32 s2, $0x0  }
0xef: {  	s3 =	rddreg [dreg:$0x2];
	[bflag:$0x3] =	sbarrier.arrive $0xFFFF;
	s2 =	simm.s32 @!p0 $0x1C02  }
0xf0: {  	[timem:s3], [sflag:s2] =	dma.local @!p0 [hbm:s0], s1  }
0xf1: {  	s0 =	simm.s32 @!p0 $0x2  }
0xf2: {  	_ =	swait.ge @!p0 [sflag:s0], s1  }
0xf3: {  	s1 =	ssub.s32 @!p0 $0x0, s1;
	[sflag:s0] =	ssyncset.done @!p0 $0x0  }
0xf4: {  	[sflag:s0] =	ssyncadd.s32 @!p0 s1  }
0xf5: {  	[bflag:$0x3] =	sbarrier.arrive $0xFFFF  }
0xf6: {  	_ =	shalt  }

</sc_bundles>
